<compile_context>
chip_gen: v7x
topology: tpu7x:2x2x1
jax: 0.10.2.dev20260603
libtpu: 0.0.44.dev20260713+nightly
codegen_flags: <defaults>
</compile_context>

<pallas_src>
import jax
import jax.numpy as jnp
from jax import lax
from jax.experimental import pallas as pl
from jax.experimental.pallas import tpu as pltpu
from jax.experimental.pallas import tpu_sc as plsc

_BD = (16, 16, 16)
_NB = _BD[0] * _BD[1] * _BD[2]
_N = 10000
_E = 160000
_D = 256
_NP = 10240
_EP = 163840
_NPT = _NP // 16
_EPT = _EP // 16
_NV = _NPT // 16
_EV = _EPT // 16
_RCH = 32
_NCH = _NPT // _RCH
_WROW = 1024
_WRPC = _EPT // _WROW
_NH = 4
_DH = _D // _NH

_OB = 0
_OA = 10240
_OV = 20480
_OS = 30720
_OR = 40976
_OT = 0
_OK = 32768
_OP = 43008
_OY = 53264
_OI = 63520
_ASZ = 63536


def _rsqrt(x):
    i = plsc.bitcast(x, jnp.int32)
    y = plsc.bitcast(jnp.int32(0x5F3759DF) - (i >> 1), jnp.float32)
    for _ in range(4):
        y = y * (1.5 - 0.5 * x * y * y)
    return y


def _body(nodes_hbm, send_hbm, recv_hbm, coords_hbm,
          coarse_hbm, w_hbm, bs_hbm, br_hbm, keys_hbm,
          arena, b_coords, b_stats, b_statsall, b_nodes, b_ones, b_szv,
          b_scale, b_w, b_w2,
          spm_stats, spm_bids, spm_acc, spm_sizes2, spm_w):
    c = lax.axis_index("c")
    s = lax.axis_index("s")
    lanes = lax.iota(jnp.int32, 16)

    for d in range(3):
        pltpu.sync_copy(coords_hbm.at[pl.ds(d * _NP + s * _NPT, _NPT)],
                        b_coords.at[d])

    def _mm(v, carry):
        mns, mxs = carry
        out_mn, out_mx = [], []
        for d in range(3):
            cv = b_coords[d, pl.ds(v * 16, 16)]
            out_mn.append(jnp.minimum(mns[d], cv))
            out_mx.append(jnp.maximum(mxs[d], cv))
        return tuple(out_mn), tuple(out_mx)

    inf = jnp.full((16,), jnp.inf, jnp.float32)
    mns, mxs = lax.fori_loop(0, _NV, _mm,
                             ((inf, inf, inf), (-inf, -inf, -inf)))
    for d in range(3):
        b_stats[d, :] = mns[d]
        b_stats[3 + d, :] = mxs[d]
    pltpu.sync_copy(b_stats, spm_stats.at[s])
    plsc.subcore_barrier()

    pltpu.sync_copy(spm_stats, b_statsall)

    def _red(t, carry):
        mns, mxs = carry
        out_mn, out_mx = [], []
        for d in range(3):
            out_mn.append(jnp.minimum(mns[d], b_statsall[t, d, :]))
            out_mx.append(jnp.maximum(mxs[d], b_statsall[t, 3 + d, :]))
        return tuple(out_mn), tuple(out_mx)

    mns, mxs = lax.fori_loop(0, 16, _red,
                             ((inf, inf, inf), (-inf, -inf, -inf)))
    mnv, cellv = [], []
    for d in range(3):
        mn = jnp.full((16,), lax.reduce_min(mns[d], (0,)), jnp.float32)
        mx = jnp.full((16,), lax.reduce_max(mxs[d], (0,)), jnp.float32)
        mnv.append(mn)
        cellv.append((mx - mn) * (1.0 / 16.0))

    def _bid(v, _):
        gi = []
        for d in range(3):
            cv = b_coords[d, pl.ds(v * 16, 16)]
            g = ((cv - mnv[d]) / cellv[d]).astype(jnp.int32)
            gi.append(jnp.minimum(jnp.maximum(g, 0), 15))
        arena[pl.ds(_OB + s * _NPT + v * 16, 16)] = (
            gi[0] * 256 + gi[1] * 16 + gi[2])
        return 0

    lax.fori_loop(0, _NV, _bid, 0)
    pltpu.sync_copy(arena.at[pl.ds(_OB + s * _NPT, _NPT)],
                    spm_bids.at[pl.ds(s * _NPT, _NPT)])
    plsc.subcore_barrier()
    pltpu.sync_copy(spm_bids, arena.at[pl.ds(_OB, _NP)])

    ebase = s * _EPT
    pltpu.sync_copy(send_hbm.at[pl.ds(ebase, _EPT)],
                    arena.at[pl.ds(_OA, _EPT)])
    pltpu.sync_copy(recv_hbm.at[pl.ds(ebase, _EPT)],
                    arena.at[pl.ds(_OV, _EPT)])

    def _gath(v, _):
        sv = arena[pl.ds(_OA + v * 16, 16)]
        rv = arena[pl.ds(_OV + v * 16, 16)]
        bsv = plsc.load_gather(arena, [sv + _OB])
        brv = plsc.load_gather(arena, [rv + _OB])
        arena[pl.ds(_OS + v * 16, 16)] = bsv
        arena[pl.ds(_OR + v * 16, 16)] = brv
        return 0

    lax.fori_loop(0, _EV, _gath, 0)

    @pl.when(c == 0)
    def _():
        pltpu.sync_copy(arena.at[pl.ds(_OS, _EPT)],
                        bs_hbm.at[pl.ds(ebase, _EPT)])
        pltpu.sync_copy(arena.at[pl.ds(_OR, _EPT)],
                        br_hbm.at[pl.ds(ebase, _EPT)])

    @pl.when(c == 1)
    def _():
        def _key(v, _):
            bsv = arena[pl.ds(_OS + v * 16, 16)]
            brv = arena[pl.ds(_OR + v * 16, 16)]
            arena[pl.ds(_OS + v * 16, 16)] = bsv * _NB + brv
            return 0

        lax.fori_loop(0, _EV, _key, 0)
        pltpu.sync_copy(arena.at[pl.ds(_OS, _EPT)],
                        keys_hbm.at[pl.ds(ebase, _EPT)])

    z16 = jnp.zeros((16,), jnp.float32)

    @pl.when(c == 1)
    def _():
        zi16 = jnp.zeros((16,), jnp.int32)

        def _ztbl(i, _):
            arena[pl.ds(_OT + i * 16, 16)] = zi16
            return 0

        lax.fori_loop(0, 32768 // 16, _ztbl, 0)

        def _zw(i, _):
            r, v = i // (_WROW // 16), i % (_WROW // 16)
            b_w[r, pl.ds(v * 16, 16)] = z16
            return 0

        lax.fori_loop(0, _WRPC * (_WROW // 16), _zw, 0)
        arena[pl.ds(_OI, 16)] = lanes

    for h in range(_NH):
        @pl.when(c == 0)
        def _(h=h):
            def _znodes(i, _):
                r, v = i // (_DH // 16), i % (_DH // 16)
                b_nodes[r, pl.ds(v * 16, 16)] = z16
                return 0

            lax.fori_loop(0, _RCH * (_DH // 16), _znodes, 0)

            def _zacc(chk, _):
                pltpu.sync_copy(b_nodes,
                                spm_acc.at[pl.ds(s * (_NB // 16) + chk * _RCH,
                                                 _RCH)])
                return 0

            lax.fori_loop(0, _NB // 16 // _RCH, _zacc, 0)
            if h == 0:
                def _zsz(i, _):
                    b_szv[i, :] = z16
                    return 0

                lax.fori_loop(0, _NB // 16, _zsz, 0)
                pltpu.sync_copy(b_szv, spm_sizes2.at[pl.ds(s * (_NB // 16),
                                                           _NB // 16)])

        plsc.subcore_barrier()

        @pl.when(c == 0)
        def _(h=h):
            def _seg(ch, _):
                rb = s * _NPT + ch * _RCH
                pltpu.sync_copy(
                    nodes_hbm.at[pl.ds(rb, _RCH), pl.ds(h * _DH, _DH)],
                    b_nodes)
                idx = arena.at[pl.ds(_OB + rb, _RCH)]
                pltpu.sync_copy(b_nodes, spm_acc.at[idx], add=True)
                if h == 0:
                    def _ones(r, _):
                        val = jnp.where(rb + r < _N, 1.0, 0.0)
                        b_ones[r, :] = jnp.full((16,), val, jnp.float32)
                        return 0

                    lax.fori_loop(0, _RCH, _ones, 0)
                    pltpu.sync_copy(b_ones, spm_sizes2.at[idx], add=True)
                return 0

            lax.fori_loop(0, _NCH, _seg, 0)

        plsc.subcore_barrier()

        @pl.when(c == 0)
        def _(h=h):
            rows = _NB // 16
            if h == 0:
                pltpu.sync_copy(spm_sizes2.at[pl.ds(s * rows, rows)], b_szv)

            def _norm(chk, _):
                rb = s * rows + chk * _RCH
                pltpu.sync_copy(spm_acc.at[pl.ds(rb, _RCH)], b_nodes)
                for g in range(_RCH // 16):
                    ridx = chk * _RCH + g * 16 + lanes
                    sz = plsc.load_gather(b_szv, [ridx, lanes * 0])
                    b_scale[pl.ds(g * 16, 16)] = _rsqrt(sz + 1e-10)

                def _scl(r, _):
                    sc = plsc.load_gather(b_scale,
                                          [jnp.full((16,), r, jnp.int32)])
                    for v in range(_DH // 16):
                        b_nodes[r, pl.ds(v * 16, 16)] = (
                            b_nodes[r, pl.ds(v * 16, 16)] * sc)
                    return 0

                lax.fori_loop(0, _RCH, _scl, 0)
                pltpu.sync_copy(
                    b_nodes,
                    coarse_hbm.at[pl.ds(rb, _RCH), pl.ds(h * _DH, _DH)])
                return 0

            lax.fori_loop(0, rows // _RCH, _norm, 0)

    def _chunk(ch, _):
        @pl.when(c == 1)
        def _():
            pltpu.sync_copy(keys_hbm.at[pl.ds(ch * _EPT, _EPT)],
                            arena.at[pl.ds(_OK, _EPT)])

            @pl.when(s == 0)
            def _():
                pltpu.sync_copy(b_w, spm_w)

        plsc.subcore_barrier()

        @pl.when(c == 1)
        def _():
            def _scan(v, cnt):
                k = arena[pl.ds(_OK + v * 16, 16)]
                own = (k & 15) == s
                pos = v * 16 + lanes
                plsc.store_compressed(arena.at[pl.ds(_OP + cnt, 16)], pos,
                                      mask=own)
                plsc.store_compressed(arena.at[pl.ds(_OY + cnt, 16)], k,
                                      mask=own)
                pc = plsc.all_reduce_population_count(own)
                return cnt + pc[0]

            cnt = lax.fori_loop(0, _EV, _scan, jnp.int32(0))
            lane0 = lanes == 0
            zi16 = jnp.zeros((16,), jnp.int32)
            arena[pl.ds(_OP + cnt, 16)] = zi16
            arena[pl.ds(_OY + cnt, 16)] = zi16
            nv = (cnt + 15) >> 4

            def _dedup(v, _):
                vb = v * 16
                valid = (vb + lanes) < cnt
                k = arena[pl.ds(_OY + vb, 16)]
                pos = arena[pl.ds(_OP + vb, 16)]
                ns = ((k >> 12) != (k & (_NB - 1))) & valid
                loc = k >> 4
                w = loc >> 5
                bit = jnp.int32(1) << (loc & 31)
                runc, _lm = plsc.scan_count(w)
                dupfree = (lax.reduce_max(runc, (0,))
                           == lax.reduce_min(runc, (0,)))

                @pl.when(dupfree)
                def _():
                    old = plsc.load_gather(arena, [w + _OT])
                    isnew = ((old & bit) == 0) & ns
                    neww = old | jnp.where(ns, bit, 0)
                    plsc.store_scatter(arena, [w + _OT], neww, mask=valid)
                    plsc.store_scatter(
                        b_w, [pos >> 10, pos & (_WROW - 1)],
                        jnp.where(isnew, 1.0, 0.0), mask=valid)

                @pl.when(jnp.logical_not(dupfree))
                def _():
                    n = jnp.minimum(cnt - vb, 16)

                    def _serial(j, _):
                        jv = jnp.full((16,), vb + j, jnp.int32)
                        k1 = plsc.load_gather(arena, [jv + _OY])
                        ns1 = (k1 >> 12) != (k1 & (_NB - 1))
                        loc1 = k1 >> 4
                        w1 = loc1 >> 5
                        bit1 = jnp.int32(1) << (loc1 & 31)
                        old = plsc.load_gather(arena, [w1 + _OT])
                        take = ns1 & ((old & bit1) == 0)
                        plsc.store_scatter(arena, [w1 + _OT],
                                           old | jnp.where(ns1, bit1, 0),
                                           mask=lane0)
                        pos1 = plsc.load_gather(arena, [jv + _OP])
                        plsc.store_scatter(
                            b_w, [pos1 >> 10, pos1 & (_WROW - 1)],
                            jnp.where(take, 1.0, 0.0), mask=lane0)
                        return 0

                    lax.fori_loop(0, n, _serial, 0)

                return 0

            lax.fori_loop(0, nv, _dedup, 0)
            pltpu.sync_copy(b_w, spm_w.at[arena.at[pl.ds(_OI, _WRPC)]],
                            add=True)

            def _reset(v, _):
                vb = v * 16
                valid = (vb + lanes) < cnt
                pos = arena[pl.ds(_OP + vb, 16)]
                plsc.store_scatter(b_w, [pos >> 10, pos & (_WROW - 1)],
                                   jnp.zeros((16,), jnp.float32), mask=valid)
                return 0

            lax.fori_loop(0, nv, _reset, 0)

        plsc.subcore_barrier()

        @pl.when((c == 1) & (s == 0))
        def _():
            pltpu.sync_copy(spm_w, b_w2)
            pltpu.sync_copy(b_w2, w_hbm.at[pl.ds(ch * _WRPC, _WRPC)])

        plsc.subcore_barrier()
        return 0

    lax.fori_loop(0, 16, _chunk, 0)


def _run(nodes_pad, send_pad, recv_pad, coords_flat):
    mesh = plsc.VectorSubcoreMesh(core_axis_name="c", subcore_axis_name="s",
                                  num_cores=2, num_subcores=16)
    f = pl.kernel(
        _body,
        out_type=(
            jax.ShapeDtypeStruct((_NB, _D), jnp.float32),
            jax.ShapeDtypeStruct((_EP // _WROW, _WROW), jnp.float32),
            jax.ShapeDtypeStruct((_EP,), jnp.int32),
            jax.ShapeDtypeStruct((_EP,), jnp.int32),
            jax.ShapeDtypeStruct((_EP,), jnp.int32),
        ),
        mesh=mesh,
        compiler_params=pltpu.CompilerParams(use_tc_tiling_on_sc=False,
                                             needs_layout_passes=False),
        scratch_types=[
            pltpu.VMEM((_ASZ,), jnp.int32),
            pltpu.VMEM((3, _NPT), jnp.float32),
            pltpu.VMEM((8, 16), jnp.float32),
            pltpu.VMEM((16, 8, 16), jnp.float32),
            pltpu.VMEM((_RCH, _DH), jnp.float32),
            pltpu.VMEM((_RCH, 16), jnp.float32),
            pltpu.VMEM((_NB // 16, 16), jnp.float32),
            pltpu.VMEM((_RCH,), jnp.float32),
            pltpu.VMEM((_WRPC, _WROW), jnp.float32),
            pltpu.VMEM((_WRPC, _WROW), jnp.float32),
            pltpu.VMEM_SHARED((16, 8, 16), jnp.float32),
            pltpu.VMEM_SHARED((_NP,), jnp.int32),
            pltpu.VMEM_SHARED((_NB, _DH), jnp.float32),
            pltpu.VMEM_SHARED((_NB, 16), jnp.float32),
            pltpu.VMEM_SHARED((_WRPC, _WROW), jnp.float32),
        ],
    )
    return f(nodes_pad, send_pad, recv_pad, coords_flat)


def kernel(nodes, senders, receivers, node_coords):
    nodes_pad = jnp.concatenate(
        [nodes, jnp.zeros((_NP - _N, _D), jnp.float32)], axis=0)
    zpad = jnp.zeros((_EP - _E,), jnp.int32)
    send_pad = jnp.concatenate([senders, zpad])
    recv_pad = jnp.concatenate([receivers, zpad])
    ct = node_coords.T
    coords_flat = jnp.concatenate(
        [ct, jnp.broadcast_to(ct[:, :1], (3, _NP - _N))], axis=1).reshape(-1)
    coarse, w_pad, bs_pad, br_pad, _ = _run(nodes_pad, send_pad, recv_pad,
                                            coords_flat)
    edge_weights = w_pad.reshape(_EP)[:_E].reshape(_E, 1)
    return coarse, edge_weights, bs_pad[:_E], br_pad[:_E]

# --- scband reference (transcript-rebuilt; emitter-appended) ---
"""Pipeline reference for scband-block-coursening-79465484910996 (READ-ONLY COPY).

The authoritative reference and input builder live on the scoring server;
editing this copy changes nothing except your own understanding.
"""

import jax, jax.numpy as jnp
import numpy as np

BLOCK_DIMS = (16, 16, 16)
NUM_BLOCKS = BLOCK_DIMS[0] * BLOCK_DIMS[1] * BLOCK_DIMS[2]
N_NODES = 10000
N_EDGES = 160000
D_FEAT = 256


def setup_inputs(seed: int = 0) -> dict:
    key = jax.random.key(seed)
    k1, k2, k3, k4 = jax.random.split(key, 4)
    nodes = jax.random.normal(k1, (N_NODES, D_FEAT), dtype=jnp.float32)
    senders = jax.random.randint(k2, (N_EDGES,), 0, N_NODES, dtype=jnp.int32)
    receivers = jax.random.randint(k3, (N_EDGES,), 0, N_NODES, dtype=jnp.int32)
    node_coords = jax.random.uniform(k4, (N_NODES, 3), dtype=jnp.float32)
    return {"nodes": nodes, "senders": senders, "receivers": receivers, "node_coords": node_coords}


def _partition(node_coords):
    dims_arr = jnp.array(BLOCK_DIMS)
    min_coords = jnp.min(node_coords, axis=0)
    max_coords = jnp.max(node_coords, axis=0)
    grid_cell_size = (max_coords - min_coords) / dims_arr
    relative_coords = node_coords - min_coords
    normalized_coords = relative_coords / grid_cell_size
    grid_indices = jnp.floor(normalized_coords).astype(jnp.int32)
    grid_indices = jnp.clip(grid_indices, 0, dims_arr - 1)
    block_ids = (grid_indices[:, 0] * (BLOCK_DIMS[1] * BLOCK_DIMS[2])
                 + grid_indices[:, 1] * BLOCK_DIMS[2]
                 + grid_indices[:, 2])
    return block_ids


def reference(nodes, senders, receivers, node_coords):
    block_ids = _partition(node_coords)
    coarsened_nodes = jax.ops.segment_sum(nodes, block_ids, num_segments=NUM_BLOCKS)
    sizes = jax.ops.segment_sum(jnp.ones((nodes.shape[0], 1), dtype=nodes.dtype), block_ids, num_segments=NUM_BLOCKS)
    coarsened_nodes = coarsened_nodes / jnp.sqrt(sizes + 1e-10)
    block_senders = block_ids[senders]
    block_receivers = block_ids[receivers]
    not_self = block_senders != block_receivers
    keys = block_senders * NUM_BLOCKS + block_receivers
    idx = jnp.arange(keys.shape[0])
    sorted_keys, perm = jax.lax.sort_key_val(keys, idx)
    sentinel = jnp.array([-1], dtype=sorted_keys.dtype)
    prev = jnp.concatenate([sentinel, sorted_keys[:-1]])
    unique_sorted = sorted_keys != prev
    unique_mask = jnp.zeros_like(unique_sorted)
    unique_mask = unique_mask.at[perm].set(unique_sorted)
    final_mask = (unique_mask & not_self).astype(jnp.float32)
    edge_weights = final_mask[:, None]
    return coarsened_nodes, edge_weights, block_senders, block_receivers

if __name__ == "__main__":
    import jax
    _d = setup_inputs()
    print(jax.jit(kernel)(*tuple(_d.values())))

</pallas_src>

<mosaic_0001>
#map = affine_map<(d0, d1) -> (0, 0)>
#map1 = affine_map<(d0, d1) -> (0)>
module attributes {stable_mosaic.version = 14 : i64} {
  func.func @_body(%arg0: i32, %arg1: i32, %arg2: memref<10240x256xf32, #tpu.memory_space<hbm>>, %arg3: memref<163840xi32, #tpu.memory_space<hbm>>, %arg4: memref<163840xi32, #tpu.memory_space<hbm>>, %arg5: memref<30720xf32, #tpu.memory_space<hbm>>, %arg6: memref<4096x256xf32, #tpu.memory_space<hbm>>, %arg7: memref<160x1024xf32, #tpu.memory_space<hbm>>, %arg8: memref<163840xi32, #tpu.memory_space<hbm>>, %arg9: memref<163840xi32, #tpu.memory_space<hbm>>, %arg10: memref<163840xi32, #tpu.memory_space<hbm>>, %arg11: memref<63536xi32, #tpu.memory_space<vmem>>, %arg12: memref<3x640xf32, #tpu.memory_space<vmem>>, %arg13: memref<8x16xf32, #tpu.memory_space<vmem>>, %arg14: memref<16x8x16xf32, #tpu.memory_space<vmem>>, %arg15: memref<32x64xf32, #tpu.memory_space<vmem>>, %arg16: memref<32x16xf32, #tpu.memory_space<vmem>>, %arg17: memref<256x16xf32, #tpu.memory_space<vmem>>, %arg18: memref<32xf32, #tpu.memory_space<vmem>>, %arg19: memref<10x1024xf32, #tpu.memory_space<vmem>>, %arg20: memref<10x1024xf32, #tpu.memory_space<vmem>>, %arg21: memref<16x8x16xf32, #tpu.memory_space<vmem_shared>>, %arg22: memref<10240xi32, #tpu.memory_space<vmem_shared>>, %arg23: memref<4096x64xf32, #tpu.memory_space<vmem_shared>>, %arg24: memref<4096x16xf32, #tpu.memory_space<vmem_shared>>, %arg25: memref<10x1024xf32, #tpu.memory_space<vmem_shared>>) attributes {dimension_semantics = [#tpu.dimension_semantics<core_parallel>, #tpu.dimension_semantics<subcore_parallel>], iteration_bounds = array<i64: 2, 16>, scalar_prefetch = 0 : i64, scratch_operands = 15 : i64, tpu.core_type = #tpu.core_type<sc_vector_subcore>, window_params = [{transform_indices = #map}, {transform_indices = #map1}, {transform_indices = #map1}, {transform_indices = #map1}, {transform_indices = #map}, {transform_indices = #map}, {transform_indices = #map1}, {transform_indices = #map1}, {transform_indices = #map1}]} {
    %iota3A = tpu.iota {dimensions = array<i32: 0>} : vector<16xi32>
    %mul3A = arith.constant 640 : i32
    %mul3A_0 = arith.muli %arg1, %mul3A : i32
    %add3A = arith.constant 0 : i32
    %add3A_1 = arith.addi %add3A, %mul3A_0 : i32
    %run_scoped3A = arith.constant 0 : i32
    "tpu.region"() ({
      %run_scoped3A_215 = tpu.sem_alloc : memref<!tpu.dma_semaphore, #tpu.memory_space<semaphore_mem>>
      %dma_start3A = arith.constant 0 : i32
      %dma_start3A_216 = tpu.memref_slice %arg12[%run_scoped3A, %dma_start3A] : memref<3x640xf32, #tpu.memory_space<vmem>> -> memref<1x640xf32, #tpu.memory_space<vmem>>
      %dma_start3A_217 = tpu.memref_squeeze %dma_start3A_216 : memref<1x640xf32, #tpu.memory_space<vmem>> -> memref<640xf32, #tpu.memory_space<vmem>>
      %dma_start3A_218 = tpu.memref_slice %arg5[%add3A_1] : memref<30720xf32, #tpu.memory_space<hbm>> -> memref<640xf32, #tpu.memory_space<hbm>>
      %dma_start3A_219 = arith.constant 0 : i32
      %dma_start3A_220 = tpu.memref_slice %arg12[%run_scoped3A, %dma_start3A_219] : memref<3x640xf32, #tpu.memory_space<vmem>> -> memref<1x640xf32, #tpu.memory_space<vmem>>
      %dma_start3A_221 = tpu.memref_squeeze %dma_start3A_220 : memref<1x640xf32, #tpu.memory_space<vmem>> -> memref<640xf32, #tpu.memory_space<vmem>>
      %dma_start3A_222 = tpu.memref_slice %arg5[%add3A_1] : memref<30720xf32, #tpu.memory_space<hbm>> -> memref<640xf32, #tpu.memory_space<hbm>>
      tpu.enqueue_dma source(%dma_start3A_222 : memref<640xf32, #tpu.memory_space<hbm>>) target(%dma_start3A_221 : memref<640xf32, #tpu.memory_space<vmem>>) target_semaphore(%run_scoped3A_215 : memref<!tpu.dma_semaphore, #tpu.memory_space<semaphore_mem>>)
      %dma_wait3A = arith.constant 0 : i32
      %dma_wait3A_223 = tpu.memref_slice %arg12[%run_scoped3A, %dma_wait3A] : memref<3x640xf32, #tpu.memory_space<vmem>> -> memref<1x640xf32, #tpu.memory_space<vmem>>
      %dma_wait3A_224 = tpu.memref_squeeze %dma_wait3A_223 : memref<1x640xf32, #tpu.memory_space<vmem>> -> memref<640xf32, #tpu.memory_space<vmem>>
      %dma_wait3A_225 = tpu.memref_slice %arg5[%add3A_1] : memref<30720xf32, #tpu.memory_space<hbm>> -> memref<640xf32, #tpu.memory_space<hbm>>
      %dma_wait3A_226 = arith.constant 0 : i32
      %dma_wait3A_227 = tpu.memref_slice %arg12[%run_scoped3A, %dma_wait3A_226] : memref<3x640xf32, #tpu.memory_space<vmem>> -> memref<1x640xf32, #tpu.memory_space<vmem>>
      %dma_wait3A_228 = tpu.memref_squeeze %dma_wait3A_227 : memref<1x640xf32, #tpu.memory_space<vmem>> -> memref<640xf32, #tpu.memory_space<vmem>>
      %dma_wait3A_229 = tpu.memref_slice %arg5[%add3A_1] : memref<30720xf32, #tpu.memory_space<hbm>> -> memref<640xf32, #tpu.memory_space<hbm>>
      tpu.wait_dma2 semaphore(%run_scoped3A_215 : memref<!tpu.dma_semaphore, #tpu.memory_space<semaphore_mem>>) src(%dma_wait3A_229 : memref<640xf32, #tpu.memory_space<hbm>>) dst(%dma_wait3A_228 : memref<640xf32, #tpu.memory_space<vmem>>)
      tpu.yield
    }) : () -> ()
    %mul3A_2 = arith.constant 640 : i32
    %mul3A_3 = arith.muli %arg1, %mul3A_2 : i32
    %add3A_4 = arith.constant 10240 : i32
    %add3A_5 = arith.addi %add3A_4, %mul3A_3 : i32
    %run_scoped3A_6 = arith.constant 1 : i32
    "tpu.region"() ({
      %run_scoped3A_215 = tpu.sem_alloc : memref<!tpu.dma_semaphore, #tpu.memory_space<semaphore_mem>>
      %dma_start3A = arith.constant 0 : i32
      %dma_start3A_216 = tpu.memref_slice %arg12[%run_scoped3A_6, %dma_start3A] : memref<3x640xf32, #tpu.memory_space<vmem>> -> memref<1x640xf32, #tpu.memory_space<vmem>>
      %dma_start3A_217 = tpu.memref_squeeze %dma_start3A_216 : memref<1x640xf32, #tpu.memory_space<vmem>> -> memref<640xf32, #tpu.memory_space<vmem>>
      %dma_start3A_218 = tpu.memref_slice %arg5[%add3A_5] : memref<30720xf32, #tpu.memory_space<hbm>> -> memref<640xf32, #tpu.memory_space<hbm>>
      %dma_start3A_219 = arith.constant 0 : i32
      %dma_start3A_220 = tpu.memref_slice %arg12[%run_scoped3A_6, %dma_start3A_219] : memref<3x640xf32, #tpu.memory_space<vmem>> -> memref<1x640xf32, #tpu.memory_space<vmem>>
      %dma_start3A_221 = tpu.memref_squeeze %dma_start3A_220 : memref<1x640xf32, #tpu.memory_space<vmem>> -> memref<640xf32, #tpu.memory_space<vmem>>
      %dma_start3A_222 = tpu.memref_slice %arg5[%add3A_5] : memref<30720xf32, #tpu.memory_space<hbm>> -> memref<640xf32, #tpu.memory_space<hbm>>
      tpu.enqueue_dma source(%dma_start3A_222 : memref<640xf32, #tpu.memory_space<hbm>>) target(%dma_start3A_221 : memref<640xf32, #tpu.memory_space<vmem>>) target_semaphore(%run_scoped3A_215 : memref<!tpu.dma_semaphore, #tpu.memory_space<semaphore_mem>>)
      %dma_wait3A = arith.constant 0 : i32
      %dma_wait3A_223 = tpu.memref_slice %arg12[%run_scoped3A_6, %dma_wait3A] : memref<3x640xf32, #tpu.memory_space<vmem>> -> memref<1x640xf32, #tpu.memory_space<vmem>>
      %dma_wait3A_224 = tpu.memref_squeeze %dma_wait3A_223 : memref<1x640xf32, #tpu.memory_space<vmem>> -> memref<640xf32, #tpu.memory_space<vmem>>
      %dma_wait3A_225 = tpu.memref_slice %arg5[%add3A_5] : memref<30720xf32, #tpu.memory_space<hbm>> -> memref<640xf32, #tpu.memory_space<hbm>>
      %dma_wait3A_226 = arith.constant 0 : i32
      %dma_wait3A_227 = tpu.memref_slice %arg12[%run_scoped3A_6, %dma_wait3A_226] : memref<3x640xf32, #tpu.memory_space<vmem>> -> memref<1x640xf32, #tpu.memory_space<vmem>>
      %dma_wait3A_228 = tpu.memref_squeeze %dma_wait3A_227 : memref<1x640xf32, #tpu.memory_space<vmem>> -> memref<640xf32, #tpu.memory_space<vmem>>
      %dma_wait3A_229 = tpu.memref_slice %arg5[%add3A_5] : memref<30720xf32, #tpu.memory_space<hbm>> -> memref<640xf32, #tpu.memory_space<hbm>>
      tpu.wait_dma2 semaphore(%run_scoped3A_215 : memref<!tpu.dma_semaphore, #tpu.memory_space<semaphore_mem>>) src(%dma_wait3A_229 : memref<640xf32, #tpu.memory_space<hbm>>) dst(%dma_wait3A_228 : memref<640xf32, #tpu.memory_space<vmem>>)
      tpu.yield
    }) : () -> ()
    %mul3A_7 = arith.constant 640 : i32
    %mul3A_8 = arith.muli %arg1, %mul3A_7 : i32
    %add3A_9 = arith.constant 20480 : i32
    %add3A_10 = arith.addi %add3A_9, %mul3A_8 : i32
    %run_scoped3A_11 = arith.constant 2 : i32
    "tpu.region"() ({
      %run_scoped3A_215 = tpu.sem_alloc : memref<!tpu.dma_semaphore, #tpu.memory_space<semaphore_mem>>
      %dma_start3A = arith.constant 0 : i32
      %dma_start3A_216 = tpu.memref_slice %arg12[%run_scoped3A_11, %dma_start3A] : memref<3x640xf32, #tpu.memory_space<vmem>> -> memref<1x640xf32, #tpu.memory_space<vmem>>
      %dma_start3A_217 = tpu.memref_squeeze %dma_start3A_216 : memref<1x640xf32, #tpu.memory_space<vmem>> -> memref<640xf32, #tpu.memory_space<vmem>>
      %dma_start3A_218 = tpu.memref_slice %arg5[%add3A_10] : memref<30720xf32, #tpu.memory_space<hbm>> -> memref<640xf32, #tpu.memory_space<hbm>>
      %dma_start3A_219 = arith.constant 0 : i32
      %dma_start3A_220 = tpu.memref_slice %arg12[%run_scoped3A_11, %dma_start3A_219] : memref<3x640xf32, #tpu.memory_space<vmem>> -> memref<1x640xf32, #tpu.memory_space<vmem>>
      %dma_start3A_221 = tpu.memref_squeeze %dma_start3A_220 : memref<1x640xf32, #tpu.memory_space<vmem>> -> memref<640xf32, #tpu.memory_space<vmem>>
      %dma_start3A_222 = tpu.memref_slice %arg5[%add3A_10] : memref<30720xf32, #tpu.memory_space<hbm>> -> memref<640xf32, #tpu.memory_space<hbm>>
      tpu.enqueue_dma source(%dma_start3A_222 : memref<640xf32, #tpu.memory_space<hbm>>) target(%dma_start3A_221 : memref<640xf32, #tpu.memory_space<vmem>>) target_semaphore(%run_scoped3A_215 : memref<!tpu.dma_semaphore, #tpu.memory_space<semaphore_mem>>)
      %dma_wait3A = arith.constant 0 : i32
      %dma_wait3A_223 = tpu.memref_slice %arg12[%run_scoped3A_11, %dma_wait3A] : memref<3x640xf32, #tpu.memory_space<vmem>> -> memref<1x640xf32, #tpu.memory_space<vmem>>
      %dma_wait3A_224 = tpu.memref_squeeze %dma_wait3A_223 : memref<1x640xf32, #tpu.memory_space<vmem>> -> memref<640xf32, #tpu.memory_space<vmem>>
      %dma_wait3A_225 = tpu.memref_slice %arg5[%add3A_10] : memref<30720xf32, #tpu.memory_space<hbm>> -> memref<640xf32, #tpu.memory_space<hbm>>
      %dma_wait3A_226 = arith.constant 0 : i32
      %dma_wait3A_227 = tpu.memref_slice %arg12[%run_scoped3A_11, %dma_wait3A_226] : memref<3x640xf32, #tpu.memory_space<vmem>> -> memref<1x640xf32, #tpu.memory_space<vmem>>
      %dma_wait3A_228 = tpu.memref_squeeze %dma_wait3A_227 : memref<1x640xf32, #tpu.memory_space<vmem>> -> memref<640xf32, #tpu.memory_space<vmem>>
      %dma_wait3A_229 = tpu.memref_slice %arg5[%add3A_10] : memref<30720xf32, #tpu.memory_space<hbm>> -> memref<640xf32, #tpu.memory_space<hbm>>
      tpu.wait_dma2 semaphore(%run_scoped3A_215 : memref<!tpu.dma_semaphore, #tpu.memory_space<semaphore_mem>>) src(%dma_wait3A_229 : memref<640xf32, #tpu.memory_space<hbm>>) dst(%dma_wait3A_228 : memref<640xf32, #tpu.memory_space<vmem>>)
      tpu.yield
    }) : () -> ()
    %broadcast_in_dim3A = arith.constant 0x7F800000 : f32
    %broadcast_in_dim3A_12 = vector.broadcast %broadcast_in_dim3A : f32 to vector<16xf32>
    %neg3A = arith.constant 0.000000e+00 : f32
    %neg3A_13 = vector.broadcast %neg3A : f32 to vector<16xf32>
    %neg3A_14 = arith.subf %neg3A_13, %broadcast_in_dim3A_12 : vector<16xf32>
    %neg3A_15 = arith.constant 0.000000e+00 : f32
    %neg3A_16 = vector.broadcast %neg3A_15 : f32 to vector<16xf32>
    %neg3A_17 = arith.subf %neg3A_16, %broadcast_in_dim3A_12 : vector<16xf32>
    %neg3A_18 = arith.constant 0.000000e+00 : f32
    %neg3A_19 = vector.broadcast %neg3A_18 : f32 to vector<16xf32>
    %neg3A_20 = arith.subf %neg3A_19, %broadcast_in_dim3A_12 : vector<16xf32>
    %scan3A = arith.constant 0 : i32
    %scan3A_21 = arith.constant 40 : i32
    %scan3A_22 = arith.addi %scan3A, %scan3A_21 : i32
    %scan3A_23 = arith.constant 1 : i32
    %scan3A_24:6 = scf.for %scan3A_215 = %scan3A to %scan3A_22 step %scan3A_23 iter_args(%scan3A_216 = %broadcast_in_dim3A_12, %scan3A_217 = %broadcast_in_dim3A_12, %scan3A_218 = %broadcast_in_dim3A_12, %scan3A_219 = %neg3A_14, %scan3A_220 = %neg3A_17, %scan3A_221 = %neg3A_20) -> (vector<16xf32>, vector<16xf32>, vector<16xf32>, vector<16xf32>, vector<16xf32>, vector<16xf32>)  : i32 {
      %mul3A_222 = arith.constant 16 : i32
      %mul3A_223 = arith.muli %scan3A_215, %mul3A_222 : i32
      %get3A = arith.constant 0 : i32
      %get3A_224 = arith.index_cast %get3A : i32 to index
      %get3A_225 = arith.index_cast %mul3A_223 : i32 to index
      %get3A_226 = tpu.vector_load %arg12[%get3A_224, %get3A_225] {strides = array<i32>} : memref<3x640xf32, #tpu.memory_space<vmem>>, vector<16xf32>,
      %min3A = arith.minimumf %scan3A_216, %get3A_226 : vector<16xf32>
      %max3A = arith.maximumf %scan3A_219, %get3A_226 : vector<16xf32>
      %mul3A_227 = arith.constant 16 : i32
      %mul3A_228 = arith.muli %scan3A_215, %mul3A_227 : i32
      %get3A_229 = arith.constant 1 : i32
      %get3A_230 = arith.index_cast %get3A_229 : i32 to index
      %get3A_231 = arith.index_cast %mul3A_228 : i32 to index
      %get3A_232 = tpu.vector_load %arg12[%get3A_230, %get3A_231] {strides = array<i32>} : memref<3x640xf32, #tpu.memory_space<vmem>>, vector<16xf32>,
      %min3A_233 = arith.minimumf %scan3A_217, %get3A_232 : vector<16xf32>
      %max3A_234 = arith.maximumf %scan3A_220, %get3A_232 : vector<16xf32>
      %mul3A_235 = arith.constant 16 : i32
      %mul3A_236 = arith.muli %scan3A_215, %mul3A_235 : i32
      %get3A_237 = arith.constant 2 : i32
      %get3A_238 = arith.index_cast %get3A_237 : i32 to index
      %get3A_239 = arith.index_cast %mul3A_236 : i32 to index
      %get3A_240 = tpu.vector_load %arg12[%get3A_238, %get3A_239] {strides = array<i32>} : memref<3x640xf32, #tpu.memory_space<vmem>>, vector<16xf32>,
      %min3A_241 = arith.minimumf %scan3A_218, %get3A_240 : vector<16xf32>
      %max3A_242 = arith.maximumf %scan3A_221, %get3A_240 : vector<16xf32>
      scf.yield %min3A, %min3A_233, %min3A_241, %max3A, %max3A_234, %max3A_242 : vector<16xf32>, vector<16xf32>, vector<16xf32>, vector<16xf32>, vector<16xf32>, vector<16xf32>
    }
    %scan3A_25 = arith.constant 40 : i32
    %swap3A = arith.constant 0 : i32
    %swap3A_26 = arith.index_cast %swap3A : i32 to index
    %swap3A_27 = arith.constant 0 : index
    %swap3A_28 = tpu.vector_load %arg13[%swap3A_26, %swap3A_27] {strides = array<i32>} : memref<8x16xf32, #tpu.memory_space<vmem>>, vector<16xf32>,
    tpu.vector_store %arg13[%swap3A_26, %swap3A_27], %scan3A_24#0 {strides = array<i32>} : memref<8x16xf32, #tpu.memory_space<vmem>>, vector<16xf32>,
    %swap3A_29 = arith.constant 3 : i32
    %swap3A_30 = arith.index_cast %swap3A_29 : i32 to index
    %swap3A_31 = arith.constant 0 : index
    %swap3A_32 = tpu.vector_load %arg13[%swap3A_30, %swap3A_31] {strides = array<i32>} : memref<8x16xf32, #tpu.memory_space<vmem>>, vector<16xf32>,
    tpu.vector_store %arg13[%swap3A_30, %swap3A_31], %scan3A_24#3 {strides = array<i32>} : memref<8x16xf32, #tpu.memory_space<vmem>>, vector<16xf32>,
    %swap3A_33 = arith.constant 1 : i32
    %swap3A_34 = arith.index_cast %swap3A_33 : i32 to index
    %swap3A_35 = arith.constant 0 : index
    %swap3A_36 = tpu.vector_load %arg13[%swap3A_34, %swap3A_35] {strides = array<i32>} : memref<8x16xf32, #tpu.memory_space<vmem>>, vector<16xf32>,
    tpu.vector_store %arg13[%swap3A_34, %swap3A_35], %scan3A_24#1 {strides = array<i32>} : memref<8x16xf32, #tpu.memory_space<vmem>>, vector<16xf32>,
    %swap3A_37 = arith.constant 4 : i32
    %swap3A_38 = arith.index_cast %swap3A_37 : i32 to index
    %swap3A_39 = arith.constant 0 : index
    %swap3A_40 = tpu.vector_load %arg13[%swap3A_38, %swap3A_39] {strides = array<i32>} : memref<8x16xf32, #tpu.memory_space<vmem>>, vector<16xf32>,
    tpu.vector_store %arg13[%swap3A_38, %swap3A_39], %scan3A_24#4 {strides = array<i32>} : memref<8x16xf32, #tpu.memory_space<vmem>>, vector<16xf32>,
    %swap3A_41 = arith.constant 2 : i32
    %swap3A_42 = arith.index_cast %swap3A_41 : i32 to index
    %swap3A_43 = arith.constant 0 : index
    %swap3A_44 = tpu.vector_load %arg13[%swap3A_42, %swap3A_43] {strides = array<i32>} : memref<8x16xf32, #tpu.memory_space<vmem>>, vector<16xf32>,
    tpu.vector_store %arg13[%swap3A_42, %swap3A_43], %scan3A_24#2 {strides = array<i32>} : memref<8x16xf32, #tpu.memory_space<vmem>>, vector<16xf32>,
    %swap3A_45 = arith.constant 5 : i32
    %swap3A_46 = arith.index_cast %swap3A_45 : i32 to index
    %swap3A_47 = arith.constant 0 : index
    %swap3A_48 = tpu.vector_load %arg13[%swap3A_46, %swap3A_47] {strides = array<i32>} : memref<8x16xf32, #tpu.memory_space<vmem>>, vector<16xf32>,
    tpu.vector_store %arg13[%swap3A_46, %swap3A_47], %scan3A_24#5 {strides = array<i32>} : memref<8x16xf32, #tpu.memory_space<vmem>>, vector<16xf32>,
    "tpu.region"() ({
      %run_scoped3A_215 = tpu.sem_alloc : memref<!tpu.dma_semaphore, #tpu.memory_space<semaphore_mem>>
      %dma_start3A = arith.constant 0 : i32
      %dma_start3A_216 = arith.constant 0 : i32
      %dma_start3A_217 = tpu.memref_slice %arg21[%arg1, %dma_start3A, %dma_start3A_216] : memref<16x8x16xf32, #tpu.memory_space<vmem_shared>> -> memref<1x8x16xf32, #tpu.memory_space<vmem_shared>>
      %dma_start3A_218 = tpu.memref_squeeze %dma_start3A_217 : memref<1x8x16xf32, #tpu.memory_space<vmem_shared>> -> memref<8x16xf32, #tpu.memory_space<vmem_shared>>
      %dma_start3A_219 = arith.constant 0 : i32
      %dma_start3A_220 = arith.constant 0 : i32
      %dma_start3A_221 = tpu.memref_slice %arg21[%arg1, %dma_start3A_219, %dma_start3A_220] : memref<16x8x16xf32, #tpu.memory_space<vmem_shared>> -> memref<1x8x16xf32, #tpu.memory_space<vmem_shared>>
      %dma_start3A_222 = tpu.memref_squeeze %dma_start3A_221 : memref<1x8x16xf32, #tpu.memory_space<vmem_shared>> -> memref<8x16xf32, #tpu.memory_space<vmem_shared>>
      tpu.enqueue_dma source(%arg13 : memref<8x16xf32, #tpu.memory_space<vmem>>) target(%dma_start3A_222 : memref<8x16xf32, #tpu.memory_space<vmem_shared>>) target_semaphore(%run_scoped3A_215 : memref<!tpu.dma_semaphore, #tpu.memory_space<semaphore_mem>>)
      %dma_wait3A = arith.constant 0 : i32
      %dma_wait3A_223 = arith.constant 0 : i32
      %dma_wait3A_224 = tpu.memref_slice %arg21[%arg1, %dma_wait3A, %dma_wait3A_223] : memref<16x8x16xf32, #tpu.memory_space<vmem_shared>> -> memref<1x8x16xf32, #tpu.memory_space<vmem_shared>>
      %dma_wait3A_225 = tpu.memref_squeeze %dma_wait3A_224 : memref<1x8x16xf32, #tpu.memory_space<vmem_shared>> -> memref<8x16xf32, #tpu.memory_space<vmem_shared>>
      %dma_wait3A_226 = arith.constant 0 : i32
      %dma_wait3A_227 = arith.constant 0 : i32
      %dma_wait3A_228 = tpu.memref_slice %arg21[%arg1, %dma_wait3A_226, %dma_wait3A_227] : memref<16x8x16xf32, #tpu.memory_space<vmem_shared>> -> memref<1x8x16xf32, #tpu.memory_space<vmem_shared>>
      %dma_wait3A_229 = tpu.memref_squeeze %dma_wait3A_228 : memref<1x8x16xf32, #tpu.memory_space<vmem_shared>> -> memref<8x16xf32, #tpu.memory_space<vmem_shared>>
      tpu.wait_dma2 semaphore(%run_scoped3A_215 : memref<!tpu.dma_semaphore, #tpu.memory_space<semaphore_mem>>) src(%arg13 : memref<8x16xf32, #tpu.memory_space<vmem>>) dst(%dma_wait3A_229 : memref<8x16xf32, #tpu.memory_space<vmem_shared>>)
      tpu.yield
    }) : () -> ()
    %barrier3A = arith.constant 0 : index
    tpu.barrier barrier_id(%barrier3A)
    "tpu.region"() ({
      %run_scoped3A_215 = tpu.sem_alloc : memref<!tpu.dma_semaphore, #tpu.memory_space<semaphore_mem>>
      tpu.enqueue_dma source(%arg21 : memref<16x8x16xf32, #tpu.memory_space<vmem_shared>>) target(%arg14 : memref<16x8x16xf32, #tpu.memory_space<vmem>>) target_semaphore(%run_scoped3A_215 : memref<!tpu.dma_semaphore, #tpu.memory_space<semaphore_mem>>)
      tpu.wait_dma2 semaphore(%run_scoped3A_215 : memref<!tpu.dma_semaphore, #tpu.memory_space<semaphore_mem>>) src(%arg21 : memref<16x8x16xf32, #tpu.memory_space<vmem_shared>>) dst(%arg14 : memref<16x8x16xf32, #tpu.memory_space<vmem>>)
      tpu.yield
    }) : () -> ()
    %neg3A_49 = arith.constant 0.000000e+00 : f32
    %neg3A_50 = vector.broadcast %neg3A_49 : f32 to vector<16xf32>
    %neg3A_51 = arith.subf %neg3A_50, %broadcast_in_dim3A_12 : vector<16xf32>
    %neg3A_52 = arith.constant 0.000000e+00 : f32
    %neg3A_53 = vector.broadcast %neg3A_52 : f32 to vector<16xf32>
    %neg3A_54 = arith.subf %neg3A_53, %broadcast_in_dim3A_12 : vector<16xf32>
    %neg3A_55 = arith.constant 0.000000e+00 : f32
    %neg3A_56 = vector.broadcast %neg3A_55 : f32 to vector<16xf32>
    %neg3A_57 = arith.subf %neg3A_56, %broadcast_in_dim3A_12 : vector<16xf32>
    %scan3A_58 = arith.constant 0 : i32
    %scan3A_59 = arith.constant 16 : i32
    %scan3A_60 = arith.addi %scan3A_58, %scan3A_59 : i32
    %scan3A_61 = arith.constant 1 : i32
    %scan3A_62:6 = scf.for %scan3A_215 = %scan3A_58 to %scan3A_60 step %scan3A_61 iter_args(%scan3A_216 = %broadcast_in_dim3A_12, %scan3A_217 = %broadcast_in_dim3A_12, %scan3A_218 = %broadcast_in_dim3A_12, %scan3A_219 = %neg3A_51, %scan3A_220 = %neg3A_54, %scan3A_221 = %neg3A_57) -> (vector<16xf32>, vector<16xf32>, vector<16xf32>, vector<16xf32>, vector<16xf32>, vector<16xf32>)  : i32 {
      %get3A = arith.constant 0 : i32
      %get3A_222 = arith.index_cast %scan3A_215 : i32 to index
      %get3A_223 = arith.index_cast %get3A : i32 to index
      %get3A_224 = arith.constant 0 : index
      %get3A_225 = tpu.vector_load %arg14[%get3A_222, %get3A_223, %get3A_224] {strides = array<i32>} : memref<16x8x16xf32, #tpu.memory_space<vmem>>, vector<16xf32>,
      %min3A = arith.minimumf %scan3A_216, %get3A_225 : vector<16xf32>
      %get3A_226 = arith.constant 3 : i32
      %get3A_227 = arith.index_cast %scan3A_215 : i32 to index
      %get3A_228 = arith.index_cast %get3A_226 : i32 to index
      %get3A_229 = arith.constant 0 : index
      %get3A_230 = tpu.vector_load %arg14[%get3A_227, %get3A_228, %get3A_229] {strides = array<i32>} : memref<16x8x16xf32, #tpu.memory_space<vmem>>, vector<16xf32>,
      %max3A = arith.maximumf %scan3A_219, %get3A_230 : vector<16xf32>
      %get3A_231 = arith.constant 1 : i32
      %get3A_232 = arith.index_cast %scan3A_215 : i32 to index
      %get3A_233 = arith.index_cast %get3A_231 : i32 to index
      %get3A_234 = arith.constant 0 : index
      %get3A_235 = tpu.vector_load %arg14[%get3A_232, %get3A_233, %get3A_234] {strides = array<i32>} : memref<16x8x16xf32, #tpu.memory_space<vmem>>, vector<16xf32>,
      %min3A_236 = arith.minimumf %scan3A_217, %get3A_235 : vector<16xf32>
      %get3A_237 = arith.constant 4 : i32
      %get3A_238 = arith.index_cast %scan3A_215 : i32 to index
      %get3A_239 = arith.index_cast %get3A_237 : i32 to index
      %get3A_240 = arith.constant 0 : index
      %get3A_241 = tpu.vector_load %arg14[%get3A_238, %get3A_239, %get3A_240] {strides = array<i32>} : memref<16x8x16xf32, #tpu.memory_space<vmem>>, vector<16xf32>,
      %max3A_242 = arith.maximumf %scan3A_220, %get3A_241 : vector<16xf32>
      %get3A_243 = arith.constant 2 : i32
      %get3A_244 = arith.index_cast %scan3A_215 : i32 to index
      %get3A_245 = arith.index_cast %get3A_243 : i32 to index
      %get3A_246 = arith.constant 0 : index
      %get3A_247 = tpu.vector_load %arg14[%get3A_244, %get3A_245, %get3A_246] {strides = array<i32>} : memref<16x8x16xf32, #tpu.memory_space<vmem>>, vector<16xf32>,
      %min3A_248 = arith.minimumf %scan3A_218, %get3A_247 : vector<16xf32>
      %get3A_249 = arith.constant 5 : i32
      %get3A_250 = arith.index_cast %scan3A_215 : i32 to index
      %get3A_251 = arith.index_cast %get3A_249 : i32 to index
      %get3A_252 = arith.constant 0 : index
      %get3A_253 = tpu.vector_load %arg14[%get3A_250, %get3A_251, %get3A_252] {strides = array<i32>} : memref<16x8x16xf32, #tpu.memory_space<vmem>>, vector<16xf32>,
      %max3A_254 = arith.maximumf %scan3A_221, %get3A_253 : vector<16xf32>
      scf.yield %min3A, %min3A_236, %min3A_248, %max3A, %max3A_242, %max3A_254 : vector<16xf32>, vector<16xf32>, vector<16xf32>, vector<16xf32>, vector<16xf32>, vector<16xf32>
    }
    %scan3A_63 = arith.constant 16 : i32
    %reduce_min3A = arith.constant true
    %reduce_min3A_64 = vector.broadcast %reduce_min3A : i1 to vector<16xi1>
    %reduce_min3A_65 = tpu.scan <min>, %scan3A_62#0 masked %reduce_min3A_64 : vector<16xf32>, vector<16xi1> -> vector<16xf32>
    %reduce_min3A_66 = vector.extract %reduce_min3A_65[15] : f32 from vector<16xf32>
    %broadcast_in_dim3A_67 = vector.broadcast %reduce_min3A_66 : f32 to vector<16xf32>
    %reduce_max3A = arith.constant true
    %reduce_max3A_68 = vector.broadcast %reduce_max3A : i1 to vector<16xi1>
    %reduce_max3A_69 = tpu.scan <max>, %scan3A_62#3 masked %reduce_max3A_68 : vector<16xf32>, vector<16xi1> -> vector<16xf32>
    %reduce_max3A_70 = vector.extract %reduce_max3A_69[15] : f32 from vector<16xf32>
    %broadcast_in_dim3A_71 = vector.broadcast %reduce_max3A_70 : f32 to vector<16xf32>
    %sub3A = arith.subf %broadcast_in_dim3A_71, %broadcast_in_dim3A_67 : vector<16xf32>
    %mul3A_72 = arith.constant 6.250000e-02 : f32
    %mul3A_73 = vector.broadcast %mul3A_72 : f32 to vector<16xf32>
    %mul3A_74 = arith.mulf %sub3A, %mul3A_73 : vector<16xf32>
    %reduce_min3A_75 = arith.constant true
    %reduce_min3A_76 = vector.broadcast %reduce_min3A_75 : i1 to vector<16xi1>
    %reduce_min3A_77 = tpu.scan <min>, %scan3A_62#1 masked %reduce_min3A_76 : vector<16xf32>, vector<16xi1> -> vector<16xf32>
    %reduce_min3A_78 = vector.extract %reduce_min3A_77[15] : f32 from vector<16xf32>
    %broadcast_in_dim3A_79 = vector.broadcast %reduce_min3A_78 : f32 to vector<16xf32>
    %reduce_max3A_80 = arith.constant true
    %reduce_max3A_81 = vector.broadcast %reduce_max3A_80 : i1 to vector<16xi1>
    %reduce_max3A_82 = tpu.scan <max>, %scan3A_62#4 masked %reduce_max3A_81 : vector<16xf32>, vector<16xi1> -> vector<16xf32>
    %reduce_max3A_83 = vector.extract %reduce_max3A_82[15] : f32 from vector<16xf32>
    %broadcast_in_dim3A_84 = vector.broadcast %reduce_max3A_83 : f32 to vector<16xf32>
    %sub3A_85 = arith.subf %broadcast_in_dim3A_84, %broadcast_in_dim3A_79 : vector<16xf32>
    %mul3A_86 = arith.constant 6.250000e-02 : f32
    %mul3A_87 = vector.broadcast %mul3A_86 : f32 to vector<16xf32>
    %mul3A_88 = arith.mulf %sub3A_85, %mul3A_87 : vector<16xf32>
    %reduce_min3A_89 = arith.constant true
    %reduce_min3A_90 = vector.broadcast %reduce_min3A_89 : i1 to vector<16xi1>
    %reduce_min3A_91 = tpu.scan <min>, %scan3A_62#2 masked %reduce_min3A_90 : vector<16xf32>, vector<16xi1> -> vector<16xf32>
    %reduce_min3A_92 = vector.extract %reduce_min3A_91[15] : f32 from vector<16xf32>
    %broadcast_in_dim3A_93 = vector.broadcast %reduce_min3A_92 : f32 to vector<16xf32>
    %reduce_max3A_94 = arith.constant true
    %reduce_max3A_95 = vector.broadcast %reduce_max3A_94 : i1 to vector<16xi1>
    %reduce_max3A_96 = tpu.scan <max>, %scan3A_62#5 masked %reduce_max3A_95 : vector<16xf32>, vector<16xi1> -> vector<16xf32>
    %reduce_max3A_97 = vector.extract %reduce_max3A_96[15] : f32 from vector<16xf32>
    %broadcast_in_dim3A_98 = vector.broadcast %reduce_max3A_97 : f32 to vector<16xf32>
    %sub3A_99 = arith.subf %broadcast_in_dim3A_98, %broadcast_in_dim3A_93 : vector<16xf32>
    %mul3A_100 = arith.constant 6.250000e-02 : f32
    %mul3A_101 = vector.broadcast %mul3A_100 : f32 to vector<16xf32>
    %mul3A_102 = arith.mulf %sub3A_99, %mul3A_101 : vector<16xf32>
    %scan3A_103 = arith.constant 0 : i32
    %scan3A_104 = arith.constant 0 : i32
    %scan3A_105 = arith.constant 40 : i32
    %scan3A_106 = arith.addi %scan3A_104, %scan3A_105 : i32
    %scan3A_107 = arith.constant 1 : i32
    %scan3A_108 = scf.for %scan3A_215 = %scan3A_104 to %scan3A_106 step %scan3A_107 iter_args(%scan3A_216 = %scan3A_103) -> (i32)  : i32 {
      %mul3A_217 = arith.constant 16 : i32
      %mul3A_218 = arith.muli %scan3A_215, %mul3A_217 : i32
      %get3A = arith.constant 0 : i32
      %get3A_219 = arith.index_cast %get3A : i32 to index
      %get3A_220 = arith.index_cast %mul3A_218 : i32 to index
      %get3A_221 = tpu.vector_load %arg12[%get3A_219, %get3A_220] {strides = array<i32>} : memref<3x640xf32, #tpu.memory_space<vmem>>, vector<16xf32>,
      %sub3A_222 = arith.subf %get3A_221, %broadcast_in_dim3A_67 : vector<16xf32>
      %div3A = arith.divf %sub3A_222, %mul3A_74 : vector<16xf32>
      %convert_element_type3A_223 = arith.fptosi %div3A : vector<16xf32> to vector<16xi32>
      %max3A = arith.constant 0 : i32
      %max3A_224 = vector.broadcast %max3A : i32 to vector<16xi32>
      %max3A_225 = arith.maxsi %convert_element_type3A_223, %max3A_224 : vector<16xi32>
      %min3A = arith.constant 15 : i32
      %min3A_226 = vector.broadcast %min3A : i32 to vector<16xi32>
      %min3A_227 = arith.minsi %max3A_225, %min3A_226 : vector<16xi32>
      %mul3A_228 = arith.constant 16 : i32
      %mul3A_229 = arith.muli %scan3A_215, %mul3A_228 : i32
      %get3A_230 = arith.constant 1 : i32
      %get3A_231 = arith.index_cast %get3A_230 : i32 to index
      %get3A_232 = arith.index_cast %mul3A_229 : i32 to index
      %get3A_233 = tpu.vector_load %arg12[%get3A_231, %get3A_232] {strides = array<i32>} : memref<3x640xf32, #tpu.memory_space<vmem>>, vector<16xf32>,
      %sub3A_234 = arith.subf %get3A_233, %broadcast_in_dim3A_79 : vector<16xf32>
      %div3A_235 = arith.divf %sub3A_234, %mul3A_88 : vector<16xf32>
      %convert_element_type3A_236 = arith.fptosi %div3A_235 : vector<16xf32> to vector<16xi32>
      %max3A_237 = arith.constant 0 : i32
      %max3A_238 = vector.broadcast %max3A_237 : i32 to vector<16xi32>
      %max3A_239 = arith.maxsi %convert_element_type3A_236, %max3A_238 : vector<16xi32>
      %min3A_240 = arith.constant 15 : i32
      %min3A_241 = vector.broadcast %min3A_240 : i32 to vector<16xi32>
      %min3A_242 = arith.minsi %max3A_239, %min3A_241 : vector<16xi32>
      %mul3A_243 = arith.constant 16 : i32
      %mul3A_244 = arith.muli %scan3A_215, %mul3A_243 : i32
      %get3A_245 = arith.constant 2 : i32
      %get3A_246 = arith.index_cast %get3A_245 : i32 to index
      %get3A_247 = arith.index_cast %mul3A_244 : i32 to index
      %get3A_248 = tpu.vector_load %arg12[%get3A_246, %get3A_247] {strides = array<i32>} : memref<3x640xf32, #tpu.memory_space<vmem>>, vector<16xf32>,
      %sub3A_249 = arith.subf %get3A_248, %broadcast_in_dim3A_93 : vector<16xf32>
      %div3A_250 = arith.divf %sub3A_249, %mul3A_102 : vector<16xf32>
      %convert_element_type3A_251 = arith.fptosi %div3A_250 : vector<16xf32> to vector<16xi32>
      %max3A_252 = arith.constant 0 : i32
      %max3A_253 = vector.broadcast %max3A_252 : i32 to vector<16xi32>
      %max3A_254 = arith.maxsi %convert_element_type3A_251, %max3A_253 : vector<16xi32>
      %min3A_255 = arith.constant 15 : i32
      %min3A_256 = vector.broadcast %min3A_255 : i32 to vector<16xi32>
      %min3A_257 = arith.minsi %max3A_254, %min3A_256 : vector<16xi32>
      %mul3A_258 = arith.constant 256 : i32
      %mul3A_259 = vector.broadcast %mul3A_258 : i32 to vector<16xi32>
      %mul3A_260 = arith.muli %min3A_227, %mul3A_259 : vector<16xi32>
      %mul3A_261 = arith.constant 16 : i32
      %mul3A_262 = vector.broadcast %mul3A_261 : i32 to vector<16xi32>
      %mul3A_263 = arith.muli %min3A_242, %mul3A_262 : vector<16xi32>
      %add3A_264 = arith.addi %mul3A_260, %mul3A_263 : vector<16xi32>
      %add3A_265 = arith.addi %add3A_264, %min3A_257 : vector<16xi32>
      %mul3A_266 = arith.constant 640 : i32
      %mul3A_267 = arith.muli %arg1, %mul3A_266 : i32
      %add3A_268 = arith.constant 0 : i32
      %add3A_269 = arith.addi %add3A_268, %mul3A_267 : i32
      %mul3A_270 = arith.constant 16 : i32
      %mul3A_271 = arith.muli %scan3A_215, %mul3A_270 : i32
      %add3A_272 = arith.addi %add3A_269, %mul3A_271 : i32
      %swap3A_273 = arith.index_cast %add3A_272 : i32 to index
      %swap3A_274 = tpu.vector_load %arg11[%swap3A_273] {strides = array<i32>} : memref<63536xi32, #tpu.memory_space<vmem>>, vector<16xi32>,
      tpu.vector_store %arg11[%swap3A_273], %add3A_265 {strides = array<i32>} : memref<63536xi32, #tpu.memory_space<vmem>>, vector<16xi32>,
      %scan3A_275 = arith.constant 0 : i32
      scf.yield %scan3A_275 : i32
    }
    %scan3A_109 = arith.constant 40 : i32
    %mul3A_110 = arith.constant 640 : i32
    %mul3A_111 = arith.muli %arg1, %mul3A_110 : i32
    %add3A_112 = arith.constant 0 : i32
    %add3A_113 = arith.addi %add3A_112, %mul3A_111 : i32
    %mul3A_114 = arith.constant 640 : i32
    %mul3A_115 = arith.muli %arg1, %mul3A_114 : i32
    "tpu.region"() ({
      %run_scoped3A_215 = tpu.sem_alloc : memref<!tpu.dma_semaphore, #tpu.memory_space<semaphore_mem>>
      %dma_start3A = tpu.memref_slice %arg11[%add3A_113] : memref<63536xi32, #tpu.memory_space<vmem>> -> memref<640xi32, #tpu.memory_space<vmem>>
      %dma_start3A_216 = tpu.memref_slice %arg22[%mul3A_115] : memref<10240xi32, #tpu.memory_space<vmem_shared>> -> memref<640xi32, #tpu.memory_space<vmem_shared>>
      %dma_start3A_217 = tpu.memref_slice %arg22[%mul3A_115] : memref<10240xi32, #tpu.memory_space<vmem_shared>> -> memref<640xi32, #tpu.memory_space<vmem_shared>>
      %dma_start3A_218 = tpu.memref_slice %arg11[%add3A_113] : memref<63536xi32, #tpu.memory_space<vmem>> -> memref<640xi32, #tpu.memory_space<vmem>>
      tpu.enqueue_dma source(%dma_start3A_218 : memref<640xi32, #tpu.memory_space<vmem>>) target(%dma_start3A_217 : memref<640xi32, #tpu.memory_space<vmem_shared>>) target_semaphore(%run_scoped3A_215 : memref<!tpu.dma_semaphore, #tpu.memory_space<semaphore_mem>>)
      %dma_wait3A = tpu.memref_slice %arg11[%add3A_113] : memref<63536xi32, #tpu.memory_space<vmem>> -> memref<640xi32, #tpu.memory_space<vmem>>
      %dma_wait3A_219 = tpu.memref_slice %arg22[%mul3A_115] : memref<10240xi32, #tpu.memory_space<vmem_shared>> -> memref<640xi32, #tpu.memory_space<vmem_shared>>
      %dma_wait3A_220 = tpu.memref_slice %arg22[%mul3A_115] : memref<10240xi32, #tpu.memory_space<vmem_shared>> -> memref<640xi32, #tpu.memory_space<vmem_shared>>
      %dma_wait3A_221 = tpu.memref_slice %arg11[%add3A_113] : memref<63536xi32, #tpu.memory_space<vmem>> -> memref<640xi32, #tpu.memory_space<vmem>>
      tpu.wait_dma2 semaphore(%run_scoped3A_215 : memref<!tpu.dma_semaphore, #tpu.memory_space<semaphore_mem>>) src(%dma_wait3A_221 : memref<640xi32, #tpu.memory_space<vmem>>) dst(%dma_wait3A_220 : memref<640xi32, #tpu.memory_space<vmem_shared>>)
      tpu.yield
    }) : () -> ()
    %barrier3A_116 = arith.constant 0 : index
    tpu.barrier barrier_id(%barrier3A_116)
    "tpu.region"() ({
      %run_scoped3A_215 = tpu.sem_alloc : memref<!tpu.dma_semaphore, #tpu.memory_space<semaphore_mem>>
      %dma_start3A = arith.constant 0 : i32
      %dma_start3A_216 = tpu.memref_slice %arg11[%dma_start3A] : memref<63536xi32, #tpu.memory_space<vmem>> -> memref<10240xi32, #tpu.memory_space<vmem>>
      %dma_start3A_217 = arith.constant 0 : i32
      %dma_start3A_218 = tpu.memref_slice %arg11[%dma_start3A_217] : memref<63536xi32, #tpu.memory_space<vmem>> -> memref<10240xi32, #tpu.memory_space<vmem>>
      tpu.enqueue_dma source(%arg22 : memref<10240xi32, #tpu.memory_space<vmem_shared>>) target(%dma_start3A_218 : memref<10240xi32, #tpu.memory_space<vmem>>) target_semaphore(%run_scoped3A_215 : memref<!tpu.dma_semaphore, #tpu.memory_space<semaphore_mem>>)
      %dma_wait3A = arith.constant 0 : i32
      %dma_wait3A_219 = tpu.memref_slice %arg11[%dma_wait3A] : memref<63536xi32, #tpu.memory_space<vmem>> -> memref<10240xi32, #tpu.memory_space<vmem>>
      %dma_wait3A_220 = arith.constant 0 : i32
      %dma_wait3A_221 = tpu.memref_slice %arg11[%dma_wait3A_220] : memref<63536xi32, #tpu.memory_space<vmem>> -> memref<10240xi32, #tpu.memory_space<vmem>>
      tpu.wait_dma2 semaphore(%run_scoped3A_215 : memref<!tpu.dma_semaphore, #tpu.memory_space<semaphore_mem>>) src(%arg22 : memref<10240xi32, #tpu.memory_space<vmem_shared>>) dst(%dma_wait3A_221 : memref<10240xi32, #tpu.memory_space<vmem>>)
      tpu.yield
    }) : () -> ()
    %mul3A_117 = arith.constant 10240 : i32
    %mul3A_118 = arith.muli %arg1, %mul3A_117 : i32
    "tpu.region"() ({
      %run_scoped3A_215 = tpu.sem_alloc : memref<!tpu.dma_semaphore, #tpu.memory_space<semaphore_mem>>
      %dma_start3A = arith.constant 10240 : i32
      %dma_start3A_216 = tpu.memref_slice %arg11[%dma_start3A] : memref<63536xi32, #tpu.memory_space<vmem>> -> memref<10240xi32, #tpu.memory_space<vmem>>
      %dma_start3A_217 = tpu.memref_slice %arg3[%mul3A_118] : memref<163840xi32, #tpu.memory_space<hbm>> -> memref<10240xi32, #tpu.memory_space<hbm>>
      %dma_start3A_218 = arith.constant 10240 : i32
      %dma_start3A_219 = tpu.memref_slice %arg11[%dma_start3A_218] : memref<63536xi32, #tpu.memory_space<vmem>> -> memref<10240xi32, #tpu.memory_space<vmem>>
      %dma_start3A_220 = tpu.memref_slice %arg3[%mul3A_118] : memref<163840xi32, #tpu.memory_space<hbm>> -> memref<10240xi32, #tpu.memory_space<hbm>>
      tpu.enqueue_dma source(%dma_start3A_220 : memref<10240xi32, #tpu.memory_space<hbm>>) target(%dma_start3A_219 : memref<10240xi32, #tpu.memory_space<vmem>>) target_semaphore(%run_scoped3A_215 : memref<!tpu.dma_semaphore, #tpu.memory_space<semaphore_mem>>)
      %dma_wait3A = arith.constant 10240 : i32
      %dma_wait3A_221 = tpu.memref_slice %arg11[%dma_wait3A] : memref<63536xi32, #tpu.memory_space<vmem>> -> memref<10240xi32, #tpu.memory_space<vmem>>
      %dma_wait3A_222 = tpu.memref_slice %arg3[%mul3A_118] : memref<163840xi32, #tpu.memory_space<hbm>> -> memref<10240xi32, #tpu.memory_space<hbm>>
      %dma_wait3A_223 = arith.constant 10240 : i32
      %dma_wait3A_224 = tpu.memref_slice %arg11[%dma_wait3A_223] : memref<63536xi32, #tpu.memory_space<vmem>> -> memref<10240xi32, #tpu.memory_space<vmem>>
      %dma_wait3A_225 = tpu.memref_slice %arg3[%mul3A_118] : memref<163840xi32, #tpu.memory_space<hbm>> -> memref<10240xi32, #tpu.memory_space<hbm>>
      tpu.wait_dma2 semaphore(%run_scoped3A_215 : memref<!tpu.dma_semaphore, #tpu.memory_space<semaphore_mem>>) src(%dma_wait3A_225 : memref<10240xi32, #tpu.memory_space<hbm>>) dst(%dma_wait3A_224 : memref<10240xi32, #tpu.memory_space<vmem>>)
      tpu.yield
    }) : () -> ()
    "tpu.region"() ({
      %run_scoped3A_215 = tpu.sem_alloc : memref<!tpu.dma_semaphore, #tpu.memory_space<semaphore_mem>>
      %dma_start3A = arith.constant 20480 : i32
      %dma_start3A_216 = tpu.memref_slice %arg11[%dma_start3A] : memref<63536xi32, #tpu.memory_space<vmem>> -> memref<10240xi32, #tpu.memory_space<vmem>>
      %dma_start3A_217 = tpu.memref_slice %arg4[%mul3A_118] : memref<163840xi32, #tpu.memory_space<hbm>> -> memref<10240xi32, #tpu.memory_space<hbm>>
      %dma_start3A_218 = arith.constant 20480 : i32
      %dma_start3A_219 = tpu.memref_slice %arg11[%dma_start3A_218] : memref<63536xi32, #tpu.memory_space<vmem>> -> memref<10240xi32, #tpu.memory_space<vmem>>
      %dma_start3A_220 = tpu.memref_slice %arg4[%mul3A_118] : memref<163840xi32, #tpu.memory_space<hbm>> -> memref<10240xi32, #tpu.memory_space<hbm>>
      tpu.enqueue_dma source(%dma_start3A_220 : memref<10240xi32, #tpu.memory_space<hbm>>) target(%dma_start3A_219 : memref<10240xi32, #tpu.memory_space<vmem>>) target_semaphore(%run_scoped3A_215 : memref<!tpu.dma_semaphore, #tpu.memory_space<semaphore_mem>>)
      %dma_wait3A = arith.constant 20480 : i32
      %dma_wait3A_221 = tpu.memref_slice %arg11[%dma_wait3A] : memref<63536xi32, #tpu.memory_space<vmem>> -> memref<10240xi32, #tpu.memory_space<vmem>>
      %dma_wait3A_222 = tpu.memref_slice %arg4[%mul3A_118] : memref<163840xi32, #tpu.memory_space<hbm>> -> memref<10240xi32, #tpu.memory_space<hbm>>
      %dma_wait3A_223 = arith.constant 20480 : i32
      %dma_wait3A_224 = tpu.memref_slice %arg11[%dma_wait3A_223] : memref<63536xi32, #tpu.memory_space<vmem>> -> memref<10240xi32, #tpu.memory_space<vmem>>
      %dma_wait3A_225 = tpu.memref_slice %arg4[%mul3A_118] : memref<163840xi32, #tpu.memory_space<hbm>> -> memref<10240xi32, #tpu.memory_space<hbm>>
      tpu.wait_dma2 semaphore(%run_scoped3A_215 : memref<!tpu.dma_semaphore, #tpu.memory_space<semaphore_mem>>) src(%dma_wait3A_225 : memref<10240xi32, #tpu.memory_space<hbm>>) dst(%dma_wait3A_224 : memref<10240xi32, #tpu.memory_space<vmem>>)
      tpu.yield
    }) : () -> ()
    %scan3A_119 = arith.constant 0 : i32
    %scan3A_120 = arith.constant 0 : i32
    %scan3A_121 = arith.constant 640 : i32
    %scan3A_122 = arith.addi %scan3A_120, %scan3A_121 : i32
    %scan3A_123 = arith.constant 1 : i32
    %scan3A_124 = scf.for %scan3A_215 = %scan3A_120 to %scan3A_122 step %scan3A_123 iter_args(%scan3A_216 = %scan3A_119) -> (i32)  : i32 {
      %mul3A_217 = arith.constant 16 : i32
      %mul3A_218 = arith.muli %scan3A_215, %mul3A_217 : i32
      %add3A_219 = arith.constant 10240 : i32
      %add3A_220 = arith.addi %add3A_219, %mul3A_218 : i32
      %get3A = arith.index_cast %add3A_220 : i32 to index
      %get3A_221 = tpu.vector_load %arg11[%get3A] {strides = array<i32>} : memref<63536xi32, #tpu.memory_space<vmem>>, vector<16xi32>,
      %mul3A_222 = arith.constant 16 : i32
      %mul3A_223 = arith.muli %scan3A_215, %mul3A_222 : i32
      %add3A_224 = arith.constant 20480 : i32
      %add3A_225 = arith.addi %add3A_224, %mul3A_223 : i32
      %get3A_226 = arith.index_cast %add3A_225 : i32 to index
      %get3A_227 = tpu.vector_load %arg11[%get3A_226] {strides = array<i32>} : memref<63536xi32, #tpu.memory_space<vmem>>, vector<16xi32>,
      %add3A_228 = arith.constant 0 : i32
      %add3A_229 = vector.broadcast %add3A_228 : i32 to vector<16xi32>
      %add3A_230 = arith.addi %get3A_221, %add3A_229 : vector<16xi32>
      %gather3A = tpu.vector_load_idx %arg11[%add3A_230] : memref<63536xi32, #tpu.memory_space<vmem>>[vector<16xi32>], vector<16xi32>,
      %add3A_231 = arith.constant 0 : i32
      %add3A_232 = vector.broadcast %add3A_231 : i32 to vector<16xi32>
      %add3A_233 = arith.addi %get3A_227, %add3A_232 : vector<16xi32>
      %gather3A_234 = tpu.vector_load_idx %arg11[%add3A_233] : memref<63536xi32, #tpu.memory_space<vmem>>[vector<16xi32>], vector<16xi32>,
      %mul3A_235 = arith.constant 16 : i32
      %mul3A_236 = arith.muli %scan3A_215, %mul3A_235 : i32
      %add3A_237 = arith.constant 30720 : i32
      %add3A_238 = arith.addi %add3A_237, %mul3A_236 : i32
      %swap3A_239 = arith.index_cast %add3A_238 : i32 to index
      %swap3A_240 = tpu.vector_load %arg11[%swap3A_239] {strides = array<i32>} : memref<63536xi32, #tpu.memory_space<vmem>>, vector<16xi32>,
      tpu.vector_store %arg11[%swap3A_239], %gather3A {strides = array<i32>} : memref<63536xi32, #tpu.memory_space<vmem>>, vector<16xi32>,
      %mul3A_241 = arith.constant 16 : i32
      %mul3A_242 = arith.muli %scan3A_215, %mul3A_241 : i32
      %add3A_243 = arith.constant 40976 : i32
      %add3A_244 = arith.addi %add3A_243, %mul3A_242 : i32
      %swap3A_245 = arith.index_cast %add3A_244 : i32 to index
      %swap3A_246 = tpu.vector_load %arg11[%swap3A_245] {strides = array<i32>} : memref<63536xi32, #tpu.memory_space<vmem>>, vector<16xi32>,
      tpu.vector_store %arg11[%swap3A_245], %gather3A_234 {strides = array<i32>} : memref<63536xi32, #tpu.memory_space<vmem>>, vector<16xi32>,
      %scan3A_247 = arith.constant 0 : i32
      scf.yield %scan3A_247 : i32
    }
    %scan3A_125 = arith.constant 640 : i32
    %eq3A = arith.constant 0 : i32
    %eq3A_126 = arith.cmpi eq, %arg0, %eq3A : i32
    %convert_element_type3A = arith.extui %eq3A_126 : i1 to i32
    %cond3A = arith.constant 0 : i32
    %cond3A_127 = arith.cmpi ne, %convert_element_type3A, %cond3A : i32
    scf.if %cond3A_127 {
      "tpu.region"() ({
        %run_scoped3A_215 = tpu.sem_alloc : memref<!tpu.dma_semaphore, #tpu.memory_space<semaphore_mem>>
        %dma_start3A = arith.constant 30720 : i32
        %dma_start3A_216 = tpu.memref_slice %arg11[%dma_start3A] : memref<63536xi32, #tpu.memory_space<vmem>> -> memref<10240xi32, #tpu.memory_space<vmem>>
        %dma_start3A_217 = tpu.memref_slice %arg8[%mul3A_118] : memref<163840xi32, #tpu.memory_space<hbm>> -> memref<10240xi32, #tpu.memory_space<hbm>>
        %dma_start3A_218 = tpu.memref_slice %arg8[%mul3A_118] : memref<163840xi32, #tpu.memory_space<hbm>> -> memref<10240xi32, #tpu.memory_space<hbm>>
        %dma_start3A_219 = arith.constant 30720 : i32
        %dma_start3A_220 = tpu.memref_slice %arg11[%dma_start3A_219] : memref<63536xi32, #tpu.memory_space<vmem>> -> memref<10240xi32, #tpu.memory_space<vmem>>
        tpu.enqueue_dma source(%dma_start3A_220 : memref<10240xi32, #tpu.memory_space<vmem>>) target(%dma_start3A_218 : memref<10240xi32, #tpu.memory_space<hbm>>) target_semaphore(%run_scoped3A_215 : memref<!tpu.dma_semaphore, #tpu.memory_space<semaphore_mem>>)
        %dma_wait3A = arith.constant 30720 : i32
        %dma_wait3A_221 = tpu.memref_slice %arg11[%dma_wait3A] : memref<63536xi32, #tpu.memory_space<vmem>> -> memref<10240xi32, #tpu.memory_space<vmem>>
        %dma_wait3A_222 = tpu.memref_slice %arg8[%mul3A_118] : memref<163840xi32, #tpu.memory_space<hbm>> -> memref<10240xi32, #tpu.memory_space<hbm>>
        %dma_wait3A_223 = tpu.memref_slice %arg8[%mul3A_118] : memref<163840xi32, #tpu.memory_space<hbm>> -> memref<10240xi32, #tpu.memory_space<hbm>>
        %dma_wait3A_224 = arith.constant 30720 : i32
        %dma_wait3A_225 = tpu.memref_slice %arg11[%dma_wait3A_224] : memref<63536xi32, #tpu.memory_space<vmem>> -> memref<10240xi32, #tpu.memory_space<vmem>>
        tpu.wait_dma2 semaphore(%run_scoped3A_215 : memref<!tpu.dma_semaphore, #tpu.memory_space<semaphore_mem>>) src(%dma_wait3A_225 : memref<10240xi32, #tpu.memory_space<vmem>>) dst(%dma_wait3A_223 : memref<10240xi32, #tpu.memory_space<hbm>>)
        tpu.yield
      }) : () -> ()
      "tpu.region"() ({
        %run_scoped3A_215 = tpu.sem_alloc : memref<!tpu.dma_semaphore, #tpu.memory_space<semaphore_mem>>
        %dma_start3A = arith.constant 40976 : i32
        %dma_start3A_216 = tpu.memref_slice %arg11[%dma_start3A] : memref<63536xi32, #tpu.memory_space<vmem>> -> memref<10240xi32, #tpu.memory_space<vmem>>
        %dma_start3A_217 = tpu.memref_slice %arg9[%mul3A_118] : memref<163840xi32, #tpu.memory_space<hbm>> -> memref<10240xi32, #tpu.memory_space<hbm>>
        %dma_start3A_218 = tpu.memref_slice %arg9[%mul3A_118] : memref<163840xi32, #tpu.memory_space<hbm>> -> memref<10240xi32, #tpu.memory_space<hbm>>
        %dma_start3A_219 = arith.constant 40976 : i32
        %dma_start3A_220 = tpu.memref_slice %arg11[%dma_start3A_219] : memref<63536xi32, #tpu.memory_space<vmem>> -> memref<10240xi32, #tpu.memory_space<vmem>>
        tpu.enqueue_dma source(%dma_start3A_220 : memref<10240xi32, #tpu.memory_space<vmem>>) target(%dma_start3A_218 : memref<10240xi32, #tpu.memory_space<hbm>>) target_semaphore(%run_scoped3A_215 : memref<!tpu.dma_semaphore, #tpu.memory_space<semaphore_mem>>)
        %dma_wait3A = arith.constant 40976 : i32
        %dma_wait3A_221 = tpu.memref_slice %arg11[%dma_wait3A] : memref<63536xi32, #tpu.memory_space<vmem>> -> memref<10240xi32, #tpu.memory_space<vmem>>
        %dma_wait3A_222 = tpu.memref_slice %arg9[%mul3A_118] : memref<163840xi32, #tpu.memory_space<hbm>> -> memref<10240xi32, #tpu.memory_space<hbm>>
        %dma_wait3A_223 = tpu.memref_slice %arg9[%mul3A_118] : memref<163840xi32, #tpu.memory_space<hbm>> -> memref<10240xi32, #tpu.memory_space<hbm>>
        %dma_wait3A_224 = arith.constant 40976 : i32
        %dma_wait3A_225 = tpu.memref_slice %arg11[%dma_wait3A_224] : memref<63536xi32, #tpu.memory_space<vmem>> -> memref<10240xi32, #tpu.memory_space<vmem>>
        tpu.wait_dma2 semaphore(%run_scoped3A_215 : memref<!tpu.dma_semaphore, #tpu.memory_space<semaphore_mem>>) src(%dma_wait3A_225 : memref<10240xi32, #tpu.memory_space<vmem>>) dst(%dma_wait3A_223 : memref<10240xi32, #tpu.memory_space<hbm>>)
        tpu.yield
      }) : () -> ()
    } else {
    }
    %eq3A_128 = arith.constant 1 : i32
    %eq3A_129 = arith.cmpi eq, %arg0, %eq3A_128 : i32
    %convert_element_type3A_130 = arith.extui %eq3A_129 : i1 to i32
    %cond3A_131 = arith.constant 0 : i32
    %cond3A_132 = arith.cmpi ne, %convert_element_type3A_130, %cond3A_131 : i32
    scf.if %cond3A_132 {
      %scan3A_215 = arith.constant 0 : i32
      %scan3A_216 = arith.constant 0 : i32
      %scan3A_217 = arith.constant 640 : i32
      %scan3A_218 = arith.addi %scan3A_216, %scan3A_217 : i32
      %scan3A_219 = arith.constant 1 : i32
      %scan3A_220 = scf.for %scan3A_222 = %scan3A_216 to %scan3A_218 step %scan3A_219 iter_args(%scan3A_223 = %scan3A_215) -> (i32)  : i32 {
        %mul3A_224 = arith.constant 16 : i32
        %mul3A_225 = arith.muli %scan3A_222, %mul3A_224 : i32
        %add3A_226 = arith.constant 30720 : i32
        %add3A_227 = arith.addi %add3A_226, %mul3A_225 : i32
        %get3A = arith.index_cast %add3A_227 : i32 to index
        %get3A_228 = tpu.vector_load %arg11[%get3A] {strides = array<i32>} : memref<63536xi32, #tpu.memory_space<vmem>>, vector<16xi32>,
        %mul3A_229 = arith.constant 16 : i32
        %mul3A_230 = arith.muli %scan3A_222, %mul3A_229 : i32
        %add3A_231 = arith.constant 40976 : i32
        %add3A_232 = arith.addi %add3A_231, %mul3A_230 : i32
        %get3A_233 = arith.index_cast %add3A_232 : i32 to index
        %get3A_234 = tpu.vector_load %arg11[%get3A_233] {strides = array<i32>} : memref<63536xi32, #tpu.memory_space<vmem>>, vector<16xi32>,
        %mul3A_235 = arith.constant 4096 : i32
        %mul3A_236 = vector.broadcast %mul3A_235 : i32 to vector<16xi32>
        %mul3A_237 = arith.muli %get3A_228, %mul3A_236 : vector<16xi32>
        %add3A_238 = arith.addi %mul3A_237, %get3A_234 : vector<16xi32>
        %mul3A_239 = arith.constant 16 : i32
        %mul3A_240 = arith.muli %scan3A_222, %mul3A_239 : i32
        %add3A_241 = arith.constant 30720 : i32
        %add3A_242 = arith.addi %add3A_241, %mul3A_240 : i32
        %swap3A_243 = arith.index_cast %add3A_242 : i32 to index
        %swap3A_244 = tpu.vector_load %arg11[%swap3A_243] {strides = array<i32>} : memref<63536xi32, #tpu.memory_space<vmem>>, vector<16xi32>,
        tpu.vector_store %arg11[%swap3A_243], %add3A_238 {strides = array<i32>} : memref<63536xi32, #tpu.memory_space<vmem>>, vector<16xi32>,
        %scan3A_245 = arith.constant 0 : i32
        scf.yield %scan3A_245 : i32
      }
      %scan3A_221 = arith.constant 640 : i32
      "tpu.region"() ({
        %run_scoped3A_222 = tpu.sem_alloc : memref<!tpu.dma_semaphore, #tpu.memory_space<semaphore_mem>>
        %dma_start3A = arith.constant 30720 : i32
        %dma_start3A_223 = tpu.memref_slice %arg11[%dma_start3A] : memref<63536xi32, #tpu.memory_space<vmem>> -> memref<10240xi32, #tpu.memory_space<vmem>>
        %dma_start3A_224 = tpu.memref_slice %arg10[%mul3A_118] : memref<163840xi32, #tpu.memory_space<hbm>> -> memref<10240xi32, #tpu.memory_space<hbm>>
        %dma_start3A_225 = tpu.memref_slice %arg10[%mul3A_118] : memref<163840xi32, #tpu.memory_space<hbm>> -> memref<10240xi32, #tpu.memory_space<hbm>>
        %dma_start3A_226 = arith.constant 30720 : i32
        %dma_start3A_227 = tpu.memref_slice %arg11[%dma_start3A_226] : memref<63536xi32, #tpu.memory_space<vmem>> -> memref<10240xi32, #tpu.memory_space<vmem>>
        tpu.enqueue_dma source(%dma_start3A_227 : memref<10240xi32, #tpu.memory_space<vmem>>) target(%dma_start3A_225 : memref<10240xi32, #tpu.memory_space<hbm>>) target_semaphore(%run_scoped3A_222 : memref<!tpu.dma_semaphore, #tpu.memory_space<semaphore_mem>>)
        %dma_wait3A = arith.constant 30720 : i32
        %dma_wait3A_228 = tpu.memref_slice %arg11[%dma_wait3A] : memref<63536xi32, #tpu.memory_space<vmem>> -> memref<10240xi32, #tpu.memory_space<vmem>>
        %dma_wait3A_229 = tpu.memref_slice %arg10[%mul3A_118] : memref<163840xi32, #tpu.memory_space<hbm>> -> memref<10240xi32, #tpu.memory_space<hbm>>
        %dma_wait3A_230 = tpu.memref_slice %arg10[%mul3A_118] : memref<163840xi32, #tpu.memory_space<hbm>> -> memref<10240xi32, #tpu.memory_space<hbm>>
        %dma_wait3A_231 = arith.constant 30720 : i32
        %dma_wait3A_232 = tpu.memref_slice %arg11[%dma_wait3A_231] : memref<63536xi32, #tpu.memory_space<vmem>> -> memref<10240xi32, #tpu.memory_space<vmem>>
        tpu.wait_dma2 semaphore(%run_scoped3A_222 : memref<!tpu.dma_semaphore, #tpu.memory_space<semaphore_mem>>) src(%dma_wait3A_232 : memref<10240xi32, #tpu.memory_space<vmem>>) dst(%dma_wait3A_230 : memref<10240xi32, #tpu.memory_space<hbm>>)
        tpu.yield
      }) : () -> ()
    } else {
    }
    %broadcast_in_dim3A_133 = arith.constant 0.000000e+00 : f32
    %broadcast_in_dim3A_134 = vector.broadcast %broadcast_in_dim3A_133 : f32 to vector<16xf32>
    %eq3A_135 = arith.constant 1 : i32
    %eq3A_136 = arith.cmpi eq, %arg0, %eq3A_135 : i32
    %convert_element_type3A_137 = arith.extui %eq3A_136 : i1 to i32
    %cond3A_138 = arith.constant 0 : i32
    %cond3A_139 = arith.cmpi ne, %convert_element_type3A_137, %cond3A_138 : i32
    scf.if %cond3A_139 {
      %broadcast_in_dim3A_215 = arith.constant 0 : i32
      %broadcast_in_dim3A_216 = vector.broadcast %broadcast_in_dim3A_215 : i32 to vector<16xi32>
      %scan3A_217 = arith.constant 0 : i32
      %scan3A_218 = arith.constant 0 : i32
      %scan3A_219 = arith.constant 2048 : i32
      %scan3A_220 = arith.addi %scan3A_218, %scan3A_219 : i32
      %scan3A_221 = arith.constant 1 : i32
      %scan3A_222 = scf.for %scan3A_233 = %scan3A_218 to %scan3A_220 step %scan3A_221 iter_args(%scan3A_234 = %scan3A_217) -> (i32)  : i32 {
        %mul3A_235 = arith.constant 16 : i32
        %mul3A_236 = arith.muli %scan3A_233, %mul3A_235 : i32
        %add3A_237 = arith.constant 0 : i32
        %add3A_238 = arith.addi %add3A_237, %mul3A_236 : i32
        %swap3A_239 = arith.index_cast %add3A_238 : i32 to index
        %swap3A_240 = tpu.vector_load %arg11[%swap3A_239] {strides = array<i32>} : memref<63536xi32, #tpu.memory_space<vmem>>, vector<16xi32>,
        tpu.vector_store %arg11[%swap3A_239], %broadcast_in_dim3A_216 {strides = array<i32>} : memref<63536xi32, #tpu.memory_space<vmem>>, vector<16xi32>,
        %scan3A_241 = arith.constant 0 : i32
        scf.yield %scan3A_241 : i32
      }
      %scan3A_223 = arith.constant 2048 : i32
      %scan3A_224 = arith.constant 0 : i32
      %scan3A_225 = arith.constant 0 : i32
      %scan3A_226 = arith.constant 640 : i32
      %scan3A_227 = arith.addi %scan3A_225, %scan3A_226 : i32
      %scan3A_228 = arith.constant 1 : i32
      %scan3A_229 = scf.for %scan3A_233 = %scan3A_225 to %scan3A_227 step %scan3A_228 iter_args(%scan3A_234 = %scan3A_224) -> (i32)  : i32 {
        %jit3A = arith.constant 64 : i32
        %div3A = arith.divsi %scan3A_233, %jit3A : i32
        %sign3A = arith.constant 0 : i32
        %sign3A_235 = arith.cmpi sgt, %scan3A_233, %sign3A : i32
        %sign3A_236 = arith.extui %sign3A_235 : i1 to i32
        %sign3A_237 = arith.constant 0 : i32
        %sign3A_238 = arith.cmpi slt, %scan3A_233, %sign3A_237 : i32
        %sign3A_239 = arith.extui %sign3A_238 : i1 to i32
        %sign3A_240 = arith.subi %sign3A_236, %sign3A_239 : i32
        %sign3A_241 = arith.constant 0 : i32
        %sign3A_242 = arith.cmpi sgt, %jit3A, %sign3A_241 : i32
        %sign3A_243 = arith.extui %sign3A_242 : i1 to i32
        %sign3A_244 = arith.constant 0 : i32
        %sign3A_245 = arith.cmpi slt, %jit3A, %sign3A_244 : i32
        %sign3A_246 = arith.extui %sign3A_245 : i1 to i32
        %sign3A_247 = arith.subi %sign3A_243, %sign3A_246 : i32
        %ne3A = arith.cmpi ne, %sign3A_240, %sign3A_247 : i32
        %rem3A = arith.remsi %scan3A_233, %jit3A : i32
        %ne3A_248 = arith.constant 0 : i32
        %ne3A_249 = arith.cmpi ne, %rem3A, %ne3A_248 : i32
        %and3A = arith.andi %ne3A, %ne3A_249 : i1
        %sub3A_250 = arith.constant 1 : i32
        %sub3A_251 = arith.subi %div3A, %sub3A_250 : i32
        %select_n3A = arith.select %and3A, %sub3A_251, %div3A : i32
        %jit3A_252 = arith.constant 64 : i32
        %eq3A_253 = arith.constant 0 : i32
        %eq3A_254 = arith.cmpi eq, %jit3A_252, %eq3A_253 : i32
        %jit3A_255 = arith.constant 1 : i32
        %select_n3A_256 = arith.select %eq3A_254, %jit3A_255, %jit3A_252 : i32
        %rem3A_257 = arith.remsi %scan3A_233, %select_n3A_256 : i32
        %ne3A_258 = arith.constant 0 : i32
        %ne3A_259 = arith.cmpi ne, %rem3A_257, %ne3A_258 : i32
        %lt3A = arith.constant 0 : i32
        %lt3A_260 = arith.cmpi slt, %rem3A_257, %lt3A : i32
        %lt3A_261 = arith.constant 0 : i32
        %lt3A_262 = arith.cmpi slt, %select_n3A_256, %lt3A_261 : i32
        %ne3A_263 = arith.xori %lt3A_260, %lt3A_262 : i1
        %and3A_264 = arith.andi %ne3A_263, %ne3A_259 : i1
        %add3A_265 = arith.addi %rem3A_257, %select_n3A_256 : i32
        %select_n3A_266 = arith.select %and3A_264, %add3A_265, %rem3A_257 : i32
        %mul3A_267 = arith.constant 16 : i32
        %mul3A_268 = arith.muli %select_n3A_266, %mul3A_267 : i32
        %swap3A_269 = arith.index_cast %select_n3A : i32 to index
        %swap3A_270 = arith.index_cast %mul3A_268 : i32 to index
        %swap3A_271 = tpu.vector_load %arg19[%swap3A_269, %swap3A_270] {strides = array<i32>} : memref<10x1024xf32, #tpu.memory_space<vmem>>, vector<16xf32>,
        tpu.vector_store %arg19[%swap3A_269, %swap3A_270], %broadcast_in_dim3A_134 {strides = array<i32>} : memref<10x1024xf32, #tpu.memory_space<vmem>>, vector<16xf32>,
        %scan3A_272 = arith.constant 0 : i32
        scf.yield %scan3A_272 : i32
      }
      %scan3A_230 = arith.constant 640 : i32
      %swap3A_231 = arith.constant 63520 : index
      %swap3A_232 = tpu.vector_load %arg11[%swap3A_231] {strides = array<i32>} : memref<63536xi32, #tpu.memory_space<vmem>>, vector<16xi32>,
      tpu.vector_store %arg11[%swap3A_231], %iota3A {strides = array<i32>} : memref<63536xi32, #tpu.memory_space<vmem>>, vector<16xi32>,
    } else {
    }
    %eq3A_140 = arith.constant 0 : i32
    %eq3A_141 = arith.cmpi eq, %arg0, %eq3A_140 : i32
    %convert_element_type3A_142 = arith.extui %eq3A_141 : i1 to i32
    %cond3A_143 = arith.constant 0 : i32
    %cond3A_144 = arith.cmpi ne, %convert_element_type3A_142, %cond3A_143 : i32
    scf.if %cond3A_144 {
      %scan3A_215 = arith.constant 0 : i32
      %scan3A_216 = arith.constant 0 : i32
      %scan3A_217 = arith.constant 128 : i32
      %scan3A_218 = arith.addi %scan3A_216, %scan3A_217 : i32
      %scan3A_219 = arith.constant 1 : i32
      %scan3A_220 = scf.for %scan3A_238 = %scan3A_216 to %scan3A_218 step %scan3A_219 iter_args(%scan3A_239 = %scan3A_215) -> (i32)  : i32 {
        %jit3A = arith.constant 4 : i32
        %div3A = arith.divsi %scan3A_238, %jit3A : i32
        %sign3A = arith.constant 0 : i32
        %sign3A_240 = arith.cmpi sgt, %scan3A_238, %sign3A : i32
        %sign3A_241 = arith.extui %sign3A_240 : i1 to i32
        %sign3A_242 = arith.constant 0 : i32
        %sign3A_243 = arith.cmpi slt, %scan3A_238, %sign3A_242 : i32
        %sign3A_244 = arith.extui %sign3A_243 : i1 to i32
        %sign3A_245 = arith.subi %sign3A_241, %sign3A_244 : i32
        %sign3A_246 = arith.constant 0 : i32
        %sign3A_247 = arith.cmpi sgt, %jit3A, %sign3A_246 : i32
        %sign3A_248 = arith.extui %sign3A_247 : i1 to i32
        %sign3A_249 = arith.constant 0 : i32
        %sign3A_250 = arith.cmpi slt, %jit3A, %sign3A_249 : i32
        %sign3A_251 = arith.extui %sign3A_250 : i1 to i32
        %sign3A_252 = arith.subi %sign3A_248, %sign3A_251 : i32
        %ne3A = arith.cmpi ne, %sign3A_245, %sign3A_252 : i32
        %rem3A = arith.remsi %scan3A_238, %jit3A : i32
        %ne3A_253 = arith.constant 0 : i32
        %ne3A_254 = arith.cmpi ne, %rem3A, %ne3A_253 : i32
        %and3A = arith.andi %ne3A, %ne3A_254 : i1
        %sub3A_255 = arith.constant 1 : i32
        %sub3A_256 = arith.subi %div3A, %sub3A_255 : i32
        %select_n3A = arith.select %and3A, %sub3A_256, %div3A : i32
        %jit3A_257 = arith.constant 4 : i32
        %eq3A_258 = arith.constant 0 : i32
        %eq3A_259 = arith.cmpi eq, %jit3A_257, %eq3A_258 : i32
        %jit3A_260 = arith.constant 1 : i32
        %select_n3A_261 = arith.select %eq3A_259, %jit3A_260, %jit3A_257 : i32
        %rem3A_262 = arith.remsi %scan3A_238, %select_n3A_261 : i32
        %ne3A_263 = arith.constant 0 : i32
        %ne3A_264 = arith.cmpi ne, %rem3A_262, %ne3A_263 : i32
        %lt3A = arith.constant 0 : i32
        %lt3A_265 = arith.cmpi slt, %rem3A_262, %lt3A : i32
        %lt3A_266 = arith.constant 0 : i32
        %lt3A_267 = arith.cmpi slt, %select_n3A_261, %lt3A_266 : i32
        %ne3A_268 = arith.xori %lt3A_265, %lt3A_267 : i1
        %and3A_269 = arith.andi %ne3A_268, %ne3A_264 : i1
        %add3A_270 = arith.addi %rem3A_262, %select_n3A_261 : i32
        %select_n3A_271 = arith.select %and3A_269, %add3A_270, %rem3A_262 : i32
        %mul3A_272 = arith.constant 16 : i32
        %mul3A_273 = arith.muli %select_n3A_271, %mul3A_272 : i32
        %swap3A_274 = arith.index_cast %select_n3A : i32 to index
        %swap3A_275 = arith.index_cast %mul3A_273 : i32 to index
        %swap3A_276 = tpu.vector_load %arg15[%swap3A_274, %swap3A_275] {strides = array<i32>} : memref<32x64xf32, #tpu.memory_space<vmem>>, vector<16xf32>,
        tpu.vector_store %arg15[%swap3A_274, %swap3A_275], %broadcast_in_dim3A_134 {strides = array<i32>} : memref<32x64xf32, #tpu.memory_space<vmem>>, vector<16xf32>,
        %scan3A_277 = arith.constant 0 : i32
        scf.yield %scan3A_277 : i32
      }
      %scan3A_221 = arith.constant 128 : i32
      %scan3A_222 = arith.constant 0 : i32
      %scan3A_223 = arith.constant 0 : i32
      %scan3A_224 = arith.constant 8 : i32
      %scan3A_225 = arith.addi %scan3A_223, %scan3A_224 : i32
      %scan3A_226 = arith.constant 1 : i32
      %scan3A_227 = scf.for %scan3A_238 = %scan3A_223 to %scan3A_225 step %scan3A_226 iter_args(%scan3A_239 = %scan3A_222) -> (i32)  : i32 {
        %mul3A_240 = arith.constant 256 : i32
        %mul3A_241 = arith.muli %arg1, %mul3A_240 : i32
        %mul3A_242 = arith.constant 32 : i32
        %mul3A_243 = arith.muli %scan3A_238, %mul3A_242 : i32
        %add3A_244 = arith.addi %mul3A_241, %mul3A_243 : i32
        "tpu.region"() ({
          %run_scoped3A_246 = tpu.sem_alloc : memref<!tpu.dma_semaphore, #tpu.memory_space<semaphore_mem>>
          %dma_start3A = arith.constant 0 : i32
          %dma_start3A_247 = tpu.memref_slice %arg23[%add3A_244, %dma_start3A] : memref<4096x64xf32, #tpu.memory_space<vmem_shared>> -> memref<32x64xf32, #tpu.memory_space<vmem_shared>>
          %dma_start3A_248 = arith.constant 0 : i32
          %dma_start3A_249 = tpu.memref_slice %arg23[%add3A_244, %dma_start3A_248] : memref<4096x64xf32, #tpu.memory_space<vmem_shared>> -> memref<32x64xf32, #tpu.memory_space<vmem_shared>>
          tpu.enqueue_dma source(%arg15 : memref<32x64xf32, #tpu.memory_space<vmem>>) target(%dma_start3A_249 : memref<32x64xf32, #tpu.memory_space<vmem_shared>>) target_semaphore(%run_scoped3A_246 : memref<!tpu.dma_semaphore, #tpu.memory_space<semaphore_mem>>)
          %dma_wait3A = arith.constant 0 : i32
          %dma_wait3A_250 = tpu.memref_slice %arg23[%add3A_244, %dma_wait3A] : memref<4096x64xf32, #tpu.memory_space<vmem_shared>> -> memref<32x64xf32, #tpu.memory_space<vmem_shared>>
          %dma_wait3A_251 = arith.constant 0 : i32
          %dma_wait3A_252 = tpu.memref_slice %arg23[%add3A_244, %dma_wait3A_251] : memref<4096x64xf32, #tpu.memory_space<vmem_shared>> -> memref<32x64xf32, #tpu.memory_space<vmem_shared>>
          tpu.wait_dma2 semaphore(%run_scoped3A_246 : memref<!tpu.dma_semaphore, #tpu.memory_space<semaphore_mem>>) src(%arg15 : memref<32x64xf32, #tpu.memory_space<vmem>>) dst(%dma_wait3A_252 : memref<32x64xf32, #tpu.memory_space<vmem_shared>>)
          tpu.yield
        }) : () -> ()
        %scan3A_245 = arith.constant 0 : i32
        scf.yield %scan3A_245 : i32
      }
      %scan3A_228 = arith.constant 8 : i32
      %scan3A_229 = arith.constant 0 : i32
      %scan3A_230 = arith.constant 0 : i32
      %scan3A_231 = arith.constant 256 : i32
      %scan3A_232 = arith.addi %scan3A_230, %scan3A_231 : i32
      %scan3A_233 = arith.constant 1 : i32
      %scan3A_234 = scf.for %scan3A_238 = %scan3A_230 to %scan3A_232 step %scan3A_233 iter_args(%scan3A_239 = %scan3A_229) -> (i32)  : i32 {
        %swap3A_240 = arith.index_cast %scan3A_238 : i32 to index
        %swap3A_241 = arith.constant 0 : index
        %swap3A_242 = tpu.vector_load %arg17[%swap3A_240, %swap3A_241] {strides = array<i32>} : memref<256x16xf32, #tpu.memory_space<vmem>>, vector<16xf32>,
        tpu.vector_store %arg17[%swap3A_240, %swap3A_241], %broadcast_in_dim3A_134 {strides = array<i32>} : memref<256x16xf32, #tpu.memory_space<vmem>>, vector<16xf32>,
        %scan3A_243 = arith.constant 0 : i32
        scf.yield %scan3A_243 : i32
      }
      %scan3A_235 = arith.constant 256 : i32
      %mul3A_236 = arith.constant 256 : i32
      %mul3A_237 = arith.muli %arg1, %mul3A_236 : i32
      "tpu.region"() ({
        %run_scoped3A_238 = tpu.sem_alloc : memref<!tpu.dma_semaphore, #tpu.memory_space<semaphore_mem>>
        %dma_start3A = arith.constant 0 : i32
        %dma_start3A_239 = tpu.memref_slice %arg24[%mul3A_237, %dma_start3A] : memref<4096x16xf32, #tpu.memory_space<vmem_shared>> -> memref<256x16xf32, #tpu.memory_space<vmem_shared>>
        %dma_start3A_240 = arith.constant 0 : i32
        %dma_start3A_241 = tpu.memref_slice %arg24[%mul3A_237, %dma_start3A_240] : memref<4096x16xf32, #tpu.memory_space<vmem_shared>> -> memref<256x16xf32, #tpu.memory_space<vmem_shared>>
        tpu.enqueue_dma source(%arg17 : memref<256x16xf32, #tpu.memory_space<vmem>>) target(%dma_start3A_241 : memref<256x16xf32, #tpu.memory_space<vmem_shared>>) target_semaphore(%run_scoped3A_238 : memref<!tpu.dma_semaphore, #tpu.memory_space<semaphore_mem>>)
        %dma_wait3A = arith.constant 0 : i32
        %dma_wait3A_242 = tpu.memref_slice %arg24[%mul3A_237, %dma_wait3A] : memref<4096x16xf32, #tpu.memory_space<vmem_shared>> -> memref<256x16xf32, #tpu.memory_space<vmem_shared>>
        %dma_wait3A_243 = arith.constant 0 : i32
        %dma_wait3A_244 = tpu.memref_slice %arg24[%mul3A_237, %dma_wait3A_243] : memref<4096x16xf32, #tpu.memory_space<vmem_shared>> -> memref<256x16xf32, #tpu.memory_space<vmem_shared>>
        tpu.wait_dma2 semaphore(%run_scoped3A_238 : memref<!tpu.dma_semaphore, #tpu.memory_space<semaphore_mem>>) src(%arg17 : memref<256x16xf32, #tpu.memory_space<vmem>>) dst(%dma_wait3A_244 : memref<256x16xf32, #tpu.memory_space<vmem_shared>>)
        tpu.yield
      }) : () -> ()
    } else {
    }
    %barrier3A_145 = arith.constant 0 : index
    tpu.barrier barrier_id(%barrier3A_145)
    %eq3A_146 = arith.constant 0 : i32
    %eq3A_147 = arith.cmpi eq, %arg0, %eq3A_146 : i32
    %convert_element_type3A_148 = arith.extui %eq3A_147 : i1 to i32
    %cond3A_149 = arith.constant 0 : i32
    %cond3A_150 = arith.cmpi ne, %convert_element_type3A_148, %cond3A_149 : i32
    scf.if %cond3A_150 {
      %scan3A_215 = arith.constant 0 : i32
      %scan3A_216 = arith.constant 0 : i32
      %scan3A_217 = arith.constant 20 : i32
      %scan3A_218 = arith.addi %scan3A_216, %scan3A_217 : i32
      %scan3A_219 = arith.constant 1 : i32
      %scan3A_220 = scf.for %scan3A_222 = %scan3A_216 to %scan3A_218 step %scan3A_219 iter_args(%scan3A_223 = %scan3A_215) -> (i32)  : i32 {
        %mul3A_224 = arith.constant 640 : i32
        %mul3A_225 = arith.muli %arg1, %mul3A_224 : i32
        %mul3A_226 = arith.constant 32 : i32
        %mul3A_227 = arith.muli %scan3A_222, %mul3A_226 : i32
        %add3A_228 = arith.addi %mul3A_225, %mul3A_227 : i32
        "tpu.region"() ({
          %run_scoped3A_239 = tpu.sem_alloc : memref<!tpu.dma_semaphore, #tpu.memory_space<semaphore_mem>>
          %dma_start3A = arith.constant 0 : i32
          %dma_start3A_240 = tpu.memref_slice %arg2[%add3A_228, %dma_start3A] : memref<10240x256xf32, #tpu.memory_space<hbm>> -> memref<32x64xf32, #tpu.memory_space<hbm>>
          %dma_start3A_241 = arith.constant 0 : i32
          %dma_start3A_242 = tpu.memref_slice %arg2[%add3A_228, %dma_start3A_241] : memref<10240x256xf32, #tpu.memory_space<hbm>> -> memref<32x64xf32, #tpu.memory_space<hbm>>
          tpu.enqueue_dma source(%dma_start3A_242 : memref<32x64xf32, #tpu.memory_space<hbm>>) target(%arg15 : memref<32x64xf32, #tpu.memory_space<vmem>>) target_semaphore(%run_scoped3A_239 : memref<!tpu.dma_semaphore, #tpu.memory_space<semaphore_mem>>)
          %dma_wait3A = arith.constant 0 : i32
          %dma_wait3A_243 = tpu.memref_slice %arg2[%add3A_228, %dma_wait3A] : memref<10240x256xf32, #tpu.memory_space<hbm>> -> memref<32x64xf32, #tpu.memory_space<hbm>>
          %dma_wait3A_244 = arith.constant 0 : i32
          %dma_wait3A_245 = tpu.memref_slice %arg2[%add3A_228, %dma_wait3A_244] : memref<10240x256xf32, #tpu.memory_space<hbm>> -> memref<32x64xf32, #tpu.memory_space<hbm>>
          tpu.wait_dma2 semaphore(%run_scoped3A_239 : memref<!tpu.dma_semaphore, #tpu.memory_space<semaphore_mem>>) src(%dma_wait3A_245 : memref<32x64xf32, #tpu.memory_space<hbm>>) dst(%arg15 : memref<32x64xf32, #tpu.memory_space<vmem>>)
          tpu.yield
        }) : () -> ()
        %add3A_229 = arith.constant 0 : i32
        %add3A_230 = arith.addi %add3A_229, %add3A_228 : i32
        "tpu.region"() ({
          %run_scoped3A_239 = tpu.sem_alloc : memref<!tpu.dma_semaphore, #tpu.memory_space<semaphore_mem>>
          %dma_start3A = tpu.memref_slice %arg11[%add3A_230] : memref<63536xi32, #tpu.memory_space<vmem>> -> memref<32xi32, #tpu.memory_space<vmem>>
          %dma_start3A_240 = arith.constant 0 : i32
          %dma_start3A_241 = arith.constant 0 : i32
          %dma_start3A_242 = tpu.memref_slice %arg23[%dma_start3A_240, %dma_start3A_241] : memref<4096x64xf32, #tpu.memory_space<vmem_shared>> -> memref<4096x64xf32, #tpu.memory_space<vmem_shared>>
          tpu.enqueue_indirect_dma source(%arg15 : memref<32x64xf32, #tpu.memory_space<vmem>>) target(%dma_start3A_242 : memref<4096x64xf32, #tpu.memory_space<vmem_shared>>) offsets(%dma_start3A : memref<32xi32, #tpu.memory_space<vmem>>) semaphore(%run_scoped3A_239 : memref<!tpu.dma_semaphore, #tpu.memory_space<semaphore_mem>>) {add = true}
          %dma_wait3A = tpu.memref_slice %arg11[%add3A_230] : memref<63536xi32, #tpu.memory_space<vmem>> -> memref<32xi32, #tpu.memory_space<vmem>>
          %dma_wait3A_243 = arith.constant 0 : i32
          %dma_wait3A_244 = arith.constant 0 : i32
          %dma_wait3A_245 = tpu.memref_slice %arg23[%dma_wait3A_243, %dma_wait3A_244] : memref<4096x64xf32, #tpu.memory_space<vmem_shared>> -> memref<4096x64xf32, #tpu.memory_space<vmem_shared>>
          tpu.wait_indirect_dma semaphore(%run_scoped3A_239 : memref<!tpu.dma_semaphore, #tpu.memory_space<semaphore_mem>>) src(%arg15 : memref<32x64xf32, #tpu.memory_space<vmem>>) dst(%dma_wait3A_245 : memref<4096x64xf32, #tpu.memory_space<vmem_shared>>)
          tpu.yield
        }) : () -> ()
        %scan3A_231 = arith.constant 0 : i32
        %scan3A_232 = arith.constant 0 : i32
        %scan3A_233 = arith.constant 32 : i32
        %scan3A_234 = arith.addi %scan3A_232, %scan3A_233 : i32
        %scan3A_235 = arith.constant 1 : i32
        %scan3A_236 = scf.for %scan3A_239 = %scan3A_232 to %scan3A_234 step %scan3A_235 iter_args(%scan3A_240 = %scan3A_231) -> (i32)  : i32 {
          %add3A_241 = arith.addi %add3A_228, %scan3A_239 : i32
          %lt3A = arith.constant 10000 : i32
          %lt3A_242 = arith.cmpi slt, %add3A_241, %lt3A : i32
          %jit3A = arith.constant 1.000000e+00 : f32
          %jit3A_243 = arith.constant 0.000000e+00 : f32
          %select_n3A = arith.select %lt3A_242, %jit3A, %jit3A_243 : f32
          %broadcast_in_dim3A_244 = vector.broadcast %select_n3A : f32 to vector<16xf32>
          %swap3A_245 = arith.index_cast %scan3A_239 : i32 to index
          %swap3A_246 = arith.constant 0 : index
          %swap3A_247 = tpu.vector_load %arg16[%swap3A_245, %swap3A_246] {strides = array<i32>} : memref<32x16xf32, #tpu.memory_space<vmem>>, vector<16xf32>,
          tpu.vector_store %arg16[%swap3A_245, %swap3A_246], %broadcast_in_dim3A_244 {strides = array<i32>} : memref<32x16xf32, #tpu.memory_space<vmem>>, vector<16xf32>,
          %scan3A_248 = arith.constant 0 : i32
          scf.yield %scan3A_248 : i32
        }
        %scan3A_237 = arith.constant 32 : i32
        "tpu.region"() ({
          %run_scoped3A_239 = tpu.sem_alloc : memref<!tpu.dma_semaphore, #tpu.memory_space<semaphore_mem>>
          %dma_start3A = tpu.memref_slice %arg11[%add3A_230] : memref<63536xi32, #tpu.memory_space<vmem>> -> memref<32xi32, #tpu.memory_space<vmem>>
          %dma_start3A_240 = arith.constant 0 : i32
          %dma_start3A_241 = arith.constant 0 : i32
          %dma_start3A_242 = tpu.memref_slice %arg24[%dma_start3A_240, %dma_start3A_241] : memref<4096x16xf32, #tpu.memory_space<vmem_shared>> -> memref<4096x16xf32, #tpu.memory_space<vmem_shared>>
          tpu.enqueue_indirect_dma source(%arg16 : memref<32x16xf32, #tpu.memory_space<vmem>>) target(%dma_start3A_242 : memref<4096x16xf32, #tpu.memory_space<vmem_shared>>) offsets(%dma_start3A : memref<32xi32, #tpu.memory_space<vmem>>) semaphore(%run_scoped3A_239 : memref<!tpu.dma_semaphore, #tpu.memory_space<semaphore_mem>>) {add = true}
          %dma_wait3A = tpu.memref_slice %arg11[%add3A_230] : memref<63536xi32, #tpu.memory_space<vmem>> -> memref<32xi32, #tpu.memory_space<vmem>>
          %dma_wait3A_243 = arith.constant 0 : i32
          %dma_wait3A_244 = arith.constant 0 : i32
          %dma_wait3A_245 = tpu.memref_slice %arg24[%dma_wait3A_243, %dma_wait3A_244] : memref<4096x16xf32, #tpu.memory_space<vmem_shared>> -> memref<4096x16xf32, #tpu.memory_space<vmem_shared>>
          tpu.wait_indirect_dma semaphore(%run_scoped3A_239 : memref<!tpu.dma_semaphore, #tpu.memory_space<semaphore_mem>>) src(%arg16 : memref<32x16xf32, #tpu.memory_space<vmem>>) dst(%dma_wait3A_245 : memref<4096x16xf32, #tpu.memory_space<vmem_shared>>)
          tpu.yield
        }) : () -> ()
        %scan3A_238 = arith.constant 0 : i32
        scf.yield %scan3A_238 : i32
      }
      %scan3A_221 = arith.constant 20 : i32
    } else {
    }
    %barrier3A_151 = arith.constant 0 : index
    tpu.barrier barrier_id(%barrier3A_151)
    %eq3A_152 = arith.constant 0 : i32
    %eq3A_153 = arith.cmpi eq, %arg0, %eq3A_152 : i32
    %convert_element_type3A_154 = arith.extui %eq3A_153 : i1 to i32
    %cond3A_155 = arith.constant 0 : i32
    %cond3A_156 = arith.cmpi ne, %convert_element_type3A_154, %cond3A_155 : i32
    scf.if %cond3A_156 {
      %mul3A_215 = arith.constant 256 : i32
      %mul3A_216 = arith.muli %arg1, %mul3A_215 : i32
      "tpu.region"() ({
        %run_scoped3A_224 = tpu.sem_alloc : memref<!tpu.dma_semaphore, #tpu.memory_space<semaphore_mem>>
        %dma_start3A = arith.constant 0 : i32
        %dma_start3A_225 = tpu.memref_slice %arg24[%mul3A_216, %dma_start3A] : memref<4096x16xf32, #tpu.memory_space<vmem_shared>> -> memref<256x16xf32, #tpu.memory_space<vmem_shared>>
        %dma_start3A_226 = arith.constant 0 : i32
        %dma_start3A_227 = tpu.memref_slice %arg24[%mul3A_216, %dma_start3A_226] : memref<4096x16xf32, #tpu.memory_space<vmem_shared>> -> memref<256x16xf32, #tpu.memory_space<vmem_shared>>
        tpu.enqueue_dma source(%dma_start3A_227 : memref<256x16xf32, #tpu.memory_space<vmem_shared>>) target(%arg17 : memref<256x16xf32, #tpu.memory_space<vmem>>) target_semaphore(%run_scoped3A_224 : memref<!tpu.dma_semaphore, #tpu.memory_space<semaphore_mem>>)
        %dma_wait3A = arith.constant 0 : i32
        %dma_wait3A_228 = tpu.memref_slice %arg24[%mul3A_216, %dma_wait3A] : memref<4096x16xf32, #tpu.memory_space<vmem_shared>> -> memref<256x16xf32, #tpu.memory_space<vmem_shared>>
        %dma_wait3A_229 = arith.constant 0 : i32
        %dma_wait3A_230 = tpu.memref_slice %arg24[%mul3A_216, %dma_wait3A_229] : memref<4096x16xf32, #tpu.memory_space<vmem_shared>> -> memref<256x16xf32, #tpu.memory_space<vmem_shared>>
        tpu.wait_dma2 semaphore(%run_scoped3A_224 : memref<!tpu.dma_semaphore, #tpu.memory_space<semaphore_mem>>) src(%dma_wait3A_230 : memref<256x16xf32, #tpu.memory_space<vmem_shared>>) dst(%arg17 : memref<256x16xf32, #tpu.memory_space<vmem>>)
        tpu.yield
      }) : () -> ()
      %scan3A_217 = arith.constant 0 : i32
      %scan3A_218 = arith.constant 0 : i32
      %scan3A_219 = arith.constant 8 : i32
      %scan3A_220 = arith.addi %scan3A_218, %scan3A_219 : i32
      %scan3A_221 = arith.constant 1 : i32
      %scan3A_222 = scf.for %scan3A_224 = %scan3A_218 to %scan3A_220 step %scan3A_221 iter_args(%scan3A_225 = %scan3A_217) -> (i32)  : i32 {
        %mul3A_226 = arith.constant 256 : i32
        %mul3A_227 = arith.muli %arg1, %mul3A_226 : i32
        %mul3A_228 = arith.constant 32 : i32
        %mul3A_229 = arith.muli %scan3A_224, %mul3A_228 : i32
        %add3A_230 = arith.addi %mul3A_227, %mul3A_229 : i32
        "tpu.region"() ({
          %run_scoped3A_354 = tpu.sem_alloc : memref<!tpu.dma_semaphore, #tpu.memory_space<semaphore_mem>>
          %dma_start3A = arith.constant 0 : i32
          %dma_start3A_355 = tpu.memref_slice %arg23[%add3A_230, %dma_start3A] : memref<4096x64xf32, #tpu.memory_space<vmem_shared>> -> memref<32x64xf32, #tpu.memory_space<vmem_shared>>
          %dma_start3A_356 = arith.constant 0 : i32
          %dma_start3A_357 = tpu.memref_slice %arg23[%add3A_230, %dma_start3A_356] : memref<4096x64xf32, #tpu.memory_space<vmem_shared>> -> memref<32x64xf32, #tpu.memory_space<vmem_shared>>
          tpu.enqueue_dma source(%dma_start3A_357 : memref<32x64xf32, #tpu.memory_space<vmem_shared>>) target(%arg15 : memref<32x64xf32, #tpu.memory_space<vmem>>) target_semaphore(%run_scoped3A_354 : memref<!tpu.dma_semaphore, #tpu.memory_space<semaphore_mem>>)
          %dma_wait3A = arith.constant 0 : i32
          %dma_wait3A_358 = tpu.memref_slice %arg23[%add3A_230, %dma_wait3A] : memref<4096x64xf32, #tpu.memory_space<vmem_shared>> -> memref<32x64xf32, #tpu.memory_space<vmem_shared>>
          %dma_wait3A_359 = arith.constant 0 : i32
          %dma_wait3A_360 = tpu.memref_slice %arg23[%add3A_230, %dma_wait3A_359] : memref<4096x64xf32, #tpu.memory_space<vmem_shared>> -> memref<32x64xf32, #tpu.memory_space<vmem_shared>>
          tpu.wait_dma2 semaphore(%run_scoped3A_354 : memref<!tpu.dma_semaphore, #tpu.memory_space<semaphore_mem>>) src(%dma_wait3A_360 : memref<32x64xf32, #tpu.memory_space<vmem_shared>>) dst(%arg15 : memref<32x64xf32, #tpu.memory_space<vmem>>)
          tpu.yield
        }) : () -> ()
        %mul3A_231 = arith.constant 32 : i32
        %mul3A_232 = arith.muli %scan3A_224, %mul3A_231 : i32
        %add3A_233 = arith.constant 0 : i32
        %add3A_234 = arith.addi %mul3A_232, %add3A_233 : i32
        %add3A_235 = vector.broadcast %add3A_234 : i32 to vector<16xi32>
        %add3A_236 = arith.addi %add3A_235, %iota3A : vector<16xi32>
        %mul3A_237 = arith.constant 0 : i32
        %mul3A_238 = vector.broadcast %mul3A_237 : i32 to vector<16xi32>
        %mul3A_239 = arith.muli %iota3A, %mul3A_238 : vector<16xi32>
        %gather3A = tpu.vector_load_idx %arg17[%add3A_236, %mul3A_239] : memref<256x16xf32, #tpu.memory_space<vmem>>[vector<16xi32>, vector<16xi32>], vector<16xf32>,
        %add3A_240 = arith.constant 1.000000e-10 : f32
        %add3A_241 = vector.broadcast %add3A_240 : f32 to vector<16xf32>
        %add3A_242 = arith.addf %gather3A, %add3A_241 : vector<16xf32>
        %bitcast3A = vector.bitcast %add3A_242 : vector<16xf32> to vector<16xi32>
        %shift_right_arithmetic3A = arith.constant 1 : i32
        %shift_right_arithmetic3A_243 = vector.broadcast %shift_right_arithmetic3A : i32 to vector<16xi32>
        %shift_right_arithmetic3A_244 = arith.shrsi %bitcast3A, %shift_right_arithmetic3A_243 : vector<16xi32>
        %sub3A_245 = arith.constant 1597463007 : i32
        %sub3A_246 = vector.broadcast %sub3A_245 : i32 to vector<16xi32>
        %sub3A_247 = arith.subi %sub3A_246, %shift_right_arithmetic3A_244 : vector<16xi32>
        %bitcast3A_248 = vector.bitcast %sub3A_247 : vector<16xi32> to vector<16xf32>
        %mul3A_249 = arith.constant 5.000000e-01 : f32
        %mul3A_250 = vector.broadcast %mul3A_249 : f32 to vector<16xf32>
        %mul3A_251 = arith.mulf %mul3A_250, %add3A_242 : vector<16xf32>
        %mul3A_252 = arith.mulf %mul3A_251, %bitcast3A_248 : vector<16xf32>
        %mul3A_253 = arith.mulf %mul3A_252, %bitcast3A_248 : vector<16xf32>
        %sub3A_254 = arith.constant 1.500000e+00 : f32
        %sub3A_255 = vector.broadcast %sub3A_254 : f32 to vector<16xf32>
        %sub3A_256 = arith.subf %sub3A_255, %mul3A_253 : vector<16xf32>
        %mul3A_257 = arith.mulf %bitcast3A_248, %sub3A_256 : vector<16xf32>
        %mul3A_258 = arith.constant 5.000000e-01 : f32
        %mul3A_259 = vector.broadcast %mul3A_258 : f32 to vector<16xf32>
        %mul3A_260 = arith.mulf %mul3A_259, %add3A_242 : vector<16xf32>
        %mul3A_261 = arith.mulf %mul3A_260, %mul3A_257 : vector<16xf32>
        %mul3A_262 = arith.mulf %mul3A_261, %mul3A_257 : vector<16xf32>
        %sub3A_263 = arith.constant 1.500000e+00 : f32
        %sub3A_264 = vector.broadcast %sub3A_263 : f32 to vector<16xf32>
        %sub3A_265 = arith.subf %sub3A_264, %mul3A_262 : vector<16xf32>
        %mul3A_266 = arith.mulf %mul3A_257, %sub3A_265 : vector<16xf32>
        %mul3A_267 = arith.constant 5.000000e-01 : f32
        %mul3A_268 = vector.broadcast %mul3A_267 : f32 to vector<16xf32>
        %mul3A_269 = arith.mulf %mul3A_268, %add3A_242 : vector<16xf32>
        %mul3A_270 = arith.mulf %mul3A_269, %mul3A_266 : vector<16xf32>
        %mul3A_271 = arith.mulf %mul3A_270, %mul3A_266 : vector<16xf32>
        %sub3A_272 = arith.constant 1.500000e+00 : f32
        %sub3A_273 = vector.broadcast %sub3A_272 : f32 to vector<16xf32>
        %sub3A_274 = arith.subf %sub3A_273, %mul3A_271 : vector<16xf32>
        %mul3A_275 = arith.mulf %mul3A_266, %sub3A_274 : vector<16xf32>
        %mul3A_276 = arith.constant 5.000000e-01 : f32
        %mul3A_277 = vector.broadcast %mul3A_276 : f32 to vector<16xf32>
        %mul3A_278 = arith.mulf %mul3A_277, %add3A_242 : vector<16xf32>
        %mul3A_279 = arith.mulf %mul3A_278, %mul3A_275 : vector<16xf32>
        %mul3A_280 = arith.mulf %mul3A_279, %mul3A_275 : vector<16xf32>
        %sub3A_281 = arith.constant 1.500000e+00 : f32
        %sub3A_282 = vector.broadcast %sub3A_281 : f32 to vector<16xf32>
        %sub3A_283 = arith.subf %sub3A_282, %mul3A_280 : vector<16xf32>
        %mul3A_284 = arith.mulf %mul3A_275, %sub3A_283 : vector<16xf32>
        %swap3A_285 = arith.constant 0 : index
        %swap3A_286 = tpu.vector_load %arg18[%swap3A_285] {strides = array<i32>} : memref<32xf32, #tpu.memory_space<vmem>>, vector<16xf32>,
        tpu.vector_store %arg18[%swap3A_285], %mul3A_284 {strides = array<i32>} : memref<32xf32, #tpu.memory_space<vmem>>, vector<16xf32>,
        %mul3A_287 = arith.constant 32 : i32
        %mul3A_288 = arith.muli %scan3A_224, %mul3A_287 : i32
        %add3A_289 = arith.constant 16 : i32
        %add3A_290 = arith.addi %mul3A_288, %add3A_289 : i32
        %add3A_291 = vector.broadcast %add3A_290 : i32 to vector<16xi32>
        %add3A_292 = arith.addi %add3A_291, %iota3A : vector<16xi32>
        %mul3A_293 = arith.constant 0 : i32
        %mul3A_294 = vector.broadcast %mul3A_293 : i32 to vector<16xi32>
        %mul3A_295 = arith.muli %iota3A, %mul3A_294 : vector<16xi32>
        %gather3A_296 = tpu.vector_load_idx %arg17[%add3A_292, %mul3A_295] : memref<256x16xf32, #tpu.memory_space<vmem>>[vector<16xi32>, vector<16xi32>], vector<16xf32>,
        %add3A_297 = arith.constant 1.000000e-10 : f32
        %add3A_298 = vector.broadcast %add3A_297 : f32 to vector<16xf32>
        %add3A_299 = arith.addf %gather3A_296, %add3A_298 : vector<16xf32>
        %bitcast3A_300 = vector.bitcast %add3A_299 : vector<16xf32> to vector<16xi32>
        %shift_right_arithmetic3A_301 = arith.constant 1 : i32
        %shift_right_arithmetic3A_302 = vector.broadcast %shift_right_arithmetic3A_301 : i32 to vector<16xi32>
        %shift_right_arithmetic3A_303 = arith.shrsi %bitcast3A_300, %shift_right_arithmetic3A_302 : vector<16xi32>
        %sub3A_304 = arith.constant 1597463007 : i32
        %sub3A_305 = vector.broadcast %sub3A_304 : i32 to vector<16xi32>
        %sub3A_306 = arith.subi %sub3A_305, %shift_right_arithmetic3A_303 : vector<16xi32>
        %bitcast3A_307 = vector.bitcast %sub3A_306 : vector<16xi32> to vector<16xf32>
        %mul3A_308 = arith.constant 5.000000e-01 : f32
        %mul3A_309 = vector.broadcast %mul3A_308 : f32 to vector<16xf32>
        %mul3A_310 = arith.mulf %mul3A_309, %add3A_299 : vector<16xf32>
        %mul3A_311 = arith.mulf %mul3A_310, %bitcast3A_307 : vector<16xf32>
        %mul3A_312 = arith.mulf %mul3A_311, %bitcast3A_307 : vector<16xf32>
        %sub3A_313 = arith.constant 1.500000e+00 : f32
        %sub3A_314 = vector.broadcast %sub3A_313 : f32 to vector<16xf32>
        %sub3A_315 = arith.subf %sub3A_314, %mul3A_312 : vector<16xf32>
        %mul3A_316 = arith.mulf %bitcast3A_307, %sub3A_315 : vector<16xf32>
        %mul3A_317 = arith.constant 5.000000e-01 : f32
        %mul3A_318 = vector.broadcast %mul3A_317 : f32 to vector<16xf32>
        %mul3A_319 = arith.mulf %mul3A_318, %add3A_299 : vector<16xf32>
        %mul3A_320 = arith.mulf %mul3A_319, %mul3A_316 : vector<16xf32>
        %mul3A_321 = arith.mulf %mul3A_320, %mul3A_316 : vector<16xf32>
        %sub3A_322 = arith.constant 1.500000e+00 : f32
        %sub3A_323 = vector.broadcast %sub3A_322 : f32 to vector<16xf32>
        %sub3A_324 = arith.subf %sub3A_323, %mul3A_321 : vector<16xf32>
        %mul3A_325 = arith.mulf %mul3A_316, %sub3A_324 : vector<16xf32>
        %mul3A_326 = arith.constant 5.000000e-01 : f32
        %mul3A_327 = vector.broadcast %mul3A_326 : f32 to vector<16xf32>
        %mul3A_328 = arith.mulf %mul3A_327, %add3A_299 : vector<16xf32>
        %mul3A_329 = arith.mulf %mul3A_328, %mul3A_325 : vector<16xf32>
        %mul3A_330 = arith.mulf %mul3A_329, %mul3A_325 : vector<16xf32>
        %sub3A_331 = arith.constant 1.500000e+00 : f32
        %sub3A_332 = vector.broadcast %sub3A_331 : f32 to vector<16xf32>
        %sub3A_333 = arith.subf %sub3A_332, %mul3A_330 : vector<16xf32>
        %mul3A_334 = arith.mulf %mul3A_325, %sub3A_333 : vector<16xf32>
        %mul3A_335 = arith.constant 5.000000e-01 : f32
        %mul3A_336 = vector.broadcast %mul3A_335 : f32 to vector<16xf32>
        %mul3A_337 = arith.mulf %mul3A_336, %add3A_299 : vector<16xf32>
        %mul3A_338 = arith.mulf %mul3A_337, %mul3A_334 : vector<16xf32>
        %mul3A_339 = arith.mulf %mul3A_338, %mul3A_334 : vector<16xf32>
        %sub3A_340 = arith.constant 1.500000e+00 : f32
        %sub3A_341 = vector.broadcast %sub3A_340 : f32 to vector<16xf32>
        %sub3A_342 = arith.subf %sub3A_341, %mul3A_339 : vector<16xf32>
        %mul3A_343 = arith.mulf %mul3A_334, %sub3A_342 : vector<16xf32>
        %swap3A_344 = arith.constant 16 : index
        %swap3A_345 = tpu.vector_load %arg18[%swap3A_344] {strides = array<i32>} : memref<32xf32, #tpu.memory_space<vmem>>, vector<16xf32>,
        tpu.vector_store %arg18[%swap3A_344], %mul3A_343 {strides = array<i32>} : memref<32xf32, #tpu.memory_space<vmem>>, vector<16xf32>,
        %scan3A_346 = arith.constant 0 : i32
        %scan3A_347 = arith.constant 0 : i32
        %scan3A_348 = arith.constant 32 : i32
        %scan3A_349 = arith.addi %scan3A_347, %scan3A_348 : i32
        %scan3A_350 = arith.constant 1 : i32
        %scan3A_351 = scf.for %scan3A_354 = %scan3A_347 to %scan3A_349 step %scan3A_350 iter_args(%scan3A_355 = %scan3A_346) -> (i32)  : i32 {
          %broadcast_in_dim3A_356 = vector.broadcast %scan3A_354 : i32 to vector<16xi32>
          %gather3A_357 = tpu.vector_load_idx %arg18[%broadcast_in_dim3A_356] : memref<32xf32, #tpu.memory_space<vmem>>[vector<16xi32>], vector<16xf32>,
          %get3A = arith.index_cast %scan3A_354 : i32 to index
          %get3A_358 = arith.constant 0 : index
          %get3A_359 = tpu.vector_load %arg15[%get3A, %get3A_358] {strides = array<i32>} : memref<32x64xf32, #tpu.memory_space<vmem>>, vector<16xf32>,
          %mul3A_360 = arith.mulf %get3A_359, %gather3A_357 : vector<16xf32>
          %swap3A_361 = arith.index_cast %scan3A_354 : i32 to index
          %swap3A_362 = arith.constant 0 : index
          %swap3A_363 = tpu.vector_load %arg15[%swap3A_361, %swap3A_362] {strides = array<i32>} : memref<32x64xf32, #tpu.memory_space<vmem>>, vector<16xf32>,
          tpu.vector_store %arg15[%swap3A_361, %swap3A_362], %mul3A_360 {strides = array<i32>} : memref<32x64xf32, #tpu.memory_space<vmem>>, vector<16xf32>,
          %get3A_364 = arith.index_cast %scan3A_354 : i32 to index
          %get3A_365 = arith.constant 16 : index
          %get3A_366 = tpu.vector_load %arg15[%get3A_364, %get3A_365] {strides = array<i32>} : memref<32x64xf32, #tpu.memory_space<vmem>>, vector<16xf32>,
          %mul3A_367 = arith.mulf %get3A_366, %gather3A_357 : vector<16xf32>
          %swap3A_368 = arith.index_cast %scan3A_354 : i32 to index
          %swap3A_369 = arith.constant 16 : index
          %swap3A_370 = tpu.vector_load %arg15[%swap3A_368, %swap3A_369] {strides = array<i32>} : memref<32x64xf32, #tpu.memory_space<vmem>>, vector<16xf32>,
          tpu.vector_store %arg15[%swap3A_368, %swap3A_369], %mul3A_367 {strides = array<i32>} : memref<32x64xf32, #tpu.memory_space<vmem>>, vector<16xf32>,
          %get3A_371 = arith.index_cast %scan3A_354 : i32 to index
          %get3A_372 = arith.constant 32 : index
          %get3A_373 = tpu.vector_load %arg15[%get3A_371, %get3A_372] {strides = array<i32>} : memref<32x64xf32, #tpu.memory_space<vmem>>, vector<16xf32>,
          %mul3A_374 = arith.mulf %get3A_373, %gather3A_357 : vector<16xf32>
          %swap3A_375 = arith.index_cast %scan3A_354 : i32 to index
          %swap3A_376 = arith.constant 32 : index
          %swap3A_377 = tpu.vector_load %arg15[%swap3A_375, %swap3A_376] {strides = array<i32>} : memref<32x64xf32, #tpu.memory_space<vmem>>, vector<16xf32>,
          tpu.vector_store %arg15[%swap3A_375, %swap3A_376], %mul3A_374 {strides = array<i32>} : memref<32x64xf32, #tpu.memory_space<vmem>>, vector<16xf32>,
          %get3A_378 = arith.index_cast %scan3A_354 : i32 to index
          %get3A_379 = arith.constant 48 : index
          %get3A_380 = tpu.vector_load %arg15[%get3A_378, %get3A_379] {strides = array<i32>} : memref<32x64xf32, #tpu.memory_space<vmem>>, vector<16xf32>,
          %mul3A_381 = arith.mulf %get3A_380, %gather3A_357 : vector<16xf32>
          %swap3A_382 = arith.index_cast %scan3A_354 : i32 to index
          %swap3A_383 = arith.constant 48 : index
          %swap3A_384 = tpu.vector_load %arg15[%swap3A_382, %swap3A_383] {strides = array<i32>} : memref<32x64xf32, #tpu.memory_space<vmem>>, vector<16xf32>,
          tpu.vector_store %arg15[%swap3A_382, %swap3A_383], %mul3A_381 {strides = array<i32>} : memref<32x64xf32, #tpu.memory_space<vmem>>, vector<16xf32>,
          %scan3A_385 = arith.constant 0 : i32
          scf.yield %scan3A_385 : i32
        }
        %scan3A_352 = arith.constant 32 : i32
        "tpu.region"() ({
          %run_scoped3A_354 = tpu.sem_alloc : memref<!tpu.dma_semaphore, #tpu.memory_space<semaphore_mem>>
          %dma_start3A = arith.constant 0 : i32
          %dma_start3A_355 = tpu.memref_slice %arg6[%add3A_230, %dma_start3A] : memref<4096x256xf32, #tpu.memory_space<hbm>> -> memref<32x64xf32, #tpu.memory_space<hbm>>
          %dma_start3A_356 = arith.constant 0 : i32
          %dma_start3A_357 = tpu.memref_slice %arg6[%add3A_230, %dma_start3A_356] : memref<4096x256xf32, #tpu.memory_space<hbm>> -> memref<32x64xf32, #tpu.memory_space<hbm>>
          tpu.enqueue_dma source(%arg15 : memref<32x64xf32, #tpu.memory_space<vmem>>) target(%dma_start3A_357 : memref<32x64xf32, #tpu.memory_space<hbm>>) target_semaphore(%run_scoped3A_354 : memref<!tpu.dma_semaphore, #tpu.memory_space<semaphore_mem>>)
          %dma_wait3A = arith.constant 0 : i32
          %dma_wait3A_358 = tpu.memref_slice %arg6[%add3A_230, %dma_wait3A] : memref<4096x256xf32, #tpu.memory_space<hbm>> -> memref<32x64xf32, #tpu.memory_space<hbm>>
          %dma_wait3A_359 = arith.constant 0 : i32
          %dma_wait3A_360 = tpu.memref_slice %arg6[%add3A_230, %dma_wait3A_359] : memref<4096x256xf32, #tpu.memory_space<hbm>> -> memref<32x64xf32, #tpu.memory_space<hbm>>
          tpu.wait_dma2 semaphore(%run_scoped3A_354 : memref<!tpu.dma_semaphore, #tpu.memory_space<semaphore_mem>>) src(%arg15 : memref<32x64xf32, #tpu.memory_space<vmem>>) dst(%dma_wait3A_360 : memref<32x64xf32, #tpu.memory_space<hbm>>)
          tpu.yield
        }) : () -> ()
        %scan3A_353 = arith.constant 0 : i32
        scf.yield %scan3A_353 : i32
      }
      %scan3A_223 = arith.constant 8 : i32
    } else {
    }
    %eq3A_157 = arith.constant 0 : i32
    %eq3A_158 = arith.cmpi eq, %arg0, %eq3A_157 : i32
    %convert_element_type3A_159 = arith.extui %eq3A_158 : i1 to i32
    %cond3A_160 = arith.constant 0 : i32
    %cond3A_161 = arith.cmpi ne, %convert_element_type3A_159, %cond3A_160 : i32
    scf.if %cond3A_161 {
      %scan3A_215 = arith.constant 0 : i32
      %scan3A_216 = arith.constant 0 : i32
      %scan3A_217 = arith.constant 128 : i32
      %scan3A_218 = arith.addi %scan3A_216, %scan3A_217 : i32
      %scan3A_219 = arith.constant 1 : i32
      %scan3A_220 = scf.for %scan3A_229 = %scan3A_216 to %scan3A_218 step %scan3A_219 iter_args(%scan3A_230 = %scan3A_215) -> (i32)  : i32 {
        %jit3A = arith.constant 4 : i32
        %div3A = arith.divsi %scan3A_229, %jit3A : i32
        %sign3A = arith.constant 0 : i32
        %sign3A_231 = arith.cmpi sgt, %scan3A_229, %sign3A : i32
        %sign3A_232 = arith.extui %sign3A_231 : i1 to i32
        %sign3A_233 = arith.constant 0 : i32
        %sign3A_234 = arith.cmpi slt, %scan3A_229, %sign3A_233 : i32
        %sign3A_235 = arith.extui %sign3A_234 : i1 to i32
        %sign3A_236 = arith.subi %sign3A_232, %sign3A_235 : i32
        %sign3A_237 = arith.constant 0 : i32
        %sign3A_238 = arith.cmpi sgt, %jit3A, %sign3A_237 : i32
        %sign3A_239 = arith.extui %sign3A_238 : i1 to i32
        %sign3A_240 = arith.constant 0 : i32
        %sign3A_241 = arith.cmpi slt, %jit3A, %sign3A_240 : i32
        %sign3A_242 = arith.extui %sign3A_241 : i1 to i32
        %sign3A_243 = arith.subi %sign3A_239, %sign3A_242 : i32
        %ne3A = arith.cmpi ne, %sign3A_236, %sign3A_243 : i32
        %rem3A = arith.remsi %scan3A_229, %jit3A : i32
        %ne3A_244 = arith.constant 0 : i32
        %ne3A_245 = arith.cmpi ne, %rem3A, %ne3A_244 : i32
        %and3A = arith.andi %ne3A, %ne3A_245 : i1
        %sub3A_246 = arith.constant 1 : i32
        %sub3A_247 = arith.subi %div3A, %sub3A_246 : i32
        %select_n3A = arith.select %and3A, %sub3A_247, %div3A : i32
        %jit3A_248 = arith.constant 4 : i32
        %eq3A_249 = arith.constant 0 : i32
        %eq3A_250 = arith.cmpi eq, %jit3A_248, %eq3A_249 : i32
        %jit3A_251 = arith.constant 1 : i32
        %select_n3A_252 = arith.select %eq3A_250, %jit3A_251, %jit3A_248 : i32
        %rem3A_253 = arith.remsi %scan3A_229, %select_n3A_252 : i32
        %ne3A_254 = arith.constant 0 : i32
        %ne3A_255 = arith.cmpi ne, %rem3A_253, %ne3A_254 : i32
        %lt3A = arith.constant 0 : i32
        %lt3A_256 = arith.cmpi slt, %rem3A_253, %lt3A : i32
        %lt3A_257 = arith.constant 0 : i32
        %lt3A_258 = arith.cmpi slt, %select_n3A_252, %lt3A_257 : i32
        %ne3A_259 = arith.xori %lt3A_256, %lt3A_258 : i1
        %and3A_260 = arith.andi %ne3A_259, %ne3A_255 : i1
        %add3A_261 = arith.addi %rem3A_253, %select_n3A_252 : i32
        %select_n3A_262 = arith.select %and3A_260, %add3A_261, %rem3A_253 : i32
        %mul3A_263 = arith.constant 16 : i32
        %mul3A_264 = arith.muli %select_n3A_262, %mul3A_263 : i32
        %swap3A_265 = arith.index_cast %select_n3A : i32 to index
        %swap3A_266 = arith.index_cast %mul3A_264 : i32 to index
        %swap3A_267 = tpu.vector_load %arg15[%swap3A_265, %swap3A_266] {strides = array<i32>} : memref<32x64xf32, #tpu.memory_space<vmem>>, vector<16xf32>,
        tpu.vector_store %arg15[%swap3A_265, %swap3A_266], %broadcast_in_dim3A_134 {strides = array<i32>} : memref<32x64xf32, #tpu.memory_space<vmem>>, vector<16xf32>,
        %scan3A_268 = arith.constant 0 : i32
        scf.yield %scan3A_268 : i32
      }
      %scan3A_221 = arith.constant 128 : i32
      %scan3A_222 = arith.constant 0 : i32
      %scan3A_223 = arith.constant 0 : i32
      %scan3A_224 = arith.constant 8 : i32
      %scan3A_225 = arith.addi %scan3A_223, %scan3A_224 : i32
      %scan3A_226 = arith.constant 1 : i32
      %scan3A_227 = scf.for %scan3A_229 = %scan3A_223 to %scan3A_225 step %scan3A_226 iter_args(%scan3A_230 = %scan3A_222) -> (i32)  : i32 {
        %mul3A_231 = arith.constant 256 : i32
        %mul3A_232 = arith.muli %arg1, %mul3A_231 : i32
        %mul3A_233 = arith.constant 32 : i32
        %mul3A_234 = arith.muli %scan3A_229, %mul3A_233 : i32
        %add3A_235 = arith.addi %mul3A_232, %mul3A_234 : i32
        "tpu.region"() ({
          %run_scoped3A_237 = tpu.sem_alloc : memref<!tpu.dma_semaphore, #tpu.memory_space<semaphore_mem>>
          %dma_start3A = arith.constant 0 : i32
          %dma_start3A_238 = tpu.memref_slice %arg23[%add3A_235, %dma_start3A] : memref<4096x64xf32, #tpu.memory_space<vmem_shared>> -> memref<32x64xf32, #tpu.memory_space<vmem_shared>>
          %dma_start3A_239 = arith.constant 0 : i32
          %dma_start3A_240 = tpu.memref_slice %arg23[%add3A_235, %dma_start3A_239] : memref<4096x64xf32, #tpu.memory_space<vmem_shared>> -> memref<32x64xf32, #tpu.memory_space<vmem_shared>>
          tpu.enqueue_dma source(%arg15 : memref<32x64xf32, #tpu.memory_space<vmem>>) target(%dma_start3A_240 : memref<32x64xf32, #tpu.memory_space<vmem_shared>>) target_semaphore(%run_scoped3A_237 : memref<!tpu.dma_semaphore, #tpu.memory_space<semaphore_mem>>)
          %dma_wait3A = arith.constant 0 : i32
          %dma_wait3A_241 = tpu.memref_slice %arg23[%add3A_235, %dma_wait3A] : memref<4096x64xf32, #tpu.memory_space<vmem_shared>> -> memref<32x64xf32, #tpu.memory_space<vmem_shared>>
          %dma_wait3A_242 = arith.constant 0 : i32
          %dma_wait3A_243 = tpu.memref_slice %arg23[%add3A_235, %dma_wait3A_242] : memref<4096x64xf32, #tpu.memory_space<vmem_shared>> -> memref<32x64xf32, #tpu.memory_space<vmem_shared>>
          tpu.wait_dma2 semaphore(%run_scoped3A_237 : memref<!tpu.dma_semaphore, #tpu.memory_space<semaphore_mem>>) src(%arg15 : memref<32x64xf32, #tpu.memory_space<vmem>>) dst(%dma_wait3A_243 : memref<32x64xf32, #tpu.memory_space<vmem_shared>>)
          tpu.yield
        }) : () -> ()
        %scan3A_236 = arith.constant 0 : i32
        scf.yield %scan3A_236 : i32
      }
      %scan3A_228 = arith.constant 8 : i32
    } else {
    }
    %barrier3A_162 = arith.constant 0 : index
    tpu.barrier barrier_id(%barrier3A_162)
    %eq3A_163 = arith.constant 0 : i32
    %eq3A_164 = arith.cmpi eq, %arg0, %eq3A_163 : i32
    %convert_element_type3A_165 = arith.extui %eq3A_164 : i1 to i32
    %cond3A_166 = arith.constant 0 : i32
    %cond3A_167 = arith.cmpi ne, %convert_element_type3A_165, %cond3A_166 : i32
    scf.if %cond3A_167 {
      %scan3A_215 = arith.constant 0 : i32
      %scan3A_216 = arith.constant 0 : i32
      %scan3A_217 = arith.constant 20 : i32
      %scan3A_218 = arith.addi %scan3A_216, %scan3A_217 : i32
      %scan3A_219 = arith.constant 1 : i32
      %scan3A_220 = scf.for %scan3A_222 = %scan3A_216 to %scan3A_218 step %scan3A_219 iter_args(%scan3A_223 = %scan3A_215) -> (i32)  : i32 {
        %mul3A_224 = arith.constant 640 : i32
        %mul3A_225 = arith.muli %arg1, %mul3A_224 : i32
        %mul3A_226 = arith.constant 32 : i32
        %mul3A_227 = arith.muli %scan3A_222, %mul3A_226 : i32
        %add3A_228 = arith.addi %mul3A_225, %mul3A_227 : i32
        "tpu.region"() ({
          %run_scoped3A_232 = tpu.sem_alloc : memref<!tpu.dma_semaphore, #tpu.memory_space<semaphore_mem>>
          %dma_start3A = arith.constant 64 : i32
          %dma_start3A_233 = tpu.memref_slice %arg2[%add3A_228, %dma_start3A] : memref<10240x256xf32, #tpu.memory_space<hbm>> -> memref<32x64xf32, #tpu.memory_space<hbm>>
          %dma_start3A_234 = arith.constant 64 : i32
          %dma_start3A_235 = tpu.memref_slice %arg2[%add3A_228, %dma_start3A_234] : memref<10240x256xf32, #tpu.memory_space<hbm>> -> memref<32x64xf32, #tpu.memory_space<hbm>>
          tpu.enqueue_dma source(%dma_start3A_235 : memref<32x64xf32, #tpu.memory_space<hbm>>) target(%arg15 : memref<32x64xf32, #tpu.memory_space<vmem>>) target_semaphore(%run_scoped3A_232 : memref<!tpu.dma_semaphore, #tpu.memory_space<semaphore_mem>>)
          %dma_wait3A = arith.constant 64 : i32
          %dma_wait3A_236 = tpu.memref_slice %arg2[%add3A_228, %dma_wait3A] : memref<10240x256xf32, #tpu.memory_space<hbm>> -> memref<32x64xf32, #tpu.memory_space<hbm>>
          %dma_wait3A_237 = arith.constant 64 : i32
          %dma_wait3A_238 = tpu.memref_slice %arg2[%add3A_228, %dma_wait3A_237] : memref<10240x256xf32, #tpu.memory_space<hbm>> -> memref<32x64xf32, #tpu.memory_space<hbm>>
          tpu.wait_dma2 semaphore(%run_scoped3A_232 : memref<!tpu.dma_semaphore, #tpu.memory_space<semaphore_mem>>) src(%dma_wait3A_238 : memref<32x64xf32, #tpu.memory_space<hbm>>) dst(%arg15 : memref<32x64xf32, #tpu.memory_space<vmem>>)
          tpu.yield
        }) : () -> ()
        %add3A_229 = arith.constant 0 : i32
        %add3A_230 = arith.addi %add3A_229, %add3A_228 : i32
        "tpu.region"() ({
          %run_scoped3A_232 = tpu.sem_alloc : memref<!tpu.dma_semaphore, #tpu.memory_space<semaphore_mem>>
          %dma_start3A = tpu.memref_slice %arg11[%add3A_230] : memref<63536xi32, #tpu.memory_space<vmem>> -> memref<32xi32, #tpu.memory_space<vmem>>
          %dma_start3A_233 = arith.constant 0 : i32
          %dma_start3A_234 = arith.constant 0 : i32
          %dma_start3A_235 = tpu.memref_slice %arg23[%dma_start3A_233, %dma_start3A_234] : memref<4096x64xf32, #tpu.memory_space<vmem_shared>> -> memref<4096x64xf32, #tpu.memory_space<vmem_shared>>
          tpu.enqueue_indirect_dma source(%arg15 : memref<32x64xf32, #tpu.memory_space<vmem>>) target(%dma_start3A_235 : memref<4096x64xf32, #tpu.memory_space<vmem_shared>>) offsets(%dma_start3A : memref<32xi32, #tpu.memory_space<vmem>>) semaphore(%run_scoped3A_232 : memref<!tpu.dma_semaphore, #tpu.memory_space<semaphore_mem>>) {add = true}
          %dma_wait3A = tpu.memref_slice %arg11[%add3A_230] : memref<63536xi32, #tpu.memory_space<vmem>> -> memref<32xi32, #tpu.memory_space<vmem>>
          %dma_wait3A_236 = arith.constant 0 : i32
          %dma_wait3A_237 = arith.constant 0 : i32
          %dma_wait3A_238 = tpu.memref_slice %arg23[%dma_wait3A_236, %dma_wait3A_237] : memref<4096x64xf32, #tpu.memory_space<vmem_shared>> -> memref<4096x64xf32, #tpu.memory_space<vmem_shared>>
          tpu.wait_indirect_dma semaphore(%run_scoped3A_232 : memref<!tpu.dma_semaphore, #tpu.memory_space<semaphore_mem>>) src(%arg15 : memref<32x64xf32, #tpu.memory_space<vmem>>) dst(%dma_wait3A_238 : memref<4096x64xf32, #tpu.memory_space<vmem_shared>>)
          tpu.yield
        }) : () -> ()
        %scan3A_231 = arith.constant 0 : i32
        scf.yield %scan3A_231 : i32
      }
      %scan3A_221 = arith.constant 20 : i32
    } else {
    }
    %barrier3A_168 = arith.constant 0 : index
    tpu.barrier barrier_id(%barrier3A_168)
    %eq3A_169 = arith.constant 0 : i32
    %eq3A_170 = arith.cmpi eq, %arg0, %eq3A_169 : i32
    %convert_element_type3A_171 = arith.extui %eq3A_170 : i1 to i32
    %cond3A_172 = arith.constant 0 : i32
    %cond3A_173 = arith.cmpi ne, %convert_element_type3A_171, %cond3A_172 : i32
    scf.if %cond3A_173 {
      %scan3A_215 = arith.constant 0 : i32
      %scan3A_216 = arith.constant 0 : i32
      %scan3A_217 = arith.constant 8 : i32
      %scan3A_218 = arith.addi %scan3A_216, %scan3A_217 : i32
      %scan3A_219 = arith.constant 1 : i32
      %scan3A_220 = scf.for %scan3A_222 = %scan3A_216 to %scan3A_218 step %scan3A_219 iter_args(%scan3A_223 = %scan3A_215) -> (i32)  : i32 {
        %mul3A_224 = arith.constant 256 : i32
        %mul3A_225 = arith.muli %arg1, %mul3A_224 : i32
        %mul3A_226 = arith.constant 32 : i32
        %mul3A_227 = arith.muli %scan3A_222, %mul3A_226 : i32
        %add3A_228 = arith.addi %mul3A_225, %mul3A_227 : i32
        "tpu.region"() ({
          %run_scoped3A_352 = tpu.sem_alloc : memref<!tpu.dma_semaphore, #tpu.memory_space<semaphore_mem>>
          %dma_start3A = arith.constant 0 : i32
          %dma_start3A_353 = tpu.memref_slice %arg23[%add3A_228, %dma_start3A] : memref<4096x64xf32, #tpu.memory_space<vmem_shared>> -> memref<32x64xf32, #tpu.memory_space<vmem_shared>>
          %dma_start3A_354 = arith.constant 0 : i32
          %dma_start3A_355 = tpu.memref_slice %arg23[%add3A_228, %dma_start3A_354] : memref<4096x64xf32, #tpu.memory_space<vmem_shared>> -> memref<32x64xf32, #tpu.memory_space<vmem_shared>>
          tpu.enqueue_dma source(%dma_start3A_355 : memref<32x64xf32, #tpu.memory_space<vmem_shared>>) target(%arg15 : memref<32x64xf32, #tpu.memory_space<vmem>>) target_semaphore(%run_scoped3A_352 : memref<!tpu.dma_semaphore, #tpu.memory_space<semaphore_mem>>)
          %dma_wait3A = arith.constant 0 : i32
          %dma_wait3A_356 = tpu.memref_slice %arg23[%add3A_228, %dma_wait3A] : memref<4096x64xf32, #tpu.memory_space<vmem_shared>> -> memref<32x64xf32, #tpu.memory_space<vmem_shared>>
          %dma_wait3A_357 = arith.constant 0 : i32
          %dma_wait3A_358 = tpu.memref_slice %arg23[%add3A_228, %dma_wait3A_357] : memref<4096x64xf32, #tpu.memory_space<vmem_shared>> -> memref<32x64xf32, #tpu.memory_space<vmem_shared>>
          tpu.wait_dma2 semaphore(%run_scoped3A_352 : memref<!tpu.dma_semaphore, #tpu.memory_space<semaphore_mem>>) src(%dma_wait3A_358 : memref<32x64xf32, #tpu.memory_space<vmem_shared>>) dst(%arg15 : memref<32x64xf32, #tpu.memory_space<vmem>>)
          tpu.yield
        }) : () -> ()
        %mul3A_229 = arith.constant 32 : i32
        %mul3A_230 = arith.muli %scan3A_222, %mul3A_229 : i32
        %add3A_231 = arith.constant 0 : i32
        %add3A_232 = arith.addi %mul3A_230, %add3A_231 : i32
        %add3A_233 = vector.broadcast %add3A_232 : i32 to vector<16xi32>
        %add3A_234 = arith.addi %add3A_233, %iota3A : vector<16xi32>
        %mul3A_235 = arith.constant 0 : i32
        %mul3A_236 = vector.broadcast %mul3A_235 : i32 to vector<16xi32>
        %mul3A_237 = arith.muli %iota3A, %mul3A_236 : vector<16xi32>
        %gather3A = tpu.vector_load_idx %arg17[%add3A_234, %mul3A_237] : memref<256x16xf32, #tpu.memory_space<vmem>>[vector<16xi32>, vector<16xi32>], vector<16xf32>,
        %add3A_238 = arith.constant 1.000000e-10 : f32
        %add3A_239 = vector.broadcast %add3A_238 : f32 to vector<16xf32>
        %add3A_240 = arith.addf %gather3A, %add3A_239 : vector<16xf32>
        %bitcast3A = vector.bitcast %add3A_240 : vector<16xf32> to vector<16xi32>
        %shift_right_arithmetic3A = arith.constant 1 : i32
        %shift_right_arithmetic3A_241 = vector.broadcast %shift_right_arithmetic3A : i32 to vector<16xi32>
        %shift_right_arithmetic3A_242 = arith.shrsi %bitcast3A, %shift_right_arithmetic3A_241 : vector<16xi32>
        %sub3A_243 = arith.constant 1597463007 : i32
        %sub3A_244 = vector.broadcast %sub3A_243 : i32 to vector<16xi32>
        %sub3A_245 = arith.subi %sub3A_244, %shift_right_arithmetic3A_242 : vector<16xi32>
        %bitcast3A_246 = vector.bitcast %sub3A_245 : vector<16xi32> to vector<16xf32>
        %mul3A_247 = arith.constant 5.000000e-01 : f32
        %mul3A_248 = vector.broadcast %mul3A_247 : f32 to vector<16xf32>
        %mul3A_249 = arith.mulf %mul3A_248, %add3A_240 : vector<16xf32>
        %mul3A_250 = arith.mulf %mul3A_249, %bitcast3A_246 : vector<16xf32>
        %mul3A_251 = arith.mulf %mul3A_250, %bitcast3A_246 : vector<16xf32>
        %sub3A_252 = arith.constant 1.500000e+00 : f32
        %sub3A_253 = vector.broadcast %sub3A_252 : f32 to vector<16xf32>
        %sub3A_254 = arith.subf %sub3A_253, %mul3A_251 : vector<16xf32>
        %mul3A_255 = arith.mulf %bitcast3A_246, %sub3A_254 : vector<16xf32>
        %mul3A_256 = arith.constant 5.000000e-01 : f32
        %mul3A_257 = vector.broadcast %mul3A_256 : f32 to vector<16xf32>
        %mul3A_258 = arith.mulf %mul3A_257, %add3A_240 : vector<16xf32>
        %mul3A_259 = arith.mulf %mul3A_258, %mul3A_255 : vector<16xf32>
        %mul3A_260 = arith.mulf %mul3A_259, %mul3A_255 : vector<16xf32>
        %sub3A_261 = arith.constant 1.500000e+00 : f32
        %sub3A_262 = vector.broadcast %sub3A_261 : f32 to vector<16xf32>
        %sub3A_263 = arith.subf %sub3A_262, %mul3A_260 : vector<16xf32>
        %mul3A_264 = arith.mulf %mul3A_255, %sub3A_263 : vector<16xf32>
        %mul3A_265 = arith.constant 5.000000e-01 : f32
        %mul3A_266 = vector.broadcast %mul3A_265 : f32 to vector<16xf32>
        %mul3A_267 = arith.mulf %mul3A_266, %add3A_240 : vector<16xf32>
        %mul3A_268 = arith.mulf %mul3A_267, %mul3A_264 : vector<16xf32>
        %mul3A_269 = arith.mulf %mul3A_268, %mul3A_264 : vector<16xf32>
        %sub3A_270 = arith.constant 1.500000e+00 : f32
        %sub3A_271 = vector.broadcast %sub3A_270 : f32 to vector<16xf32>
        %sub3A_272 = arith.subf %sub3A_271, %mul3A_269 : vector<16xf32>
        %mul3A_273 = arith.mulf %mul3A_264, %sub3A_272 : vector<16xf32>
        %mul3A_274 = arith.constant 5.000000e-01 : f32
        %mul3A_275 = vector.broadcast %mul3A_274 : f32 to vector<16xf32>
        %mul3A_276 = arith.mulf %mul3A_275, %add3A_240 : vector<16xf32>
        %mul3A_277 = arith.mulf %mul3A_276, %mul3A_273 : vector<16xf32>
        %mul3A_278 = arith.mulf %mul3A_277, %mul3A_273 : vector<16xf32>
        %sub3A_279 = arith.constant 1.500000e+00 : f32
        %sub3A_280 = vector.broadcast %sub3A_279 : f32 to vector<16xf32>
        %sub3A_281 = arith.subf %sub3A_280, %mul3A_278 : vector<16xf32>
        %mul3A_282 = arith.mulf %mul3A_273, %sub3A_281 : vector<16xf32>
        %swap3A_283 = arith.constant 0 : index
        %swap3A_284 = tpu.vector_load %arg18[%swap3A_283] {strides = array<i32>} : memref<32xf32, #tpu.memory_space<vmem>>, vector<16xf32>,
        tpu.vector_store %arg18[%swap3A_283], %mul3A_282 {strides = array<i32>} : memref<32xf32, #tpu.memory_space<vmem>>, vector<16xf32>,
        %mul3A_285 = arith.constant 32 : i32
        %mul3A_286 = arith.muli %scan3A_222, %mul3A_285 : i32
        %add3A_287 = arith.constant 16 : i32
        %add3A_288 = arith.addi %mul3A_286, %add3A_287 : i32
        %add3A_289 = vector.broadcast %add3A_288 : i32 to vector<16xi32>
        %add3A_290 = arith.addi %add3A_289, %iota3A : vector<16xi32>
        %mul3A_291 = arith.constant 0 : i32
        %mul3A_292 = vector.broadcast %mul3A_291 : i32 to vector<16xi32>
        %mul3A_293 = arith.muli %iota3A, %mul3A_292 : vector<16xi32>
        %gather3A_294 = tpu.vector_load_idx %arg17[%add3A_290, %mul3A_293] : memref<256x16xf32, #tpu.memory_space<vmem>>[vector<16xi32>, vector<16xi32>], vector<16xf32>,
        %add3A_295 = arith.constant 1.000000e-10 : f32
        %add3A_296 = vector.broadcast %add3A_295 : f32 to vector<16xf32>
        %add3A_297 = arith.addf %gather3A_294, %add3A_296 : vector<16xf32>
        %bitcast3A_298 = vector.bitcast %add3A_297 : vector<16xf32> to vector<16xi32>
        %shift_right_arithmetic3A_299 = arith.constant 1 : i32
        %shift_right_arithmetic3A_300 = vector.broadcast %shift_right_arithmetic3A_299 : i32 to vector<16xi32>
        %shift_right_arithmetic3A_301 = arith.shrsi %bitcast3A_298, %shift_right_arithmetic3A_300 : vector<16xi32>
        %sub3A_302 = arith.constant 1597463007 : i32
        %sub3A_303 = vector.broadcast %sub3A_302 : i32 to vector<16xi32>
        %sub3A_304 = arith.subi %sub3A_303, %shift_right_arithmetic3A_301 : vector<16xi32>
        %bitcast3A_305 = vector.bitcast %sub3A_304 : vector<16xi32> to vector<16xf32>
        %mul3A_306 = arith.constant 5.000000e-01 : f32
        %mul3A_307 = vector.broadcast %mul3A_306 : f32 to vector<16xf32>
        %mul3A_308 = arith.mulf %mul3A_307, %add3A_297 : vector<16xf32>
        %mul3A_309 = arith.mulf %mul3A_308, %bitcast3A_305 : vector<16xf32>
        %mul3A_310 = arith.mulf %mul3A_309, %bitcast3A_305 : vector<16xf32>
        %sub3A_311 = arith.constant 1.500000e+00 : f32
        %sub3A_312 = vector.broadcast %sub3A_311 : f32 to vector<16xf32>
        %sub3A_313 = arith.subf %sub3A_312, %mul3A_310 : vector<16xf32>
        %mul3A_314 = arith.mulf %bitcast3A_305, %sub3A_313 : vector<16xf32>
        %mul3A_315 = arith.constant 5.000000e-01 : f32
        %mul3A_316 = vector.broadcast %mul3A_315 : f32 to vector<16xf32>
        %mul3A_317 = arith.mulf %mul3A_316, %add3A_297 : vector<16xf32>
        %mul3A_318 = arith.mulf %mul3A_317, %mul3A_314 : vector<16xf32>
        %mul3A_319 = arith.mulf %mul3A_318, %mul3A_314 : vector<16xf32>
        %sub3A_320 = arith.constant 1.500000e+00 : f32
        %sub3A_321 = vector.broadcast %sub3A_320 : f32 to vector<16xf32>
        %sub3A_322 = arith.subf %sub3A_321, %mul3A_319 : vector<16xf32>
        %mul3A_323 = arith.mulf %mul3A_314, %sub3A_322 : vector<16xf32>
        %mul3A_324 = arith.constant 5.000000e-01 : f32
        %mul3A_325 = vector.broadcast %mul3A_324 : f32 to vector<16xf32>
        %mul3A_326 = arith.mulf %mul3A_325, %add3A_297 : vector<16xf32>
        %mul3A_327 = arith.mulf %mul3A_326, %mul3A_323 : vector<16xf32>
        %mul3A_328 = arith.mulf %mul3A_327, %mul3A_323 : vector<16xf32>
        %sub3A_329 = arith.constant 1.500000e+00 : f32
        %sub3A_330 = vector.broadcast %sub3A_329 : f32 to vector<16xf32>
        %sub3A_331 = arith.subf %sub3A_330, %mul3A_328 : vector<16xf32>
        %mul3A_332 = arith.mulf %mul3A_323, %sub3A_331 : vector<16xf32>
        %mul3A_333 = arith.constant 5.000000e-01 : f32
        %mul3A_334 = vector.broadcast %mul3A_333 : f32 to vector<16xf32>
        %mul3A_335 = arith.mulf %mul3A_334, %add3A_297 : vector<16xf32>
        %mul3A_336 = arith.mulf %mul3A_335, %mul3A_332 : vector<16xf32>
        %mul3A_337 = arith.mulf %mul3A_336, %mul3A_332 : vector<16xf32>
        %sub3A_338 = arith.constant 1.500000e+00 : f32
        %sub3A_339 = vector.broadcast %sub3A_338 : f32 to vector<16xf32>
        %sub3A_340 = arith.subf %sub3A_339, %mul3A_337 : vector<16xf32>
        %mul3A_341 = arith.mulf %mul3A_332, %sub3A_340 : vector<16xf32>
        %swap3A_342 = arith.constant 16 : index
        %swap3A_343 = tpu.vector_load %arg18[%swap3A_342] {strides = array<i32>} : memref<32xf32, #tpu.memory_space<vmem>>, vector<16xf32>,
        tpu.vector_store %arg18[%swap3A_342], %mul3A_341 {strides = array<i32>} : memref<32xf32, #tpu.memory_space<vmem>>, vector<16xf32>,
        %scan3A_344 = arith.constant 0 : i32
        %scan3A_345 = arith.constant 0 : i32
        %scan3A_346 = arith.constant 32 : i32
        %scan3A_347 = arith.addi %scan3A_345, %scan3A_346 : i32
        %scan3A_348 = arith.constant 1 : i32
        %scan3A_349 = scf.for %scan3A_352 = %scan3A_345 to %scan3A_347 step %scan3A_348 iter_args(%scan3A_353 = %scan3A_344) -> (i32)  : i32 {
          %broadcast_in_dim3A_354 = vector.broadcast %scan3A_352 : i32 to vector<16xi32>
          %gather3A_355 = tpu.vector_load_idx %arg18[%broadcast_in_dim3A_354] : memref<32xf32, #tpu.memory_space<vmem>>[vector<16xi32>], vector<16xf32>,
          %get3A = arith.index_cast %scan3A_352 : i32 to index
          %get3A_356 = arith.constant 0 : index
          %get3A_357 = tpu.vector_load %arg15[%get3A, %get3A_356] {strides = array<i32>} : memref<32x64xf32, #tpu.memory_space<vmem>>, vector<16xf32>,
          %mul3A_358 = arith.mulf %get3A_357, %gather3A_355 : vector<16xf32>
          %swap3A_359 = arith.index_cast %scan3A_352 : i32 to index
          %swap3A_360 = arith.constant 0 : index
          %swap3A_361 = tpu.vector_load %arg15[%swap3A_359, %swap3A_360] {strides = array<i32>} : memref<32x64xf32, #tpu.memory_space<vmem>>, vector<16xf32>,
          tpu.vector_store %arg15[%swap3A_359, %swap3A_360], %mul3A_358 {strides = array<i32>} : memref<32x64xf32, #tpu.memory_space<vmem>>, vector<16xf32>,
          %get3A_362 = arith.index_cast %scan3A_352 : i32 to index
          %get3A_363 = arith.constant 16 : index
          %get3A_364 = tpu.vector_load %arg15[%get3A_362, %get3A_363] {strides = array<i32>} : memref<32x64xf32, #tpu.memory_space<vmem>>, vector<16xf32>,
          %mul3A_365 = arith.mulf %get3A_364, %gather3A_355 : vector<16xf32>
          %swap3A_366 = arith.index_cast %scan3A_352 : i32 to index
          %swap3A_367 = arith.constant 16 : index
          %swap3A_368 = tpu.vector_load %arg15[%swap3A_366, %swap3A_367] {strides = array<i32>} : memref<32x64xf32, #tpu.memory_space<vmem>>, vector<16xf32>,
          tpu.vector_store %arg15[%swap3A_366, %swap3A_367], %mul3A_365 {strides = array<i32>} : memref<32x64xf32, #tpu.memory_space<vmem>>, vector<16xf32>,
          %get3A_369 = arith.index_cast %scan3A_352 : i32 to index
          %get3A_370 = arith.constant 32 : index
          %get3A_371 = tpu.vector_load %arg15[%get3A_369, %get3A_370] {strides = array<i32>} : memref<32x64xf32, #tpu.memory_space<vmem>>, vector<16xf32>,
          %mul3A_372 = arith.mulf %get3A_371, %gather3A_355 : vector<16xf32>
          %swap3A_373 = arith.index_cast %scan3A_352 : i32 to index
          %swap3A_374 = arith.constant 32 : index
          %swap3A_375 = tpu.vector_load %arg15[%swap3A_373, %swap3A_374] {strides = array<i32>} : memref<32x64xf32, #tpu.memory_space<vmem>>, vector<16xf32>,
          tpu.vector_store %arg15[%swap3A_373, %swap3A_374], %mul3A_372 {strides = array<i32>} : memref<32x64xf32, #tpu.memory_space<vmem>>, vector<16xf32>,
          %get3A_376 = arith.index_cast %scan3A_352 : i32 to index
          %get3A_377 = arith.constant 48 : index
          %get3A_378 = tpu.vector_load %arg15[%get3A_376, %get3A_377] {strides = array<i32>} : memref<32x64xf32, #tpu.memory_space<vmem>>, vector<16xf32>,
          %mul3A_379 = arith.mulf %get3A_378, %gather3A_355 : vector<16xf32>
          %swap3A_380 = arith.index_cast %scan3A_352 : i32 to index
          %swap3A_381 = arith.constant 48 : index
          %swap3A_382 = tpu.vector_load %arg15[%swap3A_380, %swap3A_381] {strides = array<i32>} : memref<32x64xf32, #tpu.memory_space<vmem>>, vector<16xf32>,
          tpu.vector_store %arg15[%swap3A_380, %swap3A_381], %mul3A_379 {strides = array<i32>} : memref<32x64xf32, #tpu.memory_space<vmem>>, vector<16xf32>,
          %scan3A_383 = arith.constant 0 : i32
          scf.yield %scan3A_383 : i32
        }
        %scan3A_350 = arith.constant 32 : i32
        "tpu.region"() ({
          %run_scoped3A_352 = tpu.sem_alloc : memref<!tpu.dma_semaphore, #tpu.memory_space<semaphore_mem>>
          %dma_start3A = arith.constant 64 : i32
          %dma_start3A_353 = tpu.memref_slice %arg6[%add3A_228, %dma_start3A] : memref<4096x256xf32, #tpu.memory_space<hbm>> -> memref<32x64xf32, #tpu.memory_space<hbm>>
          %dma_start3A_354 = arith.constant 64 : i32
          %dma_start3A_355 = tpu.memref_slice %arg6[%add3A_228, %dma_start3A_354] : memref<4096x256xf32, #tpu.memory_space<hbm>> -> memref<32x64xf32, #tpu.memory_space<hbm>>
          tpu.enqueue_dma source(%arg15 : memref<32x64xf32, #tpu.memory_space<vmem>>) target(%dma_start3A_355 : memref<32x64xf32, #tpu.memory_space<hbm>>) target_semaphore(%run_scoped3A_352 : memref<!tpu.dma_semaphore, #tpu.memory_space<semaphore_mem>>)
          %dma_wait3A = arith.constant 64 : i32
          %dma_wait3A_356 = tpu.memref_slice %arg6[%add3A_228, %dma_wait3A] : memref<4096x256xf32, #tpu.memory_space<hbm>> -> memref<32x64xf32, #tpu.memory_space<hbm>>
          %dma_wait3A_357 = arith.constant 64 : i32
          %dma_wait3A_358 = tpu.memref_slice %arg6[%add3A_228, %dma_wait3A_357] : memref<4096x256xf32, #tpu.memory_space<hbm>> -> memref<32x64xf32, #tpu.memory_space<hbm>>
          tpu.wait_dma2 semaphore(%run_scoped3A_352 : memref<!tpu.dma_semaphore, #tpu.memory_space<semaphore_mem>>) src(%arg15 : memref<32x64xf32, #tpu.memory_space<vmem>>) dst(%dma_wait3A_358 : memref<32x64xf32, #tpu.memory_space<hbm>>)
          tpu.yield
        }) : () -> ()
        %scan3A_351 = arith.constant 0 : i32
        scf.yield %scan3A_351 : i32
      }
      %scan3A_221 = arith.constant 8 : i32
    } else {
    }
    %eq3A_174 = arith.constant 0 : i32
    %eq3A_175 = arith.cmpi eq, %arg0, %eq3A_174 : i32
    %convert_element_type3A_176 = arith.extui %eq3A_175 : i1 to i32
    %cond3A_177 = arith.constant 0 : i32
    %cond3A_178 = arith.cmpi ne, %convert_element_type3A_176, %cond3A_177 : i32
    scf.if %cond3A_178 {
      %scan3A_215 = arith.constant 0 : i32
      %scan3A_216 = arith.constant 0 : i32
      %scan3A_217 = arith.constant 128 : i32
      %scan3A_218 = arith.addi %scan3A_216, %scan3A_217 : i32
      %scan3A_219 = arith.constant 1 : i32
      %scan3A_220 = scf.for %scan3A_229 = %scan3A_216 to %scan3A_218 step %scan3A_219 iter_args(%scan3A_230 = %scan3A_215) -> (i32)  : i32 {
        %jit3A = arith.constant 4 : i32
        %div3A = arith.divsi %scan3A_229, %jit3A : i32
        %sign3A = arith.constant 0 : i32
        %sign3A_231 = arith.cmpi sgt, %scan3A_229, %sign3A : i32
        %sign3A_232 = arith.extui %sign3A_231 : i1 to i32
        %sign3A_233 = arith.constant 0 : i32
        %sign3A_234 = arith.cmpi slt, %scan3A_229, %sign3A_233 : i32
        %sign3A_235 = arith.extui %sign3A_234 : i1 to i32
        %sign3A_236 = arith.subi %sign3A_232, %sign3A_235 : i32
        %sign3A_237 = arith.constant 0 : i32
        %sign3A_238 = arith.cmpi sgt, %jit3A, %sign3A_237 : i32
        %sign3A_239 = arith.extui %sign3A_238 : i1 to i32
        %sign3A_240 = arith.constant 0 : i32
        %sign3A_241 = arith.cmpi slt, %jit3A, %sign3A_240 : i32
        %sign3A_242 = arith.extui %sign3A_241 : i1 to i32
        %sign3A_243 = arith.subi %sign3A_239, %sign3A_242 : i32
        %ne3A = arith.cmpi ne, %sign3A_236, %sign3A_243 : i32
        %rem3A = arith.remsi %scan3A_229, %jit3A : i32
        %ne3A_244 = arith.constant 0 : i32
        %ne3A_245 = arith.cmpi ne, %rem3A, %ne3A_244 : i32
        %and3A = arith.andi %ne3A, %ne3A_245 : i1
        %sub3A_246 = arith.constant 1 : i32
        %sub3A_247 = arith.subi %div3A, %sub3A_246 : i32
        %select_n3A = arith.select %and3A, %sub3A_247, %div3A : i32
        %jit3A_248 = arith.constant 4 : i32
        %eq3A_249 = arith.constant 0 : i32
        %eq3A_250 = arith.cmpi eq, %jit3A_248, %eq3A_249 : i32
        %jit3A_251 = arith.constant 1 : i32
        %select_n3A_252 = arith.select %eq3A_250, %jit3A_251, %jit3A_248 : i32
        %rem3A_253 = arith.remsi %scan3A_229, %select_n3A_252 : i32
        %ne3A_254 = arith.constant 0 : i32
        %ne3A_255 = arith.cmpi ne, %rem3A_253, %ne3A_254 : i32
        %lt3A = arith.constant 0 : i32
        %lt3A_256 = arith.cmpi slt, %rem3A_253, %lt3A : i32
        %lt3A_257 = arith.constant 0 : i32
        %lt3A_258 = arith.cmpi slt, %select_n3A_252, %lt3A_257 : i32
        %ne3A_259 = arith.xori %lt3A_256, %lt3A_258 : i1
        %and3A_260 = arith.andi %ne3A_259, %ne3A_255 : i1
        %add3A_261 = arith.addi %rem3A_253, %select_n3A_252 : i32
        %select_n3A_262 = arith.select %and3A_260, %add3A_261, %rem3A_253 : i32
        %mul3A_263 = arith.constant 16 : i32
        %mul3A_264 = arith.muli %select_n3A_262, %mul3A_263 : i32
        %swap3A_265 = arith.index_cast %select_n3A : i32 to index
        %swap3A_266 = arith.index_cast %mul3A_264 : i32 to index
        %swap3A_267 = tpu.vector_load %arg15[%swap3A_265, %swap3A_266] {strides = array<i32>} : memref<32x64xf32, #tpu.memory_space<vmem>>, vector<16xf32>,
        tpu.vector_store %arg15[%swap3A_265, %swap3A_266], %broadcast_in_dim3A_134 {strides = array<i32>} : memref<32x64xf32, #tpu.memory_space<vmem>>, vector<16xf32>,
        %scan3A_268 = arith.constant 0 : i32
        scf.yield %scan3A_268 : i32
      }
      %scan3A_221 = arith.constant 128 : i32
      %scan3A_222 = arith.constant 0 : i32
      %scan3A_223 = arith.constant 0 : i32
      %scan3A_224 = arith.constant 8 : i32
      %scan3A_225 = arith.addi %scan3A_223, %scan3A_224 : i32
      %scan3A_226 = arith.constant 1 : i32
      %scan3A_227 = scf.for %scan3A_229 = %scan3A_223 to %scan3A_225 step %scan3A_226 iter_args(%scan3A_230 = %scan3A_222) -> (i32)  : i32 {
        %mul3A_231 = arith.constant 256 : i32
        %mul3A_232 = arith.muli %arg1, %mul3A_231 : i32
        %mul3A_233 = arith.constant 32 : i32
        %mul3A_234 = arith.muli %scan3A_229, %mul3A_233 : i32
        %add3A_235 = arith.addi %mul3A_232, %mul3A_234 : i32
        "tpu.region"() ({
          %run_scoped3A_237 = tpu.sem_alloc : memref<!tpu.dma_semaphore, #tpu.memory_space<semaphore_mem>>
          %dma_start3A = arith.constant 0 : i32
          %dma_start3A_238 = tpu.memref_slice %arg23[%add3A_235, %dma_start3A] : memref<4096x64xf32, #tpu.memory_space<vmem_shared>> -> memref<32x64xf32, #tpu.memory_space<vmem_shared>>
          %dma_start3A_239 = arith.constant 0 : i32
          %dma_start3A_240 = tpu.memref_slice %arg23[%add3A_235, %dma_start3A_239] : memref<4096x64xf32, #tpu.memory_space<vmem_shared>> -> memref<32x64xf32, #tpu.memory_space<vmem_shared>>
          tpu.enqueue_dma source(%arg15 : memref<32x64xf32, #tpu.memory_space<vmem>>) target(%dma_start3A_240 : memref<32x64xf32, #tpu.memory_space<vmem_shared>>) target_semaphore(%run_scoped3A_237 : memref<!tpu.dma_semaphore, #tpu.memory_space<semaphore_mem>>)
          %dma_wait3A = arith.constant 0 : i32
          %dma_wait3A_241 = tpu.memref_slice %arg23[%add3A_235, %dma_wait3A] : memref<4096x64xf32, #tpu.memory_space<vmem_shared>> -> memref<32x64xf32, #tpu.memory_space<vmem_shared>>
          %dma_wait3A_242 = arith.constant 0 : i32
          %dma_wait3A_243 = tpu.memref_slice %arg23[%add3A_235, %dma_wait3A_242] : memref<4096x64xf32, #tpu.memory_space<vmem_shared>> -> memref<32x64xf32, #tpu.memory_space<vmem_shared>>
          tpu.wait_dma2 semaphore(%run_scoped3A_237 : memref<!tpu.dma_semaphore, #tpu.memory_space<semaphore_mem>>) src(%arg15 : memref<32x64xf32, #tpu.memory_space<vmem>>) dst(%dma_wait3A_243 : memref<32x64xf32, #tpu.memory_space<vmem_shared>>)
          tpu.yield
        }) : () -> ()
        %scan3A_236 = arith.constant 0 : i32
        scf.yield %scan3A_236 : i32
      }
      %scan3A_228 = arith.constant 8 : i32
    } else {
    }
    %barrier3A_179 = arith.constant 0 : index
    tpu.barrier barrier_id(%barrier3A_179)
    %eq3A_180 = arith.constant 0 : i32
    %eq3A_181 = arith.cmpi eq, %arg0, %eq3A_180 : i32
    %convert_element_type3A_182 = arith.extui %eq3A_181 : i1 to i32
    %cond3A_183 = arith.constant 0 : i32
    %cond3A_184 = arith.cmpi ne, %convert_element_type3A_182, %cond3A_183 : i32
    scf.if %cond3A_184 {
      %scan3A_215 = arith.constant 0 : i32
      %scan3A_216 = arith.constant 0 : i32
      %scan3A_217 = arith.constant 20 : i32
      %scan3A_218 = arith.addi %scan3A_216, %scan3A_217 : i32
      %scan3A_219 = arith.constant 1 : i32
      %scan3A_220 = scf.for %scan3A_222 = %scan3A_216 to %scan3A_218 step %scan3A_219 iter_args(%scan3A_223 = %scan3A_215) -> (i32)  : i32 {
        %mul3A_224 = arith.constant 640 : i32
        %mul3A_225 = arith.muli %arg1, %mul3A_224 : i32
        %mul3A_226 = arith.constant 32 : i32
        %mul3A_227 = arith.muli %scan3A_222, %mul3A_226 : i32
        %add3A_228 = arith.addi %mul3A_225, %mul3A_227 : i32
        "tpu.region"() ({
          %run_scoped3A_232 = tpu.sem_alloc : memref<!tpu.dma_semaphore, #tpu.memory_space<semaphore_mem>>
          %dma_start3A = arith.constant 128 : i32
          %dma_start3A_233 = tpu.memref_slice %arg2[%add3A_228, %dma_start3A] : memref<10240x256xf32, #tpu.memory_space<hbm>> -> memref<32x64xf32, #tpu.memory_space<hbm>>
          %dma_start3A_234 = arith.constant 128 : i32
          %dma_start3A_235 = tpu.memref_slice %arg2[%add3A_228, %dma_start3A_234] : memref<10240x256xf32, #tpu.memory_space<hbm>> -> memref<32x64xf32, #tpu.memory_space<hbm>>
          tpu.enqueue_dma source(%dma_start3A_235 : memref<32x64xf32, #tpu.memory_space<hbm>>) target(%arg15 : memref<32x64xf32, #tpu.memory_space<vmem>>) target_semaphore(%run_scoped3A_232 : memref<!tpu.dma_semaphore, #tpu.memory_space<semaphore_mem>>)
          %dma_wait3A = arith.constant 128 : i32
          %dma_wait3A_236 = tpu.memref_slice %arg2[%add3A_228, %dma_wait3A] : memref<10240x256xf32, #tpu.memory_space<hbm>> -> memref<32x64xf32, #tpu.memory_space<hbm>>
          %dma_wait3A_237 = arith.constant 128 : i32
          %dma_wait3A_238 = tpu.memref_slice %arg2[%add3A_228, %dma_wait3A_237] : memref<10240x256xf32, #tpu.memory_space<hbm>> -> memref<32x64xf32, #tpu.memory_space<hbm>>
          tpu.wait_dma2 semaphore(%run_scoped3A_232 : memref<!tpu.dma_semaphore, #tpu.memory_space<semaphore_mem>>) src(%dma_wait3A_238 : memref<32x64xf32, #tpu.memory_space<hbm>>) dst(%arg15 : memref<32x64xf32, #tpu.memory_space<vmem>>)
          tpu.yield
        }) : () -> ()
        %add3A_229 = arith.constant 0 : i32
        %add3A_230 = arith.addi %add3A_229, %add3A_228 : i32
        "tpu.region"() ({
          %run_scoped3A_232 = tpu.sem_alloc : memref<!tpu.dma_semaphore, #tpu.memory_space<semaphore_mem>>
          %dma_start3A = tpu.memref_slice %arg11[%add3A_230] : memref<63536xi32, #tpu.memory_space<vmem>> -> memref<32xi32, #tpu.memory_space<vmem>>
          %dma_start3A_233 = arith.constant 0 : i32
          %dma_start3A_234 = arith.constant 0 : i32
          %dma_start3A_235 = tpu.memref_slice %arg23[%dma_start3A_233, %dma_start3A_234] : memref<4096x64xf32, #tpu.memory_space<vmem_shared>> -> memref<4096x64xf32, #tpu.memory_space<vmem_shared>>
          tpu.enqueue_indirect_dma source(%arg15 : memref<32x64xf32, #tpu.memory_space<vmem>>) target(%dma_start3A_235 : memref<4096x64xf32, #tpu.memory_space<vmem_shared>>) offsets(%dma_start3A : memref<32xi32, #tpu.memory_space<vmem>>) semaphore(%run_scoped3A_232 : memref<!tpu.dma_semaphore, #tpu.memory_space<semaphore_mem>>) {add = true}
          %dma_wait3A = tpu.memref_slice %arg11[%add3A_230] : memref<63536xi32, #tpu.memory_space<vmem>> -> memref<32xi32, #tpu.memory_space<vmem>>
          %dma_wait3A_236 = arith.constant 0 : i32
          %dma_wait3A_237 = arith.constant 0 : i32
          %dma_wait3A_238 = tpu.memref_slice %arg23[%dma_wait3A_236, %dma_wait3A_237] : memref<4096x64xf32, #tpu.memory_space<vmem_shared>> -> memref<4096x64xf32, #tpu.memory_space<vmem_shared>>
          tpu.wait_indirect_dma semaphore(%run_scoped3A_232 : memref<!tpu.dma_semaphore, #tpu.memory_space<semaphore_mem>>) src(%arg15 : memref<32x64xf32, #tpu.memory_space<vmem>>) dst(%dma_wait3A_238 : memref<4096x64xf32, #tpu.memory_space<vmem_shared>>)
          tpu.yield
        }) : () -> ()
        %scan3A_231 = arith.constant 0 : i32
        scf.yield %scan3A_231 : i32
      }
      %scan3A_221 = arith.constant 20 : i32
    } else {
    }
    %barrier3A_185 = arith.constant 0 : index
    tpu.barrier barrier_id(%barrier3A_185)
    %eq3A_186 = arith.constant 0 : i32
    %eq3A_187 = arith.cmpi eq, %arg0, %eq3A_186 : i32
    %convert_element_type3A_188 = arith.extui %eq3A_187 : i1 to i32
    %cond3A_189 = arith.constant 0 : i32
    %cond3A_190 = arith.cmpi ne, %convert_element_type3A_188, %cond3A_189 : i32
    scf.if %cond3A_190 {
      %scan3A_215 = arith.constant 0 : i32
      %scan3A_216 = arith.constant 0 : i32
      %scan3A_217 = arith.constant 8 : i32
      %scan3A_218 = arith.addi %scan3A_216, %scan3A_217 : i32
      %scan3A_219 = arith.constant 1 : i32
      %scan3A_220 = scf.for %scan3A_222 = %scan3A_216 to %scan3A_218 step %scan3A_219 iter_args(%scan3A_223 = %scan3A_215) -> (i32)  : i32 {
        %mul3A_224 = arith.constant 256 : i32
        %mul3A_225 = arith.muli %arg1, %mul3A_224 : i32
        %mul3A_226 = arith.constant 32 : i32
        %mul3A_227 = arith.muli %scan3A_222, %mul3A_226 : i32
        %add3A_228 = arith.addi %mul3A_225, %mul3A_227 : i32
        "tpu.region"() ({
          %run_scoped3A_352 = tpu.sem_alloc : memref<!tpu.dma_semaphore, #tpu.memory_space<semaphore_mem>>
          %dma_start3A = arith.constant 0 : i32
          %dma_start3A_353 = tpu.memref_slice %arg23[%add3A_228, %dma_start3A] : memref<4096x64xf32, #tpu.memory_space<vmem_shared>> -> memref<32x64xf32, #tpu.memory_space<vmem_shared>>
          %dma_start3A_354 = arith.constant 0 : i32
          %dma_start3A_355 = tpu.memref_slice %arg23[%add3A_228, %dma_start3A_354] : memref<4096x64xf32, #tpu.memory_space<vmem_shared>> -> memref<32x64xf32, #tpu.memory_space<vmem_shared>>
          tpu.enqueue_dma source(%dma_start3A_355 : memref<32x64xf32, #tpu.memory_space<vmem_shared>>) target(%arg15 : memref<32x64xf32, #tpu.memory_space<vmem>>) target_semaphore(%run_scoped3A_352 : memref<!tpu.dma_semaphore, #tpu.memory_space<semaphore_mem>>)
          %dma_wait3A = arith.constant 0 : i32
          %dma_wait3A_356 = tpu.memref_slice %arg23[%add3A_228, %dma_wait3A] : memref<4096x64xf32, #tpu.memory_space<vmem_shared>> -> memref<32x64xf32, #tpu.memory_space<vmem_shared>>
          %dma_wait3A_357 = arith.constant 0 : i32
          %dma_wait3A_358 = tpu.memref_slice %arg23[%add3A_228, %dma_wait3A_357] : memref<4096x64xf32, #tpu.memory_space<vmem_shared>> -> memref<32x64xf32, #tpu.memory_space<vmem_shared>>
          tpu.wait_dma2 semaphore(%run_scoped3A_352 : memref<!tpu.dma_semaphore, #tpu.memory_space<semaphore_mem>>) src(%dma_wait3A_358 : memref<32x64xf32, #tpu.memory_space<vmem_shared>>) dst(%arg15 : memref<32x64xf32, #tpu.memory_space<vmem>>)
          tpu.yield
        }) : () -> ()
        %mul3A_229 = arith.constant 32 : i32
        %mul3A_230 = arith.muli %scan3A_222, %mul3A_229 : i32
        %add3A_231 = arith.constant 0 : i32
        %add3A_232 = arith.addi %mul3A_230, %add3A_231 : i32
        %add3A_233 = vector.broadcast %add3A_232 : i32 to vector<16xi32>
        %add3A_234 = arith.addi %add3A_233, %iota3A : vector<16xi32>
        %mul3A_235 = arith.constant 0 : i32
        %mul3A_236 = vector.broadcast %mul3A_235 : i32 to vector<16xi32>
        %mul3A_237 = arith.muli %iota3A, %mul3A_236 : vector<16xi32>
        %gather3A = tpu.vector_load_idx %arg17[%add3A_234, %mul3A_237] : memref<256x16xf32, #tpu.memory_space<vmem>>[vector<16xi32>, vector<16xi32>], vector<16xf32>,
        %add3A_238 = arith.constant 1.000000e-10 : f32
        %add3A_239 = vector.broadcast %add3A_238 : f32 to vector<16xf32>
        %add3A_240 = arith.addf %gather3A, %add3A_239 : vector<16xf32>
        %bitcast3A = vector.bitcast %add3A_240 : vector<16xf32> to vector<16xi32>
        %shift_right_arithmetic3A = arith.constant 1 : i32
        %shift_right_arithmetic3A_241 = vector.broadcast %shift_right_arithmetic3A : i32 to vector<16xi32>
        %shift_right_arithmetic3A_242 = arith.shrsi %bitcast3A, %shift_right_arithmetic3A_241 : vector<16xi32>
        %sub3A_243 = arith.constant 1597463007 : i32
        %sub3A_244 = vector.broadcast %sub3A_243 : i32 to vector<16xi32>
        %sub3A_245 = arith.subi %sub3A_244, %shift_right_arithmetic3A_242 : vector<16xi32>
        %bitcast3A_246 = vector.bitcast %sub3A_245 : vector<16xi32> to vector<16xf32>
        %mul3A_247 = arith.constant 5.000000e-01 : f32
        %mul3A_248 = vector.broadcast %mul3A_247 : f32 to vector<16xf32>
        %mul3A_249 = arith.mulf %mul3A_248, %add3A_240 : vector<16xf32>
        %mul3A_250 = arith.mulf %mul3A_249, %bitcast3A_246 : vector<16xf32>
        %mul3A_251 = arith.mulf %mul3A_250, %bitcast3A_246 : vector<16xf32>
        %sub3A_252 = arith.constant 1.500000e+00 : f32
        %sub3A_253 = vector.broadcast %sub3A_252 : f32 to vector<16xf32>
        %sub3A_254 = arith.subf %sub3A_253, %mul3A_251 : vector<16xf32>
        %mul3A_255 = arith.mulf %bitcast3A_246, %sub3A_254 : vector<16xf32>
        %mul3A_256 = arith.constant 5.000000e-01 : f32
        %mul3A_257 = vector.broadcast %mul3A_256 : f32 to vector<16xf32>
        %mul3A_258 = arith.mulf %mul3A_257, %add3A_240 : vector<16xf32>
        %mul3A_259 = arith.mulf %mul3A_258, %mul3A_255 : vector<16xf32>
        %mul3A_260 = arith.mulf %mul3A_259, %mul3A_255 : vector<16xf32>
        %sub3A_261 = arith.constant 1.500000e+00 : f32
        %sub3A_262 = vector.broadcast %sub3A_261 : f32 to vector<16xf32>
        %sub3A_263 = arith.subf %sub3A_262, %mul3A_260 : vector<16xf32>
        %mul3A_264 = arith.mulf %mul3A_255, %sub3A_263 : vector<16xf32>
        %mul3A_265 = arith.constant 5.000000e-01 : f32
        %mul3A_266 = vector.broadcast %mul3A_265 : f32 to vector<16xf32>
        %mul3A_267 = arith.mulf %mul3A_266, %add3A_240 : vector<16xf32>
        %mul3A_268 = arith.mulf %mul3A_267, %mul3A_264 : vector<16xf32>
        %mul3A_269 = arith.mulf %mul3A_268, %mul3A_264 : vector<16xf32>
        %sub3A_270 = arith.constant 1.500000e+00 : f32
        %sub3A_271 = vector.broadcast %sub3A_270 : f32 to vector<16xf32>
        %sub3A_272 = arith.subf %sub3A_271, %mul3A_269 : vector<16xf32>
        %mul3A_273 = arith.mulf %mul3A_264, %sub3A_272 : vector<16xf32>
        %mul3A_274 = arith.constant 5.000000e-01 : f32
        %mul3A_275 = vector.broadcast %mul3A_274 : f32 to vector<16xf32>
        %mul3A_276 = arith.mulf %mul3A_275, %add3A_240 : vector<16xf32>
        %mul3A_277 = arith.mulf %mul3A_276, %mul3A_273 : vector<16xf32>
        %mul3A_278 = arith.mulf %mul3A_277, %mul3A_273 : vector<16xf32>
        %sub3A_279 = arith.constant 1.500000e+00 : f32
        %sub3A_280 = vector.broadcast %sub3A_279 : f32 to vector<16xf32>
        %sub3A_281 = arith.subf %sub3A_280, %mul3A_278 : vector<16xf32>
        %mul3A_282 = arith.mulf %mul3A_273, %sub3A_281 : vector<16xf32>
        %swap3A_283 = arith.constant 0 : index
        %swap3A_284 = tpu.vector_load %arg18[%swap3A_283] {strides = array<i32>} : memref<32xf32, #tpu.memory_space<vmem>>, vector<16xf32>,
        tpu.vector_store %arg18[%swap3A_283], %mul3A_282 {strides = array<i32>} : memref<32xf32, #tpu.memory_space<vmem>>, vector<16xf32>,
        %mul3A_285 = arith.constant 32 : i32
        %mul3A_286 = arith.muli %scan3A_222, %mul3A_285 : i32
        %add3A_287 = arith.constant 16 : i32
        %add3A_288 = arith.addi %mul3A_286, %add3A_287 : i32
        %add3A_289 = vector.broadcast %add3A_288 : i32 to vector<16xi32>
        %add3A_290 = arith.addi %add3A_289, %iota3A : vector<16xi32>
        %mul3A_291 = arith.constant 0 : i32
        %mul3A_292 = vector.broadcast %mul3A_291 : i32 to vector<16xi32>
        %mul3A_293 = arith.muli %iota3A, %mul3A_292 : vector<16xi32>
        %gather3A_294 = tpu.vector_load_idx %arg17[%add3A_290, %mul3A_293] : memref<256x16xf32, #tpu.memory_space<vmem>>[vector<16xi32>, vector<16xi32>], vector<16xf32>,
        %add3A_295 = arith.constant 1.000000e-10 : f32
        %add3A_296 = vector.broadcast %add3A_295 : f32 to vector<16xf32>
        %add3A_297 = arith.addf %gather3A_294, %add3A_296 : vector<16xf32>
        %bitcast3A_298 = vector.bitcast %add3A_297 : vector<16xf32> to vector<16xi32>
        %shift_right_arithmetic3A_299 = arith.constant 1 : i32
        %shift_right_arithmetic3A_300 = vector.broadcast %shift_right_arithmetic3A_299 : i32 to vector<16xi32>
        %shift_right_arithmetic3A_301 = arith.shrsi %bitcast3A_298, %shift_right_arithmetic3A_300 : vector<16xi32>
        %sub3A_302 = arith.constant 1597463007 : i32
        %sub3A_303 = vector.broadcast %sub3A_302 : i32 to vector<16xi32>
        %sub3A_304 = arith.subi %sub3A_303, %shift_right_arithmetic3A_301 : vector<16xi32>
        %bitcast3A_305 = vector.bitcast %sub3A_304 : vector<16xi32> to vector<16xf32>
        %mul3A_306 = arith.constant 5.000000e-01 : f32
        %mul3A_307 = vector.broadcast %mul3A_306 : f32 to vector<16xf32>
        %mul3A_308 = arith.mulf %mul3A_307, %add3A_297 : vector<16xf32>
        %mul3A_309 = arith.mulf %mul3A_308, %bitcast3A_305 : vector<16xf32>
        %mul3A_310 = arith.mulf %mul3A_309, %bitcast3A_305 : vector<16xf32>
        %sub3A_311 = arith.constant 1.500000e+00 : f32
        %sub3A_312 = vector.broadcast %sub3A_311 : f32 to vector<16xf32>
        %sub3A_313 = arith.subf %sub3A_312, %mul3A_310 : vector<16xf32>
        %mul3A_314 = arith.mulf %bitcast3A_305, %sub3A_313 : vector<16xf32>
        %mul3A_315 = arith.constant 5.000000e-01 : f32
        %mul3A_316 = vector.broadcast %mul3A_315 : f32 to vector<16xf32>
        %mul3A_317 = arith.mulf %mul3A_316, %add3A_297 : vector<16xf32>
        %mul3A_318 = arith.mulf %mul3A_317, %mul3A_314 : vector<16xf32>
        %mul3A_319 = arith.mulf %mul3A_318, %mul3A_314 : vector<16xf32>
        %sub3A_320 = arith.constant 1.500000e+00 : f32
        %sub3A_321 = vector.broadcast %sub3A_320 : f32 to vector<16xf32>
        %sub3A_322 = arith.subf %sub3A_321, %mul3A_319 : vector<16xf32>
        %mul3A_323 = arith.mulf %mul3A_314, %sub3A_322 : vector<16xf32>
        %mul3A_324 = arith.constant 5.000000e-01 : f32
        %mul3A_325 = vector.broadcast %mul3A_324 : f32 to vector<16xf32>
        %mul3A_326 = arith.mulf %mul3A_325, %add3A_297 : vector<16xf32>
        %mul3A_327 = arith.mulf %mul3A_326, %mul3A_323 : vector<16xf32>
        %mul3A_328 = arith.mulf %mul3A_327, %mul3A_323 : vector<16xf32>
        %sub3A_329 = arith.constant 1.500000e+00 : f32
        %sub3A_330 = vector.broadcast %sub3A_329 : f32 to vector<16xf32>
        %sub3A_331 = arith.subf %sub3A_330, %mul3A_328 : vector<16xf32>
        %mul3A_332 = arith.mulf %mul3A_323, %sub3A_331 : vector<16xf32>
        %mul3A_333 = arith.constant 5.000000e-01 : f32
        %mul3A_334 = vector.broadcast %mul3A_333 : f32 to vector<16xf32>
        %mul3A_335 = arith.mulf %mul3A_334, %add3A_297 : vector<16xf32>
        %mul3A_336 = arith.mulf %mul3A_335, %mul3A_332 : vector<16xf32>
        %mul3A_337 = arith.mulf %mul3A_336, %mul3A_332 : vector<16xf32>
        %sub3A_338 = arith.constant 1.500000e+00 : f32
        %sub3A_339 = vector.broadcast %sub3A_338 : f32 to vector<16xf32>
        %sub3A_340 = arith.subf %sub3A_339, %mul3A_337 : vector<16xf32>
        %mul3A_341 = arith.mulf %mul3A_332, %sub3A_340 : vector<16xf32>
        %swap3A_342 = arith.constant 16 : index
        %swap3A_343 = tpu.vector_load %arg18[%swap3A_342] {strides = array<i32>} : memref<32xf32, #tpu.memory_space<vmem>>, vector<16xf32>,
        tpu.vector_store %arg18[%swap3A_342], %mul3A_341 {strides = array<i32>} : memref<32xf32, #tpu.memory_space<vmem>>, vector<16xf32>,
        %scan3A_344 = arith.constant 0 : i32
        %scan3A_345 = arith.constant 0 : i32
        %scan3A_346 = arith.constant 32 : i32
        %scan3A_347 = arith.addi %scan3A_345, %scan3A_346 : i32
        %scan3A_348 = arith.constant 1 : i32
        %scan3A_349 = scf.for %scan3A_352 = %scan3A_345 to %scan3A_347 step %scan3A_348 iter_args(%scan3A_353 = %scan3A_344) -> (i32)  : i32 {
          %broadcast_in_dim3A_354 = vector.broadcast %scan3A_352 : i32 to vector<16xi32>
          %gather3A_355 = tpu.vector_load_idx %arg18[%broadcast_in_dim3A_354] : memref<32xf32, #tpu.memory_space<vmem>>[vector<16xi32>], vector<16xf32>,
          %get3A = arith.index_cast %scan3A_352 : i32 to index
          %get3A_356 = arith.constant 0 : index
          %get3A_357 = tpu.vector_load %arg15[%get3A, %get3A_356] {strides = array<i32>} : memref<32x64xf32, #tpu.memory_space<vmem>>, vector<16xf32>,
          %mul3A_358 = arith.mulf %get3A_357, %gather3A_355 : vector<16xf32>
          %swap3A_359 = arith.index_cast %scan3A_352 : i32 to index
          %swap3A_360 = arith.constant 0 : index
          %swap3A_361 = tpu.vector_load %arg15[%swap3A_359, %swap3A_360] {strides = array<i32>} : memref<32x64xf32, #tpu.memory_space<vmem>>, vector<16xf32>,
          tpu.vector_store %arg15[%swap3A_359, %swap3A_360], %mul3A_358 {strides = array<i32>} : memref<32x64xf32, #tpu.memory_space<vmem>>, vector<16xf32>,
          %get3A_362 = arith.index_cast %scan3A_352 : i32 to index
          %get3A_363 = arith.constant 16 : index
          %get3A_364 = tpu.vector_load %arg15[%get3A_362, %get3A_363] {strides = array<i32>} : memref<32x64xf32, #tpu.memory_space<vmem>>, vector<16xf32>,
          %mul3A_365 = arith.mulf %get3A_364, %gather3A_355 : vector<16xf32>
          %swap3A_366 = arith.index_cast %scan3A_352 : i32 to index
          %swap3A_367 = arith.constant 16 : index
          %swap3A_368 = tpu.vector_load %arg15[%swap3A_366, %swap3A_367] {strides = array<i32>} : memref<32x64xf32, #tpu.memory_space<vmem>>, vector<16xf32>,
          tpu.vector_store %arg15[%swap3A_366, %swap3A_367], %mul3A_365 {strides = array<i32>} : memref<32x64xf32, #tpu.memory_space<vmem>>, vector<16xf32>,
          %get3A_369 = arith.index_cast %scan3A_352 : i32 to index
          %get3A_370 = arith.constant 32 : index
          %get3A_371 = tpu.vector_load %arg15[%get3A_369, %get3A_370] {strides = array<i32>} : memref<32x64xf32, #tpu.memory_space<vmem>>, vector<16xf32>,
          %mul3A_372 = arith.mulf %get3A_371, %gather3A_355 : vector<16xf32>
          %swap3A_373 = arith.index_cast %scan3A_352 : i32 to index
          %swap3A_374 = arith.constant 32 : index
          %swap3A_375 = tpu.vector_load %arg15[%swap3A_373, %swap3A_374] {strides = array<i32>} : memref<32x64xf32, #tpu.memory_space<vmem>>, vector<16xf32>,
          tpu.vector_store %arg15[%swap3A_373, %swap3A_374], %mul3A_372 {strides = array<i32>} : memref<32x64xf32, #tpu.memory_space<vmem>>, vector<16xf32>,
          %get3A_376 = arith.index_cast %scan3A_352 : i32 to index
          %get3A_377 = arith.constant 48 : index
          %get3A_378 = tpu.vector_load %arg15[%get3A_376, %get3A_377] {strides = array<i32>} : memref<32x64xf32, #tpu.memory_space<vmem>>, vector<16xf32>,
          %mul3A_379 = arith.mulf %get3A_378, %gather3A_355 : vector<16xf32>
          %swap3A_380 = arith.index_cast %scan3A_352 : i32 to index
          %swap3A_381 = arith.constant 48 : index
          %swap3A_382 = tpu.vector_load %arg15[%swap3A_380, %swap3A_381] {strides = array<i32>} : memref<32x64xf32, #tpu.memory_space<vmem>>, vector<16xf32>,
          tpu.vector_store %arg15[%swap3A_380, %swap3A_381], %mul3A_379 {strides = array<i32>} : memref<32x64xf32, #tpu.memory_space<vmem>>, vector<16xf32>,
          %scan3A_383 = arith.constant 0 : i32
          scf.yield %scan3A_383 : i32
        }
        %scan3A_350 = arith.constant 32 : i32
        "tpu.region"() ({
          %run_scoped3A_352 = tpu.sem_alloc : memref<!tpu.dma_semaphore, #tpu.memory_space<semaphore_mem>>
          %dma_start3A = arith.constant 128 : i32
          %dma_start3A_353 = tpu.memref_slice %arg6[%add3A_228, %dma_start3A] : memref<4096x256xf32, #tpu.memory_space<hbm>> -> memref<32x64xf32, #tpu.memory_space<hbm>>
          %dma_start3A_354 = arith.constant 128 : i32
          %dma_start3A_355 = tpu.memref_slice %arg6[%add3A_228, %dma_start3A_354] : memref<4096x256xf32, #tpu.memory_space<hbm>> -> memref<32x64xf32, #tpu.memory_space<hbm>>
          tpu.enqueue_dma source(%arg15 : memref<32x64xf32, #tpu.memory_space<vmem>>) target(%dma_start3A_355 : memref<32x64xf32, #tpu.memory_space<hbm>>) target_semaphore(%run_scoped3A_352 : memref<!tpu.dma_semaphore, #tpu.memory_space<semaphore_mem>>)
          %dma_wait3A = arith.constant 128 : i32
          %dma_wait3A_356 = tpu.memref_slice %arg6[%add3A_228, %dma_wait3A] : memref<4096x256xf32, #tpu.memory_space<hbm>> -> memref<32x64xf32, #tpu.memory_space<hbm>>
          %dma_wait3A_357 = arith.constant 128 : i32
          %dma_wait3A_358 = tpu.memref_slice %arg6[%add3A_228, %dma_wait3A_357] : memref<4096x256xf32, #tpu.memory_space<hbm>> -> memref<32x64xf32, #tpu.memory_space<hbm>>
          tpu.wait_dma2 semaphore(%run_scoped3A_352 : memref<!tpu.dma_semaphore, #tpu.memory_space<semaphore_mem>>) src(%arg15 : memref<32x64xf32, #tpu.memory_space<vmem>>) dst(%dma_wait3A_358 : memref<32x64xf32, #tpu.memory_space<hbm>>)
          tpu.yield
        }) : () -> ()
        %scan3A_351 = arith.constant 0 : i32
        scf.yield %scan3A_351 : i32
      }
      %scan3A_221 = arith.constant 8 : i32
    } else {
    }
    %eq3A_191 = arith.constant 0 : i32
    %eq3A_192 = arith.cmpi eq, %arg0, %eq3A_191 : i32
    %convert_element_type3A_193 = arith.extui %eq3A_192 : i1 to i32
    %cond3A_194 = arith.constant 0 : i32
    %cond3A_195 = arith.cmpi ne, %convert_element_type3A_193, %cond3A_194 : i32
    scf.if %cond3A_195 {
      %scan3A_215 = arith.constant 0 : i32
      %scan3A_216 = arith.constant 0 : i32
      %scan3A_217 = arith.constant 128 : i32
      %scan3A_218 = arith.addi %scan3A_216, %scan3A_217 : i32
      %scan3A_219 = arith.constant 1 : i32
      %scan3A_220 = scf.for %scan3A_229 = %scan3A_216 to %scan3A_218 step %scan3A_219 iter_args(%scan3A_230 = %scan3A_215) -> (i32)  : i32 {
        %jit3A = arith.constant 4 : i32
        %div3A = arith.divsi %scan3A_229, %jit3A : i32
        %sign3A = arith.constant 0 : i32
        %sign3A_231 = arith.cmpi sgt, %scan3A_229, %sign3A : i32
        %sign3A_232 = arith.extui %sign3A_231 : i1 to i32
        %sign3A_233 = arith.constant 0 : i32
        %sign3A_234 = arith.cmpi slt, %scan3A_229, %sign3A_233 : i32
        %sign3A_235 = arith.extui %sign3A_234 : i1 to i32
        %sign3A_236 = arith.subi %sign3A_232, %sign3A_235 : i32
        %sign3A_237 = arith.constant 0 : i32
        %sign3A_238 = arith.cmpi sgt, %jit3A, %sign3A_237 : i32
        %sign3A_239 = arith.extui %sign3A_238 : i1 to i32
        %sign3A_240 = arith.constant 0 : i32
        %sign3A_241 = arith.cmpi slt, %jit3A, %sign3A_240 : i32
        %sign3A_242 = arith.extui %sign3A_241 : i1 to i32
        %sign3A_243 = arith.subi %sign3A_239, %sign3A_242 : i32
        %ne3A = arith.cmpi ne, %sign3A_236, %sign3A_243 : i32
        %rem3A = arith.remsi %scan3A_229, %jit3A : i32
        %ne3A_244 = arith.constant 0 : i32
        %ne3A_245 = arith.cmpi ne, %rem3A, %ne3A_244 : i32
        %and3A = arith.andi %ne3A, %ne3A_245 : i1
        %sub3A_246 = arith.constant 1 : i32
        %sub3A_247 = arith.subi %div3A, %sub3A_246 : i32
        %select_n3A = arith.select %and3A, %sub3A_247, %div3A : i32
        %jit3A_248 = arith.constant 4 : i32
        %eq3A_249 = arith.constant 0 : i32
        %eq3A_250 = arith.cmpi eq, %jit3A_248, %eq3A_249 : i32
        %jit3A_251 = arith.constant 1 : i32
        %select_n3A_252 = arith.select %eq3A_250, %jit3A_251, %jit3A_248 : i32
        %rem3A_253 = arith.remsi %scan3A_229, %select_n3A_252 : i32
        %ne3A_254 = arith.constant 0 : i32
        %ne3A_255 = arith.cmpi ne, %rem3A_253, %ne3A_254 : i32
        %lt3A = arith.constant 0 : i32
        %lt3A_256 = arith.cmpi slt, %rem3A_253, %lt3A : i32
        %lt3A_257 = arith.constant 0 : i32
        %lt3A_258 = arith.cmpi slt, %select_n3A_252, %lt3A_257 : i32
        %ne3A_259 = arith.xori %lt3A_256, %lt3A_258 : i1
        %and3A_260 = arith.andi %ne3A_259, %ne3A_255 : i1
        %add3A_261 = arith.addi %rem3A_253, %select_n3A_252 : i32
        %select_n3A_262 = arith.select %and3A_260, %add3A_261, %rem3A_253 : i32
        %mul3A_263 = arith.constant 16 : i32
        %mul3A_264 = arith.muli %select_n3A_262, %mul3A_263 : i32
        %swap3A_265 = arith.index_cast %select_n3A : i32 to index
        %swap3A_266 = arith.index_cast %mul3A_264 : i32 to index
        %swap3A_267 = tpu.vector_load %arg15[%swap3A_265, %swap3A_266] {strides = array<i32>} : memref<32x64xf32, #tpu.memory_space<vmem>>, vector<16xf32>,
        tpu.vector_store %arg15[%swap3A_265, %swap3A_266], %broadcast_in_dim3A_134 {strides = array<i32>} : memref<32x64xf32, #tpu.memory_space<vmem>>, vector<16xf32>,
        %scan3A_268 = arith.constant 0 : i32
        scf.yield %scan3A_268 : i32
      }
      %scan3A_221 = arith.constant 128 : i32
      %scan3A_222 = arith.constant 0 : i32
      %scan3A_223 = arith.constant 0 : i32
      %scan3A_224 = arith.constant 8 : i32
      %scan3A_225 = arith.addi %scan3A_223, %scan3A_224 : i32
      %scan3A_226 = arith.constant 1 : i32
      %scan3A_227 = scf.for %scan3A_229 = %scan3A_223 to %scan3A_225 step %scan3A_226 iter_args(%scan3A_230 = %scan3A_222) -> (i32)  : i32 {
        %mul3A_231 = arith.constant 256 : i32
        %mul3A_232 = arith.muli %arg1, %mul3A_231 : i32
        %mul3A_233 = arith.constant 32 : i32
        %mul3A_234 = arith.muli %scan3A_229, %mul3A_233 : i32
        %add3A_235 = arith.addi %mul3A_232, %mul3A_234 : i32
        "tpu.region"() ({
          %run_scoped3A_237 = tpu.sem_alloc : memref<!tpu.dma_semaphore, #tpu.memory_space<semaphore_mem>>
          %dma_start3A = arith.constant 0 : i32
          %dma_start3A_238 = tpu.memref_slice %arg23[%add3A_235, %dma_start3A] : memref<4096x64xf32, #tpu.memory_space<vmem_shared>> -> memref<32x64xf32, #tpu.memory_space<vmem_shared>>
          %dma_start3A_239 = arith.constant 0 : i32
          %dma_start3A_240 = tpu.memref_slice %arg23[%add3A_235, %dma_start3A_239] : memref<4096x64xf32, #tpu.memory_space<vmem_shared>> -> memref<32x64xf32, #tpu.memory_space<vmem_shared>>
          tpu.enqueue_dma source(%arg15 : memref<32x64xf32, #tpu.memory_space<vmem>>) target(%dma_start3A_240 : memref<32x64xf32, #tpu.memory_space<vmem_shared>>) target_semaphore(%run_scoped3A_237 : memref<!tpu.dma_semaphore, #tpu.memory_space<semaphore_mem>>)
          %dma_wait3A = arith.constant 0 : i32
          %dma_wait3A_241 = tpu.memref_slice %arg23[%add3A_235, %dma_wait3A] : memref<4096x64xf32, #tpu.memory_space<vmem_shared>> -> memref<32x64xf32, #tpu.memory_space<vmem_shared>>
          %dma_wait3A_242 = arith.constant 0 : i32
          %dma_wait3A_243 = tpu.memref_slice %arg23[%add3A_235, %dma_wait3A_242] : memref<4096x64xf32, #tpu.memory_space<vmem_shared>> -> memref<32x64xf32, #tpu.memory_space<vmem_shared>>
          tpu.wait_dma2 semaphore(%run_scoped3A_237 : memref<!tpu.dma_semaphore, #tpu.memory_space<semaphore_mem>>) src(%arg15 : memref<32x64xf32, #tpu.memory_space<vmem>>) dst(%dma_wait3A_243 : memref<32x64xf32, #tpu.memory_space<vmem_shared>>)
          tpu.yield
        }) : () -> ()
        %scan3A_236 = arith.constant 0 : i32
        scf.yield %scan3A_236 : i32
      }
      %scan3A_228 = arith.constant 8 : i32
    } else {
    }
    %barrier3A_196 = arith.constant 0 : index
    tpu.barrier barrier_id(%barrier3A_196)
    %eq3A_197 = arith.constant 0 : i32
    %eq3A_198 = arith.cmpi eq, %arg0, %eq3A_197 : i32
    %convert_element_type3A_199 = arith.extui %eq3A_198 : i1 to i32
    %cond3A_200 = arith.constant 0 : i32
    %cond3A_201 = arith.cmpi ne, %convert_element_type3A_199, %cond3A_200 : i32
    scf.if %cond3A_201 {
      %scan3A_215 = arith.constant 0 : i32
      %scan3A_216 = arith.constant 0 : i32
      %scan3A_217 = arith.constant 20 : i32
      %scan3A_218 = arith.addi %scan3A_216, %scan3A_217 : i32
      %scan3A_219 = arith.constant 1 : i32
      %scan3A_220 = scf.for %scan3A_222 = %scan3A_216 to %scan3A_218 step %scan3A_219 iter_args(%scan3A_223 = %scan3A_215) -> (i32)  : i32 {
        %mul3A_224 = arith.constant 640 : i32
        %mul3A_225 = arith.muli %arg1, %mul3A_224 : i32
        %mul3A_226 = arith.constant 32 : i32
        %mul3A_227 = arith.muli %scan3A_222, %mul3A_226 : i32
        %add3A_228 = arith.addi %mul3A_225, %mul3A_227 : i32
        "tpu.region"() ({
          %run_scoped3A_232 = tpu.sem_alloc : memref<!tpu.dma_semaphore, #tpu.memory_space<semaphore_mem>>
          %dma_start3A = arith.constant 192 : i32
          %dma_start3A_233 = tpu.memref_slice %arg2[%add3A_228, %dma_start3A] : memref<10240x256xf32, #tpu.memory_space<hbm>> -> memref<32x64xf32, #tpu.memory_space<hbm>>
          %dma_start3A_234 = arith.constant 192 : i32
          %dma_start3A_235 = tpu.memref_slice %arg2[%add3A_228, %dma_start3A_234] : memref<10240x256xf32, #tpu.memory_space<hbm>> -> memref<32x64xf32, #tpu.memory_space<hbm>>
          tpu.enqueue_dma source(%dma_start3A_235 : memref<32x64xf32, #tpu.memory_space<hbm>>) target(%arg15 : memref<32x64xf32, #tpu.memory_space<vmem>>) target_semaphore(%run_scoped3A_232 : memref<!tpu.dma_semaphore, #tpu.memory_space<semaphore_mem>>)
          %dma_wait3A = arith.constant 192 : i32
          %dma_wait3A_236 = tpu.memref_slice %arg2[%add3A_228, %dma_wait3A] : memref<10240x256xf32, #tpu.memory_space<hbm>> -> memref<32x64xf32, #tpu.memory_space<hbm>>
          %dma_wait3A_237 = arith.constant 192 : i32
          %dma_wait3A_238 = tpu.memref_slice %arg2[%add3A_228, %dma_wait3A_237] : memref<10240x256xf32, #tpu.memory_space<hbm>> -> memref<32x64xf32, #tpu.memory_space<hbm>>
          tpu.wait_dma2 semaphore(%run_scoped3A_232 : memref<!tpu.dma_semaphore, #tpu.memory_space<semaphore_mem>>) src(%dma_wait3A_238 : memref<32x64xf32, #tpu.memory_space<hbm>>) dst(%arg15 : memref<32x64xf32, #tpu.memory_space<vmem>>)
          tpu.yield
        }) : () -> ()
        %add3A_229 = arith.constant 0 : i32
        %add3A_230 = arith.addi %add3A_229, %add3A_228 : i32
        "tpu.region"() ({
          %run_scoped3A_232 = tpu.sem_alloc : memref<!tpu.dma_semaphore, #tpu.memory_space<semaphore_mem>>
          %dma_start3A = tpu.memref_slice %arg11[%add3A_230] : memref<63536xi32, #tpu.memory_space<vmem>> -> memref<32xi32, #tpu.memory_space<vmem>>
          %dma_start3A_233 = arith.constant 0 : i32
          %dma_start3A_234 = arith.constant 0 : i32
          %dma_start3A_235 = tpu.memref_slice %arg23[%dma_start3A_233, %dma_start3A_234] : memref<4096x64xf32, #tpu.memory_space<vmem_shared>> -> memref<4096x64xf32, #tpu.memory_space<vmem_shared>>
          tpu.enqueue_indirect_dma source(%arg15 : memref<32x64xf32, #tpu.memory_space<vmem>>) target(%dma_start3A_235 : memref<4096x64xf32, #tpu.memory_space<vmem_shared>>) offsets(%dma_start3A : memref<32xi32, #tpu.memory_space<vmem>>) semaphore(%run_scoped3A_232 : memref<!tpu.dma_semaphore, #tpu.memory_space<semaphore_mem>>) {add = true}
          %dma_wait3A = tpu.memref_slice %arg11[%add3A_230] : memref<63536xi32, #tpu.memory_space<vmem>> -> memref<32xi32, #tpu.memory_space<vmem>>
          %dma_wait3A_236 = arith.constant 0 : i32
          %dma_wait3A_237 = arith.constant 0 : i32
          %dma_wait3A_238 = tpu.memref_slice %arg23[%dma_wait3A_236, %dma_wait3A_237] : memref<4096x64xf32, #tpu.memory_space<vmem_shared>> -> memref<4096x64xf32, #tpu.memory_space<vmem_shared>>
          tpu.wait_indirect_dma semaphore(%run_scoped3A_232 : memref<!tpu.dma_semaphore, #tpu.memory_space<semaphore_mem>>) src(%arg15 : memref<32x64xf32, #tpu.memory_space<vmem>>) dst(%dma_wait3A_238 : memref<4096x64xf32, #tpu.memory_space<vmem_shared>>)
          tpu.yield
        }) : () -> ()
        %scan3A_231 = arith.constant 0 : i32
        scf.yield %scan3A_231 : i32
      }
      %scan3A_221 = arith.constant 20 : i32
    } else {
    }
    %barrier3A_202 = arith.constant 0 : index
    tpu.barrier barrier_id(%barrier3A_202)
    %eq3A_203 = arith.constant 0 : i32
    %eq3A_204 = arith.cmpi eq, %arg0, %eq3A_203 : i32
    %convert_element_type3A_205 = arith.extui %eq3A_204 : i1 to i32
    %cond3A_206 = arith.constant 0 : i32
    %cond3A_207 = arith.cmpi ne, %convert_element_type3A_205, %cond3A_206 : i32
    scf.if %cond3A_207 {
      %scan3A_215 = arith.constant 0 : i32
      %scan3A_216 = arith.constant 0 : i32
      %scan3A_217 = arith.constant 8 : i32
      %scan3A_218 = arith.addi %scan3A_216, %scan3A_217 : i32
      %scan3A_219 = arith.constant 1 : i32
      %scan3A_220 = scf.for %scan3A_222 = %scan3A_216 to %scan3A_218 step %scan3A_219 iter_args(%scan3A_223 = %scan3A_215) -> (i32)  : i32 {
        %mul3A_224 = arith.constant 256 : i32
        %mul3A_225 = arith.muli %arg1, %mul3A_224 : i32
        %mul3A_226 = arith.constant 32 : i32
        %mul3A_227 = arith.muli %scan3A_222, %mul3A_226 : i32
        %add3A_228 = arith.addi %mul3A_225, %mul3A_227 : i32
        "tpu.region"() ({
          %run_scoped3A_352 = tpu.sem_alloc : memref<!tpu.dma_semaphore, #tpu.memory_space<semaphore_mem>>
          %dma_start3A = arith.constant 0 : i32
          %dma_start3A_353 = tpu.memref_slice %arg23[%add3A_228, %dma_start3A] : memref<4096x64xf32, #tpu.memory_space<vmem_shared>> -> memref<32x64xf32, #tpu.memory_space<vmem_shared>>
          %dma_start3A_354 = arith.constant 0 : i32
          %dma_start3A_355 = tpu.memref_slice %arg23[%add3A_228, %dma_start3A_354] : memref<4096x64xf32, #tpu.memory_space<vmem_shared>> -> memref<32x64xf32, #tpu.memory_space<vmem_shared>>
          tpu.enqueue_dma source(%dma_start3A_355 : memref<32x64xf32, #tpu.memory_space<vmem_shared>>) target(%arg15 : memref<32x64xf32, #tpu.memory_space<vmem>>) target_semaphore(%run_scoped3A_352 : memref<!tpu.dma_semaphore, #tpu.memory_space<semaphore_mem>>)
          %dma_wait3A = arith.constant 0 : i32
          %dma_wait3A_356 = tpu.memref_slice %arg23[%add3A_228, %dma_wait3A] : memref<4096x64xf32, #tpu.memory_space<vmem_shared>> -> memref<32x64xf32, #tpu.memory_space<vmem_shared>>
          %dma_wait3A_357 = arith.constant 0 : i32
          %dma_wait3A_358 = tpu.memref_slice %arg23[%add3A_228, %dma_wait3A_357] : memref<4096x64xf32, #tpu.memory_space<vmem_shared>> -> memref<32x64xf32, #tpu.memory_space<vmem_shared>>
          tpu.wait_dma2 semaphore(%run_scoped3A_352 : memref<!tpu.dma_semaphore, #tpu.memory_space<semaphore_mem>>) src(%dma_wait3A_358 : memref<32x64xf32, #tpu.memory_space<vmem_shared>>) dst(%arg15 : memref<32x64xf32, #tpu.memory_space<vmem>>)
          tpu.yield
        }) : () -> ()
        %mul3A_229 = arith.constant 32 : i32
        %mul3A_230 = arith.muli %scan3A_222, %mul3A_229 : i32
        %add3A_231 = arith.constant 0 : i32
        %add3A_232 = arith.addi %mul3A_230, %add3A_231 : i32
        %add3A_233 = vector.broadcast %add3A_232 : i32 to vector<16xi32>
        %add3A_234 = arith.addi %add3A_233, %iota3A : vector<16xi32>
        %mul3A_235 = arith.constant 0 : i32
        %mul3A_236 = vector.broadcast %mul3A_235 : i32 to vector<16xi32>
        %mul3A_237 = arith.muli %iota3A, %mul3A_236 : vector<16xi32>
        %gather3A = tpu.vector_load_idx %arg17[%add3A_234, %mul3A_237] : memref<256x16xf32, #tpu.memory_space<vmem>>[vector<16xi32>, vector<16xi32>], vector<16xf32>,
        %add3A_238 = arith.constant 1.000000e-10 : f32
        %add3A_239 = vector.broadcast %add3A_238 : f32 to vector<16xf32>
        %add3A_240 = arith.addf %gather3A, %add3A_239 : vector<16xf32>
        %bitcast3A = vector.bitcast %add3A_240 : vector<16xf32> to vector<16xi32>
        %shift_right_arithmetic3A = arith.constant 1 : i32
        %shift_right_arithmetic3A_241 = vector.broadcast %shift_right_arithmetic3A : i32 to vector<16xi32>
        %shift_right_arithmetic3A_242 = arith.shrsi %bitcast3A, %shift_right_arithmetic3A_241 : vector<16xi32>
        %sub3A_243 = arith.constant 1597463007 : i32
        %sub3A_244 = vector.broadcast %sub3A_243 : i32 to vector<16xi32>
        %sub3A_245 = arith.subi %sub3A_244, %shift_right_arithmetic3A_242 : vector<16xi32>
        %bitcast3A_246 = vector.bitcast %sub3A_245 : vector<16xi32> to vector<16xf32>
        %mul3A_247 = arith.constant 5.000000e-01 : f32
        %mul3A_248 = vector.broadcast %mul3A_247 : f32 to vector<16xf32>
        %mul3A_249 = arith.mulf %mul3A_248, %add3A_240 : vector<16xf32>
        %mul3A_250 = arith.mulf %mul3A_249, %bitcast3A_246 : vector<16xf32>
        %mul3A_251 = arith.mulf %mul3A_250, %bitcast3A_246 : vector<16xf32>
        %sub3A_252 = arith.constant 1.500000e+00 : f32
        %sub3A_253 = vector.broadcast %sub3A_252 : f32 to vector<16xf32>
        %sub3A_254 = arith.subf %sub3A_253, %mul3A_251 : vector<16xf32>
        %mul3A_255 = arith.mulf %bitcast3A_246, %sub3A_254 : vector<16xf32>
        %mul3A_256 = arith.constant 5.000000e-01 : f32
        %mul3A_257 = vector.broadcast %mul3A_256 : f32 to vector<16xf32>
        %mul3A_258 = arith.mulf %mul3A_257, %add3A_240 : vector<16xf32>
        %mul3A_259 = arith.mulf %mul3A_258, %mul3A_255 : vector<16xf32>
        %mul3A_260 = arith.mulf %mul3A_259, %mul3A_255 : vector<16xf32>
        %sub3A_261 = arith.constant 1.500000e+00 : f32
        %sub3A_262 = vector.broadcast %sub3A_261 : f32 to vector<16xf32>
        %sub3A_263 = arith.subf %sub3A_262, %mul3A_260 : vector<16xf32>
        %mul3A_264 = arith.mulf %mul3A_255, %sub3A_263 : vector<16xf32>
        %mul3A_265 = arith.constant 5.000000e-01 : f32
        %mul3A_266 = vector.broadcast %mul3A_265 : f32 to vector<16xf32>
        %mul3A_267 = arith.mulf %mul3A_266, %add3A_240 : vector<16xf32>
        %mul3A_268 = arith.mulf %mul3A_267, %mul3A_264 : vector<16xf32>
        %mul3A_269 = arith.mulf %mul3A_268, %mul3A_264 : vector<16xf32>
        %sub3A_270 = arith.constant 1.500000e+00 : f32
        %sub3A_271 = vector.broadcast %sub3A_270 : f32 to vector<16xf32>
        %sub3A_272 = arith.subf %sub3A_271, %mul3A_269 : vector<16xf32>
        %mul3A_273 = arith.mulf %mul3A_264, %sub3A_272 : vector<16xf32>
        %mul3A_274 = arith.constant 5.000000e-01 : f32
        %mul3A_275 = vector.broadcast %mul3A_274 : f32 to vector<16xf32>
        %mul3A_276 = arith.mulf %mul3A_275, %add3A_240 : vector<16xf32>
        %mul3A_277 = arith.mulf %mul3A_276, %mul3A_273 : vector<16xf32>
        %mul3A_278 = arith.mulf %mul3A_277, %mul3A_273 : vector<16xf32>
        %sub3A_279 = arith.constant 1.500000e+00 : f32
        %sub3A_280 = vector.broadcast %sub3A_279 : f32 to vector<16xf32>
        %sub3A_281 = arith.subf %sub3A_280, %mul3A_278 : vector<16xf32>
        %mul3A_282 = arith.mulf %mul3A_273, %sub3A_281 : vector<16xf32>
        %swap3A_283 = arith.constant 0 : index
        %swap3A_284 = tpu.vector_load %arg18[%swap3A_283] {strides = array<i32>} : memref<32xf32, #tpu.memory_space<vmem>>, vector<16xf32>,
        tpu.vector_store %arg18[%swap3A_283], %mul3A_282 {strides = array<i32>} : memref<32xf32, #tpu.memory_space<vmem>>, vector<16xf32>,
        %mul3A_285 = arith.constant 32 : i32
        %mul3A_286 = arith.muli %scan3A_222, %mul3A_285 : i32
        %add3A_287 = arith.constant 16 : i32
        %add3A_288 = arith.addi %mul3A_286, %add3A_287 : i32
        %add3A_289 = vector.broadcast %add3A_288 : i32 to vector<16xi32>
        %add3A_290 = arith.addi %add3A_289, %iota3A : vector<16xi32>
        %mul3A_291 = arith.constant 0 : i32
        %mul3A_292 = vector.broadcast %mul3A_291 : i32 to vector<16xi32>
        %mul3A_293 = arith.muli %iota3A, %mul3A_292 : vector<16xi32>
        %gather3A_294 = tpu.vector_load_idx %arg17[%add3A_290, %mul3A_293] : memref<256x16xf32, #tpu.memory_space<vmem>>[vector<16xi32>, vector<16xi32>], vector<16xf32>,
        %add3A_295 = arith.constant 1.000000e-10 : f32
        %add3A_296 = vector.broadcast %add3A_295 : f32 to vector<16xf32>
        %add3A_297 = arith.addf %gather3A_294, %add3A_296 : vector<16xf32>
        %bitcast3A_298 = vector.bitcast %add3A_297 : vector<16xf32> to vector<16xi32>
        %shift_right_arithmetic3A_299 = arith.constant 1 : i32
        %shift_right_arithmetic3A_300 = vector.broadcast %shift_right_arithmetic3A_299 : i32 to vector<16xi32>
        %shift_right_arithmetic3A_301 = arith.shrsi %bitcast3A_298, %shift_right_arithmetic3A_300 : vector<16xi32>
        %sub3A_302 = arith.constant 1597463007 : i32
        %sub3A_303 = vector.broadcast %sub3A_302 : i32 to vector<16xi32>
        %sub3A_304 = arith.subi %sub3A_303, %shift_right_arithmetic3A_301 : vector<16xi32>
        %bitcast3A_305 = vector.bitcast %sub3A_304 : vector<16xi32> to vector<16xf32>
        %mul3A_306 = arith.constant 5.000000e-01 : f32
        %mul3A_307 = vector.broadcast %mul3A_306 : f32 to vector<16xf32>
        %mul3A_308 = arith.mulf %mul3A_307, %add3A_297 : vector<16xf32>
        %mul3A_309 = arith.mulf %mul3A_308, %bitcast3A_305 : vector<16xf32>
        %mul3A_310 = arith.mulf %mul3A_309, %bitcast3A_305 : vector<16xf32>
        %sub3A_311 = arith.constant 1.500000e+00 : f32
        %sub3A_312 = vector.broadcast %sub3A_311 : f32 to vector<16xf32>
        %sub3A_313 = arith.subf %sub3A_312, %mul3A_310 : vector<16xf32>
        %mul3A_314 = arith.mulf %bitcast3A_305, %sub3A_313 : vector<16xf32>
        %mul3A_315 = arith.constant 5.000000e-01 : f32
        %mul3A_316 = vector.broadcast %mul3A_315 : f32 to vector<16xf32>
        %mul3A_317 = arith.mulf %mul3A_316, %add3A_297 : vector<16xf32>
        %mul3A_318 = arith.mulf %mul3A_317, %mul3A_314 : vector<16xf32>
        %mul3A_319 = arith.mulf %mul3A_318, %mul3A_314 : vector<16xf32>
        %sub3A_320 = arith.constant 1.500000e+00 : f32
        %sub3A_321 = vector.broadcast %sub3A_320 : f32 to vector<16xf32>
        %sub3A_322 = arith.subf %sub3A_321, %mul3A_319 : vector<16xf32>
        %mul3A_323 = arith.mulf %mul3A_314, %sub3A_322 : vector<16xf32>
        %mul3A_324 = arith.constant 5.000000e-01 : f32
        %mul3A_325 = vector.broadcast %mul3A_324 : f32 to vector<16xf32>
        %mul3A_326 = arith.mulf %mul3A_325, %add3A_297 : vector<16xf32>
        %mul3A_327 = arith.mulf %mul3A_326, %mul3A_323 : vector<16xf32>
        %mul3A_328 = arith.mulf %mul3A_327, %mul3A_323 : vector<16xf32>
        %sub3A_329 = arith.constant 1.500000e+00 : f32
        %sub3A_330 = vector.broadcast %sub3A_329 : f32 to vector<16xf32>
        %sub3A_331 = arith.subf %sub3A_330, %mul3A_328 : vector<16xf32>
        %mul3A_332 = arith.mulf %mul3A_323, %sub3A_331 : vector<16xf32>
        %mul3A_333 = arith.constant 5.000000e-01 : f32
        %mul3A_334 = vector.broadcast %mul3A_333 : f32 to vector<16xf32>
        %mul3A_335 = arith.mulf %mul3A_334, %add3A_297 : vector<16xf32>
        %mul3A_336 = arith.mulf %mul3A_335, %mul3A_332 : vector<16xf32>
        %mul3A_337 = arith.mulf %mul3A_336, %mul3A_332 : vector<16xf32>
        %sub3A_338 = arith.constant 1.500000e+00 : f32
        %sub3A_339 = vector.broadcast %sub3A_338 : f32 to vector<16xf32>
        %sub3A_340 = arith.subf %sub3A_339, %mul3A_337 : vector<16xf32>
        %mul3A_341 = arith.mulf %mul3A_332, %sub3A_340 : vector<16xf32>
        %swap3A_342 = arith.constant 16 : index
        %swap3A_343 = tpu.vector_load %arg18[%swap3A_342] {strides = array<i32>} : memref<32xf32, #tpu.memory_space<vmem>>, vector<16xf32>,
        tpu.vector_store %arg18[%swap3A_342], %mul3A_341 {strides = array<i32>} : memref<32xf32, #tpu.memory_space<vmem>>, vector<16xf32>,
        %scan3A_344 = arith.constant 0 : i32
        %scan3A_345 = arith.constant 0 : i32
        %scan3A_346 = arith.constant 32 : i32
        %scan3A_347 = arith.addi %scan3A_345, %scan3A_346 : i32
        %scan3A_348 = arith.constant 1 : i32
        %scan3A_349 = scf.for %scan3A_352 = %scan3A_345 to %scan3A_347 step %scan3A_348 iter_args(%scan3A_353 = %scan3A_344) -> (i32)  : i32 {
          %broadcast_in_dim3A_354 = vector.broadcast %scan3A_352 : i32 to vector<16xi32>
          %gather3A_355 = tpu.vector_load_idx %arg18[%broadcast_in_dim3A_354] : memref<32xf32, #tpu.memory_space<vmem>>[vector<16xi32>], vector<16xf32>,
          %get3A = arith.index_cast %scan3A_352 : i32 to index
          %get3A_356 = arith.constant 0 : index
          %get3A_357 = tpu.vector_load %arg15[%get3A, %get3A_356] {strides = array<i32>} : memref<32x64xf32, #tpu.memory_space<vmem>>, vector<16xf32>,
          %mul3A_358 = arith.mulf %get3A_357, %gather3A_355 : vector<16xf32>
          %swap3A_359 = arith.index_cast %scan3A_352 : i32 to index
          %swap3A_360 = arith.constant 0 : index
          %swap3A_361 = tpu.vector_load %arg15[%swap3A_359, %swap3A_360] {strides = array<i32>} : memref<32x64xf32, #tpu.memory_space<vmem>>, vector<16xf32>,
          tpu.vector_store %arg15[%swap3A_359, %swap3A_360], %mul3A_358 {strides = array<i32>} : memref<32x64xf32, #tpu.memory_space<vmem>>, vector<16xf32>,
          %get3A_362 = arith.index_cast %scan3A_352 : i32 to index
          %get3A_363 = arith.constant 16 : index
          %get3A_364 = tpu.vector_load %arg15[%get3A_362, %get3A_363] {strides = array<i32>} : memref<32x64xf32, #tpu.memory_space<vmem>>, vector<16xf32>,
          %mul3A_365 = arith.mulf %get3A_364, %gather3A_355 : vector<16xf32>
          %swap3A_366 = arith.index_cast %scan3A_352 : i32 to index
          %swap3A_367 = arith.constant 16 : index
          %swap3A_368 = tpu.vector_load %arg15[%swap3A_366, %swap3A_367] {strides = array<i32>} : memref<32x64xf32, #tpu.memory_space<vmem>>, vector<16xf32>,
          tpu.vector_store %arg15[%swap3A_366, %swap3A_367], %mul3A_365 {strides = array<i32>} : memref<32x64xf32, #tpu.memory_space<vmem>>, vector<16xf32>,
          %get3A_369 = arith.index_cast %scan3A_352 : i32 to index
          %get3A_370 = arith.constant 32 : index
          %get3A_371 = tpu.vector_load %arg15[%get3A_369, %get3A_370] {strides = array<i32>} : memref<32x64xf32, #tpu.memory_space<vmem>>, vector<16xf32>,
          %mul3A_372 = arith.mulf %get3A_371, %gather3A_355 : vector<16xf32>
          %swap3A_373 = arith.index_cast %scan3A_352 : i32 to index
          %swap3A_374 = arith.constant 32 : index
          %swap3A_375 = tpu.vector_load %arg15[%swap3A_373, %swap3A_374] {strides = array<i32>} : memref<32x64xf32, #tpu.memory_space<vmem>>, vector<16xf32>,
          tpu.vector_store %arg15[%swap3A_373, %swap3A_374], %mul3A_372 {strides = array<i32>} : memref<32x64xf32, #tpu.memory_space<vmem>>, vector<16xf32>,
          %get3A_376 = arith.index_cast %scan3A_352 : i32 to index
          %get3A_377 = arith.constant 48 : index
          %get3A_378 = tpu.vector_load %arg15[%get3A_376, %get3A_377] {strides = array<i32>} : memref<32x64xf32, #tpu.memory_space<vmem>>, vector<16xf32>,
          %mul3A_379 = arith.mulf %get3A_378, %gather3A_355 : vector<16xf32>
          %swap3A_380 = arith.index_cast %scan3A_352 : i32 to index
          %swap3A_381 = arith.constant 48 : index
          %swap3A_382 = tpu.vector_load %arg15[%swap3A_380, %swap3A_381] {strides = array<i32>} : memref<32x64xf32, #tpu.memory_space<vmem>>, vector<16xf32>,
          tpu.vector_store %arg15[%swap3A_380, %swap3A_381], %mul3A_379 {strides = array<i32>} : memref<32x64xf32, #tpu.memory_space<vmem>>, vector<16xf32>,
          %scan3A_383 = arith.constant 0 : i32
          scf.yield %scan3A_383 : i32
        }
        %scan3A_350 = arith.constant 32 : i32
        "tpu.region"() ({
          %run_scoped3A_352 = tpu.sem_alloc : memref<!tpu.dma_semaphore, #tpu.memory_space<semaphore_mem>>
          %dma_start3A = arith.constant 192 : i32
          %dma_start3A_353 = tpu.memref_slice %arg6[%add3A_228, %dma_start3A] : memref<4096x256xf32, #tpu.memory_space<hbm>> -> memref<32x64xf32, #tpu.memory_space<hbm>>
          %dma_start3A_354 = arith.constant 192 : i32
          %dma_start3A_355 = tpu.memref_slice %arg6[%add3A_228, %dma_start3A_354] : memref<4096x256xf32, #tpu.memory_space<hbm>> -> memref<32x64xf32, #tpu.memory_space<hbm>>
          tpu.enqueue_dma source(%arg15 : memref<32x64xf32, #tpu.memory_space<vmem>>) target(%dma_start3A_355 : memref<32x64xf32, #tpu.memory_space<hbm>>) target_semaphore(%run_scoped3A_352 : memref<!tpu.dma_semaphore, #tpu.memory_space<semaphore_mem>>)
          %dma_wait3A = arith.constant 192 : i32
          %dma_wait3A_356 = tpu.memref_slice %arg6[%add3A_228, %dma_wait3A] : memref<4096x256xf32, #tpu.memory_space<hbm>> -> memref<32x64xf32, #tpu.memory_space<hbm>>
          %dma_wait3A_357 = arith.constant 192 : i32
          %dma_wait3A_358 = tpu.memref_slice %arg6[%add3A_228, %dma_wait3A_357] : memref<4096x256xf32, #tpu.memory_space<hbm>> -> memref<32x64xf32, #tpu.memory_space<hbm>>
          tpu.wait_dma2 semaphore(%run_scoped3A_352 : memref<!tpu.dma_semaphore, #tpu.memory_space<semaphore_mem>>) src(%arg15 : memref<32x64xf32, #tpu.memory_space<vmem>>) dst(%dma_wait3A_358 : memref<32x64xf32, #tpu.memory_space<hbm>>)
          tpu.yield
        }) : () -> ()
        %scan3A_351 = arith.constant 0 : i32
        scf.yield %scan3A_351 : i32
      }
      %scan3A_221 = arith.constant 8 : i32
    } else {
    }
    %scan3A_208 = arith.constant 0 : i32
    %scan3A_209 = arith.constant 0 : i32
    %scan3A_210 = arith.constant 16 : i32
    %scan3A_211 = arith.addi %scan3A_209, %scan3A_210 : i32
    %scan3A_212 = arith.constant 1 : i32
    %scan3A_213 = scf.for %scan3A_215 = %scan3A_209 to %scan3A_211 step %scan3A_212 iter_args(%scan3A_216 = %scan3A_208) -> (i32)  : i32 {
      %eq3A_217 = arith.constant 1 : i32
      %eq3A_218 = arith.cmpi eq, %arg0, %eq3A_217 : i32
      %convert_element_type3A_219 = arith.extui %eq3A_218 : i1 to i32
      %cond3A_220 = arith.constant 0 : i32
      %cond3A_221 = arith.cmpi ne, %convert_element_type3A_219, %cond3A_220 : i32
      scf.if %cond3A_221 {
        %mul3A_238 = arith.constant 10240 : i32
        %mul3A_239 = arith.muli %scan3A_215, %mul3A_238 : i32
        "tpu.region"() ({
          %run_scoped3A_245 = tpu.sem_alloc : memref<!tpu.dma_semaphore, #tpu.memory_space<semaphore_mem>>
          %dma_start3A = arith.constant 32768 : i32
          %dma_start3A_246 = tpu.memref_slice %arg11[%dma_start3A] : memref<63536xi32, #tpu.memory_space<vmem>> -> memref<10240xi32, #tpu.memory_space<vmem>>
          %dma_start3A_247 = tpu.memref_slice %arg10[%mul3A_239] : memref<163840xi32, #tpu.memory_space<hbm>> -> memref<10240xi32, #tpu.memory_space<hbm>>
          %dma_start3A_248 = arith.constant 32768 : i32
          %dma_start3A_249 = tpu.memref_slice %arg11[%dma_start3A_248] : memref<63536xi32, #tpu.memory_space<vmem>> -> memref<10240xi32, #tpu.memory_space<vmem>>
          %dma_start3A_250 = tpu.memref_slice %arg10[%mul3A_239] : memref<163840xi32, #tpu.memory_space<hbm>> -> memref<10240xi32, #tpu.memory_space<hbm>>
          tpu.enqueue_dma source(%dma_start3A_250 : memref<10240xi32, #tpu.memory_space<hbm>>) target(%dma_start3A_249 : memref<10240xi32, #tpu.memory_space<vmem>>) target_semaphore(%run_scoped3A_245 : memref<!tpu.dma_semaphore, #tpu.memory_space<semaphore_mem>>)
          %dma_wait3A = arith.constant 32768 : i32
          %dma_wait3A_251 = tpu.memref_slice %arg11[%dma_wait3A] : memref<63536xi32, #tpu.memory_space<vmem>> -> memref<10240xi32, #tpu.memory_space<vmem>>
          %dma_wait3A_252 = tpu.memref_slice %arg10[%mul3A_239] : memref<163840xi32, #tpu.memory_space<hbm>> -> memref<10240xi32, #tpu.memory_space<hbm>>
          %dma_wait3A_253 = arith.constant 32768 : i32
          %dma_wait3A_254 = tpu.memref_slice %arg11[%dma_wait3A_253] : memref<63536xi32, #tpu.memory_space<vmem>> -> memref<10240xi32, #tpu.memory_space<vmem>>
          %dma_wait3A_255 = tpu.memref_slice %arg10[%mul3A_239] : memref<163840xi32, #tpu.memory_space<hbm>> -> memref<10240xi32, #tpu.memory_space<hbm>>
          tpu.wait_dma2 semaphore(%run_scoped3A_245 : memref<!tpu.dma_semaphore, #tpu.memory_space<semaphore_mem>>) src(%dma_wait3A_255 : memref<10240xi32, #tpu.memory_space<hbm>>) dst(%dma_wait3A_254 : memref<10240xi32, #tpu.memory_space<vmem>>)
          tpu.yield
        }) : () -> ()
        %eq3A_240 = arith.constant 0 : i32
        %eq3A_241 = arith.cmpi eq, %arg1, %eq3A_240 : i32
        %convert_element_type3A_242 = arith.extui %eq3A_241 : i1 to i32
        %cond3A_243 = arith.constant 0 : i32
        %cond3A_244 = arith.cmpi ne, %convert_element_type3A_242, %cond3A_243 : i32
        scf.if %cond3A_244 {
          "tpu.region"() ({
            %run_scoped3A_245 = tpu.sem_alloc : memref<!tpu.dma_semaphore, #tpu.memory_space<semaphore_mem>>
            tpu.enqueue_dma source(%arg19 : memref<10x1024xf32, #tpu.memory_space<vmem>>) target(%arg25 : memref<10x1024xf32, #tpu.memory_space<vmem_shared>>) target_semaphore(%run_scoped3A_245 : memref<!tpu.dma_semaphore, #tpu.memory_space<semaphore_mem>>)
            tpu.wait_dma2 semaphore(%run_scoped3A_245 : memref<!tpu.dma_semaphore, #tpu.memory_space<semaphore_mem>>) src(%arg19 : memref<10x1024xf32, #tpu.memory_space<vmem>>) dst(%arg25 : memref<10x1024xf32, #tpu.memory_space<vmem_shared>>)
            tpu.yield
          }) : () -> ()
        } else {
        }
      } else {
      }
      %barrier3A_222 = arith.constant 0 : index
      tpu.barrier barrier_id(%barrier3A_222)
      %eq3A_223 = arith.constant 1 : i32
      %eq3A_224 = arith.cmpi eq, %arg0, %eq3A_223 : i32
      %convert_element_type3A_225 = arith.extui %eq3A_224 : i1 to i32
      %cond3A_226 = arith.constant 0 : i32
      %cond3A_227 = arith.cmpi ne, %convert_element_type3A_225, %cond3A_226 : i32
      scf.if %cond3A_227 {
        %scan3A_238 = arith.constant 0 : i32
        %scan3A_239 = arith.constant 0 : i32
        %scan3A_240 = arith.constant 640 : i32
        %scan3A_241 = arith.addi %scan3A_239, %scan3A_240 : i32
        %scan3A_242 = arith.constant 1 : i32
        %scan3A_243 = scf.for %scan3A_284 = %scan3A_239 to %scan3A_241 step %scan3A_242 iter_args(%scan3A_285 = %scan3A_238) -> (i32)  : i32 {
          %mul3A_286 = arith.constant 16 : i32
          %mul3A_287 = arith.muli %scan3A_284, %mul3A_286 : i32
          %add3A_288 = arith.constant 32768 : i32
          %add3A_289 = arith.addi %add3A_288, %mul3A_287 : i32
          %get3A = arith.index_cast %add3A_289 : i32 to index
          %get3A_290 = tpu.vector_load %arg11[%get3A] {strides = array<i32>} : memref<63536xi32, #tpu.memory_space<vmem>>, vector<16xi32>,
          %and3A_291 = arith.constant 15 : i32
          %and3A_292 = vector.broadcast %and3A_291 : i32 to vector<16xi32>
          %and3A_293 = arith.andi %get3A_290, %and3A_292 : vector<16xi32>
          %eq3A_294 = vector.broadcast %arg1 : i32 to vector<16xi32>
          %eq3A_295 = arith.cmpi eq, %and3A_293, %eq3A_294 : vector<16xi32>
          %mul3A_296 = arith.constant 16 : i32
          %mul3A_297 = arith.muli %scan3A_284, %mul3A_296 : i32
          %add3A_298 = vector.broadcast %mul3A_297 : i32 to vector<16xi32>
          %add3A_299 = arith.addi %add3A_298, %iota3A : vector<16xi32>
          %add3A_300 = arith.constant 43008 : i32
          %add3A_301 = arith.addi %add3A_300, %scan3A_285 : i32
          %swap3A_302 = arith.index_cast %add3A_301 : i32 to index
          %swap3A_303 = tpu.vector_load %arg11[%swap3A_302] masked %eq3A_295 {strides = array<i32>} : memref<63536xi32, #tpu.memory_space<vmem>>, vector<16xi32>, vector<16xi1>
          tpu.vector_store %arg11[%swap3A_302], %add3A_299 masked %eq3A_295 {strides = array<i32>} : memref<63536xi32, #tpu.memory_space<vmem>>, vector<16xi32>, vector<16xi1>
          %add3A_304 = arith.constant 53264 : i32
          %add3A_305 = arith.addi %add3A_304, %scan3A_285 : i32
          %swap3A_306 = arith.index_cast %add3A_305 : i32 to index
          %swap3A_307 = tpu.vector_load %arg11[%swap3A_306] masked %eq3A_295 {strides = array<i32>} : memref<63536xi32, #tpu.memory_space<vmem>>, vector<16xi32>, vector<16xi1>
          tpu.vector_store %arg11[%swap3A_306], %get3A_290 masked %eq3A_295 {strides = array<i32>} : memref<63536xi32, #tpu.memory_space<vmem>>, vector<16xi32>, vector<16xi1>
          %all_reduce_population_count3A = tpu.all_reduce %eq3A_295 {dim = 0 : i64, kind = #tpu.reduction_kind<sum>} : vector<16xi1> -> vector<16xi32>
          %slice3A = vector.extract_strided_slice %all_reduce_population_count3A {offsets = [0], sizes = [1], strides = [1]} : vector<16xi32> to vector<1xi32>
          %squeeze3A = vector.extract %slice3A[0] : i32 from vector<1xi32>
          %add3A_308 = arith.addi %scan3A_285, %squeeze3A : i32
          scf.yield %add3A_308 : i32
        }
        %scan3A_244 = arith.constant 640 : i32
        %eq3A_245 = arith.constant 0 : i32
        %eq3A_246 = vector.broadcast %eq3A_245 : i32 to vector<16xi32>
        %eq3A_247 = arith.cmpi eq, %iota3A, %eq3A_246 : vector<16xi32>
        %broadcast_in_dim3A_248 = arith.constant 0 : i32
        %broadcast_in_dim3A_249 = vector.broadcast %broadcast_in_dim3A_248 : i32 to vector<16xi32>
        %add3A_250 = arith.constant 43008 : i32
        %add3A_251 = arith.addi %add3A_250, %scan3A_243 : i32
        %swap3A_252 = arith.index_cast %add3A_251 : i32 to index
        %swap3A_253 = tpu.vector_load %arg11[%swap3A_252] {strides = array<i32>} : memref<63536xi32, #tpu.memory_space<vmem>>, vector<16xi32>,
        tpu.vector_store %arg11[%swap3A_252], %broadcast_in_dim3A_249 {strides = array<i32>} : memref<63536xi32, #tpu.memory_space<vmem>>, vector<16xi32>,
        %add3A_254 = arith.constant 53264 : i32
        %add3A_255 = arith.addi %add3A_254, %scan3A_243 : i32
        %swap3A_256 = arith.index_cast %add3A_255 : i32 to index
        %swap3A_257 = tpu.vector_load %arg11[%swap3A_256] {strides = array<i32>} : memref<63536xi32, #tpu.memory_space<vmem>>, vector<16xi32>,
        tpu.vector_store %arg11[%swap3A_256], %broadcast_in_dim3A_249 {strides = array<i32>} : memref<63536xi32, #tpu.memory_space<vmem>>, vector<16xi32>,
        %add3A_258 = arith.constant 15 : i32
        %add3A_259 = arith.addi %scan3A_243, %add3A_258 : i32
        %shift_right_arithmetic3A = arith.constant 4 : i32
        %shift_right_arithmetic3A_260 = arith.shrsi %add3A_259, %shift_right_arithmetic3A : i32
        %while3A = arith.constant 0 : i32
        %while3A_261 = arith.constant 0 : i32
        %while3A_262 = arith.subi %shift_right_arithmetic3A_260, %while3A : i32
        %while3A_263 = arith.addi %while3A, %while3A_262 : i32
        %while3A_264 = arith.constant 1 : i32
        %while3A_265 = arith.divsi %while3A_262, %while3A_264 : i32
        %while3A_266 = arith.muli %while3A_265, %while3A_264 : i32
        %while3A_267 = arith.addi %while3A, %while3A_266 : i32
        %while3A_268 = arith.constant 1 : i32
        %while3A_269 = scf.for %while3A_284 = %while3A to %while3A_267 step %while3A_268 iter_args(%while3A_285 = %while3A_261) -> (i32)  : i32 {
          %mul3A_286 = arith.constant 16 : i32
          %mul3A_287 = arith.muli %while3A_284, %mul3A_286 : i32
          %add3A_288 = vector.broadcast %mul3A_287 : i32 to vector<16xi32>
          %add3A_289 = arith.addi %add3A_288, %iota3A : vector<16xi32>
          %lt3A = vector.broadcast %scan3A_243 : i32 to vector<16xi32>
          %lt3A_290 = arith.cmpi slt, %add3A_289, %lt3A : vector<16xi32>
          %add3A_291 = arith.constant 53264 : i32
          %add3A_292 = arith.addi %add3A_291, %mul3A_287 : i32
          %get3A = arith.index_cast %add3A_292 : i32 to index
          %get3A_293 = tpu.vector_load %arg11[%get3A] {strides = array<i32>} : memref<63536xi32, #tpu.memory_space<vmem>>, vector<16xi32>,
          %add3A_294 = arith.constant 43008 : i32
          %add3A_295 = arith.addi %add3A_294, %mul3A_287 : i32
          %get3A_296 = arith.index_cast %add3A_295 : i32 to index
          %get3A_297 = tpu.vector_load %arg11[%get3A_296] {strides = array<i32>} : memref<63536xi32, #tpu.memory_space<vmem>>, vector<16xi32>,
          %shift_right_arithmetic3A_298 = arith.constant 12 : i32
          %shift_right_arithmetic3A_299 = vector.broadcast %shift_right_arithmetic3A_298 : i32 to vector<16xi32>
          %shift_right_arithmetic3A_300 = arith.shrsi %get3A_293, %shift_right_arithmetic3A_299 : vector<16xi32>
          %and3A_301 = arith.constant 4095 : i32
          %and3A_302 = vector.broadcast %and3A_301 : i32 to vector<16xi32>
          %and3A_303 = arith.andi %get3A_293, %and3A_302 : vector<16xi32>
          %ne3A = arith.cmpi ne, %shift_right_arithmetic3A_300, %and3A_303 : vector<16xi32>
          %and3A_304 = arith.andi %ne3A, %lt3A_290 : vector<16xi1>
          %shift_right_arithmetic3A_305 = arith.constant 4 : i32
          %shift_right_arithmetic3A_306 = vector.broadcast %shift_right_arithmetic3A_305 : i32 to vector<16xi32>
          %shift_right_arithmetic3A_307 = arith.shrsi %get3A_293, %shift_right_arithmetic3A_306 : vector<16xi32>
          %shift_right_arithmetic3A_308 = arith.constant 5 : i32
          %shift_right_arithmetic3A_309 = vector.broadcast %shift_right_arithmetic3A_308 : i32 to vector<16xi32>
          %shift_right_arithmetic3A_310 = arith.shrsi %shift_right_arithmetic3A_307, %shift_right_arithmetic3A_309 : vector<16xi32>
          %and3A_311 = arith.constant 31 : i32
          %and3A_312 = vector.broadcast %and3A_311 : i32 to vector<16xi32>
          %and3A_313 = arith.andi %shift_right_arithmetic3A_307, %and3A_312 : vector<16xi32>
          %shift_left3A = arith.constant 1 : i32
          %shift_left3A_314 = vector.broadcast %shift_left3A : i32 to vector<16xi32>
          %shift_left3A_315 = arith.shli %shift_left3A_314, %and3A_313 : vector<16xi32>
          %broadcast_in_dim3A_316 = arith.constant true
          %broadcast_in_dim3A_317 = vector.broadcast %broadcast_in_dim3A_316 : i1 to vector<16xi1>
          %unique3A, %unique3A_318 = tpu.scan_count mask(%broadcast_in_dim3A_317 : vector<16xi1>) value(%shift_right_arithmetic3A_310 : vector<16xi32>) : vector<16xi1>, vector<16xi32>
          %reduce_max3A_319 = arith.constant true
          %reduce_max3A_320 = vector.broadcast %reduce_max3A_319 : i1 to vector<16xi1>
          %reduce_max3A_321 = arith.constant -2147483648 : i32
          %reduce_max3A_322 = vector.broadcast %reduce_max3A_321 : i32 to vector<16xi32>
          %reduce_max3A_323 = arith.xori %unique3A_318, %reduce_max3A_322 : vector<16xi32>
          %reduce_max3A_324 = tpu.scan <max>, %reduce_max3A_323 masked %reduce_max3A_320 : vector<16xi32>, vector<16xi1> -> vector<16xi32>
          %reduce_max3A_325 = arith.xori %reduce_max3A_324, %reduce_max3A_322 : vector<16xi32>
          %reduce_max3A_326 = vector.extract %reduce_max3A_325[15] : i32 from vector<16xi32>
          %reduce_min3A_327 = arith.constant true
          %reduce_min3A_328 = vector.broadcast %reduce_min3A_327 : i1 to vector<16xi1>
          %reduce_min3A_329 = arith.constant -2147483648 : i32
          %reduce_min3A_330 = vector.broadcast %reduce_min3A_329 : i32 to vector<16xi32>
          %reduce_min3A_331 = arith.xori %unique3A_318, %reduce_min3A_330 : vector<16xi32>
          %reduce_min3A_332 = tpu.scan <min>, %reduce_min3A_331 masked %reduce_min3A_328 : vector<16xi32>, vector<16xi1> -> vector<16xi32>
          %reduce_min3A_333 = arith.xori %reduce_min3A_332, %reduce_min3A_330 : vector<16xi32>
          %reduce_min3A_334 = vector.extract %reduce_min3A_333[15] : i32 from vector<16xi32>
          %eq3A_335 = arith.cmpi eq, %reduce_max3A_326, %reduce_min3A_334 : i32
          %convert_element_type3A_336 = arith.extui %eq3A_335 : i1 to i32
          %cond3A_337 = arith.constant 0 : i32
          %cond3A_338 = arith.cmpi ne, %convert_element_type3A_336, %cond3A_337 : i32
          scf.if %cond3A_338 {
            %add3A_344 = arith.constant 0 : i32
            %add3A_345 = vector.broadcast %add3A_344 : i32 to vector<16xi32>
            %add3A_346 = arith.addi %shift_right_arithmetic3A_310, %add3A_345 : vector<16xi32>
            %gather3A = tpu.vector_load_idx %arg11[%add3A_346] : memref<63536xi32, #tpu.memory_space<vmem>>[vector<16xi32>], vector<16xi32>,
            %and3A_347 = arith.andi %gather3A, %shift_left3A_315 : vector<16xi32>
            %eq3A_348 = arith.constant 0 : i32
            %eq3A_349 = vector.broadcast %eq3A_348 : i32 to vector<16xi32>
            %eq3A_350 = arith.cmpi eq, %and3A_347, %eq3A_349 : vector<16xi32>
            %and3A_351 = arith.andi %eq3A_350, %and3A_304 : vector<16xi1>
            %jit3A = arith.constant 0 : i32
            %broadcast_in_dim3A_352 = vector.broadcast %jit3A : i32 to vector<16xi32>
            %select_n3A = arith.select %and3A_304, %shift_left3A_315, %broadcast_in_dim3A_352 : vector<16xi1>, vector<16xi32>
            %or3A = arith.ori %gather3A, %select_n3A : vector<16xi32>
            %add3A_353 = arith.constant 0 : i32
            %add3A_354 = vector.broadcast %add3A_353 : i32 to vector<16xi32>
            %add3A_355 = arith.addi %shift_right_arithmetic3A_310, %add3A_354 : vector<16xi32>
            tpu.vector_store_idx %arg11[%add3A_355], %or3A masked %lt3A_290 : memref<63536xi32, #tpu.memory_space<vmem>>[vector<16xi32>], vector<16xi32>, vector<16xi1>
            %shift_right_arithmetic3A_356 = arith.constant 10 : i32
            %shift_right_arithmetic3A_357 = vector.broadcast %shift_right_arithmetic3A_356 : i32 to vector<16xi32>
            %shift_right_arithmetic3A_358 = arith.shrsi %get3A_297, %shift_right_arithmetic3A_357 : vector<16xi32>
            %and3A_359 = arith.constant 1023 : i32
            %and3A_360 = vector.broadcast %and3A_359 : i32 to vector<16xi32>
            %and3A_361 = arith.andi %get3A_297, %and3A_360 : vector<16xi32>
            %jit3A_362 = arith.constant 1.000000e+00 : f32
            %jit3A_363 = arith.constant 0.000000e+00 : f32
            %broadcast_in_dim3A_364 = vector.broadcast %jit3A_362 : f32 to vector<16xf32>
            %broadcast_in_dim3A_365 = vector.broadcast %jit3A_363 : f32 to vector<16xf32>
            %select_n3A_366 = arith.select %and3A_351, %broadcast_in_dim3A_364, %broadcast_in_dim3A_365 : vector<16xi1>, vector<16xf32>
            tpu.vector_store_idx %arg19[%shift_right_arithmetic3A_358, %and3A_361], %select_n3A_366 masked %lt3A_290 : memref<10x1024xf32, #tpu.memory_space<vmem>>[vector<16xi32>, vector<16xi32>], vector<16xf32>, vector<16xi1>
          } else {
          }
          %not3A = arith.constant true
          %not3A_339 = arith.xori %eq3A_335, %not3A : i1
          %convert_element_type3A_340 = arith.extui %not3A_339 : i1 to i32
          %cond3A_341 = arith.constant 0 : i32
          %cond3A_342 = arith.cmpi ne, %convert_element_type3A_340, %cond3A_341 : i32
          scf.if %cond3A_342 {
            %sub3A_344 = arith.subi %scan3A_243, %mul3A_287 : i32
            %min3A = arith.constant 16 : i32
            %min3A_345 = arith.minsi %sub3A_344, %min3A : i32
            %while3A_346 = arith.constant 0 : i32
            %while3A_347 = arith.constant 0 : i32
            %while3A_348 = arith.subi %min3A_345, %while3A_346 : i32
            %while3A_349 = arith.addi %while3A_346, %while3A_348 : i32
            %while3A_350 = arith.constant 1 : i32
            %while3A_351 = arith.divsi %while3A_348, %while3A_350 : i32
            %while3A_352 = arith.muli %while3A_351, %while3A_350 : i32
            %while3A_353 = arith.addi %while3A_346, %while3A_352 : i32
            %while3A_354 = arith.constant 1 : i32
            %while3A_355 = scf.for %while3A_358 = %while3A_346 to %while3A_353 step %while3A_354 iter_args(%while3A_359 = %while3A_347) -> (i32)  : i32 {
              %add3A_360 = arith.addi %mul3A_287, %while3A_358 : i32
              %broadcast_in_dim3A_361 = vector.broadcast %add3A_360 : i32 to vector<16xi32>
              %add3A_362 = arith.constant 53264 : i32
              %add3A_363 = vector.broadcast %add3A_362 : i32 to vector<16xi32>
              %add3A_364 = arith.addi %broadcast_in_dim3A_361, %add3A_363 : vector<16xi32>
              %gather3A = tpu.vector_load_idx %arg11[%add3A_364] : memref<63536xi32, #tpu.memory_space<vmem>>[vector<16xi32>], vector<16xi32>,
              %shift_right_arithmetic3A_365 = arith.constant 12 : i32
              %shift_right_arithmetic3A_366 = vector.broadcast %shift_right_arithmetic3A_365 : i32 to vector<16xi32>
              %shift_right_arithmetic3A_367 = arith.shrsi %gather3A, %shift_right_arithmetic3A_366 : vector<16xi32>
              %and3A_368 = arith.constant 4095 : i32
              %and3A_369 = vector.broadcast %and3A_368 : i32 to vector<16xi32>
              %and3A_370 = arith.andi %gather3A, %and3A_369 : vector<16xi32>
              %ne3A_371 = arith.cmpi ne, %shift_right_arithmetic3A_367, %and3A_370 : vector<16xi32>
              %shift_right_arithmetic3A_372 = arith.constant 4 : i32
              %shift_right_arithmetic3A_373 = vector.broadcast %shift_right_arithmetic3A_372 : i32 to vector<16xi32>
              %shift_right_arithmetic3A_374 = arith.shrsi %gather3A, %shift_right_arithmetic3A_373 : vector<16xi32>
              %shift_right_arithmetic3A_375 = arith.constant 5 : i32
              %shift_right_arithmetic3A_376 = vector.broadcast %shift_right_arithmetic3A_375 : i32 to vector<16xi32>
              %shift_right_arithmetic3A_377 = arith.shrsi %shift_right_arithmetic3A_374, %shift_right_arithmetic3A_376 : vector<16xi32>
              %and3A_378 = arith.constant 31 : i32
              %and3A_379 = vector.broadcast %and3A_378 : i32 to vector<16xi32>
              %and3A_380 = arith.andi %shift_right_arithmetic3A_374, %and3A_379 : vector<16xi32>
              %shift_left3A_381 = arith.constant 1 : i32
              %shift_left3A_382 = vector.broadcast %shift_left3A_381 : i32 to vector<16xi32>
              %shift_left3A_383 = arith.shli %shift_left3A_382, %and3A_380 : vector<16xi32>
              %add3A_384 = arith.constant 0 : i32
              %add3A_385 = vector.broadcast %add3A_384 : i32 to vector<16xi32>
              %add3A_386 = arith.addi %shift_right_arithmetic3A_377, %add3A_385 : vector<16xi32>
              %gather3A_387 = tpu.vector_load_idx %arg11[%add3A_386] : memref<63536xi32, #tpu.memory_space<vmem>>[vector<16xi32>], vector<16xi32>,
              %and3A_388 = arith.andi %gather3A_387, %shift_left3A_383 : vector<16xi32>
              %eq3A_389 = arith.constant 0 : i32
              %eq3A_390 = vector.broadcast %eq3A_389 : i32 to vector<16xi32>
              %eq3A_391 = arith.cmpi eq, %and3A_388, %eq3A_390 : vector<16xi32>
              %and3A_392 = arith.andi %ne3A_371, %eq3A_391 : vector<16xi1>
              %add3A_393 = arith.constant 0 : i32
              %add3A_394 = vector.broadcast %add3A_393 : i32 to vector<16xi32>
              %add3A_395 = arith.addi %shift_right_arithmetic3A_377, %add3A_394 : vector<16xi32>
              %jit3A = arith.constant 0 : i32
              %broadcast_in_dim3A_396 = vector.broadcast %jit3A : i32 to vector<16xi32>
              %select_n3A = arith.select %ne3A_371, %shift_left3A_383, %broadcast_in_dim3A_396 : vector<16xi1>, vector<16xi32>
              %or3A = arith.ori %gather3A_387, %select_n3A : vector<16xi32>
              tpu.vector_store_idx %arg11[%add3A_395], %or3A masked %eq3A_247 : memref<63536xi32, #tpu.memory_space<vmem>>[vector<16xi32>], vector<16xi32>, vector<16xi1>
              %add3A_397 = arith.constant 43008 : i32
              %add3A_398 = vector.broadcast %add3A_397 : i32 to vector<16xi32>
              %add3A_399 = arith.addi %broadcast_in_dim3A_361, %add3A_398 : vector<16xi32>
              %gather3A_400 = tpu.vector_load_idx %arg11[%add3A_399] : memref<63536xi32, #tpu.memory_space<vmem>>[vector<16xi32>], vector<16xi32>,
              %shift_right_arithmetic3A_401 = arith.constant 10 : i32
              %shift_right_arithmetic3A_402 = vector.broadcast %shift_right_arithmetic3A_401 : i32 to vector<16xi32>
              %shift_right_arithmetic3A_403 = arith.shrsi %gather3A_400, %shift_right_arithmetic3A_402 : vector<16xi32>
              %and3A_404 = arith.constant 1023 : i32
              %and3A_405 = vector.broadcast %and3A_404 : i32 to vector<16xi32>
              %and3A_406 = arith.andi %gather3A_400, %and3A_405 : vector<16xi32>
              %jit3A_407 = arith.constant 1.000000e+00 : f32
              %jit3A_408 = arith.constant 0.000000e+00 : f32
              %broadcast_in_dim3A_409 = vector.broadcast %jit3A_407 : f32 to vector<16xf32>
              %broadcast_in_dim3A_410 = vector.broadcast %jit3A_408 : f32 to vector<16xf32>
              %select_n3A_411 = arith.select %and3A_392, %broadcast_in_dim3A_409, %broadcast_in_dim3A_410 : vector<16xi1>, vector<16xf32>
              tpu.vector_store_idx %arg19[%shift_right_arithmetic3A_403, %and3A_406], %select_n3A_411 masked %eq3A_247 : memref<10x1024xf32, #tpu.memory_space<vmem>>[vector<16xi32>, vector<16xi32>], vector<16xf32>, vector<16xi1>
              %while3A_412 = arith.constant 0 : i32
              scf.yield %while3A_412 : i32
            }
            %while3A_356 = arith.constant 1 : i32
            %while3A_357 = scf.for %while3A_358 = %while3A_353 to %while3A_349 step %while3A_356 iter_args(%while3A_359 = %while3A_355) -> (i32)  : i32 {
              %add3A_360 = arith.addi %mul3A_287, %while3A_358 : i32
              %broadcast_in_dim3A_361 = vector.broadcast %add3A_360 : i32 to vector<16xi32>
              %add3A_362 = arith.constant 53264 : i32
              %add3A_363 = vector.broadcast %add3A_362 : i32 to vector<16xi32>
              %add3A_364 = arith.addi %broadcast_in_dim3A_361, %add3A_363 : vector<16xi32>
              %gather3A = tpu.vector_load_idx %arg11[%add3A_364] : memref<63536xi32, #tpu.memory_space<vmem>>[vector<16xi32>], vector<16xi32>,
              %shift_right_arithmetic3A_365 = arith.constant 12 : i32
              %shift_right_arithmetic3A_366 = vector.broadcast %shift_right_arithmetic3A_365 : i32 to vector<16xi32>
              %shift_right_arithmetic3A_367 = arith.shrsi %gather3A, %shift_right_arithmetic3A_366 : vector<16xi32>
              %and3A_368 = arith.constant 4095 : i32
              %and3A_369 = vector.broadcast %and3A_368 : i32 to vector<16xi32>
              %and3A_370 = arith.andi %gather3A, %and3A_369 : vector<16xi32>
              %ne3A_371 = arith.cmpi ne, %shift_right_arithmetic3A_367, %and3A_370 : vector<16xi32>
              %shift_right_arithmetic3A_372 = arith.constant 4 : i32
              %shift_right_arithmetic3A_373 = vector.broadcast %shift_right_arithmetic3A_372 : i32 to vector<16xi32>
              %shift_right_arithmetic3A_374 = arith.shrsi %gather3A, %shift_right_arithmetic3A_373 : vector<16xi32>
              %shift_right_arithmetic3A_375 = arith.constant 5 : i32
              %shift_right_arithmetic3A_376 = vector.broadcast %shift_right_arithmetic3A_375 : i32 to vector<16xi32>
              %shift_right_arithmetic3A_377 = arith.shrsi %shift_right_arithmetic3A_374, %shift_right_arithmetic3A_376 : vector<16xi32>
              %and3A_378 = arith.constant 31 : i32
              %and3A_379 = vector.broadcast %and3A_378 : i32 to vector<16xi32>
              %and3A_380 = arith.andi %shift_right_arithmetic3A_374, %and3A_379 : vector<16xi32>
              %shift_left3A_381 = arith.constant 1 : i32
              %shift_left3A_382 = vector.broadcast %shift_left3A_381 : i32 to vector<16xi32>
              %shift_left3A_383 = arith.shli %shift_left3A_382, %and3A_380 : vector<16xi32>
              %add3A_384 = arith.constant 0 : i32
              %add3A_385 = vector.broadcast %add3A_384 : i32 to vector<16xi32>
              %add3A_386 = arith.addi %shift_right_arithmetic3A_377, %add3A_385 : vector<16xi32>
              %gather3A_387 = tpu.vector_load_idx %arg11[%add3A_386] : memref<63536xi32, #tpu.memory_space<vmem>>[vector<16xi32>], vector<16xi32>,
              %and3A_388 = arith.andi %gather3A_387, %shift_left3A_383 : vector<16xi32>
              %eq3A_389 = arith.constant 0 : i32
              %eq3A_390 = vector.broadcast %eq3A_389 : i32 to vector<16xi32>
              %eq3A_391 = arith.cmpi eq, %and3A_388, %eq3A_390 : vector<16xi32>
              %and3A_392 = arith.andi %ne3A_371, %eq3A_391 : vector<16xi1>
              %add3A_393 = arith.constant 0 : i32
              %add3A_394 = vector.broadcast %add3A_393 : i32 to vector<16xi32>
              %add3A_395 = arith.addi %shift_right_arithmetic3A_377, %add3A_394 : vector<16xi32>
              %jit3A = arith.constant 0 : i32
              %broadcast_in_dim3A_396 = vector.broadcast %jit3A : i32 to vector<16xi32>
              %select_n3A = arith.select %ne3A_371, %shift_left3A_383, %broadcast_in_dim3A_396 : vector<16xi1>, vector<16xi32>
              %or3A = arith.ori %gather3A_387, %select_n3A : vector<16xi32>
              tpu.vector_store_idx %arg11[%add3A_395], %or3A masked %eq3A_247 : memref<63536xi32, #tpu.memory_space<vmem>>[vector<16xi32>], vector<16xi32>, vector<16xi1>
              %add3A_397 = arith.constant 43008 : i32
              %add3A_398 = vector.broadcast %add3A_397 : i32 to vector<16xi32>
              %add3A_399 = arith.addi %broadcast_in_dim3A_361, %add3A_398 : vector<16xi32>
              %gather3A_400 = tpu.vector_load_idx %arg11[%add3A_399] : memref<63536xi32, #tpu.memory_space<vmem>>[vector<16xi32>], vector<16xi32>,
              %shift_right_arithmetic3A_401 = arith.constant 10 : i32
              %shift_right_arithmetic3A_402 = vector.broadcast %shift_right_arithmetic3A_401 : i32 to vector<16xi32>
              %shift_right_arithmetic3A_403 = arith.shrsi %gather3A_400, %shift_right_arithmetic3A_402 : vector<16xi32>
              %and3A_404 = arith.constant 1023 : i32
              %and3A_405 = vector.broadcast %and3A_404 : i32 to vector<16xi32>
              %and3A_406 = arith.andi %gather3A_400, %and3A_405 : vector<16xi32>
              %jit3A_407 = arith.constant 1.000000e+00 : f32
              %jit3A_408 = arith.constant 0.000000e+00 : f32
              %broadcast_in_dim3A_409 = vector.broadcast %jit3A_407 : f32 to vector<16xf32>
              %broadcast_in_dim3A_410 = vector.broadcast %jit3A_408 : f32 to vector<16xf32>
              %select_n3A_411 = arith.select %and3A_392, %broadcast_in_dim3A_409, %broadcast_in_dim3A_410 : vector<16xi1>, vector<16xf32>
              tpu.vector_store_idx %arg19[%shift_right_arithmetic3A_403, %and3A_406], %select_n3A_411 masked %eq3A_247 : memref<10x1024xf32, #tpu.memory_space<vmem>>[vector<16xi32>, vector<16xi32>], vector<16xf32>, vector<16xi1>
              %while3A_412 = arith.constant 0 : i32
              scf.yield %while3A_412 : i32
            }
          } else {
          }
          %while3A_343 = arith.constant 0 : i32
          scf.yield %while3A_343 : i32
        }
        %while3A_270 = arith.constant 1 : i32
        %while3A_271 = scf.for %while3A_284 = %while3A_267 to %while3A_263 step %while3A_270 iter_args(%while3A_285 = %while3A_269) -> (i32)  : i32 {
          %mul3A_286 = arith.constant 16 : i32
          %mul3A_287 = arith.muli %while3A_284, %mul3A_286 : i32
          %add3A_288 = vector.broadcast %mul3A_287 : i32 to vector<16xi32>
          %add3A_289 = arith.addi %add3A_288, %iota3A : vector<16xi32>
          %lt3A = vector.broadcast %scan3A_243 : i32 to vector<16xi32>
          %lt3A_290 = arith.cmpi slt, %add3A_289, %lt3A : vector<16xi32>
          %add3A_291 = arith.constant 53264 : i32
          %add3A_292 = arith.addi %add3A_291, %mul3A_287 : i32
          %get3A = arith.index_cast %add3A_292 : i32 to index
          %get3A_293 = tpu.vector_load %arg11[%get3A] {strides = array<i32>} : memref<63536xi32, #tpu.memory_space<vmem>>, vector<16xi32>,
          %add3A_294 = arith.constant 43008 : i32
          %add3A_295 = arith.addi %add3A_294, %mul3A_287 : i32
          %get3A_296 = arith.index_cast %add3A_295 : i32 to index
          %get3A_297 = tpu.vector_load %arg11[%get3A_296] {strides = array<i32>} : memref<63536xi32, #tpu.memory_space<vmem>>, vector<16xi32>,
          %shift_right_arithmetic3A_298 = arith.constant 12 : i32
          %shift_right_arithmetic3A_299 = vector.broadcast %shift_right_arithmetic3A_298 : i32 to vector<16xi32>
          %shift_right_arithmetic3A_300 = arith.shrsi %get3A_293, %shift_right_arithmetic3A_299 : vector<16xi32>
          %and3A_301 = arith.constant 4095 : i32
          %and3A_302 = vector.broadcast %and3A_301 : i32 to vector<16xi32>
          %and3A_303 = arith.andi %get3A_293, %and3A_302 : vector<16xi32>
          %ne3A = arith.cmpi ne, %shift_right_arithmetic3A_300, %and3A_303 : vector<16xi32>
          %and3A_304 = arith.andi %ne3A, %lt3A_290 : vector<16xi1>
          %shift_right_arithmetic3A_305 = arith.constant 4 : i32
          %shift_right_arithmetic3A_306 = vector.broadcast %shift_right_arithmetic3A_305 : i32 to vector<16xi32>
          %shift_right_arithmetic3A_307 = arith.shrsi %get3A_293, %shift_right_arithmetic3A_306 : vector<16xi32>
          %shift_right_arithmetic3A_308 = arith.constant 5 : i32
          %shift_right_arithmetic3A_309 = vector.broadcast %shift_right_arithmetic3A_308 : i32 to vector<16xi32>
          %shift_right_arithmetic3A_310 = arith.shrsi %shift_right_arithmetic3A_307, %shift_right_arithmetic3A_309 : vector<16xi32>
          %and3A_311 = arith.constant 31 : i32
          %and3A_312 = vector.broadcast %and3A_311 : i32 to vector<16xi32>
          %and3A_313 = arith.andi %shift_right_arithmetic3A_307, %and3A_312 : vector<16xi32>
          %shift_left3A = arith.constant 1 : i32
          %shift_left3A_314 = vector.broadcast %shift_left3A : i32 to vector<16xi32>
          %shift_left3A_315 = arith.shli %shift_left3A_314, %and3A_313 : vector<16xi32>
          %broadcast_in_dim3A_316 = arith.constant true
          %broadcast_in_dim3A_317 = vector.broadcast %broadcast_in_dim3A_316 : i1 to vector<16xi1>
          %unique3A, %unique3A_318 = tpu.scan_count mask(%broadcast_in_dim3A_317 : vector<16xi1>) value(%shift_right_arithmetic3A_310 : vector<16xi32>) : vector<16xi1>, vector<16xi32>
          %reduce_max3A_319 = arith.constant true
          %reduce_max3A_320 = vector.broadcast %reduce_max3A_319 : i1 to vector<16xi1>
          %reduce_max3A_321 = arith.constant -2147483648 : i32
          %reduce_max3A_322 = vector.broadcast %reduce_max3A_321 : i32 to vector<16xi32>
          %reduce_max3A_323 = arith.xori %unique3A_318, %reduce_max3A_322 : vector<16xi32>
          %reduce_max3A_324 = tpu.scan <max>, %reduce_max3A_323 masked %reduce_max3A_320 : vector<16xi32>, vector<16xi1> -> vector<16xi32>
          %reduce_max3A_325 = arith.xori %reduce_max3A_324, %reduce_max3A_322 : vector<16xi32>
          %reduce_max3A_326 = vector.extract %reduce_max3A_325[15] : i32 from vector<16xi32>
          %reduce_min3A_327 = arith.constant true
          %reduce_min3A_328 = vector.broadcast %reduce_min3A_327 : i1 to vector<16xi1>
          %reduce_min3A_329 = arith.constant -2147483648 : i32
          %reduce_min3A_330 = vector.broadcast %reduce_min3A_329 : i32 to vector<16xi32>
          %reduce_min3A_331 = arith.xori %unique3A_318, %reduce_min3A_330 : vector<16xi32>
          %reduce_min3A_332 = tpu.scan <min>, %reduce_min3A_331 masked %reduce_min3A_328 : vector<16xi32>, vector<16xi1> -> vector<16xi32>
          %reduce_min3A_333 = arith.xori %reduce_min3A_332, %reduce_min3A_330 : vector<16xi32>
          %reduce_min3A_334 = vector.extract %reduce_min3A_333[15] : i32 from vector<16xi32>
          %eq3A_335 = arith.cmpi eq, %reduce_max3A_326, %reduce_min3A_334 : i32
          %convert_element_type3A_336 = arith.extui %eq3A_335 : i1 to i32
          %cond3A_337 = arith.constant 0 : i32
          %cond3A_338 = arith.cmpi ne, %convert_element_type3A_336, %cond3A_337 : i32
          scf.if %cond3A_338 {
            %add3A_344 = arith.constant 0 : i32
            %add3A_345 = vector.broadcast %add3A_344 : i32 to vector<16xi32>
            %add3A_346 = arith.addi %shift_right_arithmetic3A_310, %add3A_345 : vector<16xi32>
            %gather3A = tpu.vector_load_idx %arg11[%add3A_346] : memref<63536xi32, #tpu.memory_space<vmem>>[vector<16xi32>], vector<16xi32>,
            %and3A_347 = arith.andi %gather3A, %shift_left3A_315 : vector<16xi32>
            %eq3A_348 = arith.constant 0 : i32
            %eq3A_349 = vector.broadcast %eq3A_348 : i32 to vector<16xi32>
            %eq3A_350 = arith.cmpi eq, %and3A_347, %eq3A_349 : vector<16xi32>
            %and3A_351 = arith.andi %eq3A_350, %and3A_304 : vector<16xi1>
            %jit3A = arith.constant 0 : i32
            %broadcast_in_dim3A_352 = vector.broadcast %jit3A : i32 to vector<16xi32>
            %select_n3A = arith.select %and3A_304, %shift_left3A_315, %broadcast_in_dim3A_352 : vector<16xi1>, vector<16xi32>
            %or3A = arith.ori %gather3A, %select_n3A : vector<16xi32>
            %add3A_353 = arith.constant 0 : i32
            %add3A_354 = vector.broadcast %add3A_353 : i32 to vector<16xi32>
            %add3A_355 = arith.addi %shift_right_arithmetic3A_310, %add3A_354 : vector<16xi32>
            tpu.vector_store_idx %arg11[%add3A_355], %or3A masked %lt3A_290 : memref<63536xi32, #tpu.memory_space<vmem>>[vector<16xi32>], vector<16xi32>, vector<16xi1>
            %shift_right_arithmetic3A_356 = arith.constant 10 : i32
            %shift_right_arithmetic3A_357 = vector.broadcast %shift_right_arithmetic3A_356 : i32 to vector<16xi32>
            %shift_right_arithmetic3A_358 = arith.shrsi %get3A_297, %shift_right_arithmetic3A_357 : vector<16xi32>
            %and3A_359 = arith.constant 1023 : i32
            %and3A_360 = vector.broadcast %and3A_359 : i32 to vector<16xi32>
            %and3A_361 = arith.andi %get3A_297, %and3A_360 : vector<16xi32>
            %jit3A_362 = arith.constant 1.000000e+00 : f32
            %jit3A_363 = arith.constant 0.000000e+00 : f32
            %broadcast_in_dim3A_364 = vector.broadcast %jit3A_362 : f32 to vector<16xf32>
            %broadcast_in_dim3A_365 = vector.broadcast %jit3A_363 : f32 to vector<16xf32>
            %select_n3A_366 = arith.select %and3A_351, %broadcast_in_dim3A_364, %broadcast_in_dim3A_365 : vector<16xi1>, vector<16xf32>
            tpu.vector_store_idx %arg19[%shift_right_arithmetic3A_358, %and3A_361], %select_n3A_366 masked %lt3A_290 : memref<10x1024xf32, #tpu.memory_space<vmem>>[vector<16xi32>, vector<16xi32>], vector<16xf32>, vector<16xi1>
          } else {
          }
          %not3A = arith.constant true
          %not3A_339 = arith.xori %eq3A_335, %not3A : i1
          %convert_element_type3A_340 = arith.extui %not3A_339 : i1 to i32
          %cond3A_341 = arith.constant 0 : i32
          %cond3A_342 = arith.cmpi ne, %convert_element_type3A_340, %cond3A_341 : i32
          scf.if %cond3A_342 {
            %sub3A_344 = arith.subi %scan3A_243, %mul3A_287 : i32
            %min3A = arith.constant 16 : i32
            %min3A_345 = arith.minsi %sub3A_344, %min3A : i32
            %while3A_346 = arith.constant 0 : i32
            %while3A_347 = arith.constant 0 : i32
            %while3A_348 = arith.subi %min3A_345, %while3A_346 : i32
            %while3A_349 = arith.addi %while3A_346, %while3A_348 : i32
            %while3A_350 = arith.constant 1 : i32
            %while3A_351 = arith.divsi %while3A_348, %while3A_350 : i32
            %while3A_352 = arith.muli %while3A_351, %while3A_350 : i32
            %while3A_353 = arith.addi %while3A_346, %while3A_352 : i32
            %while3A_354 = arith.constant 1 : i32
            %while3A_355 = scf.for %while3A_358 = %while3A_346 to %while3A_353 step %while3A_354 iter_args(%while3A_359 = %while3A_347) -> (i32)  : i32 {
              %add3A_360 = arith.addi %mul3A_287, %while3A_358 : i32
              %broadcast_in_dim3A_361 = vector.broadcast %add3A_360 : i32 to vector<16xi32>
              %add3A_362 = arith.constant 53264 : i32
              %add3A_363 = vector.broadcast %add3A_362 : i32 to vector<16xi32>
              %add3A_364 = arith.addi %broadcast_in_dim3A_361, %add3A_363 : vector<16xi32>
              %gather3A = tpu.vector_load_idx %arg11[%add3A_364] : memref<63536xi32, #tpu.memory_space<vmem>>[vector<16xi32>], vector<16xi32>,
              %shift_right_arithmetic3A_365 = arith.constant 12 : i32
              %shift_right_arithmetic3A_366 = vector.broadcast %shift_right_arithmetic3A_365 : i32 to vector<16xi32>
              %shift_right_arithmetic3A_367 = arith.shrsi %gather3A, %shift_right_arithmetic3A_366 : vector<16xi32>
              %and3A_368 = arith.constant 4095 : i32
              %and3A_369 = vector.broadcast %and3A_368 : i32 to vector<16xi32>
              %and3A_370 = arith.andi %gather3A, %and3A_369 : vector<16xi32>
              %ne3A_371 = arith.cmpi ne, %shift_right_arithmetic3A_367, %and3A_370 : vector<16xi32>
              %shift_right_arithmetic3A_372 = arith.constant 4 : i32
              %shift_right_arithmetic3A_373 = vector.broadcast %shift_right_arithmetic3A_372 : i32 to vector<16xi32>
              %shift_right_arithmetic3A_374 = arith.shrsi %gather3A, %shift_right_arithmetic3A_373 : vector<16xi32>
              %shift_right_arithmetic3A_375 = arith.constant 5 : i32
              %shift_right_arithmetic3A_376 = vector.broadcast %shift_right_arithmetic3A_375 : i32 to vector<16xi32>
              %shift_right_arithmetic3A_377 = arith.shrsi %shift_right_arithmetic3A_374, %shift_right_arithmetic3A_376 : vector<16xi32>
              %and3A_378 = arith.constant 31 : i32
              %and3A_379 = vector.broadcast %and3A_378 : i32 to vector<16xi32>
              %and3A_380 = arith.andi %shift_right_arithmetic3A_374, %and3A_379 : vector<16xi32>
              %shift_left3A_381 = arith.constant 1 : i32
              %shift_left3A_382 = vector.broadcast %shift_left3A_381 : i32 to vector<16xi32>
              %shift_left3A_383 = arith.shli %shift_left3A_382, %and3A_380 : vector<16xi32>
              %add3A_384 = arith.constant 0 : i32
              %add3A_385 = vector.broadcast %add3A_384 : i32 to vector<16xi32>
              %add3A_386 = arith.addi %shift_right_arithmetic3A_377, %add3A_385 : vector<16xi32>
              %gather3A_387 = tpu.vector_load_idx %arg11[%add3A_386] : memref<63536xi32, #tpu.memory_space<vmem>>[vector<16xi32>], vector<16xi32>,
              %and3A_388 = arith.andi %gather3A_387, %shift_left3A_383 : vector<16xi32>
              %eq3A_389 = arith.constant 0 : i32
              %eq3A_390 = vector.broadcast %eq3A_389 : i32 to vector<16xi32>
              %eq3A_391 = arith.cmpi eq, %and3A_388, %eq3A_390 : vector<16xi32>
              %and3A_392 = arith.andi %ne3A_371, %eq3A_391 : vector<16xi1>
              %add3A_393 = arith.constant 0 : i32
              %add3A_394 = vector.broadcast %add3A_393 : i32 to vector<16xi32>
              %add3A_395 = arith.addi %shift_right_arithmetic3A_377, %add3A_394 : vector<16xi32>
              %jit3A = arith.constant 0 : i32
              %broadcast_in_dim3A_396 = vector.broadcast %jit3A : i32 to vector<16xi32>
              %select_n3A = arith.select %ne3A_371, %shift_left3A_383, %broadcast_in_dim3A_396 : vector<16xi1>, vector<16xi32>
              %or3A = arith.ori %gather3A_387, %select_n3A : vector<16xi32>
              tpu.vector_store_idx %arg11[%add3A_395], %or3A masked %eq3A_247 : memref<63536xi32, #tpu.memory_space<vmem>>[vector<16xi32>], vector<16xi32>, vector<16xi1>
              %add3A_397 = arith.constant 43008 : i32
              %add3A_398 = vector.broadcast %add3A_397 : i32 to vector<16xi32>
              %add3A_399 = arith.addi %broadcast_in_dim3A_361, %add3A_398 : vector<16xi32>
              %gather3A_400 = tpu.vector_load_idx %arg11[%add3A_399] : memref<63536xi32, #tpu.memory_space<vmem>>[vector<16xi32>], vector<16xi32>,
              %shift_right_arithmetic3A_401 = arith.constant 10 : i32
              %shift_right_arithmetic3A_402 = vector.broadcast %shift_right_arithmetic3A_401 : i32 to vector<16xi32>
              %shift_right_arithmetic3A_403 = arith.shrsi %gather3A_400, %shift_right_arithmetic3A_402 : vector<16xi32>
              %and3A_404 = arith.constant 1023 : i32
              %and3A_405 = vector.broadcast %and3A_404 : i32 to vector<16xi32>
              %and3A_406 = arith.andi %gather3A_400, %and3A_405 : vector<16xi32>
              %jit3A_407 = arith.constant 1.000000e+00 : f32
              %jit3A_408 = arith.constant 0.000000e+00 : f32
              %broadcast_in_dim3A_409 = vector.broadcast %jit3A_407 : f32 to vector<16xf32>
              %broadcast_in_dim3A_410 = vector.broadcast %jit3A_408 : f32 to vector<16xf32>
              %select_n3A_411 = arith.select %and3A_392, %broadcast_in_dim3A_409, %broadcast_in_dim3A_410 : vector<16xi1>, vector<16xf32>
              tpu.vector_store_idx %arg19[%shift_right_arithmetic3A_403, %and3A_406], %select_n3A_411 masked %eq3A_247 : memref<10x1024xf32, #tpu.memory_space<vmem>>[vector<16xi32>, vector<16xi32>], vector<16xf32>, vector<16xi1>
              %while3A_412 = arith.constant 0 : i32
              scf.yield %while3A_412 : i32
            }
            %while3A_356 = arith.constant 1 : i32
            %while3A_357 = scf.for %while3A_358 = %while3A_353 to %while3A_349 step %while3A_356 iter_args(%while3A_359 = %while3A_355) -> (i32)  : i32 {
              %add3A_360 = arith.addi %mul3A_287, %while3A_358 : i32
              %broadcast_in_dim3A_361 = vector.broadcast %add3A_360 : i32 to vector<16xi32>
              %add3A_362 = arith.constant 53264 : i32
              %add3A_363 = vector.broadcast %add3A_362 : i32 to vector<16xi32>
              %add3A_364 = arith.addi %broadcast_in_dim3A_361, %add3A_363 : vector<16xi32>
              %gather3A = tpu.vector_load_idx %arg11[%add3A_364] : memref<63536xi32, #tpu.memory_space<vmem>>[vector<16xi32>], vector<16xi32>,
              %shift_right_arithmetic3A_365 = arith.constant 12 : i32
              %shift_right_arithmetic3A_366 = vector.broadcast %shift_right_arithmetic3A_365 : i32 to vector<16xi32>
              %shift_right_arithmetic3A_367 = arith.shrsi %gather3A, %shift_right_arithmetic3A_366 : vector<16xi32>
              %and3A_368 = arith.constant 4095 : i32
              %and3A_369 = vector.broadcast %and3A_368 : i32 to vector<16xi32>
              %and3A_370 = arith.andi %gather3A, %and3A_369 : vector<16xi32>
              %ne3A_371 = arith.cmpi ne, %shift_right_arithmetic3A_367, %and3A_370 : vector<16xi32>
              %shift_right_arithmetic3A_372 = arith.constant 4 : i32
              %shift_right_arithmetic3A_373 = vector.broadcast %shift_right_arithmetic3A_372 : i32 to vector<16xi32>
              %shift_right_arithmetic3A_374 = arith.shrsi %gather3A, %shift_right_arithmetic3A_373 : vector<16xi32>
              %shift_right_arithmetic3A_375 = arith.constant 5 : i32
              %shift_right_arithmetic3A_376 = vector.broadcast %shift_right_arithmetic3A_375 : i32 to vector<16xi32>
              %shift_right_arithmetic3A_377 = arith.shrsi %shift_right_arithmetic3A_374, %shift_right_arithmetic3A_376 : vector<16xi32>
              %and3A_378 = arith.constant 31 : i32
              %and3A_379 = vector.broadcast %and3A_378 : i32 to vector<16xi32>
              %and3A_380 = arith.andi %shift_right_arithmetic3A_374, %and3A_379 : vector<16xi32>
              %shift_left3A_381 = arith.constant 1 : i32
              %shift_left3A_382 = vector.broadcast %shift_left3A_381 : i32 to vector<16xi32>
              %shift_left3A_383 = arith.shli %shift_left3A_382, %and3A_380 : vector<16xi32>
              %add3A_384 = arith.constant 0 : i32
              %add3A_385 = vector.broadcast %add3A_384 : i32 to vector<16xi32>
              %add3A_386 = arith.addi %shift_right_arithmetic3A_377, %add3A_385 : vector<16xi32>
              %gather3A_387 = tpu.vector_load_idx %arg11[%add3A_386] : memref<63536xi32, #tpu.memory_space<vmem>>[vector<16xi32>], vector<16xi32>,
              %and3A_388 = arith.andi %gather3A_387, %shift_left3A_383 : vector<16xi32>
              %eq3A_389 = arith.constant 0 : i32
              %eq3A_390 = vector.broadcast %eq3A_389 : i32 to vector<16xi32>
              %eq3A_391 = arith.cmpi eq, %and3A_388, %eq3A_390 : vector<16xi32>
              %and3A_392 = arith.andi %ne3A_371, %eq3A_391 : vector<16xi1>
              %add3A_393 = arith.constant 0 : i32
              %add3A_394 = vector.broadcast %add3A_393 : i32 to vector<16xi32>
              %add3A_395 = arith.addi %shift_right_arithmetic3A_377, %add3A_394 : vector<16xi32>
              %jit3A = arith.constant 0 : i32
              %broadcast_in_dim3A_396 = vector.broadcast %jit3A : i32 to vector<16xi32>
              %select_n3A = arith.select %ne3A_371, %shift_left3A_383, %broadcast_in_dim3A_396 : vector<16xi1>, vector<16xi32>
              %or3A = arith.ori %gather3A_387, %select_n3A : vector<16xi32>
              tpu.vector_store_idx %arg11[%add3A_395], %or3A masked %eq3A_247 : memref<63536xi32, #tpu.memory_space<vmem>>[vector<16xi32>], vector<16xi32>, vector<16xi1>
              %add3A_397 = arith.constant 43008 : i32
              %add3A_398 = vector.broadcast %add3A_397 : i32 to vector<16xi32>
              %add3A_399 = arith.addi %broadcast_in_dim3A_361, %add3A_398 : vector<16xi32>
              %gather3A_400 = tpu.vector_load_idx %arg11[%add3A_399] : memref<63536xi32, #tpu.memory_space<vmem>>[vector<16xi32>], vector<16xi32>,
              %shift_right_arithmetic3A_401 = arith.constant 10 : i32
              %shift_right_arithmetic3A_402 = vector.broadcast %shift_right_arithmetic3A_401 : i32 to vector<16xi32>
              %shift_right_arithmetic3A_403 = arith.shrsi %gather3A_400, %shift_right_arithmetic3A_402 : vector<16xi32>
              %and3A_404 = arith.constant 1023 : i32
              %and3A_405 = vector.broadcast %and3A_404 : i32 to vector<16xi32>
              %and3A_406 = arith.andi %gather3A_400, %and3A_405 : vector<16xi32>
              %jit3A_407 = arith.constant 1.000000e+00 : f32
              %jit3A_408 = arith.constant 0.000000e+00 : f32
              %broadcast_in_dim3A_409 = vector.broadcast %jit3A_407 : f32 to vector<16xf32>
              %broadcast_in_dim3A_410 = vector.broadcast %jit3A_408 : f32 to vector<16xf32>
              %select_n3A_411 = arith.select %and3A_392, %broadcast_in_dim3A_409, %broadcast_in_dim3A_410 : vector<16xi1>, vector<16xf32>
              tpu.vector_store_idx %arg19[%shift_right_arithmetic3A_403, %and3A_406], %select_n3A_411 masked %eq3A_247 : memref<10x1024xf32, #tpu.memory_space<vmem>>[vector<16xi32>, vector<16xi32>], vector<16xf32>, vector<16xi1>
              %while3A_412 = arith.constant 0 : i32
              scf.yield %while3A_412 : i32
            }
          } else {
          }
          %while3A_343 = arith.constant 0 : i32
          scf.yield %while3A_343 : i32
        }
        "tpu.region"() ({
          %run_scoped3A_284 = tpu.sem_alloc : memref<!tpu.dma_semaphore, #tpu.memory_space<semaphore_mem>>
          %dma_start3A = arith.constant 63520 : i32
          %dma_start3A_285 = tpu.memref_slice %arg11[%dma_start3A] : memref<63536xi32, #tpu.memory_space<vmem>> -> memref<10xi32, #tpu.memory_space<vmem>>
          %dma_start3A_286 = arith.constant 0 : i32
          %dma_start3A_287 = arith.constant 0 : i32
          %dma_start3A_288 = tpu.memref_slice %arg25[%dma_start3A_286, %dma_start3A_287] : memref<10x1024xf32, #tpu.memory_space<vmem_shared>> -> memref<10x1024xf32, #tpu.memory_space<vmem_shared>>
          tpu.enqueue_indirect_dma source(%arg19 : memref<10x1024xf32, #tpu.memory_space<vmem>>) target(%dma_start3A_288 : memref<10x1024xf32, #tpu.memory_space<vmem_shared>>) offsets(%dma_start3A_285 : memref<10xi32, #tpu.memory_space<vmem>>) semaphore(%run_scoped3A_284 : memref<!tpu.dma_semaphore, #tpu.memory_space<semaphore_mem>>) {add = true}
          %dma_wait3A = arith.constant 63520 : i32
          %dma_wait3A_289 = tpu.memref_slice %arg11[%dma_wait3A] : memref<63536xi32, #tpu.memory_space<vmem>> -> memref<10xi32, #tpu.memory_space<vmem>>
          %dma_wait3A_290 = arith.constant 0 : i32
          %dma_wait3A_291 = arith.constant 0 : i32
          %dma_wait3A_292 = tpu.memref_slice %arg25[%dma_wait3A_290, %dma_wait3A_291] : memref<10x1024xf32, #tpu.memory_space<vmem_shared>> -> memref<10x1024xf32, #tpu.memory_space<vmem_shared>>
          tpu.wait_indirect_dma semaphore(%run_scoped3A_284 : memref<!tpu.dma_semaphore, #tpu.memory_space<semaphore_mem>>) src(%arg19 : memref<10x1024xf32, #tpu.memory_space<vmem>>) dst(%dma_wait3A_292 : memref<10x1024xf32, #tpu.memory_space<vmem_shared>>)
          tpu.yield
        }) : () -> ()
        %while3A_272 = arith.constant 0 : i32
        %while3A_273 = arith.constant 0 : i32
        %while3A_274 = arith.subi %shift_right_arithmetic3A_260, %while3A_272 : i32
        %while3A_275 = arith.addi %while3A_272, %while3A_274 : i32
        %while3A_276 = arith.constant 1 : i32
        %while3A_277 = arith.divsi %while3A_274, %while3A_276 : i32
        %while3A_278 = arith.muli %while3A_277, %while3A_276 : i32
        %while3A_279 = arith.addi %while3A_272, %while3A_278 : i32
        %while3A_280 = arith.constant 1 : i32
        %while3A_281 = scf.for %while3A_284 = %while3A_272 to %while3A_279 step %while3A_280 iter_args(%while3A_285 = %while3A_273) -> (i32)  : i32 {
          %mul3A_286 = arith.constant 16 : i32
          %mul3A_287 = arith.muli %while3A_284, %mul3A_286 : i32
          %add3A_288 = vector.broadcast %mul3A_287 : i32 to vector<16xi32>
          %add3A_289 = arith.addi %add3A_288, %iota3A : vector<16xi32>
          %lt3A = vector.broadcast %scan3A_243 : i32 to vector<16xi32>
          %lt3A_290 = arith.cmpi slt, %add3A_289, %lt3A : vector<16xi32>
          %add3A_291 = arith.constant 43008 : i32
          %add3A_292 = arith.addi %add3A_291, %mul3A_287 : i32
          %get3A = arith.index_cast %add3A_292 : i32 to index
          %get3A_293 = tpu.vector_load %arg11[%get3A] {strides = array<i32>} : memref<63536xi32, #tpu.memory_space<vmem>>, vector<16xi32>,
          %shift_right_arithmetic3A_294 = arith.constant 10 : i32
          %shift_right_arithmetic3A_295 = vector.broadcast %shift_right_arithmetic3A_294 : i32 to vector<16xi32>
          %shift_right_arithmetic3A_296 = arith.shrsi %get3A_293, %shift_right_arithmetic3A_295 : vector<16xi32>
          %and3A_297 = arith.constant 1023 : i32
          %and3A_298 = vector.broadcast %and3A_297 : i32 to vector<16xi32>
          %and3A_299 = arith.andi %get3A_293, %and3A_298 : vector<16xi32>
          %broadcast_in_dim3A_300 = arith.constant 0.000000e+00 : f32
          %broadcast_in_dim3A_301 = vector.broadcast %broadcast_in_dim3A_300 : f32 to vector<16xf32>
          tpu.vector_store_idx %arg19[%shift_right_arithmetic3A_296, %and3A_299], %broadcast_in_dim3A_301 masked %lt3A_290 : memref<10x1024xf32, #tpu.memory_space<vmem>>[vector<16xi32>, vector<16xi32>], vector<16xf32>, vector<16xi1>
          %while3A_302 = arith.constant 0 : i32
          scf.yield %while3A_302 : i32
        }
        %while3A_282 = arith.constant 1 : i32
        %while3A_283 = scf.for %while3A_284 = %while3A_279 to %while3A_275 step %while3A_282 iter_args(%while3A_285 = %while3A_281) -> (i32)  : i32 {
          %mul3A_286 = arith.constant 16 : i32
          %mul3A_287 = arith.muli %while3A_284, %mul3A_286 : i32
          %add3A_288 = vector.broadcast %mul3A_287 : i32 to vector<16xi32>
          %add3A_289 = arith.addi %add3A_288, %iota3A : vector<16xi32>
          %lt3A = vector.broadcast %scan3A_243 : i32 to vector<16xi32>
          %lt3A_290 = arith.cmpi slt, %add3A_289, %lt3A : vector<16xi32>
          %add3A_291 = arith.constant 43008 : i32
          %add3A_292 = arith.addi %add3A_291, %mul3A_287 : i32
          %get3A = arith.index_cast %add3A_292 : i32 to index
          %get3A_293 = tpu.vector_load %arg11[%get3A] {strides = array<i32>} : memref<63536xi32, #tpu.memory_space<vmem>>, vector<16xi32>,
          %shift_right_arithmetic3A_294 = arith.constant 10 : i32
          %shift_right_arithmetic3A_295 = vector.broadcast %shift_right_arithmetic3A_294 : i32 to vector<16xi32>
          %shift_right_arithmetic3A_296 = arith.shrsi %get3A_293, %shift_right_arithmetic3A_295 : vector<16xi32>
          %and3A_297 = arith.constant 1023 : i32
          %and3A_298 = vector.broadcast %and3A_297 : i32 to vector<16xi32>
          %and3A_299 = arith.andi %get3A_293, %and3A_298 : vector<16xi32>
          %broadcast_in_dim3A_300 = arith.constant 0.000000e+00 : f32
          %broadcast_in_dim3A_301 = vector.broadcast %broadcast_in_dim3A_300 : f32 to vector<16xf32>
          tpu.vector_store_idx %arg19[%shift_right_arithmetic3A_296, %and3A_299], %broadcast_in_dim3A_301 masked %lt3A_290 : memref<10x1024xf32, #tpu.memory_space<vmem>>[vector<16xi32>, vector<16xi32>], vector<16xf32>, vector<16xi1>
          %while3A_302 = arith.constant 0 : i32
          scf.yield %while3A_302 : i32
        }
      } else {
      }
      %barrier3A_228 = arith.constant 0 : index
      tpu.barrier barrier_id(%barrier3A_228)
      %eq3A_229 = arith.constant 1 : i32
      %eq3A_230 = arith.cmpi eq, %arg0, %eq3A_229 : i32
      %eq3A_231 = arith.constant 0 : i32
      %eq3A_232 = arith.cmpi eq, %arg1, %eq3A_231 : i32
      %and3A = arith.andi %eq3A_230, %eq3A_232 : i1
      %convert_element_type3A_233 = arith.extui %and3A : i1 to i32
      %cond3A_234 = arith.constant 0 : i32
      %cond3A_235 = arith.cmpi ne, %convert_element_type3A_233, %cond3A_234 : i32
      scf.if %cond3A_235 {
        "tpu.region"() ({
          %run_scoped3A_240 = tpu.sem_alloc : memref<!tpu.dma_semaphore, #tpu.memory_space<semaphore_mem>>
          tpu.enqueue_dma source(%arg25 : memref<10x1024xf32, #tpu.memory_space<vmem_shared>>) target(%arg20 : memref<10x1024xf32, #tpu.memory_space<vmem>>) target_semaphore(%run_scoped3A_240 : memref<!tpu.dma_semaphore, #tpu.memory_space<semaphore_mem>>)
          tpu.wait_dma2 semaphore(%run_scoped3A_240 : memref<!tpu.dma_semaphore, #tpu.memory_space<semaphore_mem>>) src(%arg25 : memref<10x1024xf32, #tpu.memory_space<vmem_shared>>) dst(%arg20 : memref<10x1024xf32, #tpu.memory_space<vmem>>)
          tpu.yield
        }) : () -> ()
        %mul3A_238 = arith.constant 10 : i32
        %mul3A_239 = arith.muli %scan3A_215, %mul3A_238 : i32
        "tpu.region"() ({
          %run_scoped3A_240 = tpu.sem_alloc : memref<!tpu.dma_semaphore, #tpu.memory_space<semaphore_mem>>
          %dma_start3A = arith.constant 0 : i32
          %dma_start3A_241 = tpu.memref_slice %arg7[%mul3A_239, %dma_start3A] : memref<160x1024xf32, #tpu.memory_space<hbm>> -> memref<10x1024xf32, #tpu.memory_space<hbm>>
          %dma_start3A_242 = arith.constant 0 : i32
          %dma_start3A_243 = tpu.memref_slice %arg7[%mul3A_239, %dma_start3A_242] : memref<160x1024xf32, #tpu.memory_space<hbm>> -> memref<10x1024xf32, #tpu.memory_space<hbm>>
          tpu.enqueue_dma source(%arg20 : memref<10x1024xf32, #tpu.memory_space<vmem>>) target(%dma_start3A_243 : memref<10x1024xf32, #tpu.memory_space<hbm>>) target_semaphore(%run_scoped3A_240 : memref<!tpu.dma_semaphore, #tpu.memory_space<semaphore_mem>>)
          %dma_wait3A = arith.constant 0 : i32
          %dma_wait3A_244 = tpu.memref_slice %arg7[%mul3A_239, %dma_wait3A] : memref<160x1024xf32, #tpu.memory_space<hbm>> -> memref<10x1024xf32, #tpu.memory_space<hbm>>
          %dma_wait3A_245 = arith.constant 0 : i32
          %dma_wait3A_246 = tpu.memref_slice %arg7[%mul3A_239, %dma_wait3A_245] : memref<160x1024xf32, #tpu.memory_space<hbm>> -> memref<10x1024xf32, #tpu.memory_space<hbm>>
          tpu.wait_dma2 semaphore(%run_scoped3A_240 : memref<!tpu.dma_semaphore, #tpu.memory_space<semaphore_mem>>) src(%arg20 : memref<10x1024xf32, #tpu.memory_space<vmem>>) dst(%dma_wait3A_246 : memref<10x1024xf32, #tpu.memory_space<hbm>>)
          tpu.yield
        }) : () -> ()
      } else {
      }
      %barrier3A_236 = arith.constant 0 : index
      tpu.barrier barrier_id(%barrier3A_236)
      %scan3A_237 = arith.constant 0 : i32
      scf.yield %scan3A_237 : i32
    }
    %scan3A_214 = arith.constant 16 : i32
    return
  }
}

</mosaic_0001>

<sc_bundles>
// kernel: kernel.3.cloned.1.call-start
scs
__scs_entry_jumppad:
0x0: {  	(pc) =	sbr.rel $0x88, $3  }
0x1: {  	(tag) =	ssettag $0x0;
	lr =	simm.s32 $0x1  }
0x2: {  	[smem:$0x3F9D] =	sst lr;
	_ =	strace $0xD0000000  }
0x3: {  	_ = 	snop  }
0x4: {  	_ = 	snop  }
0x5: {  	_ = 	snop  }
0x6: {  	_ = 	snop  }
0x7: {  	_ = 	snop  }
__scs_overlays_trampoline_lowered:
0x8: {  	[smem:$0x3FAC] =	sst s0  }
0x9: {  	[smem:$0x3FAD] =	sst s1  }
0xa: {  	[smem:$0x3FAE] =	sst s2  }
0xb: {  	[smem:$0x3FAF] =	sst s3  }
0xc: {  	[smem:$0x3FB0] =	sst s4  }
0xd: {  	[smem:$0x3FB1] =	sst s5  }
0xe: {  	[smem:$0x3FB2] =	sst s6  }
0xf: {  	[smem:$0x3FB3] =	sst s7  }
0x10: {  	[smem:$0x3FB4] =	sst s8  }
0x11: {  	[smem:$0x3FB5] =	sst s9;
	s0 =	simm.s32 @!p0 $0x0  }
0x12: {  	s1 =	sld [smem:$0x3F9B];
	s0 =	simm.s32 @p0 $0x1  }
0x13: {  	[smem:$0x3FB6] =	sst s0;
	s0 =	simm.s32 @!p1 $0x0  }
0x14: {  	s2 =	sld [smem:$0x3F9A];
	s0 =	simm.s32 @p1 $0x1  }
0x15: {  	[smem:$0x3FB7] =	sst s0;
	s0 =	simm.s32 @!p2 $0x0  }
0x16: {  	s3 =	sld [smem:$0x3FDB];
	s0 =	simm.s32 @p2 $0x1  }
0x17: {  	s4 =	simm.s32 $0x1BF5;
	[smem:$0x3FB9] =	sst s0  }
0x18: {  	s0 =	sld [smem:$0x3F9C];
	_ =	swait.ge [sflag:s4], $0x0  }
0x19: {  	s7 =	sld [smem:$0x3F9D]  }
0x1a: {  	s8 =	sadd.s32 $0xFFFFE003, lr  }
0x1b: {  	s9 =	sadd.s32 $0xFFFFFEF7, lr;
	s5 =	simm.s32 $0xFFFFFFFF;
	p2 =	slt.u32 s8, $0xFFFFF086  }
0x1c: {  	p1 =	slt.u32 s9, $0xF7A;
	s5 =	simm.s32 @!p2 $0x0  }
0x1d: {  	s5 =	simm.s32 @p1 $0x1;
	p0 =	seq.s32 s7, s2  }
0x1e: {  	s7 =	smul.u32 @!p0 $0xF7A, s2;
	p2 =	seq.s32 @!p0 s5, $0x0  }
0x1f: {  	s9 =	smul.u32 $0xF7A, s1;
	s8 =	simm.s32 @!p0 $0x1BF5;
	p2 =	por !p2, p0  }
0x20: {  	[sflag:s8] =	ssyncset.s32 @!p0 $0xFFFFF086;
	s6 =	sadd.s32 @!p0 s3, s7;
	s7 =	simm.s32 @!p0 $0x108  }
0x21: {  	s3 =	sadd.s32 s3, s9;
	s6 =	sadd.s32 @!p0 $0x88, s6;
	s7 =	simm.s32 @p2 $0x1082  }
0x22: {  	[simem:s7], [sflag:s8] =	dma.local @!p0 [hbm:s6], $0xF7A  }
0x23: {  	s9 =	sor.u32 $0xD0000000, s2;
	s6 =	simm.s32 $0x108;
	_ =	swait.ge @!p0 [sflag:s8], $0x0  }
0x24: {  	s3 =	sadd.s32 $0x88, s3;
	s6 =	simm.s32 @!p1 $0x1082;
	[sflag:s4] =	ssyncset.s32 $0xFFFFF086  }
0x25: {  	[simem:s6], [sflag:s4] =	dma.local [hbm:s3], $0xF7A  }
0x26: {  	[smem:$0x3F9D] =	sst s1;
	(tag) =	ssettag s2;
	_ =	strace s9  }
0x27: {  	s1 =	sld [smem:$0x3FAD]  }
0x28: {  	s2 =	sld [smem:$0x3FAE]  }
0x29: {  	s4 =	sld [smem:$0x3FB0]  }
0x2a: {  	p0 =	seq.s32 s5, $0x0;
	s5 =	sld [smem:$0x3FB1]  }
0x2b: {  	s6 =	sld [smem:$0x3FB2]  }
0x2c: {  	s7 =	sld [smem:$0x3FB3]  }
0x2d: {  	s3 =	simm.s32 $0x108;
	s8 =	sld [smem:$0x3FB4]  }
0x2e: {  	s3 =	simm.s32 @!p0 $0x1082;
	s9 =	sld [smem:$0x3FB5]  }
0x2f: {  	lr =	sadd.s32 s0, s3;
	s0 =	sld [smem:$0x3FAC]  }
0x30: {  	s3 =	sld [smem:$0x3FAF]  }
0x31: {  	[smem:$0x3FB8] =	sst s10  }
0x32: {  	s10 =	sld [smem:$0x3FB6];
	_ =	sdelay $0x3  }
0x33: {  	p0 =	seq.s32 s10, $0x1;
	s10 =	sld [smem:$0x3FB8];
	_ =	sdelay $0x3  }
0x34: {  	[smem:$0x3FB8] =	sst s10  }
0x35: {  	s10 =	sld [smem:$0x3FB7];
	_ =	sdelay $0x3  }
0x36: {  	p1 =	seq.s32 s10, $0x1;
	s10 =	sld [smem:$0x3FB8];
	_ =	sdelay $0x3  }
0x37: {  	[smem:$0x3FB8] =	sst s10  }
0x38: {  	s10 =	sld [smem:$0x3FB9]  }
0x39: {  	_ = 	snop;
	(pc) =	sbr.ind lr, $3  }
0x3a: {  	_ = 	snop  }
0x3b: {  	_ = 	snop  }
0x3c: {  	p2 =	seq.s32 s10, $0x1;
	s10 =	sld [smem:$0x3FB8]  }
0x3d: {  	_ =	shalt  }
0x3e: {  	_ =	shalt  }
0x3f: {  	_ =	shalt  }
0x40: {  	_ =	shalt  }
0x41: {  	_ =	shalt  }
0x42: {  	_ =	shalt  }
0x43: {  	_ =	shalt  }
0x44: {  	_ =	shalt  }
0x45: {  	_ =	shalt  }
0x46: {  	_ =	shalt  }
0x47: {  	_ =	shalt  }
0x48: {  	_ =	shalt  }
0x49: {  	_ =	shalt  }
0x4a: {  	_ =	shalt  }
0x4b: {  	_ =	shalt  }
0x4c: {  	_ =	shalt  }
0x4d: {  	_ =	shalt  }
0x4e: {  	_ =	shalt  }
0x4f: {  	_ =	shalt  }
0x50: {  	_ =	shalt  }
0x51: {  	_ =	shalt  }
0x52: {  	_ =	shalt  }
0x53: {  	_ =	shalt  }
0x54: {  	_ =	shalt  }
0x55: {  	_ =	shalt  }
0x56: {  	_ =	shalt  }
0x57: {  	_ =	shalt  }
0x58: {  	_ =	shalt  }
0x59: {  	_ =	shalt  }
0x5a: {  	_ =	shalt  }
0x5b: {  	_ =	shalt  }
0x5c: {  	_ =	shalt  }
0x5d: {  	_ =	shalt  }
0x5e: {  	_ =	shalt  }
0x5f: {  	_ =	shalt  }
0x60: {  	_ =	shalt  }
0x61: {  	_ =	shalt  }
0x62: {  	_ =	shalt  }
0x63: {  	_ =	shalt  }
0x64: {  	_ =	shalt  }
0x65: {  	_ =	shalt  }
0x66: {  	_ =	shalt  }
0x67: {  	_ =	shalt  }
0x68: {  	_ =	shalt  }
0x69: {  	_ =	shalt  }
0x6a: {  	_ =	shalt  }
0x6b: {  	_ =	shalt  }
0x6c: {  	_ =	shalt  }
0x6d: {  	_ =	shalt  }
0x6e: {  	_ =	shalt  }
0x6f: {  	_ =	shalt  }
0x70: {  	_ =	shalt  }
0x71: {  	_ =	shalt  }
0x72: {  	_ =	shalt  }
0x73: {  	_ =	shalt  }
0x74: {  	_ =	shalt  }
0x75: {  	_ =	shalt  }
0x76: {  	_ =	shalt  }
0x77: {  	_ =	shalt  }
0x78: {  	_ =	shalt  }
0x79: {  	_ =	shalt  }
0x7a: {  	_ =	shalt  }
0x7b: {  	_ =	shalt  }
0x7c: {  	_ =	shalt  }
0x7d: {  	_ =	shalt  }
0x7e: {  	_ =	shalt  }
0x7f: {  	_ =	shalt  }
0x80: {  	_ =	shalt  }
0x81: {  	_ =	shalt  }
0x82: {  	_ =	shalt  }
0x83: {  	_ =	shalt  }
0x84: {  	_ =	shalt  }
0x85: {  	_ =	shalt  }
0x86: {  	_ =	shalt  }
0x87: {  	_ =	shalt  }
.Lfunc_end0:
.L_simem_size_0:
called_computation_lowered:
.L_overlay_start_0:
0x88: {  	s2 =	sld [smem:$0x3FD9]  }
0x89: {  	s3 =	sld [smem:$0x3FFE];
	_ =	sdelay $0x1  }
0x8a: {  	s1 =	srdreg.scid  }
0x8b: {  	s0 =	sand.u32 $0x1, s1  }
0x8c: {  	s14 =	sshll.u32 s0, $0xA;
	s2 =	sadd.s32 s3, s2  }
0x8d: {  	s2 =	sadd.s32 s2, s14  }
0x8e: {  	[smem:$0x3FC4] =	sst s2  }
0x8f: {  	_ = 	snop  }
0x90: {  	s2 =	sld [smem:$0x3FD0];
	_ =	sdelay $0x2  }
0x91: {  	s15 =	simm.s32 $0xA;
	s4 =	simm.s32 $0x10  }
0x92: {  	[smem:s4], [sflag:s15] =	dma.local [hbm:s2], $0x1  }
0x93: {  	_ =	swait.eq [sflag:s15], $0x1  }
0x94: {  	[sflag:s15] =	ssyncset.done $0x0  }
0x95: {  	s16 =	sld [smem:$0x10];
	[sflag:s15] =	ssyncadd.s32 $0xFFFFFFFF  }
0x96: {  	s17 =	sld [smem:$0x11];
	(tm) =	ssettm $0x1  }
0x97: {  	s18 =	sld [smem:$0x3FFB];
	_ =	sdelay $0x3  }
0x98: {  	_ =	strace s18  }
0x99: {  	s4 =	sld [smem:$0x3FFC];
	_ =	sdelay $0x3  }
0x9a: {  	_ =	strace s4  }
0x9b: {  	s4 =	sld [smem:$0x3FFD];
	_ =	sdelay $0x3  }
0x9c: {  	_ =	strace s4  }
0x9d: {  	_ =	strace $0x8FFFFFFF  }
0x9e: {  	s19 =	sld [smem:$0x3FDB];
	_ =	sdelay $0x1  }
0x9f: {  	s5 =	simm.s32 $_scs_section_size  }
0xa0: {  	s6 =	simm.s32 $_size__tile_overlayer_lowered;
	s7 =	simm.s32 $_tile_overlayer_lowered  }
0xa1: {  	s22 =	simm.s32 $0x1BFF;
	s21 =	sshll.u32 s7, $0x1;
	s4 =	sadd.s32 s5, s19  }
0xa2: {  	s8 =	simm.s32 $0x0;
	s20 =	sshll.u32 s6, $0x1;
	s6 =	sadd.s32 s21, s4  }
0xa3: {  	[timem:s8], [sflag:s22] =	dma.local [hbm:s6], s20  }
0xa4: {  	_ =	swait.ge [sflag:s22], s20  }
0xa5: {  	s5 =	ssub.s32 $0x0, s20;
	[sflag:s22] =	ssyncset.done $0x0  }
0xa6: {  	[sflag:s22] =	ssyncadd.s32 s5;
	_ =	sdelay $0x1  }
0xa7: {  	s23 =	simm.s32 $0x1B8B  }
0xa8: {  	_ =	swait.ge [sflag:s23], $0x1  }
0xa9: {  	[sflag:s23] =	ssyncset.done $0x0  }
0xaa: {  	s25 =	simm.s32 $0x1B8E;
	s24 =	sld [smem:$0x3FFE];
	[sflag:s23] =	ssyncadd.s32 $0xFFFFFFFF  }
0xab: {  	s26 =	simm.s32 $execute0_lowered;
	[smem:$0x3FD2] =	sst s25  }
0xac: {  	s6 =	sshll.u32 s26, $0x1;
	_ =	strace $0x80000046;
	[dreg:$0x1] =	wrdreg $0xFFFFFFFF  }
0xad: {  	s28 =	simm.s32 $_size_execute0_lowered;
	s4 =	sadd.s32 s4, s6;
	[dreg:$0x0] =	wrdreg $0x0  }
0xae: {  	s6 =	sshll.u32 s28, $0x1;
	[dreg:$0x2] =	wrdreg s4  }
0xaf: {  	[dreg:$0x3] =	wrdreg s6  }
0xb0: {  	[dreg:$0x4] =	wrdreg $0xC0  }
0xb1: {  	_ =	task [dreg:s8], $0x5FFFF  }
0xb2: {  	[dreg:$0x1] =	wrdreg $0xFFFFFFFF  }
0xb3: {  	[dreg:$0x0] =	wrdreg $0x60  }
0xb4: {  	[dreg:$0x2] =	wrdreg s24  }
0xb5: {  	[dreg:$0x3] =	wrdreg s16  }
0xb6: {  	[dreg:$0x4] =	wrdreg s17  }
0xb7: {  	[dreg:$0x5] =	wrdreg $0x172500  }
0xb8: {  	[dreg:$0x6] =	wrdreg $0x172D00  }
0xb9: {  	[dreg:$0x7] =	wrdreg $0x175500  }
0xba: {  	[dreg:$0x8] =	wrdreg $0x1B5500  }
0xbb: {  	[dreg:$0x9] =	wrdreg $0x1C5500  }
0xbc: {  	[dreg:$0xa] =	wrdreg $0x9  }
0xbd: {  	_ =	task.clear_ibuf [dreg:s8], $0xBFFFF;
	_ =	strace $0x90000046  }
0xbe: {  	s29 =	simm.s32 $0x9;
	_ =	strace $0x80000048  }
0xbf: {  	_ =	swait.ge [sflag:s29], $0x1  }
0xc0: {  	[sflag:s29] =	ssyncadd.s32 $0xFFFFFFFF  }
0xc1: {  	_ =	strace $0x90000048  }
0xc2: {  	_ =	sfence  }
0xc3: {  	s30 =	sld [smem:$0x0];
	_ =	sdelay $0x2  }
0xc4: {  	s31 =	sshll.u32 s1, $0xD;
	s1 =	sshrl.u32 s1, $0x2  }
0xc5: {  	s3 =	sand.u32 $0x4000, s31;
	s1 =	sadd.s32 s1, s30  }
0xc6: {  	s0 =	sor.u32 s3, s0;
	s1 =	sshll.u32 s1, $0x11  }
0xc7: {  	s0 =	sor.u32 s1, s0  }
0xc8: {  	s0 =	sadd.s32 $0x8F2B, s0  }
0xc9: {  	[sflag:s0] =	ssyncadd.remote.s32 $0x1  }
0xca: {  	_ =	sfence.sel $0xFFFF  }
0xcb: {  	[dreg:$0x0] =	wrdreg $0xFFFFFFFF;
	(pc) =	sbr.abs _section_cstart, $3  }
0xcc: {  	[dreg:$0x1] =	wrdreg $0xFFFFFFFF  }
0xcd: {  	_ =	task.clear_ibuf [dreg:s8], $0x2FFFF;
	_ =	strace $0x9FFFFFFF  }
0xce: {  	(tm) =	ssettm $0x7FFFFFFF  }
0xcf: {  	_ =	shalt  }
tec
execute0_lowered:
.L_overlay_start_1:
0x0: {  	(tag) =	ssettag $0x1  }
0x1: {  	s0 =	rddreg [dreg:$0x0]  }
0x2: {  	s1 =	rddreg [dreg:$0x1]  }
0x3: {  	s2 =	rddreg [dreg:$0x2]  }
0x4: {  	s18 =	rddreg [dreg:$0x3]  }
0x5: {  	s19 =	rddreg [dreg:$0x4]  }
0x6: {  	s3 =	rddreg [dreg:$0x5]  }
0x7: {  	s20 =	rddreg [dreg:$0x6]  }
0x8: {  	s5 =	rddreg [dreg:$0x7];
	s6 =	simm.s32 $0x0;
	s4 =	stileid.u32  }
0x9: {  	s9 =	srdreg.scid;
	s29 =	simm.s32 $0x40;
	s30 =	simm.s32 $0x100  }
0xa: {  	[smem:$0x7FF] =	sst s6;
	s7 =	sadd.s32 $0xE00, s0;
	s12 =	smul.u32 $0x500, s4  }
0xb: {  	s13 =	sand.u32 $0x1, s9;
	s9 =	smul.u32 $0x280, s4;
	s11 =	sadd.s32 $0x55E00, s0  }
0xc: {  	s23 =	sshll.u32 s4, $0xE;
	s28 =	smul.u32 $0x5000, s4;
	_ =	strace $0x80000047  }
0xd: {  	s15 =	ssub.s32 $0x2, s13;
	p0 =	seq.s32 s13, $0x1;
	s1 =	sadd.s32 s1, s12  }
0xe: {  	s25 =	sshrl.u32 s23, $0x2;
	s24 =	sadd.s32 s11, s12;
	[dreg:$0xb] =	wrdreg s1  }
0xf: {  	p1 =	sne.s32 s13, $0x0;
	s26 =	sadd.s32 s25, s20;
	[dreg:$0xf] =	wrdreg s24  }
0x10: {  	s14 =	sadd.s32 s12, s0;
	s12 =	sadd.s32 s23, s3;
	[dreg:$0x11] =	wrdreg s26  }
0x11: {  	s16 =	sshrl.u32 s15, $0x1;
	s21 =	sadd.s32 $0x7FE00, s14;
	[dreg:$0x10] =	wrdreg s12  }
0x12: {  	s13 =	sadd.s32 s28, s7;
	s22 =	sadd.s32 $0x84E00, s14;
	[dreg:$0xd] =	wrdreg s21  }
0x13: {  	s17 =	sshrl.u32 s9, $0x3;
	s1 =	sadd.s32 $0x8, s13;
	[dreg:$0xe] =	wrdreg s22  }
0x14: {  	s15 =	ssub.s32 s15, s16;
	s16 =	sadd.s32 s2, s17;
	[dreg:$0x13] =	wrdreg s1  }
0x15: {  	s31 =	simm.s32 $0x20;
	s20 =	sadd.s32 $0x1800, s12;
	[dreg:$0x9] =	wrdreg s16  }
0x16: {  	s8 =	sadd.s32 $0x5AE00, s0;
	s24 =	sadd.s32 $0x2000, s12;
	[dreg:$0x1b] =	wrdreg s20  }
0x17: {  	s10 =	sadd.s32 $0x7AE00, s0;
	s25 =	sadd.s32 $0x2800, s12;
	[dreg:$0x1c] =	wrdreg s24  }
0x18: {  	p2 =	sne.s32 s4, $0x0;
	s26 =	sadd.s32 $0x3000, s12;
	[dreg:$0x1d] =	wrdreg s25  }
0x19: {  	s17 =	sshll.u32 s4, $0x7;
	s28 =	sadd.s32 $0x3800, s12;
	[dreg:$0x1e] =	wrdreg s26  }
0x1a: {  	s23 =	sadd.s32 $0x5AE18, s0;
	s2 =	sadd.s32 s17, s18;
	[dreg:$0x1f] =	wrdreg s28  }
0x1b: {  	s18 =	sadd.s32 $0x50E00, s14;
	s21 =	sadd.s32 $0x5AE08, s0;
	[dreg:$0xa] =	wrdreg s2  }
0x1c: {  	s22 =	sadd.s32 $0x5AE10, s0;
	s14 =	sadd.s32 $0x10, s13;
	[dreg:$0xc] =	wrdreg s18  }
0x1d: {  	s0 =	sadd.s32 $0x18, s13;
	s17 =	sadd.s32 s9, s19;
	[dreg:$0x14] =	wrdreg s14  }
0x1e: {  	s19 =	sadd.s32 $0x1000, s12;
	s20 =	simm.s32 $0x10830;
	[dreg:$0x15] =	wrdreg s0  }
0x1f: {  	s24 =	simm.s32 $0x11230;
	s26 =	simm.s32 $0x12230;
	[dreg:$0x18] =	wrdreg s17  }
.Ltmp0:
0x20: {  	s2 =	smax.u32 s15, $0x1;
	[dreg:$0x1a] =	wrdreg s19;
	(pc) =	sbr.rel .LBB2_1-.Ltmp0, $4  }
0x21: {  	s15 =	sadd.s32 $0x500, s16;
	s16 =	sadd.s32 $0xA00, s16;
	[dreg:$0x12] =	wrdreg s2  }
0x22: {  	v1 =	vimm.s32 $0x0;
	s0 =	sshll.u32 s4, $0x8;
	s18 =	sadd.s32 $0x800, s12;
	[dreg:$0x16] =	wrdreg s15  }
0x23: {  	v2 =	vimm.f32 $0.0e+00;
	v3 =	vlaneseq.u32;
	v5 =	vimm.s32 $0x1;
	s17 =	simm.s32 $0x1;
	s12 =	simm.s32 $0x12250;
	[dreg:$0x17] =	wrdreg s16  }
0x24: {  	v0 =	vmov s4;
	v4 =	vmul.u32 $0x10, v3;
	v6 =	vmov s9;
	s4 =	simm.s32 $0x0;
	[dreg:$0x19] =	wrdreg s18;
	s2 =	simm.s32 $0xF820  }
.LBB2_76:
0x25: {  	s4 =	sld [smem:$0x7FD];
	_ =	sdelay $0x2  }
0x26: {  	s1 =	rddreg [dreg:$0x12];
	s4 =	sadd.s32 $0x1, s4  }
0x27: {  	p3 =	sne.s32 s4, s1  }
.Ltmp1:
0x28: {  	_ = 	snop;
	(pc) =	sbr.rel @!p3 .LBB2_77-.Ltmp1, $1  }
0x29: {  	_ =	sdelay $0x3  }
.LBB2_1:
0x2a: {  	[smem:$0x7FD] =	sst s4  }
0x2b: {  	s1 =	rddreg [dreg:$0x9];
	s16 =	simm.s32 $0xF830  }
0x2c: {  	[tilespmem:s16], [sflag:$0x1] =	stream.linear.gather [hbm4b:s1+s6], $0x280, $0x38;
	[tilespmem:$0x1C7D0] =	vst v63  }
0x2d: {  	_ =	swait.ge [sflag:s17], $0x280  }
0x2e: {  	[sflag:s17] =	ssyncset.done $0x0  }
0x2f: {  	s19 =	simm.s32 $0xFAB0;
	s18 =	rddreg [dreg:$0x16];
	[sflag:s17] =	ssyncadd.s32 $0xFFFFFD80  }
0x30: {  	[tilespmem:s19], [sflag:$0x1] =	stream.linear.gather [hbm4b:s18+s6], $0x280, $0x38;
	[tilespmem:$0x1C7D0] =	vst v63  }
0x31: {  	_ =	swait.ge [sflag:s17], $0x280  }
0x32: {  	[sflag:s17] =	ssyncset.done $0x0  }
0x33: {  	s28 =	simm.s32 $0xFD30;
	s25 =	rddreg [dreg:$0x17];
	[sflag:s17] =	ssyncadd.s32 $0xFFFFFD80  }
0x34: {  	[tilespmem:s28], [sflag:$0x1] =	stream.linear.gather [hbm4b:s25+s6], $0x280, $0x38;
	[tilespmem:$0x1C7D0] =	vst v63  }
0x35: {  	_ =	swait.ge [sflag:s17], $0x280  }
0x36: {  	[sflag:s17] =	ssyncset.done $0x0  }
0x37: {  	s13 =	simm.s32 $0x0;
	[sflag:s17] =	ssyncadd.s32 $0xFFFFFD80  }
0x38: {  	v7 =	vld [tilespmem:s13+$0xFD30]  }
0x39: {  	v9 =	vimm.f32 $+Inf;
	v8 =	vimm.f32 $-Inf;
	v11 =	vimm.f32 $+Inf;
	v12 =	vld [tilespmem:s13+$0xF830]  }
0x3a: {  	s4 =	simm.s32 $0x40;
	v15 =	vimm.f32 $-Inf;
	v14 =	vimm.f32 $+Inf;
	v13 =	vimm.f32 $-Inf;
	v10 =	vld [tilespmem:s13+$0xFAB0]  }
.LBB2_2:
0x3b: {  	p3 =	sne.s32 s4, $0x9C0  }
.Ltmp2:
0x3c: {  	_ = 	snop;
	(pc) =	sbr.rel @p3 .LBB2_2-.Ltmp2, $4  }
0x3d: {  	s13 =	sshra.s32 s4, $0x2  }
0x3e: {  	v9 =	vmin.f32 v9, v7;
	v8 =	vmax.f32 v8, v7;
	v7 =	vld [tilespmem:s13+$0xFD30]  }
0x3f: {  	v11 =	vmin.f32 v11, v12;
	v15 =	vmax.f32 v15, v12;
	v12 =	vld [tilespmem:s13+$0xF830]  }
0x40: {  	s4 =	sadd.s32 $0x40, s4;
	v14 =	vmin.f32 v14, v10;
	v13 =	vmax.f32 v13, v10;
	v10 =	vld [tilespmem:s13+$0xFAB0]  }
0x41: {  	_ =	sdelay $0x1  }
0x42: {  	v9 =	vmin.f32 v9, v7  }
0x43: {  	v7 =	vmax.f32 v8, v7;
	[tilespmem:$0xFFD0] =	vst v9  }
0x44: {  	v11 =	vmin.f32 v11, v12;
	[tilespmem:$0x10000] =	vst v7  }
0x45: {  	v12 =	vmax.f32 v15, v12;
	[tilespmem:$0xFFB0] =	vst v11  }
0x46: {  	v11 =	vmin.f32 v14, v10;
	[tilespmem:$0xFFE0] =	vst v12  }
0x47: {  	v10 =	vmax.f32 v13, v10;
	[tilespmem:$0xFFC0] =	vst v11  }
0x48: {  	s1 =	rddreg [dreg:$0xa];
	s4 =	simm.s32 $0xFFB0;
	[tilespmem:$0xFFF0] =	vst v10  }
0x49: {  	[spmem:s1] =	stream.linear.scatter [tilespmem:s4], [sflag:$0x1], $0x80, $0x38;
	[tilespmem:$0x1C7D0] =	vst v63  }
0x4a: {  	_ =	swait.ge [sflag:s17], $0x80  }
0x4b: {  	[sflag:s17] =	ssyncset.done $0x0  }
0x4c: {  	[sflag:s17] =	ssyncadd.s32 $0xFFFFFF80  }
0x4d: {  	[bflag:$0x0] =	sbarrier.arrive $0xFFFF  }
0x4e: {  	s28 =	simm.s32 $0x10030;
	s25 =	rddreg [dreg:$0x3]  }
0x4f: {  	[tilespmem:s28], [sflag:$0x1] =	stream.linear.gather [spmem:s25], $0x800, $0x38;
	[tilespmem:$0x1C7D0] =	vst v63  }
0x50: {  	_ =	swait.ge [sflag:s17], $0x800  }
0x51: {  	[sflag:s17] =	ssyncset.done $0x0  }
0x52: {  	s4 =	simm.s32 $0x0;
	[sflag:s17] =	ssyncadd.s32 $0xFFFFF800  }
0x53: {  	v7 =	vld [tilespmem:s4+$0x10080]  }
0x54: {  	v10 =	vld [tilespmem:s4+$0x10030]  }
0x55: {  	v11 =	vld [tilespmem:s4+$0x10060]  }
0x56: {  	v17 =	vimm.f32 $+Inf;
	v8 =	vimm.f32 $-Inf;
	v9 =	vimm.f32 $+Inf;
	v12 =	vld [tilespmem:s4+$0x10040]  }
0x57: {  	s13 =	simm.s32 $0x200;
	v15 =	vimm.f32 $-Inf;
	v14 =	vimm.f32 $-Inf;
	v13 =	vimm.f32 $+Inf;
	v16 =	vld [tilespmem:s4+$0x10070]  }
.LBB2_4:
0x58: {  	p3 =	sne.s32 s13, $0x1E00;
	v18 =	vld [tilespmem:s4+$0x10050];
	s4 =	sshra.s32 s13, $0x2;
	s13 =	sadd.s32 $0x200, s13;
	v8 =	vmax.f32 v8, v7  }
.Ltmp3:
0x59: {  	v7 =	vld [tilespmem:s4+$0x10080];
	v9 =	vmin.f32 v9, v10;
	(pc) =	sbr.rel @p3 .LBB2_4-.Ltmp3, $4  }
0x5a: {  	v10 =	vld [tilespmem:s4+$0x10030];
	v14 =	vmax.f32 v14, v11  }
0x5b: {  	v11 =	vld [tilespmem:s4+$0x10060];
	v17 =	vmin.f32 v17, v12  }
0x5c: {  	v12 =	vld [tilespmem:s4+$0x10040];
	v15 =	vmax.f32 v15, v16  }
0x5d: {  	v16 =	vld [tilespmem:s4+$0x10070];
	v13 =	vmin.f32 v13, v18  }
0x5e: {  	v18 =	vld [tilespmem:s4+$0x10050]  }
0x5f: {  	v9 =	vmin.f32 v9, v10  }
0x60: {  	v10 =	vmax.f32 v14, v11;
	(xrf0) =	vmin.scan.msk.f32 $0xffff, v9  }
0x61: {  	v9 =	vmin.f32 v17, v12;
	(xrf0) =	vmax.scan.msk.f32 $0xffff, v10  }
0x62: {  	v10 =	vmax.f32 v15, v16;
	(xrf0) =	vmin.scan.msk.f32 $0xffff, v9  }
0x63: {  	v9 =	vmin.f32 v13, v18;
	(xrf0) =	vmax.scan.msk.f32 $0xffff, v10  }
0x64: {  	v7 =	vmax.f32 v8, v7;
	(xrf0) =	vmin.scan.msk.f32 $0xffff, v9  }
0x65: {  	(xrf0) =	vmax.scan.msk.f32 $0xffff, v7  }
0x66: {  	v9, _, _ =	vpop (xrf0)  }
0x67: {  	v7, _, _ =	vpop (xrf0)  }
0x68: {  	v11, _, _ =	vpop (xrf0)  }
0x69: {  	v8, _, _ =	vpop (xrf0)  }
0x6a: {  	v7 =	vsub.f32 v7, v9;
	v12, _, _ =	vpop (xrf0)  }
0x6b: {  	v8 =	vsub.f32 v8, v11;
	v10, _, _ =	vpop (xrf0)  }
0x6c: {  	v7 =	vmul.f32 $6.250000000e-02, v7;
	v10 =	vsub.f32 v10, v12  }
0x6d: {  	v8 =	vmul.f32 $6.250000000e-02, v8  }
0x6e: {  	v7 =	vbroadcast v7, $0xF;
	v10 =	vmul.f32 $6.250000000e-02, v10  }
0x6f: {  	v8 =	vbroadcast v8, $0xF  }
0x70: {  	(erf) = vrcp.f32 v7;
	v10 =	vbroadcast v10, $0xF  }
0x71: {  	(erf) = vrcp.f32 v8  }
0x72: {  	(erf) = vrcp.f32 v10;
	_ =	sdelay $0x6  }
0x73: {  	v7 =	vpop (erf)  }
0x74: {  	s4 =	simm.s32 $0x0;
	v11 =	vbroadcast v11, $0xF;
	v8 =	vpop (erf)  }
0x75: {  	s13 =	simm.s32 $0x40;
	v13 =	vld [tilespmem:s4+$0xF830];
	v12 =	vbroadcast v12, $0xF;
	v10 =	vbroadcast v9, $0xF;
	v9 =	vpop (erf)  }
.LBB2_6:
0x76: {  	p3 =	sne.s32 s13, $0x9C0;
	v14 =	vld [tilespmem:s4+$0xFAB0]  }
0x77: {  	v15 =	vld [tilespmem:s4+$0xFD30];
	_ =	sdelay $0x3  }
0x78: {  	v13 =	vsub.f32 v13, v10;
	v14 =	vsub.f32 v14, v11  }
0x79: {  	v15 =	vsub.f32 v15, v12  }
0x7a: {  	v13 =	vmul.f32 v13, v7;
	v14 =	vmul.f32 v14, v8  }
0x7b: {  	v15 =	vmul.f32 v15, v9  }
0x7c: {  	v13 =	vtrunc.f32 v13;
	v14 =	vtrunc.f32 v14  }
0x7d: {  	v13 =	vcvt.f32.s32 v13;
	v14 =	vcvt.f32.s32 v14  }
0x7e: {  	v15 =	vtrunc.f32 v15  }
0x7f: {  	vm0 =	vgt.s32 v13, $0x0;
	v15 =	vcvt.f32.s32 v15;
	vm1 =	vgt.s32 v14, $0x0  }
0x80: {  	v13 =	vnsel vm0, $0x0, v13;
	v14 =	vnsel vm1, $0x0, v14  }
0x81: {  	v13 =	vmin.u32 v13, $0xF;
	vm0 =	vgt.s32 v15, $0x0;
	v14 =	vmin.u32 v14, $0xF  }
.Ltmp4:
0x82: {  	v15 =	vnsel vm0, $0x0, v15;
	v13 =	vshll.u32 v13, $0x8;
	v14 =	vshll.u32 v14, $0x4;
	(pc) =	sbr.rel @p3 .LBB2_6-.Ltmp4, $4  }
0x83: {  	v15 =	vmin.u32 v15, $0xF;
	v13 =	vor.u32 v13, v14  }
0x84: {  	v13 =	vor.u32 v15, v13  }
0x85: {  	[tilespmem:v6+s4+$0x0 ss:$0x1] =	vst.idx.msk $0xffff, v13;
	s4 =	sshra.s32 s13, $0x2  }
0x86: {  	s13 =	sadd.s32 $0x40, s13;
	v13 =	vld [tilespmem:s4+$0xF830]  }
0x87: {  	v14 =	vld [tilespmem:s4+$0xFAB0]  }
0x88: {  	v15 =	vld [tilespmem:s4+$0xFD30];
	_ =	sdelay $0x3  }
0x89: {  	v10 =	vsub.f32 v13, v10;
	v11 =	vsub.f32 v14, v11  }
0x8a: {  	v12 =	vsub.f32 v15, v12  }
0x8b: {  	v7 =	vmul.f32 v10, v7;
	v8 =	vmul.f32 v11, v8  }
0x8c: {  	v9 =	vmul.f32 v12, v9  }
0x8d: {  	v7 =	vtrunc.f32 v7;
	v8 =	vtrunc.f32 v8  }
0x8e: {  	v7 =	vcvt.f32.s32 v7;
	v8 =	vcvt.f32.s32 v8  }
0x8f: {  	v9 =	vtrunc.f32 v9  }
0x90: {  	v9 =	vcvt.f32.s32 v9;
	vm0 =	vgt.s32 v7, $0x0;
	vm1 =	vgt.s32 v8, $0x0  }
0x91: {  	v7 =	vnsel vm0, $0x0, v7;
	v8 =	vnsel vm1, $0x0, v8  }
0x92: {  	vm15 =	vgt.s32 v9, $0x0;
	v7 =	vmin.u32 v7, $0xF;
	v8 =	vmin.u32 v8, $0xF  }
0x93: {  	v9 =	vnsel vm15, $0x0, v9;
	v7 =	vshll.u32 v7, $0x8;
	v8 =	vshll.u32 v8, $0x4  }
0x94: {  	v9 =	vmin.u32 v9, $0xF;
	v7 =	vor.u32 v7, v8  }
0x95: {  	v7 =	vor.u32 v9, v7  }
0x96: {  	s1 =	rddreg [dreg:$0x18];
	[tilespmem:v6+s4+$0x0 ss:$0x1] =	vst.idx.msk $0xffff, v7  }
0x97: {  	[spmem:s1] =	stream.linear.scatter [tilespmem:s9], [sflag:$0x1], $0x280, $0x38;
	[tilespmem:$0x1C7D0] =	vst v63  }
0x98: {  	_ =	swait.ge [sflag:s17], $0x280  }
0x99: {  	[sflag:s17] =	ssyncset.done $0x0  }
0x9a: {  	[sflag:s17] =	ssyncadd.s32 $0xFFFFFD80  }
0x9b: {  	[bflag:$0x0] =	sbarrier.arrive $0xFFFF  }
0x9c: {  	s16 =	simm.s32 $0x0;
	s18 =	rddreg [dreg:$0x4]  }
0x9d: {  	[tilespmem:s16], [sflag:$0x1] =	stream.linear.gather [spmem:s18], $0x2800, $0x38;
	[tilespmem:$0x1C7D0] =	vst v63  }
0x9e: {  	_ =	swait.ge [sflag:s17], $0x2800  }
0x9f: {  	[sflag:s17] =	ssyncset.done $0x0  }
0xa0: {  	s13 =	simm.s32 $0x2800;
	s19 =	rddreg [dreg:$0xb];
	[sflag:s17] =	ssyncadd.s32 $0xFFFFD800  }
0xa1: {  	[tilespmem:s13], [sflag:$0x1] =	stream.linear.gather [hbm4b:s19+s16], $0x2800, $0x38;
	[tilespmem:$0x1C7D0] =	vst v63  }
0xa2: {  	_ =	swait.ge [sflag:s17], $0x2800  }
0xa3: {  	[sflag:s17] =	ssyncset.done $0x0  }
0xa4: {  	s28 =	simm.s32 $0x5000;
	s25 =	rddreg [dreg:$0xc];
	[sflag:s17] =	ssyncadd.s32 $0xFFFFD800  }
0xa5: {  	[tilespmem:s28], [sflag:$0x1] =	stream.linear.gather [hbm4b:s25+s16], $0x2800, $0x38;
	[tilespmem:$0x1C7D0] =	vst v63  }
0xa6: {  	_ =	swait.ge [sflag:s17], $0x2800  }
0xa7: {  	[sflag:s17] =	ssyncset.done $0x0  }
0xa8: {  	s13 =	simm.s32 $0x0;
	[sflag:s17] =	ssyncadd.s32 $0xFFFFD800  }
0xa9: {  	v9 =	vld [tilespmem:s13+$0x2800]  }
0xaa: {  	v10 =	vld [tilespmem:s13+$0x5000];
	_ =	sdelay $0x3  }
0xab: {  	s4 =	simm.s32 $0x10  }
0xac: {  	v8 =	vld [tilespmem:s4+$0x5000]  }
0xad: {  	v7 =	vld [tilespmem:s4+$0x2800]  }
0xae: {  	v9 =	vld.idx.msk [tilespmem:v9+s6+$0x0], $0xffff  }
0xaf: {  	v10 =	vld.idx.msk [tilespmem:v10+s6+$0x0], $0xffff  }
0xb0: {  	s14 =	simm.s32 $0x80  }
.LBB2_8:
0xb1: {  	p3 =	sne.s32 s14, $0x9FC0;
	v11 =	vmov v8;
	s15 =	smov.u32 s14;
	s14 =	sadd.s32 $0x40, s14  }
0xb2: {  	s15 =	sshra.s32 s15, $0x2  }
0xb3: {  	v12 =	vld [tilespmem:s15+$0x2800];
	[tilespmem:s13+$0x7800] =	vst v9  }
.Ltmp5:
0xb4: {  	v8 =	vld [tilespmem:s15+$0x5000];
	[tilespmem:s13+$0xA010] =	vst v10;
	s13 =	smov.u32 s4;
	s4 =	smov.u32 s15;
	(pc) =	sbr.rel @p3 .LBB2_8-.Ltmp5, $3  }
0xb5: {  	v9 =	vld.idx.msk [tilespmem:v7+s6+$0x0], $0xffff  }
0xb6: {  	v10 =	vld.idx.msk [tilespmem:v11+s6+$0x0], $0xffff;
	_ =	sdelay $0x1  }
0xb7: {  	v7 =	vmov v12  }
0xb8: {  	_ =	sdelay $0x1  }
0xb9: {  	[tilespmem:s13+$0x7800] =	vst v9  }
0xba: {  	[tilespmem:s13+$0xA010] =	vst v10  }
0xbb: {  	v7 =	vld.idx.msk [tilespmem:v7+s6+$0x0], $0xffff  }
0xbc: {  	v8 =	vld.idx.msk [tilespmem:v8+s6+$0x0], $0xffff;
	_ =	sdelay $0x3  }
0xbd: {  	[tilespmem:s4+$0x7800] =	vst v7  }
0xbe: {  	s1 =	rddreg [dreg:$0xd];
	s13 =	simm.s32 @!p1 $0x7800;
	[tilespmem:s4+$0xA010] =	vst v8;
	s4 =	simm.s32 @!p1 $0x0  }
0xbf: {  	[hbm4b:s1+s4] =	stream.linear.scatter @!p1 [tilespmem:s13], [sflag:$0x1], $0x2800, $0x38;
	[tilespmem:$0x1C7D0] =	vst v63  }
0xc0: {  	s13 =	simm.s32 @!p1 $0x1  }
0xc1: {  	_ =	swait.ge @!p1 [sflag:s13], $0x2800  }
0xc2: {  	s14 =	simm.s32 @!p1 $0xA010;
	[sflag:s13] =	ssyncset.done @!p1 $0x0  }
.Ltmp6:
0xc3: {  	s1 =	rddreg [dreg:$0xe];
	[sflag:s13] =	ssyncadd.s32 @!p1 $0xFFFFD800;
	(pc) =	sbr.rel @!p0 .LBB2_17-.Ltmp6, $4  }
0xc4: {  	[hbm4b:s1+s4] =	stream.linear.scatter @!p1 [tilespmem:s14], [sflag:$0x1], $0x2800, $0x38;
	[tilespmem:$0x1C7D0] =	vst v63  }
0xc5: {  	_ =	swait.ge @!p1 [sflag:s13], $0x2800  }
0xc6: {  	[sflag:s13] =	ssyncset.done @!p1 $0x0  }
0xc7: {  	[sflag:s13] =	ssyncadd.s32 @!p1 $0xFFFFD800;
	s13 =	simm.s32 $0x0  }
0xc8: {  	s4 =	sshra.s32 s13, $0x2;
	s13 =	sadd.s32 $0x40, s13  }
.LBB2_11:
0xc9: {  	p3 =	sne.s32 s13, $0x9FC0;
	v7 =	vld [tilespmem:s4+$0x7800]  }
0xca: {  	v8 =	vld [tilespmem:s4+$0xA010];
	_ =	sdelay $0x1  }
.Ltmp7:
0xcb: {  	(pc) =	sbr.rel @p3 .LBB2_11-.Ltmp7, $4  }
0xcc: {  	_ = 	snop  }
0xcd: {  	v7 =	vshll.u32 v7, $0xC  }
0xce: {  	v7 =	vadd.s32 v8, v7  }
0xcf: {  	[tilespmem:s4+$0x7800] =	vst v7;
	s4 =	sshra.s32 s13, $0x2;
	s13 =	sadd.s32 $0x40, s13  }
0xd0: {  	v7 =	vld [tilespmem:s4+$0x7800]  }
0xd1: {  	v8 =	vld [tilespmem:s4+$0xA010];
	_ =	sdelay $0x3  }
0xd2: {  	v7 =	vshll.u32 v7, $0xC  }
0xd3: {  	v7 =	vadd.s32 v8, v7  }
0xd4: {  	s1 =	rddreg [dreg:$0xf];
	s13 =	simm.s32 $0x7800;
	[tilespmem:s4+$0x7800] =	vst v7;
	s4 =	simm.s32 $0x0  }
0xd5: {  	[hbm4b:s1+s4] =	stream.linear.scatter [tilespmem:s13], [sflag:$0x1], $0x2800, $0x38;
	[tilespmem:$0x1C7D0] =	vst v63  }
0xd6: {  	_ =	swait.ge [sflag:s17], $0x2800  }
0xd7: {  	[sflag:s17] =	ssyncset.done $0x0  }
0xd8: {  	s14 =	simm.s32 $0x0;
	s13 =	simm.s32 $0x40;
	[sflag:s17] =	ssyncadd.s32 $0xFFFFD800  }
.LBB2_13:
0xd9: {  	p3 =	sne.s32 s13, $0x1FFC0;
	[tilespmem:s14+$0x0] =	vst v1;
	s14 =	smov.u32 s13;
	s13 =	sadd.s32 $0x40, s13  }
.Ltmp8:
0xda: {  	(pc) =	sbr.rel @p3 .LBB2_13-.Ltmp8, $2  }
0xdb: {  	_ =	sdelay $0x2  }
0xdc: {  	s14 =	sshra.s32 s14, $0x2  }
0xdd: {  	s13 =	sand.u32 $0xF000, s4  }
0xde: {  	s15 =	sand.u32 $0x3F0, s4;
	s16 =	sshrl.u32 s13, $0x2  }
0xdf: {  	[tilespmem:s14+$0x0] =	vst v1;
	s13 =	simm.s32 $0x40;
	s14 =	sor.u32 s15, s16  }
.LBB2_15:
0xe0: {  	p3 =	sne.s32 s13, $0x9FC0  }
0xe1: {  	[tilespmem:s14+$0x12250] =	vst v2;
	s4 =	sadd.s32 $0x10, s4;
	s14 =	smov.u32 s13;
	s13 =	sadd.s32 $0x40, s13  }
.Ltmp9:
0xe2: {  	(pc) =	sbr.rel @p3 .LBB2_15-.Ltmp9, $4  }
0xe3: {  	_ = 	snop  }
0xe4: {  	s14 =	sand.u32 $0xF000, s14  }
0xe5: {  	s15 =	sand.u32 $0x3F0, s4;
	s14 =	sshrl.u32 s14, $0x2  }
0xe6: {  	s14 =	sor.u32 s15, s14  }
0xe7: {  	[tilespmem:s14+$0x12250] =	vst v2  }
0xe8: {  	[tilespmem:$0xF820] =	vst v3  }
.LBB2_17:
.Ltmp10:
0xe9: {  	(pc) =	sbr.rel @p1 .LBB2_78-.Ltmp10, $2  }
0xea: {  	_ =	sdelay $0x2  }
0xeb: {  	s4 =	simm.s32 $0x0  }
0xec: {  	s13 =	sand.u32 $0x1F00, s4  }
0xed: {  	s14 =	sand.u32 $0x30, s4;
	s15 =	sshrl.u32 s13, $0x2  }
0xee: {  	s13 =	simm.s32 $0x40;
	s14 =	sor.u32 s14, s15  }
.LBB2_19:
0xef: {  	p3 =	sne.s32 s13, $0x1FC0  }
0xf0: {  	[tilespmem:s14+$0x10830] =	vst v2;
	s4 =	sadd.s32 $0x10, s4;
	s14 =	smov.u32 s13;
	s13 =	sadd.s32 $0x40, s13  }
.Ltmp11:
0xf1: {  	(pc) =	sbr.rel @p3 .LBB2_19-.Ltmp11, $4  }
0xf2: {  	_ = 	snop  }
0xf3: {  	s14 =	sand.u32 $0x1F00, s14  }
0xf4: {  	s15 =	sand.u32 $0x30, s4;
	s14 =	sshrl.u32 s14, $0x2  }
0xf5: {  	s14 =	sor.u32 s15, s14  }
0xf6: {  	[tilespmem:s14+$0x10830] =	vst v2;
	s1 =	rddreg [dreg:$0x10]  }
0xf7: {  	[spmem:s1] =	stream.linear.scatter [tilespmem:s20], [sflag:$0x1], $0x800, $0x38;
	[tilespmem:$0x1C7D0] =	vst v63  }
0xf8: {  	_ =	swait.ge [sflag:s17], $0x800  }
0xf9: {  	[sflag:s17] =	ssyncset.done $0x0  }
0xfa: {  	s14 =	rddreg [dreg:$0x19];
	[sflag:s17] =	ssyncadd.s32 $0xFFFFF800  }
0xfb: {  	[spmem:s14] =	stream.linear.scatter [tilespmem:s20], [sflag:$0x1], $0x800, $0x38;
	[tilespmem:$0x1C7D0] =	vst v63  }
0xfc: {  	_ =	swait.ge [sflag:s17], $0x800  }
0xfd: {  	[sflag:s17] =	ssyncset.done $0x0  }
0xfe: {  	s15 =	rddreg [dreg:$0x1a];
	[sflag:s17] =	ssyncadd.s32 $0xFFFFF800  }
0xff: {  	[spmem:s15] =	stream.linear.scatter [tilespmem:s20], [sflag:$0x1], $0x800, $0x38;
	[tilespmem:$0x1C7D0] =	vst v63  }
0x100: {  	_ =	swait.ge [sflag:s17], $0x800  }
0x101: {  	[sflag:s17] =	ssyncset.done $0x0  }
0x102: {  	s16 =	rddreg [dreg:$0x1b];
	[sflag:s17] =	ssyncadd.s32 $0xFFFFF800  }
0x103: {  	[spmem:s16] =	stream.linear.scatter [tilespmem:s20], [sflag:$0x1], $0x800, $0x38;
	[tilespmem:$0x1C7D0] =	vst v63  }
0x104: {  	_ =	swait.ge [sflag:s17], $0x800  }
0x105: {  	[sflag:s17] =	ssyncset.done $0x0  }
0x106: {  	s18 =	rddreg [dreg:$0x1c];
	[sflag:s17] =	ssyncadd.s32 $0xFFFFF800  }
0x107: {  	[spmem:s18] =	stream.linear.scatter [tilespmem:s20], [sflag:$0x1], $0x800, $0x38;
	[tilespmem:$0x1C7D0] =	vst v63  }
0x108: {  	_ =	swait.ge [sflag:s17], $0x800  }
0x109: {  	[sflag:s17] =	ssyncset.done $0x0  }
0x10a: {  	s19 =	rddreg [dreg:$0x1d];
	[sflag:s17] =	ssyncadd.s32 $0xFFFFF800  }
0x10b: {  	[spmem:s19] =	stream.linear.scatter [tilespmem:s20], [sflag:$0x1], $0x800, $0x38;
	[tilespmem:$0x1C7D0] =	vst v63  }
0x10c: {  	_ =	swait.ge [sflag:s17], $0x800  }
0x10d: {  	[sflag:s17] =	ssyncset.done $0x0  }
0x10e: {  	s25 =	rddreg [dreg:$0x1e];
	[sflag:s17] =	ssyncadd.s32 $0xFFFFF800  }
0x10f: {  	[spmem:s25] =	stream.linear.scatter [tilespmem:s20], [sflag:$0x1], $0x800, $0x38;
	[tilespmem:$0x1C7D0] =	vst v63  }
0x110: {  	_ =	swait.ge [sflag:s17], $0x800  }
0x111: {  	[sflag:s17] =	ssyncset.done $0x0  }
0x112: {  	s28 =	rddreg [dreg:$0x1f];
	[sflag:s17] =	ssyncadd.s32 $0xFFFFF800  }
0x113: {  	[spmem:s28] =	stream.linear.scatter [tilespmem:s20], [sflag:$0x1], $0x800, $0x38;
	[tilespmem:$0x1C7D0] =	vst v63  }
0x114: {  	_ =	swait.ge [sflag:s17], $0x800  }
0x115: {  	[sflag:s17] =	ssyncset.done $0x0  }
0x116: {  	s4 =	simm.s32 $0x40;
	s13 =	simm.s32 $0x0;
	[sflag:s17] =	ssyncadd.s32 $0xFFFFF800  }
.LBB2_21:
0x117: {  	p3 =	sne.s32 s4, $0x3FC0;
	[tilespmem:s13+$0x11230] =	vst v2;
	s13 =	smov.u32 s4;
	s4 =	sadd.s32 $0x40, s4  }
.Ltmp12:
0x118: {  	(pc) =	sbr.rel @p3 .LBB2_21-.Ltmp12, $2  }
0x119: {  	_ =	sdelay $0x2  }
0x11a: {  	s13 =	sshra.s32 s13, $0x2  }
0x11b: {  	[tilespmem:s13+$0x11230] =	vst v2;
	s1 =	rddreg [dreg:$0x11]  }
0x11c: {  	[spmem:s1] =	stream.linear.scatter [tilespmem:s24], [sflag:$0x1], $0x1000, $0x38;
	[tilespmem:$0x1C7D0] =	vst v63  }
0x11d: {  	_ =	swait.ge [sflag:s17], $0x1000  }
0x11e: {  	[sflag:s17] =	ssyncset.done $0x0  }
0x11f: {  	[sflag:s17] =	ssyncadd.s32 $0xFFFFF000  }
0x120: {  	s4 =	simm.s32 $0x0;
	s13 =	smov.u32 s9;
	[bflag:$0x0] =	sbarrier.arrive $0xFFFF  }
.LBB2_23:
0x121: {  	s14 =	sshll.u32 s4, $0x5  }
0x122: {  	s14 =	sadd.s32 s9, s14  }
0x123: {  	s15 =	sshll.u32 s14, $0x5  }
0x124: {  	s15 =	sadd.s32 s7, s15  }
0x125: {  	[tilespmem:s20], [sflag:$0x1] =	stream.strided.gather [hbm4b:s15+s29], $0x800, s30, s29, $0x38;
	[tilespmem:$0x1C7D0] =	vst v63  }
0x126: {  	_ =	swait.ge [sflag:s17], $0x800  }
0x127: {  	[sflag:s17] =	ssyncset.done $0x0  }
0x128: {  	[sflag:s17] =	ssyncadd.s32 $0xFFFFF800  }
0x129: {  	[spmem:s3] =	stream.indirect.scatter.add.f32 [tilespmem:s20], [sflag:$0x1], $0x40, s14, s31, $0xb8;
	[tilespmem:$0x1C7D0] =	vst v63  }
0x12a: {  	p3 =	slt.u32 s13, $0x2710;
	s16 =	simm.f32 $1.000000000e+00;
	_ =	swait.ge [sflag:s17], $0x800  }
0x12b: {  	s18 =	simm.s32 $0x0;
	s16 =	simm.s32 @!p3 $0x0;
	[sflag:s17] =	ssyncset.done $0x0  }
0x12c: {  	v7 =	vmov s16;
	s16 =	smov.u32 s13;
	s15 =	simm.s32 $0x40;
	[sflag:s17] =	ssyncadd.s32 $0xFFFFF800  }
.LBB2_24:
0x12d: {  	p3 =	sne.s32 s15, $0x7C0  }
0x12e: {  	[tilespmem:s18+$0x11030] =	vst v7;
	s16 =	sadd.s32 $0x1, s16;
	s18 =	smov.u32 s15;
	s15 =	sadd.s32 $0x40, s15  }
.Ltmp13:
0x12f: {  	(pc) =	sbr.rel @p3 .LBB2_24-.Ltmp13, $4  }
0x130: {  	_ = 	snop  }
0x131: {  	s19 =	simm.f32 $1.000000000e+00;
	p4 =	slt.u32 s16, $0x2710  }
0x132: {  	s19 =	simm.s32 @!p4 $0x0  }
0x133: {  	s18 =	sshra.s32 s18, $0x2;
	v7 =	vmov s19  }
0x134: {  	s4 =	sadd.s32 $0x1, s4  }
0x135: {  	p3 =	seq.s32 s4, $0x14  }
.Ltmp14:
0x136: {  	[tilespmem:s18+$0x11030] =	vst v7;
	s1 =	rddreg [dreg:$0x6];
	s15 =	simm.s32 $0x11030;
	(pc) =	sbr.rel @!p3 .LBB2_23-.Ltmp14, $4  }
0x137: {  	[spmem:s1] =	stream.indirect.scatter.add.f32 [tilespmem:s15], [sflag:$0x1], $0x10, s14, s31, $0xb8;
	[tilespmem:$0x1C7D0] =	vst v63  }
0x138: {  	_ =	swait.ge [sflag:s17], $0x200  }
0x139: {  	[sflag:s17] =	ssyncset.done $0x0  }
0x13a: {  	s13 =	sadd.s32 $0x20, s13;
	[sflag:s17] =	ssyncadd.s32 $0xFFFFFE00  }
0x13b: {  	[bflag:$0x0] =	sbarrier.arrive $0xFFFF  }
0x13c: {  	s1 =	rddreg [dreg:$0x11]  }
0x13d: {  	[tilespmem:s24], [sflag:$0x1] =	stream.linear.gather [spmem:s1], $0x1000, $0x38;
	[tilespmem:$0x1C7D0] =	vst v63  }
0x13e: {  	_ =	swait.ge [sflag:s17], $0x1000  }
0x13f: {  	[sflag:s17] =	ssyncset.done $0x0  }
0x140: {  	s4 =	simm.s32 $0x0;
	s13 =	simm.s32 $0x0;
	[sflag:s17] =	ssyncadd.s32 $0xFFFFF000  }
.LBB2_27:
0x141: {  	s15 =	sshll.u32 s13, $0x5  }
0x142: {  	s14 =	sadd.s32 s0, s15  }
0x143: {  	v7 =	vmov s15;
	s16 =	sshll.u32 s14, $0x6  }
0x144: {  	v7 =	vshll.u32 v7, $0x4;
	s16 =	sand.u32 $0x3FFFFFC0, s16  }
0x145: {  	v7 =	vor.u32 v4, v7;
	s16 =	sadd.s32 s16, s3  }
0x146: {  	[tilespmem:s20], [sflag:$0x1] =	stream.linear.gather [spmem:s16], $0x800, $0x38;
	[tilespmem:$0x1C7D0] =	vst v63  }
0x147: {  	_ =	swait.ge [sflag:s17], $0x800  }
0x148: {  	[sflag:s17] =	ssyncset.done $0x0  }
0x149: {  	[sflag:s17] =	ssyncadd.s32 $0xFFFFF800  }
0x14a: {  	v7 =	vld.idx.msk [tilespmem:v7+s24+$0x0], $0xffff;
	_ =	sdelay $0x4  }
0x14b: {  	v7 =	vadd.f32 $1.000000010e-10, v7;
	_ =	sdelay $0x1  }
0x14c: {  	v8 =	vshra.s32 v7, $0x1;
	v7 =	vmul.f32 $5.000000000e-01, v7  }
0x14d: {  	v8 =	vsub.s32 $0x5F3759DF, v8  }
0x14e: {  	v9 =	vmul.f32 v8, v7;
	_ =	sdelay $0x1  }
0x14f: {  	v9 =	vmul.f32 v8, v9;
	_ =	sdelay $0x1  }
0x150: {  	v9 =	vsub.f32 $1.500000000e+00, v9;
	_ =	sdelay $0x1  }
0x151: {  	v8 =	vmul.f32 v8, v9;
	_ =	sdelay $0x1  }
0x152: {  	v9 =	vmul.f32 v8, v7;
	_ =	sdelay $0x1  }
0x153: {  	v9 =	vmul.f32 v9, v8;
	_ =	sdelay $0x1  }
0x154: {  	v9 =	vsub.f32 $1.500000000e+00, v9;
	_ =	sdelay $0x1  }
0x155: {  	v8 =	vmul.f32 v9, v8;
	_ =	sdelay $0x1  }
0x156: {  	v9 =	vmul.f32 v8, v7;
	_ =	sdelay $0x1  }
0x157: {  	v9 =	vmul.f32 v9, v8;
	_ =	sdelay $0x1  }
0x158: {  	v9 =	vsub.f32 $1.500000000e+00, v9;
	_ =	sdelay $0x1  }
0x159: {  	v8 =	vmul.f32 v9, v8;
	_ =	sdelay $0x1  }
0x15a: {  	v7 =	vmul.f32 v8, v7  }
0x15b: {  	s15 =	sor.u32 $0x10, s15  }
0x15c: {  	v9 =	vmov s15;
	v7 =	vmul.f32 v7, v8  }
0x15d: {  	v9 =	vshll.u32 v9, $0x4  }
0x15e: {  	v9 =	vor.u32 v4, v9;
	v7 =	vsub.f32 $1.500000000e+00, v7;
	_ =	sdelay $0x1  }
0x15f: {  	v7 =	vmul.f32 v7, v8;
	_ =	sdelay $0x1  }
0x160: {  	[tilespmem:$0x12230] =	vst v7  }
0x161: {  	v7 =	vld.idx.msk [tilespmem:v9+s24+$0x0], $0xffff;
	_ =	sdelay $0x4  }
0x162: {  	v7 =	vadd.f32 $1.000000010e-10, v7;
	_ =	sdelay $0x1  }
0x163: {  	v8 =	vshra.s32 v7, $0x1;
	v7 =	vmul.f32 $5.000000000e-01, v7  }
0x164: {  	v8 =	vsub.s32 $0x5F3759DF, v8  }
0x165: {  	v9 =	vmul.f32 v8, v7;
	_ =	sdelay $0x1  }
0x166: {  	v9 =	vmul.f32 v8, v9;
	_ =	sdelay $0x1  }
0x167: {  	v9 =	vsub.f32 $1.500000000e+00, v9;
	_ =	sdelay $0x1  }
0x168: {  	v8 =	vmul.f32 v8, v9;
	_ =	sdelay $0x1  }
0x169: {  	v9 =	vmul.f32 v8, v7;
	_ =	sdelay $0x1  }
0x16a: {  	v9 =	vmul.f32 v9, v8;
	_ =	sdelay $0x1  }
0x16b: {  	v9 =	vsub.f32 $1.500000000e+00, v9;
	_ =	sdelay $0x1  }
0x16c: {  	v8 =	vmul.f32 v9, v8;
	_ =	sdelay $0x1  }
0x16d: {  	v9 =	vmul.f32 v8, v7;
	_ =	sdelay $0x1  }
0x16e: {  	v9 =	vmul.f32 v9, v8;
	_ =	sdelay $0x1  }
0x16f: {  	v9 =	vsub.f32 $1.500000000e+00, v9;
	_ =	sdelay $0x1  }
0x170: {  	v8 =	vmul.f32 v9, v8;
	_ =	sdelay $0x1  }
0x171: {  	v7 =	vmul.f32 v8, v7;
	_ =	sdelay $0x1  }
0x172: {  	v7 =	vmul.f32 v7, v8;
	_ =	sdelay $0x1  }
0x173: {  	v7 =	vsub.f32 $1.500000000e+00, v7;
	_ =	sdelay $0x1  }
0x174: {  	v7 =	vmul.f32 v7, v8;
	v8 =	vmov s4;
	_ =	sdelay $0x1  }
0x175: {  	s15 =	simm.s32 $0x10850;
	[tilespmem:$0x12240] =	vst v7  }
0x176: {  	v9 =	vld [tilespmem:s15+$0xFFFFFFF0]  }
0x177: {  	v7 =	vld [tilespmem:s15+$0x10]  }
0x178: {  	v12 =	vld.idx.msk [tilespmem:v8+s26+$0x0], $0xffff  }
0x179: {  	v8 =	vld [tilespmem:s15+$0xFFFFFFE0]  }
0x17a: {  	v13 =	vld [tilespmem:s15+$0x0];
	_ =	sdelay $0x3  }
0x17b: {  	s18 =	simm.s32 $0x1;
	v8 =	vmul.f32 v8, v12;
	v11 =	vmul.f32 v7, v12  }
0x17c: {  	s16 =	simm.s32 $0x2;
	v7 =	vmov s18;
	v10 =	vmul.f32 v9, v12;
	v9 =	vmul.f32 v13, v12;
	s18 =	simm.s32 $0x10850  }
.LBB2_28:
0x17d: {  	p3 =	sne.s32 s16, $0x1F  }
0x17e: {  	[tilespmem:s15+$0x10] =	vst v11;
	s18 =	sadd.s32 $0x40, s18;
	s19 =	smov.u32 s16;
	s16 =	sadd.s32 $0x1, s16  }
0x17f: {  	[tilespmem:s15+$0xFFFFFFE0] =	vst v8  }
0x180: {  	v12 =	vld [tilespmem:s18+$0xFFFFFFF0];
	[tilespmem:s15+$0xFFFFFFF0] =	vst v10  }
0x181: {  	v10 =	vld [tilespmem:s18+$0x10];
	[tilespmem:s15+$0x0] =	vst v9;
	s15 =	smov.u32 s18  }
0x182: {  	v9 =	vld.idx.msk [tilespmem:v7+s26+$0x0], $0xffff  }
0x183: {  	v7 =	vld [tilespmem:s18+$0xFFFFFFE0]  }
0x184: {  	v13 =	vld [tilespmem:s18+$0x0]  }
.Ltmp15:
0x185: {  	(pc) =	sbr.rel @p3 .LBB2_28-.Ltmp15, $3  }
0x186: {  	_ =	sdelay $0x1  }
0x187: {  	v11 =	vmul.f32 v10, v9;
	v8 =	vmul.f32 v7, v9  }
0x188: {  	v10 =	vmul.f32 v12, v9;
	v7 =	vmov s19;
	v9 =	vmul.f32 v13, v9  }
0x189: {  	[tilespmem:s15+$0x10] =	vst v11  }
0x18a: {  	s16 =	sadd.s32 $0x40, s18;
	[tilespmem:s15+$0xFFFFFFE0] =	vst v8  }
0x18b: {  	v8 =	vld [tilespmem:s16+$0xFFFFFFF0];
	[tilespmem:s15+$0xFFFFFFF0] =	vst v10  }
0x18c: {  	v10 =	vld [tilespmem:s16+$0x10];
	[tilespmem:s15+$0x0] =	vst v9  }
0x18d: {  	v7 =	vld.idx.msk [tilespmem:v7+s26+$0x0], $0xffff  }
0x18e: {  	v9 =	vld [tilespmem:s16+$0xFFFFFFE0];
	_ =	sdelay $0x1  }
0x18f: {  	v11 =	vld [tilespmem:s16+$0x0];
	_ =	sdelay $0x1  }
0x190: {  	v10 =	vmul.f32 v10, v7  }
0x191: {  	v9 =	vmul.f32 v9, v7  }
0x192: {  	v8 =	vmul.f32 v8, v7;
	[tilespmem:s16+$0x10] =	vst v10  }
0x193: {  	s13 =	sadd.s32 $0x1, s13;
	v7 =	vmul.f32 v11, v7;
	[tilespmem:s16+$0xFFFFFFE0] =	vst v9  }
0x194: {  	s14 =	sshll.u32 s14, $0x5;
	p3 =	sne.s32 s13, $0x8;
	[tilespmem:s16+$0xFFFFFFF0] =	vst v8  }
.Ltmp16:
0x195: {  	s14 =	sadd.s32 s8, s14;
	[tilespmem:s16+$0x0] =	vst v7;
	(pc) =	sbr.rel @p3 .LBB2_27-.Ltmp16, $4  }
0x196: {  	[hbm4b:s14+s29] =	stream.strided.scatter [tilespmem:s20], [sflag:$0x1], $0x800, s30, s29, $0x38;
	[tilespmem:$0x1C7D0] =	vst v63  }
0x197: {  	_ =	swait.ge [sflag:s17], $0x800  }
0x198: {  	[sflag:s17] =	ssyncset.done $0x0  }
0x199: {  	[sflag:s17] =	ssyncadd.s32 $0xFFFFF800  }
0x19a: {  	s4 =	simm.s32 $0x0  }
0x19b: {  	s13 =	sand.u32 $0x1F00, s4  }
0x19c: {  	s14 =	sand.u32 $0x30, s4;
	s15 =	sshrl.u32 s13, $0x2  }
0x19d: {  	s13 =	simm.s32 $0x40;
	s14 =	sor.u32 s14, s15  }
.LBB2_31:
0x19e: {  	p3 =	sne.s32 s13, $0x1FC0  }
0x19f: {  	[tilespmem:s14+$0x10830] =	vst v2;
	s4 =	sadd.s32 $0x10, s4;
	s14 =	smov.u32 s13;
	s13 =	sadd.s32 $0x40, s13  }
.Ltmp17:
0x1a0: {  	(pc) =	sbr.rel @p3 .LBB2_31-.Ltmp17, $4  }
0x1a1: {  	_ = 	snop  }
0x1a2: {  	s14 =	sand.u32 $0x1F00, s14  }
0x1a3: {  	s15 =	sand.u32 $0x30, s4;
	s14 =	sshrl.u32 s14, $0x2  }
0x1a4: {  	s14 =	sor.u32 s15, s14  }
0x1a5: {  	[tilespmem:s14+$0x10830] =	vst v2;
	s1 =	rddreg [dreg:$0x10]  }
0x1a6: {  	[spmem:s1] =	stream.linear.scatter [tilespmem:s20], [sflag:$0x1], $0x800, $0x38;
	[tilespmem:$0x1C7D0] =	vst v63  }
0x1a7: {  	_ =	swait.ge [sflag:s17], $0x800  }
0x1a8: {  	[sflag:s17] =	ssyncset.done $0x0  }
0x1a9: {  	s14 =	rddreg [dreg:$0x19];
	[sflag:s17] =	ssyncadd.s32 $0xFFFFF800  }
0x1aa: {  	[spmem:s14] =	stream.linear.scatter [tilespmem:s20], [sflag:$0x1], $0x800, $0x38;
	[tilespmem:$0x1C7D0] =	vst v63  }
0x1ab: {  	_ =	swait.ge [sflag:s17], $0x800  }
0x1ac: {  	[sflag:s17] =	ssyncset.done $0x0  }
0x1ad: {  	s15 =	rddreg [dreg:$0x1a];
	[sflag:s17] =	ssyncadd.s32 $0xFFFFF800  }
0x1ae: {  	[spmem:s15] =	stream.linear.scatter [tilespmem:s20], [sflag:$0x1], $0x800, $0x38;
	[tilespmem:$0x1C7D0] =	vst v63  }
0x1af: {  	_ =	swait.ge [sflag:s17], $0x800  }
0x1b0: {  	[sflag:s17] =	ssyncset.done $0x0  }
0x1b1: {  	s16 =	rddreg [dreg:$0x1b];
	[sflag:s17] =	ssyncadd.s32 $0xFFFFF800  }
0x1b2: {  	[spmem:s16] =	stream.linear.scatter [tilespmem:s20], [sflag:$0x1], $0x800, $0x38;
	[tilespmem:$0x1C7D0] =	vst v63  }
0x1b3: {  	_ =	swait.ge [sflag:s17], $0x800  }
0x1b4: {  	[sflag:s17] =	ssyncset.done $0x0  }
0x1b5: {  	s18 =	rddreg [dreg:$0x1c];
	[sflag:s17] =	ssyncadd.s32 $0xFFFFF800  }
0x1b6: {  	[spmem:s18] =	stream.linear.scatter [tilespmem:s20], [sflag:$0x1], $0x800, $0x38;
	[tilespmem:$0x1C7D0] =	vst v63  }
0x1b7: {  	_ =	swait.ge [sflag:s17], $0x800  }
0x1b8: {  	[sflag:s17] =	ssyncset.done $0x0  }
0x1b9: {  	s19 =	rddreg [dreg:$0x1d];
	[sflag:s17] =	ssyncadd.s32 $0xFFFFF800  }
0x1ba: {  	[spmem:s19] =	stream.linear.scatter [tilespmem:s20], [sflag:$0x1], $0x800, $0x38;
	[tilespmem:$0x1C7D0] =	vst v63  }
0x1bb: {  	_ =	swait.ge [sflag:s17], $0x800  }
0x1bc: {  	[sflag:s17] =	ssyncset.done $0x0  }
0x1bd: {  	s25 =	rddreg [dreg:$0x1e];
	[sflag:s17] =	ssyncadd.s32 $0xFFFFF800  }
0x1be: {  	[spmem:s25] =	stream.linear.scatter [tilespmem:s20], [sflag:$0x1], $0x800, $0x38;
	[tilespmem:$0x1C7D0] =	vst v63  }
0x1bf: {  	_ =	swait.ge [sflag:s17], $0x800  }
0x1c0: {  	[sflag:s17] =	ssyncset.done $0x0  }
0x1c1: {  	s28 =	rddreg [dreg:$0x1f];
	[sflag:s17] =	ssyncadd.s32 $0xFFFFF800  }
0x1c2: {  	[spmem:s28] =	stream.linear.scatter [tilespmem:s20], [sflag:$0x1], $0x800, $0x38;
	[tilespmem:$0x1C7D0] =	vst v63  }
0x1c3: {  	_ =	swait.ge [sflag:s17], $0x800  }
0x1c4: {  	[sflag:s17] =	ssyncset.done $0x0  }
0x1c5: {  	[sflag:s17] =	ssyncadd.s32 $0xFFFFF800  }
0x1c6: {  	[bflag:$0x0] =	sbarrier.arrive $0xFFFF  }
0x1c7: {  	s13 =	rddreg [dreg:$0x13]  }
0x1c8: {  	[tilespmem:s20], [sflag:$0x1] =	stream.strided.gather [hbm4b:s13+s29], $0x800, s30, s29, $0x38;
	[tilespmem:$0x1C7D0] =	vst v63  }
0x1c9: {  	_ =	swait.ge [sflag:s17], $0x800  }
0x1ca: {  	[sflag:s17] =	ssyncset.done $0x0  }
0x1cb: {  	s4 =	sadd.s32 $0x0, s9;
	[sflag:s17] =	ssyncadd.s32 $0xFFFFF800  }
0x1cc: {  	[spmem:s3] =	stream.indirect.scatter.add.f32 [tilespmem:s20], [sflag:$0x1], $0x40, s4, s31, $0xb8;
	[tilespmem:$0x1C7D0] =	vst v63  }
0x1cd: {  	_ =	swait.ge [sflag:s17], $0x800  }
0x1ce: {  	s4 =	simm.s32 $0x80;
	[sflag:s17] =	ssyncset.done $0x0  }
.LBB2_33:
0x1cf: {  	p3 =	sne.s32 s4, $0x980;
	[sflag:s17] =	ssyncadd.s32 $0xFFFFF800;
	s13 =	sadd.s32 $0x400, s13  }
0x1d0: {  	[tilespmem:s20], [sflag:$0x1] =	stream.strided.gather [hbm4b:s13+s29], $0x800, s30, s29, $0x38;
	[tilespmem:$0x1C7D0] =	vst v63  }
0x1d1: {  	s14 =	smov.u32 s4;
	s4 =	sadd.s32 $0x80, s4;
	_ =	swait.ge [sflag:s17], $0x800  }
.Ltmp18:
0x1d2: {  	s14 =	sshra.s32 s14, $0x2;
	[sflag:s17] =	ssyncset.done $0x0;
	(pc) =	sbr.rel @p3 .LBB2_33-.Ltmp18, $4  }
0x1d3: {  	s14 =	sadd.s32 s14, s9;
	[sflag:s17] =	ssyncadd.s32 $0xFFFFF800  }
0x1d4: {  	[spmem:s3] =	stream.indirect.scatter.add.f32 [tilespmem:s20], [sflag:$0x1], $0x40, s14, s31, $0xb8;
	[tilespmem:$0x1C7D0] =	vst v63  }
0x1d5: {  	_ =	swait.ge [sflag:s17], $0x800  }
0x1d6: {  	[sflag:s17] =	ssyncset.done $0x0  }
0x1d7: {  	[sflag:s17] =	ssyncadd.s32 $0xFFFFF800  }
0x1d8: {  	s4 =	simm.s32 $0x0;
	s13 =	simm.s32 $0x0;
	[bflag:$0x0] =	sbarrier.arrive $0xFFFF  }
.LBB2_35:
0x1d9: {  	s15 =	sshll.u32 s13, $0x5  }
0x1da: {  	s14 =	sadd.s32 s0, s15  }
0x1db: {  	v7 =	vmov s15;
	s16 =	sshll.u32 s14, $0x6  }
0x1dc: {  	v7 =	vshll.u32 v7, $0x4;
	s16 =	sand.u32 $0x3FFFFFC0, s16  }
0x1dd: {  	v7 =	vor.u32 v4, v7;
	s16 =	sadd.s32 s16, s3  }
0x1de: {  	[tilespmem:s20], [sflag:$0x1] =	stream.linear.gather [spmem:s16], $0x800, $0x38;
	[tilespmem:$0x1C7D0] =	vst v63  }
0x1df: {  	_ =	swait.ge [sflag:s17], $0x800  }
0x1e0: {  	[sflag:s17] =	ssyncset.done $0x0  }
0x1e1: {  	[sflag:s17] =	ssyncadd.s32 $0xFFFFF800  }
0x1e2: {  	v7 =	vld.idx.msk [tilespmem:v7+s24+$0x0], $0xffff;
	_ =	sdelay $0x4  }
0x1e3: {  	v7 =	vadd.f32 $1.000000010e-10, v7;
	_ =	sdelay $0x1  }
0x1e4: {  	v8 =	vshra.s32 v7, $0x1;
	v7 =	vmul.f32 $5.000000000e-01, v7  }
0x1e5: {  	v8 =	vsub.s32 $0x5F3759DF, v8  }
0x1e6: {  	v9 =	vmul.f32 v8, v7;
	_ =	sdelay $0x1  }
0x1e7: {  	v9 =	vmul.f32 v8, v9;
	_ =	sdelay $0x1  }
0x1e8: {  	v9 =	vsub.f32 $1.500000000e+00, v9;
	_ =	sdelay $0x1  }
0x1e9: {  	v8 =	vmul.f32 v8, v9;
	_ =	sdelay $0x1  }
0x1ea: {  	v9 =	vmul.f32 v8, v7;
	_ =	sdelay $0x1  }
0x1eb: {  	v9 =	vmul.f32 v9, v8;
	_ =	sdelay $0x1  }
0x1ec: {  	v9 =	vsub.f32 $1.500000000e+00, v9;
	_ =	sdelay $0x1  }
0x1ed: {  	v8 =	vmul.f32 v9, v8;
	_ =	sdelay $0x1  }
0x1ee: {  	v9 =	vmul.f32 v8, v7;
	_ =	sdelay $0x1  }
0x1ef: {  	v9 =	vmul.f32 v9, v8;
	_ =	sdelay $0x1  }
0x1f0: {  	v9 =	vsub.f32 $1.500000000e+00, v9;
	_ =	sdelay $0x1  }
0x1f1: {  	v8 =	vmul.f32 v9, v8;
	_ =	sdelay $0x1  }
0x1f2: {  	v7 =	vmul.f32 v8, v7  }
0x1f3: {  	s15 =	sor.u32 $0x10, s15  }
0x1f4: {  	v9 =	vmov s15;
	v7 =	vmul.f32 v7, v8  }
0x1f5: {  	v9 =	vshll.u32 v9, $0x4  }
0x1f6: {  	v9 =	vor.u32 v4, v9;
	v7 =	vsub.f32 $1.500000000e+00, v7;
	_ =	sdelay $0x1  }
0x1f7: {  	v7 =	vmul.f32 v7, v8;
	_ =	sdelay $0x1  }
0x1f8: {  	[tilespmem:$0x12230] =	vst v7  }
0x1f9: {  	v7 =	vld.idx.msk [tilespmem:v9+s24+$0x0], $0xffff;
	_ =	sdelay $0x4  }
0x1fa: {  	v7 =	vadd.f32 $1.000000010e-10, v7;
	_ =	sdelay $0x1  }
0x1fb: {  	v8 =	vshra.s32 v7, $0x1;
	v7 =	vmul.f32 $5.000000000e-01, v7  }
0x1fc: {  	v8 =	vsub.s32 $0x5F3759DF, v8  }
0x1fd: {  	v9 =	vmul.f32 v8, v7;
	_ =	sdelay $0x1  }
0x1fe: {  	v9 =	vmul.f32 v8, v9;
	_ =	sdelay $0x1  }
0x1ff: {  	v9 =	vsub.f32 $1.500000000e+00, v9;
	_ =	sdelay $0x1  }
0x200: {  	v8 =	vmul.f32 v8, v9;
	_ =	sdelay $0x1  }
0x201: {  	v9 =	vmul.f32 v8, v7;
	_ =	sdelay $0x1  }
0x202: {  	v9 =	vmul.f32 v9, v8;
	_ =	sdelay $0x1  }
0x203: {  	v9 =	vsub.f32 $1.500000000e+00, v9;
	_ =	sdelay $0x1  }
0x204: {  	v8 =	vmul.f32 v9, v8;
	_ =	sdelay $0x1  }
0x205: {  	v9 =	vmul.f32 v8, v7;
	_ =	sdelay $0x1  }
0x206: {  	v9 =	vmul.f32 v9, v8;
	_ =	sdelay $0x1  }
0x207: {  	v9 =	vsub.f32 $1.500000000e+00, v9;
	_ =	sdelay $0x1  }
0x208: {  	v8 =	vmul.f32 v9, v8;
	_ =	sdelay $0x1  }
0x209: {  	v7 =	vmul.f32 v8, v7;
	_ =	sdelay $0x1  }
0x20a: {  	v7 =	vmul.f32 v7, v8;
	_ =	sdelay $0x1  }
0x20b: {  	v7 =	vsub.f32 $1.500000000e+00, v7;
	_ =	sdelay $0x1  }
0x20c: {  	v7 =	vmul.f32 v7, v8;
	v8 =	vmov s4;
	_ =	sdelay $0x1  }
0x20d: {  	s15 =	simm.s32 $0x10850;
	[tilespmem:$0x12240] =	vst v7  }
0x20e: {  	v9 =	vld [tilespmem:s15+$0xFFFFFFF0]  }
0x20f: {  	v7 =	vld [tilespmem:s15+$0x10]  }
0x210: {  	v12 =	vld.idx.msk [tilespmem:v8+s26+$0x0], $0xffff  }
0x211: {  	v8 =	vld [tilespmem:s15+$0xFFFFFFE0]  }
0x212: {  	v13 =	vld [tilespmem:s15+$0x0];
	_ =	sdelay $0x3  }
0x213: {  	s18 =	simm.s32 $0x1;
	v8 =	vmul.f32 v8, v12;
	v11 =	vmul.f32 v7, v12  }
0x214: {  	s16 =	simm.s32 $0x2;
	v7 =	vmov s18;
	v10 =	vmul.f32 v9, v12;
	v9 =	vmul.f32 v13, v12;
	s18 =	simm.s32 $0x10850  }
.LBB2_36:
0x215: {  	p3 =	sne.s32 s16, $0x1F  }
0x216: {  	[tilespmem:s15+$0x10] =	vst v11;
	s18 =	sadd.s32 $0x40, s18;
	s19 =	smov.u32 s16;
	s16 =	sadd.s32 $0x1, s16  }
0x217: {  	[tilespmem:s15+$0xFFFFFFE0] =	vst v8  }
0x218: {  	v12 =	vld [tilespmem:s18+$0xFFFFFFF0];
	[tilespmem:s15+$0xFFFFFFF0] =	vst v10  }
0x219: {  	v10 =	vld [tilespmem:s18+$0x10];
	[tilespmem:s15+$0x0] =	vst v9;
	s15 =	smov.u32 s18  }
0x21a: {  	v9 =	vld.idx.msk [tilespmem:v7+s26+$0x0], $0xffff  }
0x21b: {  	v7 =	vld [tilespmem:s18+$0xFFFFFFE0]  }
0x21c: {  	v13 =	vld [tilespmem:s18+$0x0]  }
.Ltmp19:
0x21d: {  	(pc) =	sbr.rel @p3 .LBB2_36-.Ltmp19, $3  }
0x21e: {  	_ =	sdelay $0x1  }
0x21f: {  	v11 =	vmul.f32 v10, v9;
	v8 =	vmul.f32 v7, v9  }
0x220: {  	v10 =	vmul.f32 v12, v9;
	v7 =	vmov s19;
	v9 =	vmul.f32 v13, v9  }
0x221: {  	[tilespmem:s15+$0x10] =	vst v11  }
0x222: {  	s16 =	sadd.s32 $0x40, s18;
	[tilespmem:s15+$0xFFFFFFE0] =	vst v8  }
0x223: {  	v8 =	vld [tilespmem:s16+$0xFFFFFFF0];
	[tilespmem:s15+$0xFFFFFFF0] =	vst v10  }
0x224: {  	v10 =	vld [tilespmem:s16+$0x10];
	[tilespmem:s15+$0x0] =	vst v9  }
0x225: {  	v7 =	vld.idx.msk [tilespmem:v7+s26+$0x0], $0xffff  }
0x226: {  	v9 =	vld [tilespmem:s16+$0xFFFFFFE0];
	_ =	sdelay $0x1  }
0x227: {  	v11 =	vld [tilespmem:s16+$0x0];
	_ =	sdelay $0x1  }
0x228: {  	v10 =	vmul.f32 v10, v7  }
0x229: {  	v9 =	vmul.f32 v9, v7  }
0x22a: {  	v8 =	vmul.f32 v8, v7;
	[tilespmem:s16+$0x10] =	vst v10  }
0x22b: {  	s13 =	sadd.s32 $0x1, s13;
	v7 =	vmul.f32 v11, v7;
	[tilespmem:s16+$0xFFFFFFE0] =	vst v9  }
0x22c: {  	s14 =	sshll.u32 s14, $0x5;
	p3 =	sne.s32 s13, $0x8;
	[tilespmem:s16+$0xFFFFFFF0] =	vst v8  }
.Ltmp20:
0x22d: {  	s14 =	sadd.s32 s14, s21;
	[tilespmem:s16+$0x0] =	vst v7;
	(pc) =	sbr.rel @p3 .LBB2_35-.Ltmp20, $4  }
0x22e: {  	[hbm4b:s14+s29] =	stream.strided.scatter [tilespmem:s20], [sflag:$0x1], $0x800, s30, s29, $0x38;
	[tilespmem:$0x1C7D0] =	vst v63  }
0x22f: {  	_ =	swait.ge [sflag:s17], $0x800  }
0x230: {  	[sflag:s17] =	ssyncset.done $0x0  }
0x231: {  	[sflag:s17] =	ssyncadd.s32 $0xFFFFF800  }
0x232: {  	s4 =	simm.s32 $0x0  }
0x233: {  	s13 =	sand.u32 $0x1F00, s4  }
0x234: {  	s14 =	sand.u32 $0x30, s4;
	s15 =	sshrl.u32 s13, $0x2  }
0x235: {  	s13 =	simm.s32 $0x40;
	s14 =	sor.u32 s14, s15  }
.LBB2_39:
0x236: {  	p3 =	sne.s32 s13, $0x1FC0  }
0x237: {  	[tilespmem:s14+$0x10830] =	vst v2;
	s4 =	sadd.s32 $0x10, s4;
	s14 =	smov.u32 s13;
	s13 =	sadd.s32 $0x40, s13  }
.Ltmp21:
0x238: {  	(pc) =	sbr.rel @p3 .LBB2_39-.Ltmp21, $4  }
0x239: {  	_ = 	snop  }
0x23a: {  	s14 =	sand.u32 $0x1F00, s14  }
0x23b: {  	s15 =	sand.u32 $0x30, s4;
	s14 =	sshrl.u32 s14, $0x2  }
0x23c: {  	s14 =	sor.u32 s15, s14  }
0x23d: {  	[tilespmem:s14+$0x10830] =	vst v2;
	s1 =	rddreg [dreg:$0x10]  }
0x23e: {  	[spmem:s1] =	stream.linear.scatter [tilespmem:s20], [sflag:$0x1], $0x800, $0x38;
	[tilespmem:$0x1C7D0] =	vst v63  }
0x23f: {  	_ =	swait.ge [sflag:s17], $0x800  }
0x240: {  	[sflag:s17] =	ssyncset.done $0x0  }
0x241: {  	s14 =	rddreg [dreg:$0x19];
	[sflag:s17] =	ssyncadd.s32 $0xFFFFF800  }
0x242: {  	[spmem:s14] =	stream.linear.scatter [tilespmem:s20], [sflag:$0x1], $0x800, $0x38;
	[tilespmem:$0x1C7D0] =	vst v63  }
0x243: {  	_ =	swait.ge [sflag:s17], $0x800  }
0x244: {  	[sflag:s17] =	ssyncset.done $0x0  }
0x245: {  	s15 =	rddreg [dreg:$0x1a];
	[sflag:s17] =	ssyncadd.s32 $0xFFFFF800  }
0x246: {  	[spmem:s15] =	stream.linear.scatter [tilespmem:s20], [sflag:$0x1], $0x800, $0x38;
	[tilespmem:$0x1C7D0] =	vst v63  }
0x247: {  	_ =	swait.ge [sflag:s17], $0x800  }
0x248: {  	[sflag:s17] =	ssyncset.done $0x0  }
0x249: {  	s16 =	rddreg [dreg:$0x1b];
	[sflag:s17] =	ssyncadd.s32 $0xFFFFF800  }
0x24a: {  	[spmem:s16] =	stream.linear.scatter [tilespmem:s20], [sflag:$0x1], $0x800, $0x38;
	[tilespmem:$0x1C7D0] =	vst v63  }
0x24b: {  	_ =	swait.ge [sflag:s17], $0x800  }
0x24c: {  	[sflag:s17] =	ssyncset.done $0x0  }
0x24d: {  	s18 =	rddreg [dreg:$0x1c];
	[sflag:s17] =	ssyncadd.s32 $0xFFFFF800  }
0x24e: {  	[spmem:s18] =	stream.linear.scatter [tilespmem:s20], [sflag:$0x1], $0x800, $0x38;
	[tilespmem:$0x1C7D0] =	vst v63  }
0x24f: {  	_ =	swait.ge [sflag:s17], $0x800  }
0x250: {  	[sflag:s17] =	ssyncset.done $0x0  }
0x251: {  	s19 =	rddreg [dreg:$0x1d];
	[sflag:s17] =	ssyncadd.s32 $0xFFFFF800  }
0x252: {  	[spmem:s19] =	stream.linear.scatter [tilespmem:s20], [sflag:$0x1], $0x800, $0x38;
	[tilespmem:$0x1C7D0] =	vst v63  }
0x253: {  	_ =	swait.ge [sflag:s17], $0x800  }
0x254: {  	[sflag:s17] =	ssyncset.done $0x0  }
0x255: {  	s25 =	rddreg [dreg:$0x1e];
	[sflag:s17] =	ssyncadd.s32 $0xFFFFF800  }
0x256: {  	[spmem:s25] =	stream.linear.scatter [tilespmem:s20], [sflag:$0x1], $0x800, $0x38;
	[tilespmem:$0x1C7D0] =	vst v63  }
0x257: {  	_ =	swait.ge [sflag:s17], $0x800  }
0x258: {  	[sflag:s17] =	ssyncset.done $0x0  }
0x259: {  	s28 =	rddreg [dreg:$0x1f];
	[sflag:s17] =	ssyncadd.s32 $0xFFFFF800  }
0x25a: {  	[spmem:s28] =	stream.linear.scatter [tilespmem:s20], [sflag:$0x1], $0x800, $0x38;
	[tilespmem:$0x1C7D0] =	vst v63  }
0x25b: {  	_ =	swait.ge [sflag:s17], $0x800  }
0x25c: {  	[sflag:s17] =	ssyncset.done $0x0  }
0x25d: {  	[sflag:s17] =	ssyncadd.s32 $0xFFFFF800  }
0x25e: {  	[bflag:$0x0] =	sbarrier.arrive $0xFFFF  }
0x25f: {  	s13 =	rddreg [dreg:$0x14]  }
0x260: {  	[tilespmem:s20], [sflag:$0x1] =	stream.strided.gather [hbm4b:s13+s29], $0x800, s30, s29, $0x38;
	[tilespmem:$0x1C7D0] =	vst v63  }
0x261: {  	_ =	swait.ge [sflag:s17], $0x800  }
0x262: {  	[sflag:s17] =	ssyncset.done $0x0  }
0x263: {  	s4 =	sadd.s32 $0x0, s9;
	[sflag:s17] =	ssyncadd.s32 $0xFFFFF800  }
0x264: {  	[spmem:s3] =	stream.indirect.scatter.add.f32 [tilespmem:s20], [sflag:$0x1], $0x40, s4, s31, $0xb8;
	[tilespmem:$0x1C7D0] =	vst v63  }
0x265: {  	_ =	swait.ge [sflag:s17], $0x800  }
0x266: {  	s4 =	simm.s32 $0x80;
	[sflag:s17] =	ssyncset.done $0x0  }
.LBB2_41:
0x267: {  	p3 =	sne.s32 s4, $0x980;
	[sflag:s17] =	ssyncadd.s32 $0xFFFFF800;
	s13 =	sadd.s32 $0x400, s13  }
0x268: {  	[tilespmem:s20], [sflag:$0x1] =	stream.strided.gather [hbm4b:s13+s29], $0x800, s30, s29, $0x38;
	[tilespmem:$0x1C7D0] =	vst v63  }
0x269: {  	s14 =	smov.u32 s4;
	s4 =	sadd.s32 $0x80, s4;
	_ =	swait.ge [sflag:s17], $0x800  }
.Ltmp22:
0x26a: {  	s14 =	sshra.s32 s14, $0x2;
	[sflag:s17] =	ssyncset.done $0x0;
	(pc) =	sbr.rel @p3 .LBB2_41-.Ltmp22, $4  }
0x26b: {  	s14 =	sadd.s32 s14, s9;
	[sflag:s17] =	ssyncadd.s32 $0xFFFFF800  }
0x26c: {  	[spmem:s3] =	stream.indirect.scatter.add.f32 [tilespmem:s20], [sflag:$0x1], $0x40, s14, s31, $0xb8;
	[tilespmem:$0x1C7D0] =	vst v63  }
0x26d: {  	_ =	swait.ge [sflag:s17], $0x800  }
0x26e: {  	[sflag:s17] =	ssyncset.done $0x0  }
0x26f: {  	[sflag:s17] =	ssyncadd.s32 $0xFFFFF800  }
0x270: {  	s4 =	simm.s32 $0x0;
	s13 =	simm.s32 $0x0;
	[bflag:$0x0] =	sbarrier.arrive $0xFFFF  }
.LBB2_43:
0x271: {  	s15 =	sshll.u32 s13, $0x5  }
0x272: {  	s14 =	sadd.s32 s0, s15  }
0x273: {  	v7 =	vmov s15;
	s16 =	sshll.u32 s14, $0x6  }
0x274: {  	v7 =	vshll.u32 v7, $0x4;
	s16 =	sand.u32 $0x3FFFFFC0, s16  }
0x275: {  	v7 =	vor.u32 v4, v7;
	s16 =	sadd.s32 s16, s3  }
0x276: {  	[tilespmem:s20], [sflag:$0x1] =	stream.linear.gather [spmem:s16], $0x800, $0x38;
	[tilespmem:$0x1C7D0] =	vst v63  }
0x277: {  	_ =	swait.ge [sflag:s17], $0x800  }
0x278: {  	[sflag:s17] =	ssyncset.done $0x0  }
0x279: {  	[sflag:s17] =	ssyncadd.s32 $0xFFFFF800  }
0x27a: {  	v7 =	vld.idx.msk [tilespmem:v7+s24+$0x0], $0xffff;
	_ =	sdelay $0x4  }
0x27b: {  	v7 =	vadd.f32 $1.000000010e-10, v7;
	_ =	sdelay $0x1  }
0x27c: {  	v8 =	vshra.s32 v7, $0x1;
	v7 =	vmul.f32 $5.000000000e-01, v7  }
0x27d: {  	v8 =	vsub.s32 $0x5F3759DF, v8  }
0x27e: {  	v9 =	vmul.f32 v8, v7;
	_ =	sdelay $0x1  }
0x27f: {  	v9 =	vmul.f32 v8, v9;
	_ =	sdelay $0x1  }
0x280: {  	v9 =	vsub.f32 $1.500000000e+00, v9;
	_ =	sdelay $0x1  }
0x281: {  	v8 =	vmul.f32 v8, v9;
	_ =	sdelay $0x1  }
0x282: {  	v9 =	vmul.f32 v8, v7;
	_ =	sdelay $0x1  }
0x283: {  	v9 =	vmul.f32 v9, v8;
	_ =	sdelay $0x1  }
0x284: {  	v9 =	vsub.f32 $1.500000000e+00, v9;
	_ =	sdelay $0x1  }
0x285: {  	v8 =	vmul.f32 v9, v8;
	_ =	sdelay $0x1  }
0x286: {  	v9 =	vmul.f32 v8, v7;
	_ =	sdelay $0x1  }
0x287: {  	v9 =	vmul.f32 v9, v8;
	_ =	sdelay $0x1  }
0x288: {  	v9 =	vsub.f32 $1.500000000e+00, v9;
	_ =	sdelay $0x1  }
0x289: {  	v8 =	vmul.f32 v9, v8;
	_ =	sdelay $0x1  }
0x28a: {  	v7 =	vmul.f32 v8, v7  }
0x28b: {  	s15 =	sor.u32 $0x10, s15  }
0x28c: {  	v9 =	vmov s15;
	v7 =	vmul.f32 v7, v8  }
0x28d: {  	v9 =	vshll.u32 v9, $0x4  }
0x28e: {  	v9 =	vor.u32 v4, v9;
	v7 =	vsub.f32 $1.500000000e+00, v7;
	_ =	sdelay $0x1  }
0x28f: {  	v7 =	vmul.f32 v7, v8;
	_ =	sdelay $0x1  }
0x290: {  	[tilespmem:$0x12230] =	vst v7  }
0x291: {  	v7 =	vld.idx.msk [tilespmem:v9+s24+$0x0], $0xffff;
	_ =	sdelay $0x4  }
0x292: {  	v7 =	vadd.f32 $1.000000010e-10, v7;
	_ =	sdelay $0x1  }
0x293: {  	v8 =	vshra.s32 v7, $0x1;
	v7 =	vmul.f32 $5.000000000e-01, v7  }
0x294: {  	v8 =	vsub.s32 $0x5F3759DF, v8  }
0x295: {  	v9 =	vmul.f32 v8, v7;
	_ =	sdelay $0x1  }
0x296: {  	v9 =	vmul.f32 v8, v9;
	_ =	sdelay $0x1  }
0x297: {  	v9 =	vsub.f32 $1.500000000e+00, v9;
	_ =	sdelay $0x1  }
0x298: {  	v8 =	vmul.f32 v8, v9;
	_ =	sdelay $0x1  }
0x299: {  	v9 =	vmul.f32 v8, v7;
	_ =	sdelay $0x1  }
0x29a: {  	v9 =	vmul.f32 v9, v8;
	_ =	sdelay $0x1  }
0x29b: {  	v9 =	vsub.f32 $1.500000000e+00, v9;
	_ =	sdelay $0x1  }
0x29c: {  	v8 =	vmul.f32 v9, v8;
	_ =	sdelay $0x1  }
0x29d: {  	v9 =	vmul.f32 v8, v7;
	_ =	sdelay $0x1  }
0x29e: {  	v9 =	vmul.f32 v9, v8;
	_ =	sdelay $0x1  }
0x29f: {  	v9 =	vsub.f32 $1.500000000e+00, v9;
	_ =	sdelay $0x1  }
0x2a0: {  	v8 =	vmul.f32 v9, v8;
	_ =	sdelay $0x1  }
0x2a1: {  	v7 =	vmul.f32 v8, v7;
	_ =	sdelay $0x1  }
0x2a2: {  	v7 =	vmul.f32 v7, v8;
	_ =	sdelay $0x1  }
0x2a3: {  	v7 =	vsub.f32 $1.500000000e+00, v7;
	_ =	sdelay $0x1  }
0x2a4: {  	v7 =	vmul.f32 v7, v8;
	v8 =	vmov s4;
	_ =	sdelay $0x1  }
0x2a5: {  	s15 =	simm.s32 $0x10850;
	[tilespmem:$0x12240] =	vst v7  }
0x2a6: {  	v9 =	vld [tilespmem:s15+$0xFFFFFFF0]  }
0x2a7: {  	v7 =	vld [tilespmem:s15+$0x10]  }
0x2a8: {  	v12 =	vld.idx.msk [tilespmem:v8+s26+$0x0], $0xffff  }
0x2a9: {  	v8 =	vld [tilespmem:s15+$0xFFFFFFE0]  }
0x2aa: {  	v13 =	vld [tilespmem:s15+$0x0];
	_ =	sdelay $0x3  }
0x2ab: {  	s18 =	simm.s32 $0x1;
	v8 =	vmul.f32 v8, v12;
	v11 =	vmul.f32 v7, v12  }
0x2ac: {  	s16 =	simm.s32 $0x2;
	v7 =	vmov s18;
	v10 =	vmul.f32 v9, v12;
	v9 =	vmul.f32 v13, v12;
	s18 =	simm.s32 $0x10850  }
.LBB2_44:
0x2ad: {  	p3 =	sne.s32 s16, $0x1F  }
0x2ae: {  	[tilespmem:s15+$0x10] =	vst v11;
	s18 =	sadd.s32 $0x40, s18;
	s19 =	smov.u32 s16;
	s16 =	sadd.s32 $0x1, s16  }
0x2af: {  	[tilespmem:s15+$0xFFFFFFE0] =	vst v8  }
0x2b0: {  	v12 =	vld [tilespmem:s18+$0xFFFFFFF0];
	[tilespmem:s15+$0xFFFFFFF0] =	vst v10  }
0x2b1: {  	v10 =	vld [tilespmem:s18+$0x10];
	[tilespmem:s15+$0x0] =	vst v9;
	s15 =	smov.u32 s18  }
0x2b2: {  	v9 =	vld.idx.msk [tilespmem:v7+s26+$0x0], $0xffff  }
0x2b3: {  	v7 =	vld [tilespmem:s18+$0xFFFFFFE0]  }
0x2b4: {  	v13 =	vld [tilespmem:s18+$0x0]  }
.Ltmp23:
0x2b5: {  	(pc) =	sbr.rel @p3 .LBB2_44-.Ltmp23, $3  }
0x2b6: {  	_ =	sdelay $0x1  }
0x2b7: {  	v11 =	vmul.f32 v10, v9;
	v8 =	vmul.f32 v7, v9  }
0x2b8: {  	v10 =	vmul.f32 v12, v9;
	v7 =	vmov s19;
	v9 =	vmul.f32 v13, v9  }
0x2b9: {  	[tilespmem:s15+$0x10] =	vst v11  }
0x2ba: {  	s16 =	sadd.s32 $0x40, s18;
	[tilespmem:s15+$0xFFFFFFE0] =	vst v8  }
0x2bb: {  	v8 =	vld [tilespmem:s16+$0xFFFFFFF0];
	[tilespmem:s15+$0xFFFFFFF0] =	vst v10  }
0x2bc: {  	v10 =	vld [tilespmem:s16+$0x10];
	[tilespmem:s15+$0x0] =	vst v9  }
0x2bd: {  	v7 =	vld.idx.msk [tilespmem:v7+s26+$0x0], $0xffff  }
0x2be: {  	v9 =	vld [tilespmem:s16+$0xFFFFFFE0];
	_ =	sdelay $0x1  }
0x2bf: {  	v11 =	vld [tilespmem:s16+$0x0];
	_ =	sdelay $0x1  }
0x2c0: {  	v10 =	vmul.f32 v10, v7  }
0x2c1: {  	v9 =	vmul.f32 v9, v7  }
0x2c2: {  	v8 =	vmul.f32 v8, v7;
	[tilespmem:s16+$0x10] =	vst v10  }
0x2c3: {  	s13 =	sadd.s32 $0x1, s13;
	v7 =	vmul.f32 v11, v7;
	[tilespmem:s16+$0xFFFFFFE0] =	vst v9  }
0x2c4: {  	s14 =	sshll.u32 s14, $0x5;
	p3 =	sne.s32 s13, $0x8;
	[tilespmem:s16+$0xFFFFFFF0] =	vst v8  }
.Ltmp24:
0x2c5: {  	s14 =	sadd.s32 s14, s22;
	[tilespmem:s16+$0x0] =	vst v7;
	(pc) =	sbr.rel @p3 .LBB2_43-.Ltmp24, $4  }
0x2c6: {  	[hbm4b:s14+s29] =	stream.strided.scatter [tilespmem:s20], [sflag:$0x1], $0x800, s30, s29, $0x38;
	[tilespmem:$0x1C7D0] =	vst v63  }
0x2c7: {  	_ =	swait.ge [sflag:s17], $0x800  }
0x2c8: {  	[sflag:s17] =	ssyncset.done $0x0  }
0x2c9: {  	[sflag:s17] =	ssyncadd.s32 $0xFFFFF800  }
0x2ca: {  	s4 =	simm.s32 $0x0  }
0x2cb: {  	s13 =	sand.u32 $0x1F00, s4  }
0x2cc: {  	s14 =	sand.u32 $0x30, s4;
	s15 =	sshrl.u32 s13, $0x2  }
0x2cd: {  	s13 =	simm.s32 $0x40;
	s14 =	sor.u32 s14, s15  }
.LBB2_47:
0x2ce: {  	p3 =	sne.s32 s13, $0x1FC0  }
0x2cf: {  	[tilespmem:s14+$0x10830] =	vst v2;
	s4 =	sadd.s32 $0x10, s4;
	s14 =	smov.u32 s13;
	s13 =	sadd.s32 $0x40, s13  }
.Ltmp25:
0x2d0: {  	(pc) =	sbr.rel @p3 .LBB2_47-.Ltmp25, $4  }
0x2d1: {  	_ = 	snop  }
0x2d2: {  	s14 =	sand.u32 $0x1F00, s14  }
0x2d3: {  	s15 =	sand.u32 $0x30, s4;
	s14 =	sshrl.u32 s14, $0x2  }
0x2d4: {  	s14 =	sor.u32 s15, s14  }
0x2d5: {  	[tilespmem:s14+$0x10830] =	vst v2;
	s1 =	rddreg [dreg:$0x10]  }
0x2d6: {  	[spmem:s1] =	stream.linear.scatter [tilespmem:s20], [sflag:$0x1], $0x800, $0x38;
	[tilespmem:$0x1C7D0] =	vst v63  }
0x2d7: {  	_ =	swait.ge [sflag:s17], $0x800  }
0x2d8: {  	[sflag:s17] =	ssyncset.done $0x0  }
0x2d9: {  	s14 =	rddreg [dreg:$0x19];
	[sflag:s17] =	ssyncadd.s32 $0xFFFFF800  }
0x2da: {  	[spmem:s14] =	stream.linear.scatter [tilespmem:s20], [sflag:$0x1], $0x800, $0x38;
	[tilespmem:$0x1C7D0] =	vst v63  }
0x2db: {  	_ =	swait.ge [sflag:s17], $0x800  }
0x2dc: {  	[sflag:s17] =	ssyncset.done $0x0  }
0x2dd: {  	s15 =	rddreg [dreg:$0x1a];
	[sflag:s17] =	ssyncadd.s32 $0xFFFFF800  }
0x2de: {  	[spmem:s15] =	stream.linear.scatter [tilespmem:s20], [sflag:$0x1], $0x800, $0x38;
	[tilespmem:$0x1C7D0] =	vst v63  }
0x2df: {  	_ =	swait.ge [sflag:s17], $0x800  }
0x2e0: {  	[sflag:s17] =	ssyncset.done $0x0  }
0x2e1: {  	s16 =	rddreg [dreg:$0x1b];
	[sflag:s17] =	ssyncadd.s32 $0xFFFFF800  }
0x2e2: {  	[spmem:s16] =	stream.linear.scatter [tilespmem:s20], [sflag:$0x1], $0x800, $0x38;
	[tilespmem:$0x1C7D0] =	vst v63  }
0x2e3: {  	_ =	swait.ge [sflag:s17], $0x800  }
0x2e4: {  	[sflag:s17] =	ssyncset.done $0x0  }
0x2e5: {  	s18 =	rddreg [dreg:$0x1c];
	[sflag:s17] =	ssyncadd.s32 $0xFFFFF800  }
0x2e6: {  	[spmem:s18] =	stream.linear.scatter [tilespmem:s20], [sflag:$0x1], $0x800, $0x38;
	[tilespmem:$0x1C7D0] =	vst v63  }
0x2e7: {  	_ =	swait.ge [sflag:s17], $0x800  }
0x2e8: {  	[sflag:s17] =	ssyncset.done $0x0  }
0x2e9: {  	s19 =	rddreg [dreg:$0x1d];
	[sflag:s17] =	ssyncadd.s32 $0xFFFFF800  }
0x2ea: {  	[spmem:s19] =	stream.linear.scatter [tilespmem:s20], [sflag:$0x1], $0x800, $0x38;
	[tilespmem:$0x1C7D0] =	vst v63  }
0x2eb: {  	_ =	swait.ge [sflag:s17], $0x800  }
0x2ec: {  	[sflag:s17] =	ssyncset.done $0x0  }
0x2ed: {  	s25 =	rddreg [dreg:$0x1e];
	[sflag:s17] =	ssyncadd.s32 $0xFFFFF800  }
0x2ee: {  	[spmem:s25] =	stream.linear.scatter [tilespmem:s20], [sflag:$0x1], $0x800, $0x38;
	[tilespmem:$0x1C7D0] =	vst v63  }
0x2ef: {  	_ =	swait.ge [sflag:s17], $0x800  }
0x2f0: {  	[sflag:s17] =	ssyncset.done $0x0  }
0x2f1: {  	s28 =	rddreg [dreg:$0x1f];
	[sflag:s17] =	ssyncadd.s32 $0xFFFFF800  }
0x2f2: {  	[spmem:s28] =	stream.linear.scatter [tilespmem:s20], [sflag:$0x1], $0x800, $0x38;
	[tilespmem:$0x1C7D0] =	vst v63  }
0x2f3: {  	_ =	swait.ge [sflag:s17], $0x800  }
0x2f4: {  	[sflag:s17] =	ssyncset.done $0x0  }
0x2f5: {  	[sflag:s17] =	ssyncadd.s32 $0xFFFFF800  }
0x2f6: {  	[bflag:$0x0] =	sbarrier.arrive $0xFFFF  }
0x2f7: {  	s13 =	rddreg [dreg:$0x15]  }
0x2f8: {  	[tilespmem:s20], [sflag:$0x1] =	stream.strided.gather [hbm4b:s13+s29], $0x800, s30, s29, $0x38;
	[tilespmem:$0x1C7D0] =	vst v63  }
0x2f9: {  	_ =	swait.ge [sflag:s17], $0x800  }
0x2fa: {  	[sflag:s17] =	ssyncset.done $0x0  }
0x2fb: {  	s4 =	sadd.s32 $0x0, s9;
	[sflag:s17] =	ssyncadd.s32 $0xFFFFF800  }
0x2fc: {  	[spmem:s3] =	stream.indirect.scatter.add.f32 [tilespmem:s20], [sflag:$0x1], $0x40, s4, s31, $0xb8;
	[tilespmem:$0x1C7D0] =	vst v63  }
0x2fd: {  	_ =	swait.ge [sflag:s17], $0x800  }
0x2fe: {  	s4 =	simm.s32 $0x80;
	[sflag:s17] =	ssyncset.done $0x0  }
.LBB2_49:
0x2ff: {  	p3 =	sne.s32 s4, $0x980;
	[sflag:s17] =	ssyncadd.s32 $0xFFFFF800;
	s13 =	sadd.s32 $0x400, s13  }
0x300: {  	[tilespmem:s20], [sflag:$0x1] =	stream.strided.gather [hbm4b:s13+s29], $0x800, s30, s29, $0x38;
	[tilespmem:$0x1C7D0] =	vst v63  }
0x301: {  	s14 =	smov.u32 s4;
	s4 =	sadd.s32 $0x80, s4;
	_ =	swait.ge [sflag:s17], $0x800  }
.Ltmp26:
0x302: {  	s14 =	sshra.s32 s14, $0x2;
	[sflag:s17] =	ssyncset.done $0x0;
	(pc) =	sbr.rel @p3 .LBB2_49-.Ltmp26, $4  }
0x303: {  	s14 =	sadd.s32 s14, s9;
	[sflag:s17] =	ssyncadd.s32 $0xFFFFF800  }
0x304: {  	[spmem:s3] =	stream.indirect.scatter.add.f32 [tilespmem:s20], [sflag:$0x1], $0x40, s14, s31, $0xb8;
	[tilespmem:$0x1C7D0] =	vst v63  }
0x305: {  	_ =	swait.ge [sflag:s17], $0x800  }
0x306: {  	[sflag:s17] =	ssyncset.done $0x0  }
0x307: {  	[sflag:s17] =	ssyncadd.s32 $0xFFFFF800  }
0x308: {  	s4 =	simm.s32 $0x0;
	s13 =	simm.s32 $0x0;
	[bflag:$0x0] =	sbarrier.arrive $0xFFFF  }
.LBB2_51:
0x309: {  	s15 =	sshll.u32 s13, $0x5  }
0x30a: {  	s14 =	sadd.s32 s0, s15  }
0x30b: {  	v7 =	vmov s15;
	s16 =	sshll.u32 s14, $0x6  }
0x30c: {  	v7 =	vshll.u32 v7, $0x4;
	s16 =	sand.u32 $0x3FFFFFC0, s16  }
0x30d: {  	v7 =	vor.u32 v4, v7;
	s16 =	sadd.s32 s16, s3  }
0x30e: {  	[tilespmem:s20], [sflag:$0x1] =	stream.linear.gather [spmem:s16], $0x800, $0x38;
	[tilespmem:$0x1C7D0] =	vst v63  }
0x30f: {  	_ =	swait.ge [sflag:s17], $0x800  }
0x310: {  	[sflag:s17] =	ssyncset.done $0x0  }
0x311: {  	[sflag:s17] =	ssyncadd.s32 $0xFFFFF800  }
0x312: {  	v7 =	vld.idx.msk [tilespmem:v7+s24+$0x0], $0xffff;
	_ =	sdelay $0x4  }
0x313: {  	v7 =	vadd.f32 $1.000000010e-10, v7;
	_ =	sdelay $0x1  }
0x314: {  	v8 =	vshra.s32 v7, $0x1;
	v7 =	vmul.f32 $5.000000000e-01, v7  }
0x315: {  	v8 =	vsub.s32 $0x5F3759DF, v8  }
0x316: {  	v9 =	vmul.f32 v8, v7;
	_ =	sdelay $0x1  }
0x317: {  	v9 =	vmul.f32 v8, v9;
	_ =	sdelay $0x1  }
0x318: {  	v9 =	vsub.f32 $1.500000000e+00, v9;
	_ =	sdelay $0x1  }
0x319: {  	v8 =	vmul.f32 v8, v9;
	_ =	sdelay $0x1  }
0x31a: {  	v9 =	vmul.f32 v8, v7;
	_ =	sdelay $0x1  }
0x31b: {  	v9 =	vmul.f32 v9, v8;
	_ =	sdelay $0x1  }
0x31c: {  	v9 =	vsub.f32 $1.500000000e+00, v9;
	_ =	sdelay $0x1  }
0x31d: {  	v8 =	vmul.f32 v9, v8;
	_ =	sdelay $0x1  }
0x31e: {  	v9 =	vmul.f32 v8, v7;
	_ =	sdelay $0x1  }
0x31f: {  	v9 =	vmul.f32 v9, v8;
	_ =	sdelay $0x1  }
0x320: {  	v9 =	vsub.f32 $1.500000000e+00, v9;
	_ =	sdelay $0x1  }
0x321: {  	v8 =	vmul.f32 v9, v8;
	_ =	sdelay $0x1  }
0x322: {  	v7 =	vmul.f32 v8, v7  }
0x323: {  	s15 =	sor.u32 $0x10, s15  }
0x324: {  	v9 =	vmov s15;
	v7 =	vmul.f32 v7, v8  }
0x325: {  	v9 =	vshll.u32 v9, $0x4  }
0x326: {  	v9 =	vor.u32 v4, v9;
	v7 =	vsub.f32 $1.500000000e+00, v7;
	_ =	sdelay $0x1  }
0x327: {  	v7 =	vmul.f32 v7, v8;
	_ =	sdelay $0x1  }
0x328: {  	[tilespmem:$0x12230] =	vst v7  }
0x329: {  	v7 =	vld.idx.msk [tilespmem:v9+s24+$0x0], $0xffff;
	_ =	sdelay $0x4  }
0x32a: {  	v7 =	vadd.f32 $1.000000010e-10, v7;
	_ =	sdelay $0x1  }
0x32b: {  	v8 =	vshra.s32 v7, $0x1;
	v7 =	vmul.f32 $5.000000000e-01, v7  }
0x32c: {  	v8 =	vsub.s32 $0x5F3759DF, v8  }
0x32d: {  	v9 =	vmul.f32 v8, v7;
	_ =	sdelay $0x1  }
0x32e: {  	v9 =	vmul.f32 v8, v9;
	_ =	sdelay $0x1  }
0x32f: {  	v9 =	vsub.f32 $1.500000000e+00, v9;
	_ =	sdelay $0x1  }
0x330: {  	v8 =	vmul.f32 v8, v9;
	_ =	sdelay $0x1  }
0x331: {  	v9 =	vmul.f32 v8, v7;
	_ =	sdelay $0x1  }
0x332: {  	v9 =	vmul.f32 v9, v8;
	_ =	sdelay $0x1  }
0x333: {  	v9 =	vsub.f32 $1.500000000e+00, v9;
	_ =	sdelay $0x1  }
0x334: {  	v8 =	vmul.f32 v9, v8;
	_ =	sdelay $0x1  }
0x335: {  	v9 =	vmul.f32 v8, v7;
	_ =	sdelay $0x1  }
0x336: {  	v9 =	vmul.f32 v9, v8;
	_ =	sdelay $0x1  }
0x337: {  	v9 =	vsub.f32 $1.500000000e+00, v9;
	_ =	sdelay $0x1  }
0x338: {  	v8 =	vmul.f32 v9, v8;
	_ =	sdelay $0x1  }
0x339: {  	v7 =	vmul.f32 v8, v7;
	_ =	sdelay $0x1  }
0x33a: {  	v7 =	vmul.f32 v7, v8;
	_ =	sdelay $0x1  }
0x33b: {  	v7 =	vsub.f32 $1.500000000e+00, v7;
	_ =	sdelay $0x1  }
0x33c: {  	v7 =	vmul.f32 v7, v8;
	v8 =	vmov s4;
	_ =	sdelay $0x1  }
0x33d: {  	s15 =	simm.s32 $0x10850;
	[tilespmem:$0x12240] =	vst v7  }
0x33e: {  	v9 =	vld [tilespmem:s15+$0xFFFFFFF0]  }
0x33f: {  	v7 =	vld [tilespmem:s15+$0x10]  }
0x340: {  	v12 =	vld.idx.msk [tilespmem:v8+s26+$0x0], $0xffff  }
0x341: {  	v8 =	vld [tilespmem:s15+$0xFFFFFFE0]  }
0x342: {  	v13 =	vld [tilespmem:s15+$0x0];
	_ =	sdelay $0x3  }
0x343: {  	s18 =	simm.s32 $0x1;
	v8 =	vmul.f32 v8, v12;
	v11 =	vmul.f32 v7, v12  }
0x344: {  	s16 =	simm.s32 $0x2;
	v7 =	vmov s18;
	v10 =	vmul.f32 v9, v12;
	v9 =	vmul.f32 v13, v12;
	s18 =	simm.s32 $0x10850  }
.LBB2_52:
0x345: {  	p3 =	sne.s32 s16, $0x1F  }
0x346: {  	[tilespmem:s15+$0x10] =	vst v11;
	s18 =	sadd.s32 $0x40, s18;
	s19 =	smov.u32 s16;
	s16 =	sadd.s32 $0x1, s16  }
0x347: {  	[tilespmem:s15+$0xFFFFFFE0] =	vst v8  }
0x348: {  	v12 =	vld [tilespmem:s18+$0xFFFFFFF0];
	[tilespmem:s15+$0xFFFFFFF0] =	vst v10  }
0x349: {  	v10 =	vld [tilespmem:s18+$0x10];
	[tilespmem:s15+$0x0] =	vst v9;
	s15 =	smov.u32 s18  }
0x34a: {  	v9 =	vld.idx.msk [tilespmem:v7+s26+$0x0], $0xffff  }
0x34b: {  	v7 =	vld [tilespmem:s18+$0xFFFFFFE0]  }
0x34c: {  	v13 =	vld [tilespmem:s18+$0x0]  }
.Ltmp27:
0x34d: {  	(pc) =	sbr.rel @p3 .LBB2_52-.Ltmp27, $3  }
0x34e: {  	_ =	sdelay $0x1  }
0x34f: {  	v11 =	vmul.f32 v10, v9;
	v8 =	vmul.f32 v7, v9  }
0x350: {  	v10 =	vmul.f32 v12, v9;
	v7 =	vmov s19;
	v9 =	vmul.f32 v13, v9  }
0x351: {  	[tilespmem:s15+$0x10] =	vst v11  }
0x352: {  	s16 =	sadd.s32 $0x40, s18;
	[tilespmem:s15+$0xFFFFFFE0] =	vst v8  }
0x353: {  	v8 =	vld [tilespmem:s16+$0xFFFFFFF0];
	[tilespmem:s15+$0xFFFFFFF0] =	vst v10  }
0x354: {  	v10 =	vld [tilespmem:s16+$0x10];
	[tilespmem:s15+$0x0] =	vst v9  }
0x355: {  	v7 =	vld.idx.msk [tilespmem:v7+s26+$0x0], $0xffff  }
0x356: {  	v9 =	vld [tilespmem:s16+$0xFFFFFFE0];
	_ =	sdelay $0x1  }
0x357: {  	v11 =	vld [tilespmem:s16+$0x0];
	_ =	sdelay $0x1  }
0x358: {  	v10 =	vmul.f32 v10, v7  }
0x359: {  	v9 =	vmul.f32 v9, v7  }
0x35a: {  	v8 =	vmul.f32 v8, v7;
	[tilespmem:s16+$0x10] =	vst v10  }
0x35b: {  	v7 =	vmul.f32 v11, v7;
	[tilespmem:s16+$0xFFFFFFE0] =	vst v9  }
0x35c: {  	s14 =	sshll.u32 s14, $0x5;
	s13 =	sadd.s32 $0x1, s13;
	[tilespmem:s16+$0xFFFFFFF0] =	vst v8  }
0x35d: {  	s14 =	sadd.s32 s14, s23;
	p3 =	sne.s32 s13, $0x8;
	[tilespmem:s16+$0x0] =	vst v7  }
0x35e: {  	[hbm4b:s14+s29] =	stream.strided.scatter [tilespmem:s20], [sflag:$0x1], $0x800, s30, s29, $0x38;
	[tilespmem:$0x1C7D0] =	vst v63  }
.Ltmp28:
0x35f: {  	_ = 	snop;
	(pc) =	sbr.rel @p3 .LBB2_51-.Ltmp28, $4  }
.Ltmp29:
0x360: {  	_ = 	snop;
	(pc) =	sbr.rel @!p3 .LBB2_54-.Ltmp29, $4  }
0x361: {  	_ =	swait.ge [sflag:s17], $0x800  }
0x362: {  	[sflag:s17] =	ssyncset.done $0x0  }
0x363: {  	[sflag:s17] =	ssyncadd.s32 $0xFFFFF800  }
0x364: {  	_ = 	snop  }
.LBB2_78:
0x365: {  	[bflag:$0x0] =	sbarrier.arrive $0xFFFF  }
0x366: {  	[bflag:$0x0] =	sbarrier.arrive $0xFFFF  }
0x367: {  	[bflag:$0x0] =	sbarrier.arrive $0xFFFF  }
0x368: {  	[bflag:$0x0] =	sbarrier.arrive $0xFFFF  }
0x369: {  	[bflag:$0x0] =	sbarrier.arrive $0xFFFF  }
0x36a: {  	[bflag:$0x0] =	sbarrier.arrive $0xFFFF  }
0x36b: {  	[bflag:$0x0] =	sbarrier.arrive $0xFFFF  }
0x36c: {  	[bflag:$0x0] =	sbarrier.arrive $0xFFFF  }
.LBB2_54:
.Ltmp30:
0x36d: {  	(pc) =	sbr.rel .LBB2_55-.Ltmp30, $2  }
0x36e: {  	_ =	sdelay $0x2  }
0x36f: {  	s13 =	simm.s32 $0x0  }
.LBB2_72:
0x370: {  	[bflag:$0x0] =	sbarrier.arrive $0xFFFF  }
0x371: {  	[bflag:$0x0] =	sbarrier.arrive $0xFFFF  }
.LBB2_75:
0x372: {  	s13 =	sadd.s32 $0x1, s13  }
0x373: {  	p3 =	sne.s32 s13, $0x10  }
.Ltmp31:
0x374: {  	_ = 	snop;
	(pc) =	sbr.rel @!p3 .LBB2_76-.Ltmp31, $2  }
0x375: {  	_ =	sdelay $0x1  }
0x376: {  	[bflag:$0x0] =	sbarrier.arrive $0xFFFF;
	_ =	sdelay $0x1  }
.LBB2_55:
.Ltmp32:
0x377: {  	(pc) =	sbr.rel @!p0 .LBB2_72-.Ltmp32, $1  }
0x378: {  	_ =	sdelay $0x3  }
0x379: {  	s14 =	smul.u32 $0x500, s13;
	_ =	sdelay $0x1  }
0x37a: {  	s1 =	simm.s32 $0x8000;
	s4 =	sadd.s32 s11, s14  }
0x37b: {  	[tilespmem:s1], [sflag:$0x1] =	stream.linear.gather [hbm4b:s4+s6], $0x2800, $0x38;
	[tilespmem:$0x1C7D0] =	vst v63  }
0x37c: {  	_ =	swait.ge [sflag:s17], $0x2800  }
0x37d: {  	[sflag:s17] =	ssyncset.done $0x0  }
0x37e: {  	s4 =	simm.s32 @!p2 $0x12250;
	[sflag:s17] =	ssyncadd.s32 $0xFFFFD800  }
0x37f: {  	[spmem:s5] =	stream.linear.scatter @!p2 [tilespmem:s4], [sflag:$0x1], $0x2800, $0x38;
	[tilespmem:$0x1C7D0] =	vst v63  }
0x380: {  	s4 =	simm.s32 @!p2 $0x1  }
0x381: {  	_ =	swait.ge @!p2 [sflag:s4], $0x2800  }
0x382: {  	[sflag:s4] =	ssyncset.done @!p2 $0x0  }
0x383: {  	[sflag:s4] =	ssyncadd.s32 @!p2 $0xFFFFD800  }
0x384: {  	s28 =	simm.s32 $0x8000;
	[bflag:$0x0] =	sbarrier.arrive $0xFFFF  }
0x385: {  	v7 =	vld [tilespmem:s28+$0x0];
	_ =	sdelay $0x4  }
0x386: {  	v8 =	vand.u32 $0xF, v7  }
0x387: {  	vm0 =	veq.s32 v8, v0  }
0x388: {  	v9 =	vmpcnt.ones.xlane vm0;
	_ =	sdelay $0x1  }
0x389: {  	(v2sf) =	vpush v9, $0x0;
	_ =	sdelay $0x2  }
0x38a: {  	s4 =	simm.s32 $0x0  }
0x38b: {  	v8 =	vor.u32 s4, v3  }
0x38c: {  	[tilespmem:s4+$0xA800] =	vst.msk vm0, v8  }
0x38d: {  	s16 =	simm.s32 $0x8010;
	[tilespmem:s4+$0xD010] =	vst.msk vm0, v7  }
0x38e: {  	s15 =	simm.s32 $0x10;
	s18 =	simm.s32 $0x20;
	v7 =	vld [tilespmem:s16+$0x0]  }
.LBB2_57:
0x38f: {  	p3 =	sne.s32 s18, $0x27F0;
	_ =	sdelay $0x3  }
0x390: {  	v8 =	vand.u32 $0xF, v7  }
0x391: {  	vm0 =	veq.s32 v8, v0  }
0x392: {  	v8 =	vmpcnt.ones.xlane vm0  }
0x393: {  	s19 =	spop (v2sf)  }
0x394: {  	v9 =	vor.u32 s15, v3;
	s15 =	smov.u32 s18;
	(v2sf) =	vpush v8, $0x0;
	s4 =	sadd.s32 s4, s19  }
0x395: {  	[tilespmem:s4+$0xA800] =	vst.msk vm0, v9  }
0x396: {  	[tilespmem:s4+$0xD010] =	vst.msk vm0, v7  }
.Ltmp33:
0x397: {  	(pc) =	sbr.rel @p3 .LBB2_57-.Ltmp33, $3  }
0x398: {  	_ =	sdelay $0x1  }
0x399: {  	s16 =	sadd.s32 $0x10, s16  }
0x39a: {  	s18 =	sadd.s32 $0x10, s18;
	v7 =	vld [tilespmem:s16+$0x0]  }
0x39b: {  	_ =	sdelay $0x3  }
0x39c: {  	v8 =	vand.u32 $0xF, v7  }
0x39d: {  	vm0 =	veq.s32 v8, v0  }
0x39e: {  	v8 =	vmpcnt.ones.xlane vm0;
	_ =	sdelay $0x1  }
0x39f: {  	(v2sf) =	vpush v8, $0x0;
	_ =	sdelay $0xd  }
0x3a0: {  	s16 =	spop (v2sf)  }
0x3a1: {  	s4 =	sadd.s32 s4, s16;
	s25 =	spop (v2sf)  }
0x3a2: {  	s18 =	sadd.s32 s4, s25  }
0x3a3: {  	s28 =	sadd.s32 $0xF, s18  }
0x3a4: {  	v8 =	vor.u32 s15, v3;
	s15 =	sshra.s32 s28, $0x4  }
0x3a5: {  	p3 =	slt.s32 s15, $0x1  }
.Ltmp34:
0x3a6: {  	_ = 	snop;
	(pc) =	sbr.rel @p3 .LBB2_73-.Ltmp34, $4  }
0x3a7: {  	[tilespmem:s4+$0xA800] =	vst.msk vm0, v8  }
0x3a8: {  	[tilespmem:s4+$0xD010] =	vst.msk vm0, v7  }
0x3a9: {  	[tilespmem:s18+$0xA800] =	vst v1  }
0x3aa: {  	[tilespmem:s18+$0xD010] =	vst v1  }
.Ltmp35:
0x3ab: {  	(pc) =	sbr.rel .LBB2_60-.Ltmp35, $2  }
0x3ac: {  	_ =	sdelay $0x2  }
0x3ad: {  	v7 =	vmov s18;
	s19 =	simm.s32 $0x0;
	s16 =	smov.u32 s18;
	s4 =	simm.s32 $0x0  }
.LBB2_61:
0x3ae: {  	_ =	sdelay $0x3  }
0x3af: {  	v10 =	vld.idx.msk [tilespmem:v8+s6+$0x0], $0xffff  }
0x3b0: {  	v11 =	vor.u32 s25, v3;
	v12 =	vld [tilespmem:s25+$0xA800]  }
0x3b1: {  	v13 =	vshrl.u32 v9, $0x4;
	vm0 =	vlt.s32 v11, v7  }
0x3b2: {  	v61 =	vshra.s32 v9, $0xC;
	v62 =	vand.u32 $0xFFF, v9;
	v60 =	vand.u32 $0x1F, v13  }
0x3b3: {  	vm1 =	vne.s32 v61, v62;
	v63 =	vshll.u32 v5, v60  }
0x3b4: {  	vm1 =	vmand vm0, vm1;
	v11 =	vand.u32 v63, v10  }
0x3b5: {  	v9 =	vnsel vm1, $0x0, v63;
	vm2 =	veq.s32 v11, $0x0  }
0x3b6: {  	v9 =	vor.u32 v9, v10;
	vm1 =	vmand vm1, vm2  }
0x3b7: {  	[tilespmem:v8+s6+$0x0] =	vst.idx.msk vm0, v9;
	v8 =	vsel vm1, $0x3F800000, v2  }
0x3b8: {  	[tilespmem:v12+s12+$0x0] =	vst.idx.msk vm0, v8  }
.LBB2_68:
0x3b9: {  	s4 =	sadd.s32 $0x1, s4  }
0x3ba: {  	p3 =	sne.s32 s4, s15  }
.Ltmp36:
0x3bb: {  	_ = 	snop;
	(pc) =	sbr.rel @!p3 .LBB2_69-.Ltmp36, $2  }
0x3bc: {  	_ =	sdelay $0x2  }
0x3bd: {  	s16 =	sadd.s32 $0xFFFFFFF0, s16;
	s19 =	sadd.s32 $0x10, s19  }
.LBB2_60:
0x3be: {  	s25 =	sshll.u32 s4, $0x4  }
0x3bf: {  	v9 =	vld [tilespmem:s25+$0xD010];
	_ =	sdelay $0x4  }
0x3c0: {  	v8 =	vshra.s32 v9, $0x9  }
0x3c1: {  	(xrf1) =	vunique.msk.u32 $0xffff, v8;
	_ =	sdelay $0xd  }
0x3c2: {  	_, v10, _ =	vpop (xrf1)  }
0x3c3: {  	v10 =	vxor.u32 $0x80000000, v10  }
0x3c4: {  	(xrf0) =	vmax.scan.msk.u32 $0xffff, v10  }
0x3c5: {  	(xrf0) =	vmin.scan.msk.u32 $0xffff, v10;
	_ =	sdelay $0x4  }
0x3c6: {  	v10, _, _ =	vpop (xrf0)  }
0x3c7: {  	(v2sf) =	vpush v10, $0xF;
	v10, _, _ =	vpop (xrf0)  }
0x3c8: {  	(v2sf) =	vpush v10, $0xF;
	_ =	sdelay $0xd  }
0x3c9: {  	s28 =	spop (v2sf)  }
0x3ca: {  	s1 =	spop (v2sf)  }
0x3cb: {  	p3 =	sne.s32 s28, s1  }
.Ltmp37:
0x3cc: {  	_ = 	snop;
	(pc) =	sbr.rel @!p3 .LBB2_61-.Ltmp37, $1  }
0x3cd: {  	_ =	sdelay $0x3  }
0x3ce: {  	s1 =	ssub.s32 s18, s25  }
0x3cf: {  	p3 =	slt.s32 s1, $0x1  }
.Ltmp38:
0x3d0: {  	_ = 	snop;
	(pc) =	sbr.rel @p3 .LBB2_68-.Ltmp38, $1  }
0x3d1: {  	_ =	sdelay $0x3  }
0x3d2: {  	p3 =	sgt.s32 s16, $0x1;
	s1 =	smov.u32 s16  }
0x3d3: {  	s1 =	simm.s32 @!p3 $0x1  }
0x3d4: {  	s1 =	smin.u32 s1, $0x10  }
0x3d5: {  	p4 =	sne.s32 s1, $0x1  }
.Ltmp39:
0x3d6: {  	_ = 	snop;
	(pc) =	sbr.rel @!p4 .LBB2_64-.Ltmp39, $2  }
0x3d7: {  	_ =	sdelay $0x2  }
0x3d8: {  	v8 =	vmov s19;
	p3 =	por $0x0, $0x0;
	s28 =	sadd.s32 $0xFFFFFFFF, s1  }
0x3d9: {  	v9 =	vadd.s32 $0xD010, v8;
	_ =	sdelay $0x4  }
0x3da: {  	v10 =	vld.idx.msk [tilespmem:v9+s6+$0x0], $0xffff;
	_ =	sdelay $0x4  }
0x3db: {  	v11 =	vshra.s32 v10, $0x9;
	_ =	sdelay $0x4  }
0x3dc: {  	v9 =	vld.idx.msk [tilespmem:v11+s6+$0x0], $0xffff  }
0x3dd: {  	v8 =	vadd.s32 $0xA800, v8;
	v12 =	vshrl.u32 v10, $0x4  }
0x3de: {  	v13 =	vshra.s32 v10, $0xC;
	v10 =	vand.u32 $0xFFF, v10;
	v12 =	vand.u32 $0x1F, v12  }
0x3df: {  	vm0 =	vne.s32 v13, v10;
	v10 =	vshll.u32 v5, v12  }
0x3e0: {  	v12 =	vnsel vm0, $0x0, v10  }
0x3e1: {  	p4 =	sne.s32 s28, $0x1;
	v12 =	vor.u32 v9, v12  }
.Ltmp40:
0x3e2: {  	[tilespmem:v11+s6+$0x0] =	vst.idx.msk $0x1, v12;
	(pc) =	sbr.rel @!p4 .LBB2_67-.Ltmp40, $3  }
0x3e3: {  	v11 =	vld.idx.msk [tilespmem:v8+s6+$0x0], $0xffff;
	_ =	sdelay $0x1  }
0x3e4: {  	s25 =	sadd.s32 $0x1, s19  }
0x3e5: {  	s28 =	sadd.s32 $0xFFFFFFFF, s28;
	p3 =	por $0x1, $0x1;
	v8 =	vmov s25  }
.LBB2_66:
0x3e6: {  	p4 =	sne.s32 s28, $0x1;
	v12 =	vadd.s32 $0xD010, v8;
	v9 =	vand.u32 v9, v10  }
0x3e7: {  	vm1 =	veq.s32 v9, $0x0  }
0x3e8: {  	vm0 =	vmand vm0, vm1  }
0x3e9: {  	v9 =	vsel vm0, $0x3F800000, v2  }
0x3ea: {  	[tilespmem:v11+s12+$0x0] =	vst.idx.msk $0x1, v9  }
0x3eb: {  	v10 =	vld.idx.msk [tilespmem:v12+s6+$0x0], $0xffff;
	_ =	sdelay $0x5  }
0x3ec: {  	v11 =	vshra.s32 v10, $0x9;
	_ =	sdelay $0x4  }
0x3ed: {  	v9 =	vld.idx.msk [tilespmem:v11+s6+$0x0], $0xffff;
	_ =	sdelay $0x1  }
0x3ee: {  	v8 =	vadd.s32 $0xA800, v8;
	v12 =	vshrl.u32 v10, $0x4  }
0x3ef: {  	v13 =	vshra.s32 v10, $0xC;
	v10 =	vand.u32 $0xFFF, v10;
	v12 =	vand.u32 $0x1F, v12  }
0x3f0: {  	vm0 =	vne.s32 v13, v10;
	v10 =	vshll.u32 v5, v12  }
0x3f1: {  	v12 =	vnsel vm0, $0x0, v10  }
0x3f2: {  	v12 =	vor.u32 v9, v12  }
.Ltmp41:
0x3f3: {  	[tilespmem:v11+s6+$0x0] =	vst.idx.msk $0x1, v12;
	(pc) =	sbr.rel @p4 .LBB2_66-.Ltmp41, $3  }
0x3f4: {  	v11 =	vld.idx.msk [tilespmem:v8+s6+$0x0], $0xffff;
	_ =	sdelay $0x1  }
0x3f5: {  	s25 =	sadd.s32 $0x1, s25  }
0x3f6: {  	s28 =	sadd.s32 $0xFFFFFFFF, s28;
	v8 =	vmov s25  }
.LBB2_67:
0x3f7: {  	_ = 	snop  }
0x3f8: {  	v12 =	vadd.s32 $0xD010, v8;
	v9 =	vand.u32 @p3 v9, v10  }
0x3f9: {  	vm1 =	veq.s32 @p3 v9, $0x0  }
0x3fa: {  	vm0 =	vmand @p3 vm0, vm1  }
0x3fb: {  	v9 =	vsel @p3 vm0, $0x3F800000, v2  }
0x3fc: {  	[tilespmem:v11+s12+$0x0] =	vst.idx.msk @p3 $0x1, v9  }
0x3fd: {  	v9 =	vld.idx.msk [tilespmem:v12+s6+$0x0], $0xffff;
	_ =	sdelay $0x4  }
0x3fe: {  	v61 =	vshra.s32 v9, $0x9;
	_ =	sdelay $0x4  }
0x3ff: {  	v11 =	vld.idx.msk [tilespmem:v61+s6+$0x0], $0xffff  }
0x400: {  	v8 =	vadd.s32 $0xA800, v8;
	v12 =	vshrl.u32 v9, $0x4  }
0x401: {  	v13 =	vshra.s32 v9, $0xC;
	v9 =	vand.u32 $0xFFF, v9;
	v12 =	vand.u32 $0x1F, v12  }
0x402: {  	vm14 =	vne.s32 v13, v9;
	v62 =	vshll.u32 v5, v12  }
0x403: {  	v12 =	vnsel vm14, $0x0, v62  }
0x404: {  	v12 =	vor.u32 v11, v12  }
0x405: {  	[tilespmem:v61+s6+$0x0] =	vst.idx.msk $0x1, v12  }
0x406: {  	v8 =	vld.idx.msk [tilespmem:v8+s6+$0x0], $0xffff;
	_ =	sdelay $0x3  }
.Ltmp42:
0x407: {  	v9 =	vand.u32 v11, v62;
	(pc) =	sbr.rel .LBB2_68-.Ltmp42, $4  }
0x408: {  	vm15 =	veq.s32 v9, $0x0  }
0x409: {  	vm0 =	vmand vm14, vm15  }
0x40a: {  	v63 =	vsel vm0, $0x3F800000, v2  }
0x40b: {  	[tilespmem:v8+s12+$0x0] =	vst.idx.msk $0x1, v63  }
.LBB2_64:
.Ltmp43:
0x40c: {  	(pc) =	sbr.rel .LBB2_67-.Ltmp43, $2  }
0x40d: {  	_ =	sdelay $0x2  }
0x40e: {  	_ = 	snop  }
.LBB2_69:
0x40f: {  	s1 =	simm.s32 $0xA;
	p3 =	seq.s32 s15, $0x1  }
0x410: {  	[spmem:s5] =	stream.indirect.scatter.add.f32 [tilespmem:s12], [sflag:$0x1], $0x400, s2, s1, $0xb8;
	[tilespmem:$0x1C7D0] =	vst v63  }
.Ltmp44:
0x411: {  	_ = 	snop;
	(pc) =	sbr.rel @p3 .LBB2_71-.Ltmp44, $4  }
0x412: {  	_ =	swait.ge [sflag:s17], $0x2800  }
0x413: {  	[sflag:s17] =	ssyncset.done $0x0  }
0x414: {  	s4 =	simm.s32 $0xA800;
	[sflag:s17] =	ssyncadd.s32 $0xFFFFD800  }
0x415: {  	s16 =	simm.s32 $0x0;
	s15 =	sadd.s32 $0xFFFFFFFF, s15;
	v8 =	vld [tilespmem:s4+$0x0]  }
.LBB2_70:
0x416: {  	p3 =	seq.s32 s15, $0x1;
	v9 =	vor.u32 s16, v3  }
0x417: {  	vm0 =	vlt.s32 v9, v7;
	_ =	sdelay $0x2  }
.Ltmp45:
0x418: {  	(pc) =	sbr.rel @!p3 .LBB2_70-.Ltmp45, $3  }
0x419: {  	_ =	sdelay $0x1  }
0x41a: {  	s4 =	sadd.s32 $0x10, s4;
	[tilespmem:v8+s12+$0x0] =	vst.idx.msk vm0, v2  }
0x41b: {  	s15 =	sadd.s32 $0xFFFFFFFF, s15;
	s16 =	sadd.s32 $0x10, s16;
	v8 =	vld [tilespmem:s4+$0x0]  }
.LBB2_71:
0x41c: {  	_ = 	snop  }
0x41d: {  	v9 =	vor.u32 s16, v3  }
0x41e: {  	vm0 =	vlt.s32 v9, v7;
	_ =	sdelay $0x1  }
.Ltmp46:
0x41f: {  	_ = 	snop;
	(pc) =	sbr.rel .LBB2_74-.Ltmp46, $2  }
0x420: {  	_ =	sdelay $0x2  }
0x421: {  	[tilespmem:v8+s12+$0x0] =	vst.idx.msk vm0, v2  }
.LBB2_73:
0x422: {  	s1 =	simm.s32 $0xA  }
0x423: {  	[spmem:s5] =	stream.indirect.scatter.add.f32 [tilespmem:s12], [sflag:$0x1], $0x400, s2, s1, $0xb8;
	[tilespmem:$0x1C7D0] =	vst v63  }
0x424: {  	_ =	swait.ge [sflag:s17], $0x2800  }
0x425: {  	[sflag:s17] =	ssyncset.done $0x0  }
0x426: {  	[sflag:s17] =	ssyncadd.s32 $0xFFFFD800  }
.LBB2_74:
0x427: {  	[bflag:$0x0] =	sbarrier.arrive $0xFFFF;
	s1 =	simm.s32 @!p2 $0x14A50;
	s4 =	simm.s32 @!p2 $0x1  }
0x428: {  	[tilespmem:s1], [sflag:$0x1] =	stream.linear.gather @!p2 [spmem:s5], $0x2800, $0x38;
	[tilespmem:$0x1C7D0] =	vst v63  }
0x429: {  	_ =	swait.ge @!p2 [sflag:s4], $0x2800  }
0x42a: {  	s14 =	sadd.s32 @!p2 s10, s14;
	[sflag:s4] =	ssyncset.done @!p2 $0x0  }
.Ltmp47:
0x42b: {  	s15 =	simm.s32 @!p2 $0x0;
	[sflag:s4] =	ssyncadd.s32 @!p2 $0xFFFFD800;
	(pc) =	sbr.rel .LBB2_75-.Ltmp47, $4  }
0x42c: {  	[hbm4b:s14+s15] =	stream.linear.scatter @!p2 [tilespmem:s1], [sflag:$0x1], $0x2800, $0x38;
	[tilespmem:$0x1C7D0] =	vst v63  }
0x42d: {  	_ =	swait.ge @!p2 [sflag:s4], $0x2800  }
0x42e: {  	[sflag:s4] =	ssyncset.done @!p2 $0x0  }
0x42f: {  	[sflag:s4] =	ssyncadd.s32 @!p2 $0xFFFFD800  }
.LBB2_77:
0x430: {  	_ =	sfence.sel $0x180000  }
0x431: {  	[bflag:$0x0] =	sbarrier.arrive $0xFFFF  }
0x432: {  	_ =	strace $0x90000047  }
0x433: {  	[bflag:$0x2] =	sbarrier.arrive $0xFFFF  }
0x434: {  	s0 =	rddreg [dreg:$0x8]  }
0x435: {  	s0 =	sadd.s32 @!p2 $0x100000, s0  }
0x436: {  	[sflag:s0] =	ssyncadd.tile.s32 @!p2 $0x1;
	_ =	shalt  }
.Lfunc_end2:
_tile_overlayer_lowered:
.L_overlay_start_2:
0x437: {  	(tag) =	ssettag $0x2  }
0x438: {  	s0 =	rddreg [dreg:$0x0];
	s2 =	stileid.u32  }
0x439: {  	s1 =	rddreg [dreg:$0x1];
	p0 =	sne.s32 s2, $0x0  }
0x43a: {  	s3 =	rddreg [dreg:$0x2];
	[bflag:$0x3] =	sbarrier.arrive $0xFFFF;
	s2 =	simm.s32 @!p0 $0x1C01  }
0x43b: {  	[timem:s3], [sflag:s2] =	dma.local @!p0 [hbm:s0], s1  }
0x43c: {  	s0 =	simm.s32 @!p0 $0x1  }
0x43d: {  	_ =	swait.ge @!p0 [sflag:s0], s1  }
0x43e: {  	s1 =	ssub.s32 @!p0 $0x0, s1;
	[sflag:s0] =	ssyncset.done @!p0 $0x0  }
0x43f: {  	[sflag:s0] =	ssyncadd.s32 @!p0 s1  }
0x440: {  	[bflag:$0x3] =	sbarrier.arrive $0xFFFF  }
0x441: {  	_ =	shalt  }

</sc_bundles>
